<compile_context>
chip_gen: v7x
topology: tpu7x:2x2x1
jax: 0.10.2.dev20260603
libtpu: 0.0.44.dev20260713+nightly
codegen_flags: <defaults>
</compile_context>

<pallas_src>
import functools

import jax
import jax.numpy as jnp
from jax import lax
from jax.experimental import pallas as pl
from jax.experimental.pallas import tpu as pltpu
from jax.experimental.pallas import tpu_sc as plsc

DIM = 64
L = 50
EX_PER_CHUNK = 2
CHUNK = EX_PER_CHUNK * L
NC, NS = 2, 16
NW = NC * NS
NVREG = DIM // 16
ROW = 128


def _repack_table(embT):
    V = embT.shape[1]
    bw = 16384

    def body(in_ref, out_ref):
        t = jnp.transpose(in_ref[...])
        out_ref[...] = jnp.concatenate([t, jnp.zeros_like(t)], axis=1)

    return pl.pallas_call(
        body,
        grid=(pl.cdiv(V, bw),),
        in_specs=[pl.BlockSpec((DIM, bw), lambda m: (0, m))],
        out_specs=pl.BlockSpec((bw, ROW), lambda m: (m, 0)),
        out_shape=jax.ShapeDtypeStruct((V, ROW), jnp.float32),
    )(embT)


def _make_pool(total_chunks: int):
    tpw = total_chunks // NW
    epw = tpw * EX_PER_CHUNK

    mesh = plsc.VectorSubcoreMesh(core_axis_name="c", subcore_axis_name="s")

    @functools.partial(
        pl.kernel,
        out_type=jax.ShapeDtypeStruct((NW, epw * DIM), jnp.float32),
        mesh=mesh,
        scratch_types=[
            pltpu.VMEM((tpw, CHUNK), jnp.int32),
            pltpu.VMEM((CHUNK, ROW), jnp.float32),
            pltpu.VMEM((CHUNK, ROW), jnp.float32),
            pltpu.VMEM((epw * DIM,), jnp.float32),
            pltpu.SemaphoreType.DMA,
            pltpu.SemaphoreType.DMA,
        ],
    )
    def pool(idx_hbm, emb_hbm, out_hbm, idx_v, rows0, rows1, out_v, sem0, sem1):
        wid = lax.axis_index("c") * NS + lax.axis_index("s")
        pltpu.sync_copy(idx_hbm.at[pl.ds(wid * tpw, tpw)], idx_v)

        def reduce_chunk(rows, local_base):
            for e in range(EX_PER_CHUNK):
                acc = [rows[e * L, pl.ds(c * 16, 16)] for c in range(NVREG)]
                for r in range(1, L):
                    for c in range(NVREG):
                        acc[c] = acc[c] + rows[e * L + r, pl.ds(c * 16, 16)]
                off = (local_base + e) * DIM
                for c in range(NVREG):
                    out_v[pl.ds(off + c * 16, 16)] = acc[c]

        pltpu.async_copy(emb_hbm.at[idx_v.at[0]], rows0, sem0)
        pltpu.async_copy(emb_hbm.at[idx_v.at[1]], rows1, sem1)

        @pl.loop(0, tpw, step=2)
        def _(i):
            pltpu.make_async_copy(emb_hbm.at[idx_v.at[i]], rows0, sem0).wait()
            reduce_chunk(rows0, EX_PER_CHUNK * i)

            @pl.when(i + 2 < tpw)
            def _():
                pltpu.async_copy(emb_hbm.at[idx_v.at[i + 2]], rows0, sem0)

            pltpu.make_async_copy(emb_hbm.at[idx_v.at[i + 1]], rows1, sem1).wait()
            reduce_chunk(rows1, EX_PER_CHUNK * (i + 1))

            @pl.when(i + 3 < tpw)
            def _():
                pltpu.async_copy(emb_hbm.at[idx_v.at[i + 3]], rows1, sem1)

        pltpu.sync_copy(out_v, out_hbm.at[wid])

    return pool


def _linear(e0, e1, l0, l1, w0, w1, bias):
    B = e0.shape[0]
    labels = w0.shape[0]
    bm = 512

    def body(e0_ref, e1_ref, l0_ref, l1_ref, w0_ref, w1_ref, b_ref, out_ref):
        s0 = e0_ref[...] / l0_ref[...]
        s1 = e1_ref[...] / l1_ref[...]
        dn = (((1,), (1,)), ((), ()))
        p = lax.dot_general(w0_ref[...], s0, dn, preferred_element_type=jnp.float32)
        p = p + lax.dot_general(w1_ref[...], s1, dn, preferred_element_type=jnp.float32)
        out_ref[...] = p + b_ref[...]

    return pl.pallas_call(
        body,
        grid=(B // bm,),
        in_specs=[
            pl.BlockSpec((bm, DIM), lambda m: (m, 0)),
            pl.BlockSpec((bm, DIM), lambda m: (m, 0)),
            pl.BlockSpec((bm, 1), lambda m: (m, 0)),
            pl.BlockSpec((bm, 1), lambda m: (m, 0)),
            pl.BlockSpec((labels, DIM), lambda m: (0, 0)),
            pl.BlockSpec((labels, DIM), lambda m: (0, 0)),
            pl.BlockSpec((labels, 1), lambda m: (0, 0)),
        ],
        out_specs=pl.BlockSpec((labels, bm), lambda m: (0, m)),
        out_shape=jax.ShapeDtypeStruct((labels, B), jnp.float32),
    )(e0, e1, l0, l1, w0, w1, bias)


def kernel(x0, x1, length_0, length_1, embedding, W, b):
    B, seq = x0.shape
    assert seq == L and embedding.shape[1] == DIM
    x = jnp.concatenate([x0, x1], axis=0).astype(jnp.int32)
    idx2 = x.reshape(-1, CHUNK)
    total_chunks = idx2.shape[0]

    embp = _repack_table(embedding.T)
    pooled = _make_pool(total_chunks)(idx2, embp)
    half = NW // 2
    e0 = pooled[:half].reshape(B, DIM)
    e1 = pooled[half:].reshape(B, DIM)

    pred_t = _linear(
        e0, e1,
        length_0.reshape(B, 1), length_1.reshape(B, 1),
        W[:, :DIM], W[:, DIM:],
        b.reshape(-1, 1),
    )
    return (pred_t.T, 0.0)

# --- scband reference (transcript-rebuilt; emitter-appended) ---
"""Pipeline reference for scband-linear-model-12756052869885 (READ-ONLY COPY).

The authoritative reference and input builder live on the scoring server;
editing this copy changes nothing except your own understanding.
"""

import jax, jax.numpy as jnp
import numpy as np

VOCAB = 1000000
DIM = 64
B = 4096
L = 50
LABELS = 1000


def setup_inputs(seed: int = 0) -> dict:
    key = jax.random.key(seed)
    k0, k1, k2, k3 = jax.random.split(key, 4)
    x0 = jax.random.randint(k0, (B, L), 0, VOCAB)
    x1 = jax.random.randint(k1, (B, L), 0, VOCAB)
    length_0 = jnp.ones((B,), dtype=jnp.float32)
    length_1 = jnp.ones((B,), dtype=jnp.float32)
    embedding = jax.random.normal(k2, (VOCAB, DIM), dtype=jnp.float32)
    W = jax.random.normal(k3, (LABELS, 2 * DIM), dtype=jnp.float32) * 0.02
    b = jnp.zeros((LABELS,), dtype=jnp.float32)
    return {"x0": x0, "x1": x1, "length_0": length_0, "length_1": length_1,
            "embedding": embedding, "W": W, "b": b}


def reference(x0, x1, length_0, length_1, embedding, W, b):
    count = x0.shape[0]
    x = jnp.concatenate((x0, x1), axis=0)                 # [2B, L]
    emb = jnp.take(embedding, x, axis=0)                  # [2B, L, D] gather
    emb = jnp.sum(emb, axis=1)                            # [2B, D] (embedding_type == 'word')
    length = jnp.concatenate((length_0, length_1)).reshape(-1, 1)  # [2B, 1]
    emb = emb / length
    emb_0 = emb[0:count]
    emb_1 = emb[count:]
    feature = jnp.concatenate((emb_0, emb_1), axis=1)     # [B, 2D]
    pred = feature @ W.T + b                              # [B, LABELS]
    return (pred, 0.0)

if __name__ == "__main__":
    import jax
    _d = setup_inputs()
    print(jax.jit(kernel)(*tuple(_d.values())))

</pallas_src>

<mosaic_0001>
#map = affine_map<(d0, d1) -> (0, 0)>
module attributes {stable_mosaic.version = 14 : i64} {
  func.func @pool(%arg0: i32, %arg1: i32, %arg2: memref<4096x100xi32, #tpu.memory_space<hbm>>, %arg3: memref<1000000x128xf32, #tpu.memory_space<hbm>>, %arg4: memref<32x16384xf32, #tpu.memory_space<hbm>>, %arg5: memref<128x100xi32, #tpu.memory_space<vmem>>, %arg6: memref<100x128xf32, #tpu.memory_space<vmem>>, %arg7: memref<100x128xf32, #tpu.memory_space<vmem>>, %arg8: memref<16384xf32, #tpu.memory_space<vmem>>, %arg9: memref<!tpu.dma_semaphore, #tpu.memory_space<semaphore_mem>>, %arg10: memref<!tpu.dma_semaphore, #tpu.memory_space<semaphore_mem>>) attributes {dimension_semantics = [#tpu.dimension_semantics<core_parallel>, #tpu.dimension_semantics<subcore_parallel>], iteration_bounds = array<i64: 2, 16>, scalar_prefetch = 0 : i64, scratch_operands = 6 : i64, tpu.core_type = #tpu.core_type<sc_vector_subcore>, window_params = [{transform_indices = #map}, {transform_indices = #map}, {transform_indices = #map}]} {
    %mul3A = arith.constant 16 : i32
    %mul3A_0 = arith.muli %arg0, %mul3A : i32
    %add3A = arith.addi %mul3A_0, %arg1 : i32
    %mul3A_1 = arith.constant 128 : i32
    %mul3A_2 = arith.muli %add3A, %mul3A_1 : i32
    "tpu.region"() ({
      %run_scoped3A = tpu.sem_alloc : memref<!tpu.dma_semaphore, #tpu.memory_space<semaphore_mem>>
      %dma_start3A_20 = arith.constant 0 : i32
      %dma_start3A_21 = tpu.memref_slice %arg2[%mul3A_2, %dma_start3A_20] : memref<4096x100xi32, #tpu.memory_space<hbm>> -> memref<128x100xi32, #tpu.memory_space<hbm>>
      %dma_start3A_22 = arith.constant 0 : i32
      %dma_start3A_23 = tpu.memref_slice %arg2[%mul3A_2, %dma_start3A_22] : memref<4096x100xi32, #tpu.memory_space<hbm>> -> memref<128x100xi32, #tpu.memory_space<hbm>>
      tpu.enqueue_dma source(%dma_start3A_23 : memref<128x100xi32, #tpu.memory_space<hbm>>) target(%arg5 : memref<128x100xi32, #tpu.memory_space<vmem>>) target_semaphore(%run_scoped3A : memref<!tpu.dma_semaphore, #tpu.memory_space<semaphore_mem>>)
      %dma_wait3A = arith.constant 0 : i32
      %dma_wait3A_24 = tpu.memref_slice %arg2[%mul3A_2, %dma_wait3A] : memref<4096x100xi32, #tpu.memory_space<hbm>> -> memref<128x100xi32, #tpu.memory_space<hbm>>
      %dma_wait3A_25 = arith.constant 0 : i32
      %dma_wait3A_26 = tpu.memref_slice %arg2[%mul3A_2, %dma_wait3A_25] : memref<4096x100xi32, #tpu.memory_space<hbm>> -> memref<128x100xi32, #tpu.memory_space<hbm>>
      tpu.wait_dma2 semaphore(%run_scoped3A : memref<!tpu.dma_semaphore, #tpu.memory_space<semaphore_mem>>) src(%dma_wait3A_26 : memref<128x100xi32, #tpu.memory_space<hbm>>) dst(%arg5 : memref<128x100xi32, #tpu.memory_space<vmem>>)
      tpu.yield
    }) : () -> ()
    %dma_start3A = arith.constant 0 : i32
    %dma_start3A_3 = arith.constant 0 : i32
    %dma_start3A_4 = tpu.memref_slice %arg5[%dma_start3A, %dma_start3A_3] : memref<128x100xi32, #tpu.memory_space<vmem>> -> memref<1x100xi32, #tpu.memory_space<vmem>>
    %dma_start3A_5 = tpu.memref_squeeze %dma_start3A_4 : memref<1x100xi32, #tpu.memory_space<vmem>> -> memref<100xi32, #tpu.memory_space<vmem>>
    %dma_start3A_6 = arith.constant 0 : i32
    %dma_start3A_7 = arith.constant 0 : i32
    %dma_start3A_8 = tpu.memref_slice %arg3[%dma_start3A_6, %dma_start3A_7] : memref<1000000x128xf32, #tpu.memory_space<hbm>> -> memref<1000000x128xf32, #tpu.memory_space<hbm>>
    tpu.enqueue_indirect_dma source(%dma_start3A_8 : memref<1000000x128xf32, #tpu.memory_space<hbm>>) target(%arg6 : memref<100x128xf32, #tpu.memory_space<vmem>>) offsets(%dma_start3A_5 : memref<100xi32, #tpu.memory_space<vmem>>) semaphore(%arg9 : memref<!tpu.dma_semaphore, #tpu.memory_space<semaphore_mem>>)
    %dma_start3A_9 = arith.constant 1 : i32
    %dma_start3A_10 = arith.constant 0 : i32
    %dma_start3A_11 = tpu.memref_slice %arg5[%dma_start3A_9, %dma_start3A_10] : memref<128x100xi32, #tpu.memory_space<vmem>> -> memref<1x100xi32, #tpu.memory_space<vmem>>
    %dma_start3A_12 = tpu.memref_squeeze %dma_start3A_11 : memref<1x100xi32, #tpu.memory_space<vmem>> -> memref<100xi32, #tpu.memory_space<vmem>>
    %dma_start3A_13 = arith.constant 0 : i32
    %dma_start3A_14 = arith.constant 0 : i32
    %dma_start3A_15 = tpu.memref_slice %arg3[%dma_start3A_13, %dma_start3A_14] : memref<1000000x128xf32, #tpu.memory_space<hbm>> -> memref<1000000x128xf32, #tpu.memory_space<hbm>>
    tpu.enqueue_indirect_dma source(%dma_start3A_15 : memref<1000000x128xf32, #tpu.memory_space<hbm>>) target(%arg7 : memref<100x128xf32, #tpu.memory_space<vmem>>) offsets(%dma_start3A_12 : memref<100xi32, #tpu.memory_space<vmem>>) semaphore(%arg10 : memref<!tpu.dma_semaphore, #tpu.memory_space<semaphore_mem>>)
    %scan3A = arith.constant 0 : i32
    %scan3A_16 = arith.constant 64 : i32
    %scan3A_17 = arith.addi %scan3A, %scan3A_16 : i32
    %scan3A_18 = arith.constant 1 : i32
    scf.for %scan3A_20 = %scan3A to %scan3A_17 step %scan3A_18  : i32 {
      %mul3A_21 = arith.constant 2 : i32
      %mul3A_22 = arith.muli %scan3A_20, %mul3A_21 : i32
      %add3A_23 = arith.constant 0 : i32
      %add3A_24 = arith.addi %add3A_23, %mul3A_22 : i32
      %dma_wait3A = arith.constant 0 : i32
      %dma_wait3A_25 = tpu.memref_slice %arg5[%add3A_24, %dma_wait3A] : memref<128x100xi32, #tpu.memory_space<vmem>> -> memref<1x100xi32, #tpu.memory_space<vmem>>
      %dma_wait3A_26 = tpu.memref_squeeze %dma_wait3A_25 : memref<1x100xi32, #tpu.memory_space<vmem>> -> memref<100xi32, #tpu.memory_space<vmem>>
      %dma_wait3A_27 = arith.constant 0 : i32
      %dma_wait3A_28 = arith.constant 0 : i32
      %dma_wait3A_29 = tpu.memref_slice %arg3[%dma_wait3A_27, %dma_wait3A_28] : memref<1000000x128xf32, #tpu.memory_space<hbm>> -> memref<1000000x128xf32, #tpu.memory_space<hbm>>
      tpu.wait_indirect_dma semaphore(%arg9 : memref<!tpu.dma_semaphore, #tpu.memory_space<semaphore_mem>>) src(%dma_wait3A_29 : memref<1000000x128xf32, #tpu.memory_space<hbm>>) dst(%arg6 : memref<100x128xf32, #tpu.memory_space<vmem>>)
      %mul3A_30 = arith.constant 2 : i32
      %mul3A_31 = arith.muli %mul3A_30, %add3A_24 : i32
      %get3A = arith.constant 0 : i32
      %get3A_32 = arith.index_cast %get3A : i32 to index
      %get3A_33 = arith.constant 0 : index
      %get3A_34 = tpu.vector_load %arg6[%get3A_32, %get3A_33] {strides = array<i32>} : memref<100x128xf32, #tpu.memory_space<vmem>>, vector<1x16xf32>,
      %get3A_35 = vector.shape_cast %get3A_34 : vector<1x16xf32> to vector<16xf32>
      %get3A_36 = arith.constant 0 : i32
      %get3A_37 = arith.index_cast %get3A_36 : i32 to index
      %get3A_38 = arith.constant 16 : index
      %get3A_39 = tpu.vector_load %arg6[%get3A_37, %get3A_38] {strides = array<i32>} : memref<100x128xf32, #tpu.memory_space<vmem>>, vector<1x16xf32>,
      %get3A_40 = vector.shape_cast %get3A_39 : vector<1x16xf32> to vector<16xf32>
      %get3A_41 = arith.constant 0 : i32
      %get3A_42 = arith.index_cast %get3A_41 : i32 to index
      %get3A_43 = arith.constant 32 : index
      %get3A_44 = tpu.vector_load %arg6[%get3A_42, %get3A_43] {strides = array<i32>} : memref<100x128xf32, #tpu.memory_space<vmem>>, vector<1x16xf32>,
      %get3A_45 = vector.shape_cast %get3A_44 : vector<1x16xf32> to vector<16xf32>
      %get3A_46 = arith.constant 0 : i32
      %get3A_47 = arith.index_cast %get3A_46 : i32 to index
      %get3A_48 = arith.constant 48 : index
      %get3A_49 = tpu.vector_load %arg6[%get3A_47, %get3A_48] {strides = array<i32>} : memref<100x128xf32, #tpu.memory_space<vmem>>, vector<1x16xf32>,
      %get3A_50 = vector.shape_cast %get3A_49 : vector<1x16xf32> to vector<16xf32>
      %get3A_51 = arith.constant 1 : i32
      %get3A_52 = arith.index_cast %get3A_51 : i32 to index
      %get3A_53 = arith.constant 0 : index
      %get3A_54 = tpu.vector_load %arg6[%get3A_52, %get3A_53] {strides = array<i32>} : memref<100x128xf32, #tpu.memory_space<vmem>>, vector<1x16xf32>,
      %get3A_55 = vector.shape_cast %get3A_54 : vector<1x16xf32> to vector<16xf32>
      %add3A_56 = arith.addf %get3A_35, %get3A_55 : vector<16xf32>
      %get3A_57 = arith.constant 1 : i32
      %get3A_58 = arith.index_cast %get3A_57 : i32 to index
      %get3A_59 = arith.constant 16 : index
      %get3A_60 = tpu.vector_load %arg6[%get3A_58, %get3A_59] {strides = array<i32>} : memref<100x128xf32, #tpu.memory_space<vmem>>, vector<1x16xf32>,
      %get3A_61 = vector.shape_cast %get3A_60 : vector<1x16xf32> to vector<16xf32>
      %add3A_62 = arith.addf %get3A_40, %get3A_61 : vector<16xf32>
      %get3A_63 = arith.constant 1 : i32
      %get3A_64 = arith.index_cast %get3A_63 : i32 to index
      %get3A_65 = arith.constant 32 : index
      %get3A_66 = tpu.vector_load %arg6[%get3A_64, %get3A_65] {strides = array<i32>} : memref<100x128xf32, #tpu.memory_space<vmem>>, vector<1x16xf32>,
      %get3A_67 = vector.shape_cast %get3A_66 : vector<1x16xf32> to vector<16xf32>
      %add3A_68 = arith.addf %get3A_45, %get3A_67 : vector<16xf32>
      %get3A_69 = arith.constant 1 : i32
      %get3A_70 = arith.index_cast %get3A_69 : i32 to index
      %get3A_71 = arith.constant 48 : index
      %get3A_72 = tpu.vector_load %arg6[%get3A_70, %get3A_71] {strides = array<i32>} : memref<100x128xf32, #tpu.memory_space<vmem>>, vector<1x16xf32>,
      %get3A_73 = vector.shape_cast %get3A_72 : vector<1x16xf32> to vector<16xf32>
      %add3A_74 = arith.addf %get3A_50, %get3A_73 : vector<16xf32>
      %get3A_75 = arith.constant 2 : i32
      %get3A_76 = arith.index_cast %get3A_75 : i32 to index
      %get3A_77 = arith.constant 0 : index
      %get3A_78 = tpu.vector_load %arg6[%get3A_76, %get3A_77] {strides = array<i32>} : memref<100x128xf32, #tpu.memory_space<vmem>>, vector<1x16xf32>,
      %get3A_79 = vector.shape_cast %get3A_78 : vector<1x16xf32> to vector<16xf32>
      %add3A_80 = arith.addf %add3A_56, %get3A_79 : vector<16xf32>
      %get3A_81 = arith.constant 2 : i32
      %get3A_82 = arith.index_cast %get3A_81 : i32 to index
      %get3A_83 = arith.constant 16 : index
      %get3A_84 = tpu.vector_load %arg6[%get3A_82, %get3A_83] {strides = array<i32>} : memref<100x128xf32, #tpu.memory_space<vmem>>, vector<1x16xf32>,
      %get3A_85 = vector.shape_cast %get3A_84 : vector<1x16xf32> to vector<16xf32>
      %add3A_86 = arith.addf %add3A_62, %get3A_85 : vector<16xf32>
      %get3A_87 = arith.constant 2 : i32
      %get3A_88 = arith.index_cast %get3A_87 : i32 to index
      %get3A_89 = arith.constant 32 : index
      %get3A_90 = tpu.vector_load %arg6[%get3A_88, %get3A_89] {strides = array<i32>} : memref<100x128xf32, #tpu.memory_space<vmem>>, vector<1x16xf32>,
      %get3A_91 = vector.shape_cast %get3A_90 : vector<1x16xf32> to vector<16xf32>
      %add3A_92 = arith.addf %add3A_68, %get3A_91 : vector<16xf32>
      %get3A_93 = arith.constant 2 : i32
      %get3A_94 = arith.index_cast %get3A_93 : i32 to index
      %get3A_95 = arith.constant 48 : index
      %get3A_96 = tpu.vector_load %arg6[%get3A_94, %get3A_95] {strides = array<i32>} : memref<100x128xf32, #tpu.memory_space<vmem>>, vector<1x16xf32>,
      %get3A_97 = vector.shape_cast %get3A_96 : vector<1x16xf32> to vector<16xf32>
      %add3A_98 = arith.addf %add3A_74, %get3A_97 : vector<16xf32>
      %get3A_99 = arith.constant 3 : i32
      %get3A_100 = arith.index_cast %get3A_99 : i32 to index
      %get3A_101 = arith.constant 0 : index
      %get3A_102 = tpu.vector_load %arg6[%get3A_100, %get3A_101] {strides = array<i32>} : memref<100x128xf32, #tpu.memory_space<vmem>>, vector<1x16xf32>,
      %get3A_103 = vector.shape_cast %get3A_102 : vector<1x16xf32> to vector<16xf32>
      %add3A_104 = arith.addf %add3A_80, %get3A_103 : vector<16xf32>
      %get3A_105 = arith.constant 3 : i32
      %get3A_106 = arith.index_cast %get3A_105 : i32 to index
      %get3A_107 = arith.constant 16 : index
      %get3A_108 = tpu.vector_load %arg6[%get3A_106, %get3A_107] {strides = array<i32>} : memref<100x128xf32, #tpu.memory_space<vmem>>, vector<1x16xf32>,
      %get3A_109 = vector.shape_cast %get3A_108 : vector<1x16xf32> to vector<16xf32>
      %add3A_110 = arith.addf %add3A_86, %get3A_109 : vector<16xf32>
      %get3A_111 = arith.constant 3 : i32
      %get3A_112 = arith.index_cast %get3A_111 : i32 to index
      %get3A_113 = arith.constant 32 : index
      %get3A_114 = tpu.vector_load %arg6[%get3A_112, %get3A_113] {strides = array<i32>} : memref<100x128xf32, #tpu.memory_space<vmem>>, vector<1x16xf32>,
      %get3A_115 = vector.shape_cast %get3A_114 : vector<1x16xf32> to vector<16xf32>
      %add3A_116 = arith.addf %add3A_92, %get3A_115 : vector<16xf32>
      %get3A_117 = arith.constant 3 : i32
      %get3A_118 = arith.index_cast %get3A_117 : i32 to index
      %get3A_119 = arith.constant 48 : index
      %get3A_120 = tpu.vector_load %arg6[%get3A_118, %get3A_119] {strides = array<i32>} : memref<100x128xf32, #tpu.memory_space<vmem>>, vector<1x16xf32>,
      %get3A_121 = vector.shape_cast %get3A_120 : vector<1x16xf32> to vector<16xf32>
      %add3A_122 = arith.addf %add3A_98, %get3A_121 : vector<16xf32>
      %get3A_123 = arith.constant 4 : i32
      %get3A_124 = arith.index_cast %get3A_123 : i32 to index
      %get3A_125 = arith.constant 0 : index
      %get3A_126 = tpu.vector_load %arg6[%get3A_124, %get3A_125] {strides = array<i32>} : memref<100x128xf32, #tpu.memory_space<vmem>>, vector<1x16xf32>,
      %get3A_127 = vector.shape_cast %get3A_126 : vector<1x16xf32> to vector<16xf32>
      %add3A_128 = arith.addf %add3A_104, %get3A_127 : vector<16xf32>
      %get3A_129 = arith.constant 4 : i32
      %get3A_130 = arith.index_cast %get3A_129 : i32 to index
      %get3A_131 = arith.constant 16 : index
      %get3A_132 = tpu.vector_load %arg6[%get3A_130, %get3A_131] {strides = array<i32>} : memref<100x128xf32, #tpu.memory_space<vmem>>, vector<1x16xf32>,
      %get3A_133 = vector.shape_cast %get3A_132 : vector<1x16xf32> to vector<16xf32>
      %add3A_134 = arith.addf %add3A_110, %get3A_133 : vector<16xf32>
      %get3A_135 = arith.constant 4 : i32
      %get3A_136 = arith.index_cast %get3A_135 : i32 to index
      %get3A_137 = arith.constant 32 : index
      %get3A_138 = tpu.vector_load %arg6[%get3A_136, %get3A_137] {strides = array<i32>} : memref<100x128xf32, #tpu.memory_space<vmem>>, vector<1x16xf32>,
      %get3A_139 = vector.shape_cast %get3A_138 : vector<1x16xf32> to vector<16xf32>
      %add3A_140 = arith.addf %add3A_116, %get3A_139 : vector<16xf32>
      %get3A_141 = arith.constant 4 : i32
      %get3A_142 = arith.index_cast %get3A_141 : i32 to index
      %get3A_143 = arith.constant 48 : index
      %get3A_144 = tpu.vector_load %arg6[%get3A_142, %get3A_143] {strides = array<i32>} : memref<100x128xf32, #tpu.memory_space<vmem>>, vector<1x16xf32>,
      %get3A_145 = vector.shape_cast %get3A_144 : vector<1x16xf32> to vector<16xf32>
      %add3A_146 = arith.addf %add3A_122, %get3A_145 : vector<16xf32>
      %get3A_147 = arith.constant 5 : i32
      %get3A_148 = arith.index_cast %get3A_147 : i32 to index
      %get3A_149 = arith.constant 0 : index
      %get3A_150 = tpu.vector_load %arg6[%get3A_148, %get3A_149] {strides = array<i32>} : memref<100x128xf32, #tpu.memory_space<vmem>>, vector<1x16xf32>,
      %get3A_151 = vector.shape_cast %get3A_150 : vector<1x16xf32> to vector<16xf32>
      %add3A_152 = arith.addf %add3A_128, %get3A_151 : vector<16xf32>
      %get3A_153 = arith.constant 5 : i32
      %get3A_154 = arith.index_cast %get3A_153 : i32 to index
      %get3A_155 = arith.constant 16 : index
      %get3A_156 = tpu.vector_load %arg6[%get3A_154, %get3A_155] {strides = array<i32>} : memref<100x128xf32, #tpu.memory_space<vmem>>, vector<1x16xf32>,
      %get3A_157 = vector.shape_cast %get3A_156 : vector<1x16xf32> to vector<16xf32>
      %add3A_158 = arith.addf %add3A_134, %get3A_157 : vector<16xf32>
      %get3A_159 = arith.constant 5 : i32
      %get3A_160 = arith.index_cast %get3A_159 : i32 to index
      %get3A_161 = arith.constant 32 : index
      %get3A_162 = tpu.vector_load %arg6[%get3A_160, %get3A_161] {strides = array<i32>} : memref<100x128xf32, #tpu.memory_space<vmem>>, vector<1x16xf32>,
      %get3A_163 = vector.shape_cast %get3A_162 : vector<1x16xf32> to vector<16xf32>
      %add3A_164 = arith.addf %add3A_140, %get3A_163 : vector<16xf32>
      %get3A_165 = arith.constant 5 : i32
      %get3A_166 = arith.index_cast %get3A_165 : i32 to index
      %get3A_167 = arith.constant 48 : index
      %get3A_168 = tpu.vector_load %arg6[%get3A_166, %get3A_167] {strides = array<i32>} : memref<100x128xf32, #tpu.memory_space<vmem>>, vector<1x16xf32>,
      %get3A_169 = vector.shape_cast %get3A_168 : vector<1x16xf32> to vector<16xf32>
      %add3A_170 = arith.addf %add3A_146, %get3A_169 : vector<16xf32>
      %get3A_171 = arith.constant 6 : i32
      %get3A_172 = arith.index_cast %get3A_171 : i32 to index
      %get3A_173 = arith.constant 0 : index
      %get3A_174 = tpu.vector_load %arg6[%get3A_172, %get3A_173] {strides = array<i32>} : memref<100x128xf32, #tpu.memory_space<vmem>>, vector<1x16xf32>,
      %get3A_175 = vector.shape_cast %get3A_174 : vector<1x16xf32> to vector<16xf32>
      %add3A_176 = arith.addf %add3A_152, %get3A_175 : vector<16xf32>
      %get3A_177 = arith.constant 6 : i32
      %get3A_178 = arith.index_cast %get3A_177 : i32 to index
      %get3A_179 = arith.constant 16 : index
      %get3A_180 = tpu.vector_load %arg6[%get3A_178, %get3A_179] {strides = array<i32>} : memref<100x128xf32, #tpu.memory_space<vmem>>, vector<1x16xf32>,
      %get3A_181 = vector.shape_cast %get3A_180 : vector<1x16xf32> to vector<16xf32>
      %add3A_182 = arith.addf %add3A_158, %get3A_181 : vector<16xf32>
      %get3A_183 = arith.constant 6 : i32
      %get3A_184 = arith.index_cast %get3A_183 : i32 to index
      %get3A_185 = arith.constant 32 : index
      %get3A_186 = tpu.vector_load %arg6[%get3A_184, %get3A_185] {strides = array<i32>} : memref<100x128xf32, #tpu.memory_space<vmem>>, vector<1x16xf32>,
      %get3A_187 = vector.shape_cast %get3A_186 : vector<1x16xf32> to vector<16xf32>
      %add3A_188 = arith.addf %add3A_164, %get3A_187 : vector<16xf32>
      %get3A_189 = arith.constant 6 : i32
      %get3A_190 = arith.index_cast %get3A_189 : i32 to index
      %get3A_191 = arith.constant 48 : index
      %get3A_192 = tpu.vector_load %arg6[%get3A_190, %get3A_191] {strides = array<i32>} : memref<100x128xf32, #tpu.memory_space<vmem>>, vector<1x16xf32>,
      %get3A_193 = vector.shape_cast %get3A_192 : vector<1x16xf32> to vector<16xf32>
      %add3A_194 = arith.addf %add3A_170, %get3A_193 : vector<16xf32>
      %get3A_195 = arith.constant 7 : i32
      %get3A_196 = arith.index_cast %get3A_195 : i32 to index
      %get3A_197 = arith.constant 0 : index
      %get3A_198 = tpu.vector_load %arg6[%get3A_196, %get3A_197] {strides = array<i32>} : memref<100x128xf32, #tpu.memory_space<vmem>>, vector<1x16xf32>,
      %get3A_199 = vector.shape_cast %get3A_198 : vector<1x16xf32> to vector<16xf32>
      %add3A_200 = arith.addf %add3A_176, %get3A_199 : vector<16xf32>
      %get3A_201 = arith.constant 7 : i32
      %get3A_202 = arith.index_cast %get3A_201 : i32 to index
      %get3A_203 = arith.constant 16 : index
      %get3A_204 = tpu.vector_load %arg6[%get3A_202, %get3A_203] {strides = array<i32>} : memref<100x128xf32, #tpu.memory_space<vmem>>, vector<1x16xf32>,
      %get3A_205 = vector.shape_cast %get3A_204 : vector<1x16xf32> to vector<16xf32>
      %add3A_206 = arith.addf %add3A_182, %get3A_205 : vector<16xf32>
      %get3A_207 = arith.constant 7 : i32
      %get3A_208 = arith.index_cast %get3A_207 : i32 to index
      %get3A_209 = arith.constant 32 : index
      %get3A_210 = tpu.vector_load %arg6[%get3A_208, %get3A_209] {strides = array<i32>} : memref<100x128xf32, #tpu.memory_space<vmem>>, vector<1x16xf32>,
      %get3A_211 = vector.shape_cast %get3A_210 : vector<1x16xf32> to vector<16xf32>
      %add3A_212 = arith.addf %add3A_188, %get3A_211 : vector<16xf32>
      %get3A_213 = arith.constant 7 : i32
      %get3A_214 = arith.index_cast %get3A_213 : i32 to index
      %get3A_215 = arith.constant 48 : index
      %get3A_216 = tpu.vector_load %arg6[%get3A_214, %get3A_215] {strides = array<i32>} : memref<100x128xf32, #tpu.memory_space<vmem>>, vector<1x16xf32>,
      %get3A_217 = vector.shape_cast %get3A_216 : vector<1x16xf32> to vector<16xf32>
      %add3A_218 = arith.addf %add3A_194, %get3A_217 : vector<16xf32>
      %get3A_219 = arith.constant 8 : i32
      %get3A_220 = arith.index_cast %get3A_219 : i32 to index
      %get3A_221 = arith.constant 0 : index
      %get3A_222 = tpu.vector_load %arg6[%get3A_220, %get3A_221] {strides = array<i32>} : memref<100x128xf32, #tpu.memory_space<vmem>>, vector<1x16xf32>,
      %get3A_223 = vector.shape_cast %get3A_222 : vector<1x16xf32> to vector<16xf32>
      %add3A_224 = arith.addf %add3A_200, %get3A_223 : vector<16xf32>
      %get3A_225 = arith.constant 8 : i32
      %get3A_226 = arith.index_cast %get3A_225 : i32 to index
      %get3A_227 = arith.constant 16 : index
      %get3A_228 = tpu.vector_load %arg6[%get3A_226, %get3A_227] {strides = array<i32>} : memref<100x128xf32, #tpu.memory_space<vmem>>, vector<1x16xf32>,
      %get3A_229 = vector.shape_cast %get3A_228 : vector<1x16xf32> to vector<16xf32>
      %add3A_230 = arith.addf %add3A_206, %get3A_229 : vector<16xf32>
      %get3A_231 = arith.constant 8 : i32
      %get3A_232 = arith.index_cast %get3A_231 : i32 to index
      %get3A_233 = arith.constant 32 : index
      %get3A_234 = tpu.vector_load %arg6[%get3A_232, %get3A_233] {strides = array<i32>} : memref<100x128xf32, #tpu.memory_space<vmem>>, vector<1x16xf32>,
      %get3A_235 = vector.shape_cast %get3A_234 : vector<1x16xf32> to vector<16xf32>
      %add3A_236 = arith.addf %add3A_212, %get3A_235 : vector<16xf32>
      %get3A_237 = arith.constant 8 : i32
      %get3A_238 = arith.index_cast %get3A_237 : i32 to index
      %get3A_239 = arith.constant 48 : index
      %get3A_240 = tpu.vector_load %arg6[%get3A_238, %get3A_239] {strides = array<i32>} : memref<100x128xf32, #tpu.memory_space<vmem>>, vector<1x16xf32>,
      %get3A_241 = vector.shape_cast %get3A_240 : vector<1x16xf32> to vector<16xf32>
      %add3A_242 = arith.addf %add3A_218, %get3A_241 : vector<16xf32>
      %get3A_243 = arith.constant 9 : i32
      %get3A_244 = arith.index_cast %get3A_243 : i32 to index
      %get3A_245 = arith.constant 0 : index
      %get3A_246 = tpu.vector_load %arg6[%get3A_244, %get3A_245] {strides = array<i32>} : memref<100x128xf32, #tpu.memory_space<vmem>>, vector<1x16xf32>,
      %get3A_247 = vector.shape_cast %get3A_246 : vector<1x16xf32> to vector<16xf32>
      %add3A_248 = arith.addf %add3A_224, %get3A_247 : vector<16xf32>
      %get3A_249 = arith.constant 9 : i32
      %get3A_250 = arith.index_cast %get3A_249 : i32 to index
      %get3A_251 = arith.constant 16 : index
      %get3A_252 = tpu.vector_load %arg6[%get3A_250, %get3A_251] {strides = array<i32>} : memref<100x128xf32, #tpu.memory_space<vmem>>, vector<1x16xf32>,
      %get3A_253 = vector.shape_cast %get3A_252 : vector<1x16xf32> to vector<16xf32>
      %add3A_254 = arith.addf %add3A_230, %get3A_253 : vector<16xf32>
      %get3A_255 = arith.constant 9 : i32
      %get3A_256 = arith.index_cast %get3A_255 : i32 to index
      %get3A_257 = arith.constant 32 : index
      %get3A_258 = tpu.vector_load %arg6[%get3A_256, %get3A_257] {strides = array<i32>} : memref<100x128xf32, #tpu.memory_space<vmem>>, vector<1x16xf32>,
      %get3A_259 = vector.shape_cast %get3A_258 : vector<1x16xf32> to vector<16xf32>
      %add3A_260 = arith.addf %add3A_236, %get3A_259 : vector<16xf32>
      %get3A_261 = arith.constant 9 : i32
      %get3A_262 = arith.index_cast %get3A_261 : i32 to index
      %get3A_263 = arith.constant 48 : index
      %get3A_264 = tpu.vector_load %arg6[%get3A_262, %get3A_263] {strides = array<i32>} : memref<100x128xf32, #tpu.memory_space<vmem>>, vector<1x16xf32>,
      %get3A_265 = vector.shape_cast %get3A_264 : vector<1x16xf32> to vector<16xf32>
      %add3A_266 = arith.addf %add3A_242, %get3A_265 : vector<16xf32>
      %get3A_267 = arith.constant 10 : i32
      %get3A_268 = arith.index_cast %get3A_267 : i32 to index
      %get3A_269 = arith.constant 0 : index
      %get3A_270 = tpu.vector_load %arg6[%get3A_268, %get3A_269] {strides = array<i32>} : memref<100x128xf32, #tpu.memory_space<vmem>>, vector<1x16xf32>,
      %get3A_271 = vector.shape_cast %get3A_270 : vector<1x16xf32> to vector<16xf32>
      %add3A_272 = arith.addf %add3A_248, %get3A_271 : vector<16xf32>
      %get3A_273 = arith.constant 10 : i32
      %get3A_274 = arith.index_cast %get3A_273 : i32 to index
      %get3A_275 = arith.constant 16 : index
      %get3A_276 = tpu.vector_load %arg6[%get3A_274, %get3A_275] {strides = array<i32>} : memref<100x128xf32, #tpu.memory_space<vmem>>, vector<1x16xf32>,
      %get3A_277 = vector.shape_cast %get3A_276 : vector<1x16xf32> to vector<16xf32>
      %add3A_278 = arith.addf %add3A_254, %get3A_277 : vector<16xf32>
      %get3A_279 = arith.constant 10 : i32
      %get3A_280 = arith.index_cast %get3A_279 : i32 to index
      %get3A_281 = arith.constant 32 : index
      %get3A_282 = tpu.vector_load %arg6[%get3A_280, %get3A_281] {strides = array<i32>} : memref<100x128xf32, #tpu.memory_space<vmem>>, vector<1x16xf32>,
      %get3A_283 = vector.shape_cast %get3A_282 : vector<1x16xf32> to vector<16xf32>
      %add3A_284 = arith.addf %add3A_260, %get3A_283 : vector<16xf32>
      %get3A_285 = arith.constant 10 : i32
      %get3A_286 = arith.index_cast %get3A_285 : i32 to index
      %get3A_287 = arith.constant 48 : index
      %get3A_288 = tpu.vector_load %arg6[%get3A_286, %get3A_287] {strides = array<i32>} : memref<100x128xf32, #tpu.memory_space<vmem>>, vector<1x16xf32>,
      %get3A_289 = vector.shape_cast %get3A_288 : vector<1x16xf32> to vector<16xf32>
      %add3A_290 = arith.addf %add3A_266, %get3A_289 : vector<16xf32>
      %get3A_291 = arith.constant 11 : i32
      %get3A_292 = arith.index_cast %get3A_291 : i32 to index
      %get3A_293 = arith.constant 0 : index
      %get3A_294 = tpu.vector_load %arg6[%get3A_292, %get3A_293] {strides = array<i32>} : memref<100x128xf32, #tpu.memory_space<vmem>>, vector<1x16xf32>,
      %get3A_295 = vector.shape_cast %get3A_294 : vector<1x16xf32> to vector<16xf32>
      %add3A_296 = arith.addf %add3A_272, %get3A_295 : vector<16xf32>
      %get3A_297 = arith.constant 11 : i32
      %get3A_298 = arith.index_cast %get3A_297 : i32 to index
      %get3A_299 = arith.constant 16 : index
      %get3A_300 = tpu.vector_load %arg6[%get3A_298, %get3A_299] {strides = array<i32>} : memref<100x128xf32, #tpu.memory_space<vmem>>, vector<1x16xf32>,
      %get3A_301 = vector.shape_cast %get3A_300 : vector<1x16xf32> to vector<16xf32>
      %add3A_302 = arith.addf %add3A_278, %get3A_301 : vector<16xf32>
      %get3A_303 = arith.constant 11 : i32
      %get3A_304 = arith.index_cast %get3A_303 : i32 to index
      %get3A_305 = arith.constant 32 : index
      %get3A_306 = tpu.vector_load %arg6[%get3A_304, %get3A_305] {strides = array<i32>} : memref<100x128xf32, #tpu.memory_space<vmem>>, vector<1x16xf32>,
      %get3A_307 = vector.shape_cast %get3A_306 : vector<1x16xf32> to vector<16xf32>
      %add3A_308 = arith.addf %add3A_284, %get3A_307 : vector<16xf32>
      %get3A_309 = arith.constant 11 : i32
      %get3A_310 = arith.index_cast %get3A_309 : i32 to index
      %get3A_311 = arith.constant 48 : index
      %get3A_312 = tpu.vector_load %arg6[%get3A_310, %get3A_311] {strides = array<i32>} : memref<100x128xf32, #tpu.memory_space<vmem>>, vector<1x16xf32>,
      %get3A_313 = vector.shape_cast %get3A_312 : vector<1x16xf32> to vector<16xf32>
      %add3A_314 = arith.addf %add3A_290, %get3A_313 : vector<16xf32>
      %get3A_315 = arith.constant 12 : i32
      %get3A_316 = arith.index_cast %get3A_315 : i32 to index
      %get3A_317 = arith.constant 0 : index
      %get3A_318 = tpu.vector_load %arg6[%get3A_316, %get3A_317] {strides = array<i32>} : memref<100x128xf32, #tpu.memory_space<vmem>>, vector<1x16xf32>,
      %get3A_319 = vector.shape_cast %get3A_318 : vector<1x16xf32> to vector<16xf32>
      %add3A_320 = arith.addf %add3A_296, %get3A_319 : vector<16xf32>
      %get3A_321 = arith.constant 12 : i32
      %get3A_322 = arith.index_cast %get3A_321 : i32 to index
      %get3A_323 = arith.constant 16 : index
      %get3A_324 = tpu.vector_load %arg6[%get3A_322, %get3A_323] {strides = array<i32>} : memref<100x128xf32, #tpu.memory_space<vmem>>, vector<1x16xf32>,
      %get3A_325 = vector.shape_cast %get3A_324 : vector<1x16xf32> to vector<16xf32>
      %add3A_326 = arith.addf %add3A_302, %get3A_325 : vector<16xf32>
      %get3A_327 = arith.constant 12 : i32
      %get3A_328 = arith.index_cast %get3A_327 : i32 to index
      %get3A_329 = arith.constant 32 : index
      %get3A_330 = tpu.vector_load %arg6[%get3A_328, %get3A_329] {strides = array<i32>} : memref<100x128xf32, #tpu.memory_space<vmem>>, vector<1x16xf32>,
      %get3A_331 = vector.shape_cast %get3A_330 : vector<1x16xf32> to vector<16xf32>
      %add3A_332 = arith.addf %add3A_308, %get3A_331 : vector<16xf32>
      %get3A_333 = arith.constant 12 : i32
      %get3A_334 = arith.index_cast %get3A_333 : i32 to index
      %get3A_335 = arith.constant 48 : index
      %get3A_336 = tpu.vector_load %arg6[%get3A_334, %get3A_335] {strides = array<i32>} : memref<100x128xf32, #tpu.memory_space<vmem>>, vector<1x16xf32>,
      %get3A_337 = vector.shape_cast %get3A_336 : vector<1x16xf32> to vector<16xf32>
      %add3A_338 = arith.addf %add3A_314, %get3A_337 : vector<16xf32>
      %get3A_339 = arith.constant 13 : i32
      %get3A_340 = arith.index_cast %get3A_339 : i32 to index
      %get3A_341 = arith.constant 0 : index
      %get3A_342 = tpu.vector_load %arg6[%get3A_340, %get3A_341] {strides = array<i32>} : memref<100x128xf32, #tpu.memory_space<vmem>>, vector<1x16xf32>,
      %get3A_343 = vector.shape_cast %get3A_342 : vector<1x16xf32> to vector<16xf32>
      %add3A_344 = arith.addf %add3A_320, %get3A_343 : vector<16xf32>
      %get3A_345 = arith.constant 13 : i32
      %get3A_346 = arith.index_cast %get3A_345 : i32 to index
      %get3A_347 = arith.constant 16 : index
      %get3A_348 = tpu.vector_load %arg6[%get3A_346, %get3A_347] {strides = array<i32>} : memref<100x128xf32, #tpu.memory_space<vmem>>, vector<1x16xf32>,
      %get3A_349 = vector.shape_cast %get3A_348 : vector<1x16xf32> to vector<16xf32>
      %add3A_350 = arith.addf %add3A_326, %get3A_349 : vector<16xf32>
      %get3A_351 = arith.constant 13 : i32
      %get3A_352 = arith.index_cast %get3A_351 : i32 to index
      %get3A_353 = arith.constant 32 : index
      %get3A_354 = tpu.vector_load %arg6[%get3A_352, %get3A_353] {strides = array<i32>} : memref<100x128xf32, #tpu.memory_space<vmem>>, vector<1x16xf32>,
      %get3A_355 = vector.shape_cast %get3A_354 : vector<1x16xf32> to vector<16xf32>
      %add3A_356 = arith.addf %add3A_332, %get3A_355 : vector<16xf32>
      %get3A_357 = arith.constant 13 : i32
      %get3A_358 = arith.index_cast %get3A_357 : i32 to index
      %get3A_359 = arith.constant 48 : index
      %get3A_360 = tpu.vector_load %arg6[%get3A_358, %get3A_359] {strides = array<i32>} : memref<100x128xf32, #tpu.memory_space<vmem>>, vector<1x16xf32>,
      %get3A_361 = vector.shape_cast %get3A_360 : vector<1x16xf32> to vector<16xf32>
      %add3A_362 = arith.addf %add3A_338, %get3A_361 : vector<16xf32>
      %get3A_363 = arith.constant 14 : i32
      %get3A_364 = arith.index_cast %get3A_363 : i32 to index
      %get3A_365 = arith.constant 0 : index
      %get3A_366 = tpu.vector_load %arg6[%get3A_364, %get3A_365] {strides = array<i32>} : memref<100x128xf32, #tpu.memory_space<vmem>>, vector<1x16xf32>,
      %get3A_367 = vector.shape_cast %get3A_366 : vector<1x16xf32> to vector<16xf32>
      %add3A_368 = arith.addf %add3A_344, %get3A_367 : vector<16xf32>
      %get3A_369 = arith.constant 14 : i32
      %get3A_370 = arith.index_cast %get3A_369 : i32 to index
      %get3A_371 = arith.constant 16 : index
      %get3A_372 = tpu.vector_load %arg6[%get3A_370, %get3A_371] {strides = array<i32>} : memref<100x128xf32, #tpu.memory_space<vmem>>, vector<1x16xf32>,
      %get3A_373 = vector.shape_cast %get3A_372 : vector<1x16xf32> to vector<16xf32>
      %add3A_374 = arith.addf %add3A_350, %get3A_373 : vector<16xf32>
      %get3A_375 = arith.constant 14 : i32
      %get3A_376 = arith.index_cast %get3A_375 : i32 to index
      %get3A_377 = arith.constant 32 : index
      %get3A_378 = tpu.vector_load %arg6[%get3A_376, %get3A_377] {strides = array<i32>} : memref<100x128xf32, #tpu.memory_space<vmem>>, vector<1x16xf32>,
      %get3A_379 = vector.shape_cast %get3A_378 : vector<1x16xf32> to vector<16xf32>
      %add3A_380 = arith.addf %add3A_356, %get3A_379 : vector<16xf32>
      %get3A_381 = arith.constant 14 : i32
      %get3A_382 = arith.index_cast %get3A_381 : i32 to index
      %get3A_383 = arith.constant 48 : index
      %get3A_384 = tpu.vector_load %arg6[%get3A_382, %get3A_383] {strides = array<i32>} : memref<100x128xf32, #tpu.memory_space<vmem>>, vector<1x16xf32>,
      %get3A_385 = vector.shape_cast %get3A_384 : vector<1x16xf32> to vector<16xf32>
      %add3A_386 = arith.addf %add3A_362, %get3A_385 : vector<16xf32>
      %get3A_387 = arith.constant 15 : i32
      %get3A_388 = arith.index_cast %get3A_387 : i32 to index
      %get3A_389 = arith.constant 0 : index
      %get3A_390 = tpu.vector_load %arg6[%get3A_388, %get3A_389] {strides = array<i32>} : memref<100x128xf32, #tpu.memory_space<vmem>>, vector<1x16xf32>,
      %get3A_391 = vector.shape_cast %get3A_390 : vector<1x16xf32> to vector<16xf32>
      %add3A_392 = arith.addf %add3A_368, %get3A_391 : vector<16xf32>
      %get3A_393 = arith.constant 15 : i32
      %get3A_394 = arith.index_cast %get3A_393 : i32 to index
      %get3A_395 = arith.constant 16 : index
      %get3A_396 = tpu.vector_load %arg6[%get3A_394, %get3A_395] {strides = array<i32>} : memref<100x128xf32, #tpu.memory_space<vmem>>, vector<1x16xf32>,
      %get3A_397 = vector.shape_cast %get3A_396 : vector<1x16xf32> to vector<16xf32>
      %add3A_398 = arith.addf %add3A_374, %get3A_397 : vector<16xf32>
      %get3A_399 = arith.constant 15 : i32
      %get3A_400 = arith.index_cast %get3A_399 : i32 to index
      %get3A_401 = arith.constant 32 : index
      %get3A_402 = tpu.vector_load %arg6[%get3A_400, %get3A_401] {strides = array<i32>} : memref<100x128xf32, #tpu.memory_space<vmem>>, vector<1x16xf32>,
      %get3A_403 = vector.shape_cast %get3A_402 : vector<1x16xf32> to vector<16xf32>
      %add3A_404 = arith.addf %add3A_380, %get3A_403 : vector<16xf32>
      %get3A_405 = arith.constant 15 : i32
      %get3A_406 = arith.index_cast %get3A_405 : i32 to index
      %get3A_407 = arith.constant 48 : index
      %get3A_408 = tpu.vector_load %arg6[%get3A_406, %get3A_407] {strides = array<i32>} : memref<100x128xf32, #tpu.memory_space<vmem>>, vector<1x16xf32>,
      %get3A_409 = vector.shape_cast %get3A_408 : vector<1x16xf32> to vector<16xf32>
      %add3A_410 = arith.addf %add3A_386, %get3A_409 : vector<16xf32>
      %get3A_411 = arith.constant 16 : i32
      %get3A_412 = arith.index_cast %get3A_411 : i32 to index
      %get3A_413 = arith.constant 0 : index
      %get3A_414 = tpu.vector_load %arg6[%get3A_412, %get3A_413] {strides = array<i32>} : memref<100x128xf32, #tpu.memory_space<vmem>>, vector<1x16xf32>,
      %get3A_415 = vector.shape_cast %get3A_414 : vector<1x16xf32> to vector<16xf32>
      %add3A_416 = arith.addf %add3A_392, %get3A_415 : vector<16xf32>
      %get3A_417 = arith.constant 16 : i32
      %get3A_418 = arith.index_cast %get3A_417 : i32 to index
      %get3A_419 = arith.constant 16 : index
      %get3A_420 = tpu.vector_load %arg6[%get3A_418, %get3A_419] {strides = array<i32>} : memref<100x128xf32, #tpu.memory_space<vmem>>, vector<1x16xf32>,
      %get3A_421 = vector.shape_cast %get3A_420 : vector<1x16xf32> to vector<16xf32>
      %add3A_422 = arith.addf %add3A_398, %get3A_421 : vector<16xf32>
      %get3A_423 = arith.constant 16 : i32
      %get3A_424 = arith.index_cast %get3A_423 : i32 to index
      %get3A_425 = arith.constant 32 : index
      %get3A_426 = tpu.vector_load %arg6[%get3A_424, %get3A_425] {strides = array<i32>} : memref<100x128xf32, #tpu.memory_space<vmem>>, vector<1x16xf32>,
      %get3A_427 = vector.shape_cast %get3A_426 : vector<1x16xf32> to vector<16xf32>
      %add3A_428 = arith.addf %add3A_404, %get3A_427 : vector<16xf32>
      %get3A_429 = arith.constant 16 : i32
      %get3A_430 = arith.index_cast %get3A_429 : i32 to index
      %get3A_431 = arith.constant 48 : index
      %get3A_432 = tpu.vector_load %arg6[%get3A_430, %get3A_431] {strides = array<i32>} : memref<100x128xf32, #tpu.memory_space<vmem>>, vector<1x16xf32>,
      %get3A_433 = vector.shape_cast %get3A_432 : vector<1x16xf32> to vector<16xf32>
      %add3A_434 = arith.addf %add3A_410, %get3A_433 : vector<16xf32>
      %get3A_435 = arith.constant 17 : i32
      %get3A_436 = arith.index_cast %get3A_435 : i32 to index
      %get3A_437 = arith.constant 0 : index
      %get3A_438 = tpu.vector_load %arg6[%get3A_436, %get3A_437] {strides = array<i32>} : memref<100x128xf32, #tpu.memory_space<vmem>>, vector<1x16xf32>,
      %get3A_439 = vector.shape_cast %get3A_438 : vector<1x16xf32> to vector<16xf32>
      %add3A_440 = arith.addf %add3A_416, %get3A_439 : vector<16xf32>
      %get3A_441 = arith.constant 17 : i32
      %get3A_442 = arith.index_cast %get3A_441 : i32 to index
      %get3A_443 = arith.constant 16 : index
      %get3A_444 = tpu.vector_load %arg6[%get3A_442, %get3A_443] {strides = array<i32>} : memref<100x128xf32, #tpu.memory_space<vmem>>, vector<1x16xf32>,
      %get3A_445 = vector.shape_cast %get3A_444 : vector<1x16xf32> to vector<16xf32>
      %add3A_446 = arith.addf %add3A_422, %get3A_445 : vector<16xf32>
      %get3A_447 = arith.constant 17 : i32
      %get3A_448 = arith.index_cast %get3A_447 : i32 to index
      %get3A_449 = arith.constant 32 : index
      %get3A_450 = tpu.vector_load %arg6[%get3A_448, %get3A_449] {strides = array<i32>} : memref<100x128xf32, #tpu.memory_space<vmem>>, vector<1x16xf32>,
      %get3A_451 = vector.shape_cast %get3A_450 : vector<1x16xf32> to vector<16xf32>
      %add3A_452 = arith.addf %add3A_428, %get3A_451 : vector<16xf32>
      %get3A_453 = arith.constant 17 : i32
      %get3A_454 = arith.index_cast %get3A_453 : i32 to index
      %get3A_455 = arith.constant 48 : index
      %get3A_456 = tpu.vector_load %arg6[%get3A_454, %get3A_455] {strides = array<i32>} : memref<100x128xf32, #tpu.memory_space<vmem>>, vector<1x16xf32>,
      %get3A_457 = vector.shape_cast %get3A_456 : vector<1x16xf32> to vector<16xf32>
      %add3A_458 = arith.addf %add3A_434, %get3A_457 : vector<16xf32>
      %get3A_459 = arith.constant 18 : i32
      %get3A_460 = arith.index_cast %get3A_459 : i32 to index
      %get3A_461 = arith.constant 0 : index
      %get3A_462 = tpu.vector_load %arg6[%get3A_460, %get3A_461] {strides = array<i32>} : memref<100x128xf32, #tpu.memory_space<vmem>>, vector<1x16xf32>,
      %get3A_463 = vector.shape_cast %get3A_462 : vector<1x16xf32> to vector<16xf32>
      %add3A_464 = arith.addf %add3A_440, %get3A_463 : vector<16xf32>
      %get3A_465 = arith.constant 18 : i32
      %get3A_466 = arith.index_cast %get3A_465 : i32 to index
      %get3A_467 = arith.constant 16 : index
      %get3A_468 = tpu.vector_load %arg6[%get3A_466, %get3A_467] {strides = array<i32>} : memref<100x128xf32, #tpu.memory_space<vmem>>, vector<1x16xf32>,
      %get3A_469 = vector.shape_cast %get3A_468 : vector<1x16xf32> to vector<16xf32>
      %add3A_470 = arith.addf %add3A_446, %get3A_469 : vector<16xf32>
      %get3A_471 = arith.constant 18 : i32
      %get3A_472 = arith.index_cast %get3A_471 : i32 to index
      %get3A_473 = arith.constant 32 : index
      %get3A_474 = tpu.vector_load %arg6[%get3A_472, %get3A_473] {strides = array<i32>} : memref<100x128xf32, #tpu.memory_space<vmem>>, vector<1x16xf32>,
      %get3A_475 = vector.shape_cast %get3A_474 : vector<1x16xf32> to vector<16xf32>
      %add3A_476 = arith.addf %add3A_452, %get3A_475 : vector<16xf32>
      %get3A_477 = arith.constant 18 : i32
      %get3A_478 = arith.index_cast %get3A_477 : i32 to index
      %get3A_479 = arith.constant 48 : index
      %get3A_480 = tpu.vector_load %arg6[%get3A_478, %get3A_479] {strides = array<i32>} : memref<100x128xf32, #tpu.memory_space<vmem>>, vector<1x16xf32>,
      %get3A_481 = vector.shape_cast %get3A_480 : vector<1x16xf32> to vector<16xf32>
      %add3A_482 = arith.addf %add3A_458, %get3A_481 : vector<16xf32>
      %get3A_483 = arith.constant 19 : i32
      %get3A_484 = arith.index_cast %get3A_483 : i32 to index
      %get3A_485 = arith.constant 0 : index
      %get3A_486 = tpu.vector_load %arg6[%get3A_484, %get3A_485] {strides = array<i32>} : memref<100x128xf32, #tpu.memory_space<vmem>>, vector<1x16xf32>,
      %get3A_487 = vector.shape_cast %get3A_486 : vector<1x16xf32> to vector<16xf32>
      %add3A_488 = arith.addf %add3A_464, %get3A_487 : vector<16xf32>
      %get3A_489 = arith.constant 19 : i32
      %get3A_490 = arith.index_cast %get3A_489 : i32 to index
      %get3A_491 = arith.constant 16 : index
      %get3A_492 = tpu.vector_load %arg6[%get3A_490, %get3A_491] {strides = array<i32>} : memref<100x128xf32, #tpu.memory_space<vmem>>, vector<1x16xf32>,
      %get3A_493 = vector.shape_cast %get3A_492 : vector<1x16xf32> to vector<16xf32>
      %add3A_494 = arith.addf %add3A_470, %get3A_493 : vector<16xf32>
      %get3A_495 = arith.constant 19 : i32
      %get3A_496 = arith.index_cast %get3A_495 : i32 to index
      %get3A_497 = arith.constant 32 : index
      %get3A_498 = tpu.vector_load %arg6[%get3A_496, %get3A_497] {strides = array<i32>} : memref<100x128xf32, #tpu.memory_space<vmem>>, vector<1x16xf32>,
      %get3A_499 = vector.shape_cast %get3A_498 : vector<1x16xf32> to vector<16xf32>
      %add3A_500 = arith.addf %add3A_476, %get3A_499 : vector<16xf32>
      %get3A_501 = arith.constant 19 : i32
      %get3A_502 = arith.index_cast %get3A_501 : i32 to index
      %get3A_503 = arith.constant 48 : index
      %get3A_504 = tpu.vector_load %arg6[%get3A_502, %get3A_503] {strides = array<i32>} : memref<100x128xf32, #tpu.memory_space<vmem>>, vector<1x16xf32>,
      %get3A_505 = vector.shape_cast %get3A_504 : vector<1x16xf32> to vector<16xf32>
      %add3A_506 = arith.addf %add3A_482, %get3A_505 : vector<16xf32>
      %get3A_507 = arith.constant 20 : i32
      %get3A_508 = arith.index_cast %get3A_507 : i32 to index
      %get3A_509 = arith.constant 0 : index
      %get3A_510 = tpu.vector_load %arg6[%get3A_508, %get3A_509] {strides = array<i32>} : memref<100x128xf32, #tpu.memory_space<vmem>>, vector<1x16xf32>,
      %get3A_511 = vector.shape_cast %get3A_510 : vector<1x16xf32> to vector<16xf32>
      %add3A_512 = arith.addf %add3A_488, %get3A_511 : vector<16xf32>
      %get3A_513 = arith.constant 20 : i32
      %get3A_514 = arith.index_cast %get3A_513 : i32 to index
      %get3A_515 = arith.constant 16 : index
      %get3A_516 = tpu.vector_load %arg6[%get3A_514, %get3A_515] {strides = array<i32>} : memref<100x128xf32, #tpu.memory_space<vmem>>, vector<1x16xf32>,
      %get3A_517 = vector.shape_cast %get3A_516 : vector<1x16xf32> to vector<16xf32>
      %add3A_518 = arith.addf %add3A_494, %get3A_517 : vector<16xf32>
      %get3A_519 = arith.constant 20 : i32
      %get3A_520 = arith.index_cast %get3A_519 : i32 to index
      %get3A_521 = arith.constant 32 : index
      %get3A_522 = tpu.vector_load %arg6[%get3A_520, %get3A_521] {strides = array<i32>} : memref<100x128xf32, #tpu.memory_space<vmem>>, vector<1x16xf32>,
      %get3A_523 = vector.shape_cast %get3A_522 : vector<1x16xf32> to vector<16xf32>
      %add3A_524 = arith.addf %add3A_500, %get3A_523 : vector<16xf32>
      %get3A_525 = arith.constant 20 : i32
      %get3A_526 = arith.index_cast %get3A_525 : i32 to index
      %get3A_527 = arith.constant 48 : index
      %get3A_528 = tpu.vector_load %arg6[%get3A_526, %get3A_527] {strides = array<i32>} : memref<100x128xf32, #tpu.memory_space<vmem>>, vector<1x16xf32>,
      %get3A_529 = vector.shape_cast %get3A_528 : vector<1x16xf32> to vector<16xf32>
      %add3A_530 = arith.addf %add3A_506, %get3A_529 : vector<16xf32>
      %get3A_531 = arith.constant 21 : i32
      %get3A_532 = arith.index_cast %get3A_531 : i32 to index
      %get3A_533 = arith.constant 0 : index
      %get3A_534 = tpu.vector_load %arg6[%get3A_532, %get3A_533] {strides = array<i32>} : memref<100x128xf32, #tpu.memory_space<vmem>>, vector<1x16xf32>,
      %get3A_535 = vector.shape_cast %get3A_534 : vector<1x16xf32> to vector<16xf32>
      %add3A_536 = arith.addf %add3A_512, %get3A_535 : vector<16xf32>
      %get3A_537 = arith.constant 21 : i32
      %get3A_538 = arith.index_cast %get3A_537 : i32 to index
      %get3A_539 = arith.constant 16 : index
      %get3A_540 = tpu.vector_load %arg6[%get3A_538, %get3A_539] {strides = array<i32>} : memref<100x128xf32, #tpu.memory_space<vmem>>, vector<1x16xf32>,
      %get3A_541 = vector.shape_cast %get3A_540 : vector<1x16xf32> to vector<16xf32>
      %add3A_542 = arith.addf %add3A_518, %get3A_541 : vector<16xf32>
      %get3A_543 = arith.constant 21 : i32
      %get3A_544 = arith.index_cast %get3A_543 : i32 to index
      %get3A_545 = arith.constant 32 : index
      %get3A_546 = tpu.vector_load %arg6[%get3A_544, %get3A_545] {strides = array<i32>} : memref<100x128xf32, #tpu.memory_space<vmem>>, vector<1x16xf32>,
      %get3A_547 = vector.shape_cast %get3A_546 : vector<1x16xf32> to vector<16xf32>
      %add3A_548 = arith.addf %add3A_524, %get3A_547 : vector<16xf32>
      %get3A_549 = arith.constant 21 : i32
      %get3A_550 = arith.index_cast %get3A_549 : i32 to index
      %get3A_551 = arith.constant 48 : index
      %get3A_552 = tpu.vector_load %arg6[%get3A_550, %get3A_551] {strides = array<i32>} : memref<100x128xf32, #tpu.memory_space<vmem>>, vector<1x16xf32>,
      %get3A_553 = vector.shape_cast %get3A_552 : vector<1x16xf32> to vector<16xf32>
      %add3A_554 = arith.addf %add3A_530, %get3A_553 : vector<16xf32>
      %get3A_555 = arith.constant 22 : i32
      %get3A_556 = arith.index_cast %get3A_555 : i32 to index
      %get3A_557 = arith.constant 0 : index
      %get3A_558 = tpu.vector_load %arg6[%get3A_556, %get3A_557] {strides = array<i32>} : memref<100x128xf32, #tpu.memory_space<vmem>>, vector<1x16xf32>,
      %get3A_559 = vector.shape_cast %get3A_558 : vector<1x16xf32> to vector<16xf32>
      %add3A_560 = arith.addf %add3A_536, %get3A_559 : vector<16xf32>
      %get3A_561 = arith.constant 22 : i32
      %get3A_562 = arith.index_cast %get3A_561 : i32 to index
      %get3A_563 = arith.constant 16 : index
      %get3A_564 = tpu.vector_load %arg6[%get3A_562, %get3A_563] {strides = array<i32>} : memref<100x128xf32, #tpu.memory_space<vmem>>, vector<1x16xf32>,
      %get3A_565 = vector.shape_cast %get3A_564 : vector<1x16xf32> to vector<16xf32>
      %add3A_566 = arith.addf %add3A_542, %get3A_565 : vector<16xf32>
      %get3A_567 = arith.constant 22 : i32
      %get3A_568 = arith.index_cast %get3A_567 : i32 to index
      %get3A_569 = arith.constant 32 : index
      %get3A_570 = tpu.vector_load %arg6[%get3A_568, %get3A_569] {strides = array<i32>} : memref<100x128xf32, #tpu.memory_space<vmem>>, vector<1x16xf32>,
      %get3A_571 = vector.shape_cast %get3A_570 : vector<1x16xf32> to vector<16xf32>
      %add3A_572 = arith.addf %add3A_548, %get3A_571 : vector<16xf32>
      %get3A_573 = arith.constant 22 : i32
      %get3A_574 = arith.index_cast %get3A_573 : i32 to index
      %get3A_575 = arith.constant 48 : index
      %get3A_576 = tpu.vector_load %arg6[%get3A_574, %get3A_575] {strides = array<i32>} : memref<100x128xf32, #tpu.memory_space<vmem>>, vector<1x16xf32>,
      %get3A_577 = vector.shape_cast %get3A_576 : vector<1x16xf32> to vector<16xf32>
      %add3A_578 = arith.addf %add3A_554, %get3A_577 : vector<16xf32>
      %get3A_579 = arith.constant 23 : i32
      %get3A_580 = arith.index_cast %get3A_579 : i32 to index
      %get3A_581 = arith.constant 0 : index
      %get3A_582 = tpu.vector_load %arg6[%get3A_580, %get3A_581] {strides = array<i32>} : memref<100x128xf32, #tpu.memory_space<vmem>>, vector<1x16xf32>,
      %get3A_583 = vector.shape_cast %get3A_582 : vector<1x16xf32> to vector<16xf32>
      %add3A_584 = arith.addf %add3A_560, %get3A_583 : vector<16xf32>
      %get3A_585 = arith.constant 23 : i32
      %get3A_586 = arith.index_cast %get3A_585 : i32 to index
      %get3A_587 = arith.constant 16 : index
      %get3A_588 = tpu.vector_load %arg6[%get3A_586, %get3A_587] {strides = array<i32>} : memref<100x128xf32, #tpu.memory_space<vmem>>, vector<1x16xf32>,
      %get3A_589 = vector.shape_cast %get3A_588 : vector<1x16xf32> to vector<16xf32>
      %add3A_590 = arith.addf %add3A_566, %get3A_589 : vector<16xf32>
      %get3A_591 = arith.constant 23 : i32
      %get3A_592 = arith.index_cast %get3A_591 : i32 to index
      %get3A_593 = arith.constant 32 : index
      %get3A_594 = tpu.vector_load %arg6[%get3A_592, %get3A_593] {strides = array<i32>} : memref<100x128xf32, #tpu.memory_space<vmem>>, vector<1x16xf32>,
      %get3A_595 = vector.shape_cast %get3A_594 : vector<1x16xf32> to vector<16xf32>
      %add3A_596 = arith.addf %add3A_572, %get3A_595 : vector<16xf32>
      %get3A_597 = arith.constant 23 : i32
      %get3A_598 = arith.index_cast %get3A_597 : i32 to index
      %get3A_599 = arith.constant 48 : index
      %get3A_600 = tpu.vector_load %arg6[%get3A_598, %get3A_599] {strides = array<i32>} : memref<100x128xf32, #tpu.memory_space<vmem>>, vector<1x16xf32>,
      %get3A_601 = vector.shape_cast %get3A_600 : vector<1x16xf32> to vector<16xf32>
      %add3A_602 = arith.addf %add3A_578, %get3A_601 : vector<16xf32>
      %get3A_603 = arith.constant 24 : i32
      %get3A_604 = arith.index_cast %get3A_603 : i32 to index
      %get3A_605 = arith.constant 0 : index
      %get3A_606 = tpu.vector_load %arg6[%get3A_604, %get3A_605] {strides = array<i32>} : memref<100x128xf32, #tpu.memory_space<vmem>>, vector<1x16xf32>,
      %get3A_607 = vector.shape_cast %get3A_606 : vector<1x16xf32> to vector<16xf32>
      %add3A_608 = arith.addf %add3A_584, %get3A_607 : vector<16xf32>
      %get3A_609 = arith.constant 24 : i32
      %get3A_610 = arith.index_cast %get3A_609 : i32 to index
      %get3A_611 = arith.constant 16 : index
      %get3A_612 = tpu.vector_load %arg6[%get3A_610, %get3A_611] {strides = array<i32>} : memref<100x128xf32, #tpu.memory_space<vmem>>, vector<1x16xf32>,
      %get3A_613 = vector.shape_cast %get3A_612 : vector<1x16xf32> to vector<16xf32>
      %add3A_614 = arith.addf %add3A_590, %get3A_613 : vector<16xf32>
      %get3A_615 = arith.constant 24 : i32
      %get3A_616 = arith.index_cast %get3A_615 : i32 to index
      %get3A_617 = arith.constant 32 : index
      %get3A_618 = tpu.vector_load %arg6[%get3A_616, %get3A_617] {strides = array<i32>} : memref<100x128xf32, #tpu.memory_space<vmem>>, vector<1x16xf32>,
      %get3A_619 = vector.shape_cast %get3A_618 : vector<1x16xf32> to vector<16xf32>
      %add3A_620 = arith.addf %add3A_596, %get3A_619 : vector<16xf32>
      %get3A_621 = arith.constant 24 : i32
      %get3A_622 = arith.index_cast %get3A_621 : i32 to index
      %get3A_623 = arith.constant 48 : index
      %get3A_624 = tpu.vector_load %arg6[%get3A_622, %get3A_623] {strides = array<i32>} : memref<100x128xf32, #tpu.memory_space<vmem>>, vector<1x16xf32>,
      %get3A_625 = vector.shape_cast %get3A_624 : vector<1x16xf32> to vector<16xf32>
      %add3A_626 = arith.addf %add3A_602, %get3A_625 : vector<16xf32>
      %get3A_627 = arith.constant 25 : i32
      %get3A_628 = arith.index_cast %get3A_627 : i32 to index
      %get3A_629 = arith.constant 0 : index
      %get3A_630 = tpu.vector_load %arg6[%get3A_628, %get3A_629] {strides = array<i32>} : memref<100x128xf32, #tpu.memory_space<vmem>>, vector<1x16xf32>,
      %get3A_631 = vector.shape_cast %get3A_630 : vector<1x16xf32> to vector<16xf32>
      %add3A_632 = arith.addf %add3A_608, %get3A_631 : vector<16xf32>
      %get3A_633 = arith.constant 25 : i32
      %get3A_634 = arith.index_cast %get3A_633 : i32 to index
      %get3A_635 = arith.constant 16 : index
      %get3A_636 = tpu.vector_load %arg6[%get3A_634, %get3A_635] {strides = array<i32>} : memref<100x128xf32, #tpu.memory_space<vmem>>, vector<1x16xf32>,
      %get3A_637 = vector.shape_cast %get3A_636 : vector<1x16xf32> to vector<16xf32>
      %add3A_638 = arith.addf %add3A_614, %get3A_637 : vector<16xf32>
      %get3A_639 = arith.constant 25 : i32
      %get3A_640 = arith.index_cast %get3A_639 : i32 to index
      %get3A_641 = arith.constant 32 : index
      %get3A_642 = tpu.vector_load %arg6[%get3A_640, %get3A_641] {strides = array<i32>} : memref<100x128xf32, #tpu.memory_space<vmem>>, vector<1x16xf32>,
      %get3A_643 = vector.shape_cast %get3A_642 : vector<1x16xf32> to vector<16xf32>
      %add3A_644 = arith.addf %add3A_620, %get3A_643 : vector<16xf32>
      %get3A_645 = arith.constant 25 : i32
      %get3A_646 = arith.index_cast %get3A_645 : i32 to index
      %get3A_647 = arith.constant 48 : index
      %get3A_648 = tpu.vector_load %arg6[%get3A_646, %get3A_647] {strides = array<i32>} : memref<100x128xf32, #tpu.memory_space<vmem>>, vector<1x16xf32>,
      %get3A_649 = vector.shape_cast %get3A_648 : vector<1x16xf32> to vector<16xf32>
      %add3A_650 = arith.addf %add3A_626, %get3A_649 : vector<16xf32>
      %get3A_651 = arith.constant 26 : i32
      %get3A_652 = arith.index_cast %get3A_651 : i32 to index
      %get3A_653 = arith.constant 0 : index
      %get3A_654 = tpu.vector_load %arg6[%get3A_652, %get3A_653] {strides = array<i32>} : memref<100x128xf32, #tpu.memory_space<vmem>>, vector<1x16xf32>,
      %get3A_655 = vector.shape_cast %get3A_654 : vector<1x16xf32> to vector<16xf32>
      %add3A_656 = arith.addf %add3A_632, %get3A_655 : vector<16xf32>
      %get3A_657 = arith.constant 26 : i32
      %get3A_658 = arith.index_cast %get3A_657 : i32 to index
      %get3A_659 = arith.constant 16 : index
      %get3A_660 = tpu.vector_load %arg6[%get3A_658, %get3A_659] {strides = array<i32>} : memref<100x128xf32, #tpu.memory_space<vmem>>, vector<1x16xf32>,
      %get3A_661 = vector.shape_cast %get3A_660 : vector<1x16xf32> to vector<16xf32>
      %add3A_662 = arith.addf %add3A_638, %get3A_661 : vector<16xf32>
      %get3A_663 = arith.constant 26 : i32
      %get3A_664 = arith.index_cast %get3A_663 : i32 to index
      %get3A_665 = arith.constant 32 : index
      %get3A_666 = tpu.vector_load %arg6[%get3A_664, %get3A_665] {strides = array<i32>} : memref<100x128xf32, #tpu.memory_space<vmem>>, vector<1x16xf32>,
      %get3A_667 = vector.shape_cast %get3A_666 : vector<1x16xf32> to vector<16xf32>
      %add3A_668 = arith.addf %add3A_644, %get3A_667 : vector<16xf32>
      %get3A_669 = arith.constant 26 : i32
      %get3A_670 = arith.index_cast %get3A_669 : i32 to index
      %get3A_671 = arith.constant 48 : index
      %get3A_672 = tpu.vector_load %arg6[%get3A_670, %get3A_671] {strides = array<i32>} : memref<100x128xf32, #tpu.memory_space<vmem>>, vector<1x16xf32>,
      %get3A_673 = vector.shape_cast %get3A_672 : vector<1x16xf32> to vector<16xf32>
      %add3A_674 = arith.addf %add3A_650, %get3A_673 : vector<16xf32>
      %get3A_675 = arith.constant 27 : i32
      %get3A_676 = arith.index_cast %get3A_675 : i32 to index
      %get3A_677 = arith.constant 0 : index
      %get3A_678 = tpu.vector_load %arg6[%get3A_676, %get3A_677] {strides = array<i32>} : memref<100x128xf32, #tpu.memory_space<vmem>>, vector<1x16xf32>,
      %get3A_679 = vector.shape_cast %get3A_678 : vector<1x16xf32> to vector<16xf32>
      %add3A_680 = arith.addf %add3A_656, %get3A_679 : vector<16xf32>
      %get3A_681 = arith.constant 27 : i32
      %get3A_682 = arith.index_cast %get3A_681 : i32 to index
      %get3A_683 = arith.constant 16 : index
      %get3A_684 = tpu.vector_load %arg6[%get3A_682, %get3A_683] {strides = array<i32>} : memref<100x128xf32, #tpu.memory_space<vmem>>, vector<1x16xf32>,
      %get3A_685 = vector.shape_cast %get3A_684 : vector<1x16xf32> to vector<16xf32>
      %add3A_686 = arith.addf %add3A_662, %get3A_685 : vector<16xf32>
      %get3A_687 = arith.constant 27 : i32
      %get3A_688 = arith.index_cast %get3A_687 : i32 to index
      %get3A_689 = arith.constant 32 : index
      %get3A_690 = tpu.vector_load %arg6[%get3A_688, %get3A_689] {strides = array<i32>} : memref<100x128xf32, #tpu.memory_space<vmem>>, vector<1x16xf32>,
      %get3A_691 = vector.shape_cast %get3A_690 : vector<1x16xf32> to vector<16xf32>
      %add3A_692 = arith.addf %add3A_668, %get3A_691 : vector<16xf32>
      %get3A_693 = arith.constant 27 : i32
      %get3A_694 = arith.index_cast %get3A_693 : i32 to index
      %get3A_695 = arith.constant 48 : index
      %get3A_696 = tpu.vector_load %arg6[%get3A_694, %get3A_695] {strides = array<i32>} : memref<100x128xf32, #tpu.memory_space<vmem>>, vector<1x16xf32>,
      %get3A_697 = vector.shape_cast %get3A_696 : vector<1x16xf32> to vector<16xf32>
      %add3A_698 = arith.addf %add3A_674, %get3A_697 : vector<16xf32>
      %get3A_699 = arith.constant 28 : i32
      %get3A_700 = arith.index_cast %get3A_699 : i32 to index
      %get3A_701 = arith.constant 0 : index
      %get3A_702 = tpu.vector_load %arg6[%get3A_700, %get3A_701] {strides = array<i32>} : memref<100x128xf32, #tpu.memory_space<vmem>>, vector<1x16xf32>,
      %get3A_703 = vector.shape_cast %get3A_702 : vector<1x16xf32> to vector<16xf32>
      %add3A_704 = arith.addf %add3A_680, %get3A_703 : vector<16xf32>
      %get3A_705 = arith.constant 28 : i32
      %get3A_706 = arith.index_cast %get3A_705 : i32 to index
      %get3A_707 = arith.constant 16 : index
      %get3A_708 = tpu.vector_load %arg6[%get3A_706, %get3A_707] {strides = array<i32>} : memref<100x128xf32, #tpu.memory_space<vmem>>, vector<1x16xf32>,
      %get3A_709 = vector.shape_cast %get3A_708 : vector<1x16xf32> to vector<16xf32>
      %add3A_710 = arith.addf %add3A_686, %get3A_709 : vector<16xf32>
      %get3A_711 = arith.constant 28 : i32
      %get3A_712 = arith.index_cast %get3A_711 : i32 to index
      %get3A_713 = arith.constant 32 : index
      %get3A_714 = tpu.vector_load %arg6[%get3A_712, %get3A_713] {strides = array<i32>} : memref<100x128xf32, #tpu.memory_space<vmem>>, vector<1x16xf32>,
      %get3A_715 = vector.shape_cast %get3A_714 : vector<1x16xf32> to vector<16xf32>
      %add3A_716 = arith.addf %add3A_692, %get3A_715 : vector<16xf32>
      %get3A_717 = arith.constant 28 : i32
      %get3A_718 = arith.index_cast %get3A_717 : i32 to index
      %get3A_719 = arith.constant 48 : index
      %get3A_720 = tpu.vector_load %arg6[%get3A_718, %get3A_719] {strides = array<i32>} : memref<100x128xf32, #tpu.memory_space<vmem>>, vector<1x16xf32>,
      %get3A_721 = vector.shape_cast %get3A_720 : vector<1x16xf32> to vector<16xf32>
      %add3A_722 = arith.addf %add3A_698, %get3A_721 : vector<16xf32>
      %get3A_723 = arith.constant 29 : i32
      %get3A_724 = arith.index_cast %get3A_723 : i32 to index
      %get3A_725 = arith.constant 0 : index
      %get3A_726 = tpu.vector_load %arg6[%get3A_724, %get3A_725] {strides = array<i32>} : memref<100x128xf32, #tpu.memory_space<vmem>>, vector<1x16xf32>,
      %get3A_727 = vector.shape_cast %get3A_726 : vector<1x16xf32> to vector<16xf32>
      %add3A_728 = arith.addf %add3A_704, %get3A_727 : vector<16xf32>
      %get3A_729 = arith.constant 29 : i32
      %get3A_730 = arith.index_cast %get3A_729 : i32 to index
      %get3A_731 = arith.constant 16 : index
      %get3A_732 = tpu.vector_load %arg6[%get3A_730, %get3A_731] {strides = array<i32>} : memref<100x128xf32, #tpu.memory_space<vmem>>, vector<1x16xf32>,
      %get3A_733 = vector.shape_cast %get3A_732 : vector<1x16xf32> to vector<16xf32>
      %add3A_734 = arith.addf %add3A_710, %get3A_733 : vector<16xf32>
      %get3A_735 = arith.constant 29 : i32
      %get3A_736 = arith.index_cast %get3A_735 : i32 to index
      %get3A_737 = arith.constant 32 : index
      %get3A_738 = tpu.vector_load %arg6[%get3A_736, %get3A_737] {strides = array<i32>} : memref<100x128xf32, #tpu.memory_space<vmem>>, vector<1x16xf32>,
      %get3A_739 = vector.shape_cast %get3A_738 : vector<1x16xf32> to vector<16xf32>
      %add3A_740 = arith.addf %add3A_716, %get3A_739 : vector<16xf32>
      %get3A_741 = arith.constant 29 : i32
      %get3A_742 = arith.index_cast %get3A_741 : i32 to index
      %get3A_743 = arith.constant 48 : index
      %get3A_744 = tpu.vector_load %arg6[%get3A_742, %get3A_743] {strides = array<i32>} : memref<100x128xf32, #tpu.memory_space<vmem>>, vector<1x16xf32>,
      %get3A_745 = vector.shape_cast %get3A_744 : vector<1x16xf32> to vector<16xf32>
      %add3A_746 = arith.addf %add3A_722, %get3A_745 : vector<16xf32>
      %get3A_747 = arith.constant 30 : i32
      %get3A_748 = arith.index_cast %get3A_747 : i32 to index
      %get3A_749 = arith.constant 0 : index
      %get3A_750 = tpu.vector_load %arg6[%get3A_748, %get3A_749] {strides = array<i32>} : memref<100x128xf32, #tpu.memory_space<vmem>>, vector<1x16xf32>,
      %get3A_751 = vector.shape_cast %get3A_750 : vector<1x16xf32> to vector<16xf32>
      %add3A_752 = arith.addf %add3A_728, %get3A_751 : vector<16xf32>
      %get3A_753 = arith.constant 30 : i32
      %get3A_754 = arith.index_cast %get3A_753 : i32 to index
      %get3A_755 = arith.constant 16 : index
      %get3A_756 = tpu.vector_load %arg6[%get3A_754, %get3A_755] {strides = array<i32>} : memref<100x128xf32, #tpu.memory_space<vmem>>, vector<1x16xf32>,
      %get3A_757 = vector.shape_cast %get3A_756 : vector<1x16xf32> to vector<16xf32>
      %add3A_758 = arith.addf %add3A_734, %get3A_757 : vector<16xf32>
      %get3A_759 = arith.constant 30 : i32
      %get3A_760 = arith.index_cast %get3A_759 : i32 to index
      %get3A_761 = arith.constant 32 : index
      %get3A_762 = tpu.vector_load %arg6[%get3A_760, %get3A_761] {strides = array<i32>} : memref<100x128xf32, #tpu.memory_space<vmem>>, vector<1x16xf32>,
      %get3A_763 = vector.shape_cast %get3A_762 : vector<1x16xf32> to vector<16xf32>
      %add3A_764 = arith.addf %add3A_740, %get3A_763 : vector<16xf32>
      %get3A_765 = arith.constant 30 : i32
      %get3A_766 = arith.index_cast %get3A_765 : i32 to index
      %get3A_767 = arith.constant 48 : index
      %get3A_768 = tpu.vector_load %arg6[%get3A_766, %get3A_767] {strides = array<i32>} : memref<100x128xf32, #tpu.memory_space<vmem>>, vector<1x16xf32>,
      %get3A_769 = vector.shape_cast %get3A_768 : vector<1x16xf32> to vector<16xf32>
      %add3A_770 = arith.addf %add3A_746, %get3A_769 : vector<16xf32>
      %get3A_771 = arith.constant 31 : i32
      %get3A_772 = arith.index_cast %get3A_771 : i32 to index
      %get3A_773 = arith.constant 0 : index
      %get3A_774 = tpu.vector_load %arg6[%get3A_772, %get3A_773] {strides = array<i32>} : memref<100x128xf32, #tpu.memory_space<vmem>>, vector<1x16xf32>,
      %get3A_775 = vector.shape_cast %get3A_774 : vector<1x16xf32> to vector<16xf32>
      %add3A_776 = arith.addf %add3A_752, %get3A_775 : vector<16xf32>
      %get3A_777 = arith.constant 31 : i32
      %get3A_778 = arith.index_cast %get3A_777 : i32 to index
      %get3A_779 = arith.constant 16 : index
      %get3A_780 = tpu.vector_load %arg6[%get3A_778, %get3A_779] {strides = array<i32>} : memref<100x128xf32, #tpu.memory_space<vmem>>, vector<1x16xf32>,
      %get3A_781 = vector.shape_cast %get3A_780 : vector<1x16xf32> to vector<16xf32>
      %add3A_782 = arith.addf %add3A_758, %get3A_781 : vector<16xf32>
      %get3A_783 = arith.constant 31 : i32
      %get3A_784 = arith.index_cast %get3A_783 : i32 to index
      %get3A_785 = arith.constant 32 : index
      %get3A_786 = tpu.vector_load %arg6[%get3A_784, %get3A_785] {strides = array<i32>} : memref<100x128xf32, #tpu.memory_space<vmem>>, vector<1x16xf32>,
      %get3A_787 = vector.shape_cast %get3A_786 : vector<1x16xf32> to vector<16xf32>
      %add3A_788 = arith.addf %add3A_764, %get3A_787 : vector<16xf32>
      %get3A_789 = arith.constant 31 : i32
      %get3A_790 = arith.index_cast %get3A_789 : i32 to index
      %get3A_791 = arith.constant 48 : index
      %get3A_792 = tpu.vector_load %arg6[%get3A_790, %get3A_791] {strides = array<i32>} : memref<100x128xf32, #tpu.memory_space<vmem>>, vector<1x16xf32>,
      %get3A_793 = vector.shape_cast %get3A_792 : vector<1x16xf32> to vector<16xf32>
      %add3A_794 = arith.addf %add3A_770, %get3A_793 : vector<16xf32>
      %get3A_795 = arith.constant 32 : i32
      %get3A_796 = arith.index_cast %get3A_795 : i32 to index
      %get3A_797 = arith.constant 0 : index
      %get3A_798 = tpu.vector_load %arg6[%get3A_796, %get3A_797] {strides = array<i32>} : memref<100x128xf32, #tpu.memory_space<vmem>>, vector<1x16xf32>,
      %get3A_799 = vector.shape_cast %get3A_798 : vector<1x16xf32> to vector<16xf32>
      %add3A_800 = arith.addf %add3A_776, %get3A_799 : vector<16xf32>
      %get3A_801 = arith.constant 32 : i32
      %get3A_802 = arith.index_cast %get3A_801 : i32 to index
      %get3A_803 = arith.constant 16 : index
      %get3A_804 = tpu.vector_load %arg6[%get3A_802, %get3A_803] {strides = array<i32>} : memref<100x128xf32, #tpu.memory_space<vmem>>, vector<1x16xf32>,
      %get3A_805 = vector.shape_cast %get3A_804 : vector<1x16xf32> to vector<16xf32>
      %add3A_806 = arith.addf %add3A_782, %get3A_805 : vector<16xf32>
      %get3A_807 = arith.constant 32 : i32
      %get3A_808 = arith.index_cast %get3A_807 : i32 to index
      %get3A_809 = arith.constant 32 : index
      %get3A_810 = tpu.vector_load %arg6[%get3A_808, %get3A_809] {strides = array<i32>} : memref<100x128xf32, #tpu.memory_space<vmem>>, vector<1x16xf32>,
      %get3A_811 = vector.shape_cast %get3A_810 : vector<1x16xf32> to vector<16xf32>
      %add3A_812 = arith.addf %add3A_788, %get3A_811 : vector<16xf32>
      %get3A_813 = arith.constant 32 : i32
      %get3A_814 = arith.index_cast %get3A_813 : i32 to index
      %get3A_815 = arith.constant 48 : index
      %get3A_816 = tpu.vector_load %arg6[%get3A_814, %get3A_815] {strides = array<i32>} : memref<100x128xf32, #tpu.memory_space<vmem>>, vector<1x16xf32>,
      %get3A_817 = vector.shape_cast %get3A_816 : vector<1x16xf32> to vector<16xf32>
      %add3A_818 = arith.addf %add3A_794, %get3A_817 : vector<16xf32>
      %get3A_819 = arith.constant 33 : i32
      %get3A_820 = arith.index_cast %get3A_819 : i32 to index
      %get3A_821 = arith.constant 0 : index
      %get3A_822 = tpu.vector_load %arg6[%get3A_820, %get3A_821] {strides = array<i32>} : memref<100x128xf32, #tpu.memory_space<vmem>>, vector<1x16xf32>,
      %get3A_823 = vector.shape_cast %get3A_822 : vector<1x16xf32> to vector<16xf32>
      %add3A_824 = arith.addf %add3A_800, %get3A_823 : vector<16xf32>
      %get3A_825 = arith.constant 33 : i32
      %get3A_826 = arith.index_cast %get3A_825 : i32 to index
      %get3A_827 = arith.constant 16 : index
      %get3A_828 = tpu.vector_load %arg6[%get3A_826, %get3A_827] {strides = array<i32>} : memref<100x128xf32, #tpu.memory_space<vmem>>, vector<1x16xf32>,
      %get3A_829 = vector.shape_cast %get3A_828 : vector<1x16xf32> to vector<16xf32>
      %add3A_830 = arith.addf %add3A_806, %get3A_829 : vector<16xf32>
      %get3A_831 = arith.constant 33 : i32
      %get3A_832 = arith.index_cast %get3A_831 : i32 to index
      %get3A_833 = arith.constant 32 : index
      %get3A_834 = tpu.vector_load %arg6[%get3A_832, %get3A_833] {strides = array<i32>} : memref<100x128xf32, #tpu.memory_space<vmem>>, vector<1x16xf32>,
      %get3A_835 = vector.shape_cast %get3A_834 : vector<1x16xf32> to vector<16xf32>
      %add3A_836 = arith.addf %add3A_812, %get3A_835 : vector<16xf32>
      %get3A_837 = arith.constant 33 : i32
      %get3A_838 = arith.index_cast %get3A_837 : i32 to index
      %get3A_839 = arith.constant 48 : index
      %get3A_840 = tpu.vector_load %arg6[%get3A_838, %get3A_839] {strides = array<i32>} : memref<100x128xf32, #tpu.memory_space<vmem>>, vector<1x16xf32>,
      %get3A_841 = vector.shape_cast %get3A_840 : vector<1x16xf32> to vector<16xf32>
      %add3A_842 = arith.addf %add3A_818, %get3A_841 : vector<16xf32>
      %get3A_843 = arith.constant 34 : i32
      %get3A_844 = arith.index_cast %get3A_843 : i32 to index
      %get3A_845 = arith.constant 0 : index
      %get3A_846 = tpu.vector_load %arg6[%get3A_844, %get3A_845] {strides = array<i32>} : memref<100x128xf32, #tpu.memory_space<vmem>>, vector<1x16xf32>,
      %get3A_847 = vector.shape_cast %get3A_846 : vector<1x16xf32> to vector<16xf32>
      %add3A_848 = arith.addf %add3A_824, %get3A_847 : vector<16xf32>
      %get3A_849 = arith.constant 34 : i32
      %get3A_850 = arith.index_cast %get3A_849 : i32 to index
      %get3A_851 = arith.constant 16 : index
      %get3A_852 = tpu.vector_load %arg6[%get3A_850, %get3A_851] {strides = array<i32>} : memref<100x128xf32, #tpu.memory_space<vmem>>, vector<1x16xf32>,
      %get3A_853 = vector.shape_cast %get3A_852 : vector<1x16xf32> to vector<16xf32>
      %add3A_854 = arith.addf %add3A_830, %get3A_853 : vector<16xf32>
      %get3A_855 = arith.constant 34 : i32
      %get3A_856 = arith.index_cast %get3A_855 : i32 to index
      %get3A_857 = arith.constant 32 : index
      %get3A_858 = tpu.vector_load %arg6[%get3A_856, %get3A_857] {strides = array<i32>} : memref<100x128xf32, #tpu.memory_space<vmem>>, vector<1x16xf32>,
      %get3A_859 = vector.shape_cast %get3A_858 : vector<1x16xf32> to vector<16xf32>
      %add3A_860 = arith.addf %add3A_836, %get3A_859 : vector<16xf32>
      %get3A_861 = arith.constant 34 : i32
      %get3A_862 = arith.index_cast %get3A_861 : i32 to index
      %get3A_863 = arith.constant 48 : index
      %get3A_864 = tpu.vector_load %arg6[%get3A_862, %get3A_863] {strides = array<i32>} : memref<100x128xf32, #tpu.memory_space<vmem>>, vector<1x16xf32>,
      %get3A_865 = vector.shape_cast %get3A_864 : vector<1x16xf32> to vector<16xf32>
      %add3A_866 = arith.addf %add3A_842, %get3A_865 : vector<16xf32>
      %get3A_867 = arith.constant 35 : i32
      %get3A_868 = arith.index_cast %get3A_867 : i32 to index
      %get3A_869 = arith.constant 0 : index
      %get3A_870 = tpu.vector_load %arg6[%get3A_868, %get3A_869] {strides = array<i32>} : memref<100x128xf32, #tpu.memory_space<vmem>>, vector<1x16xf32>,
      %get3A_871 = vector.shape_cast %get3A_870 : vector<1x16xf32> to vector<16xf32>
      %add3A_872 = arith.addf %add3A_848, %get3A_871 : vector<16xf32>
      %get3A_873 = arith.constant 35 : i32
      %get3A_874 = arith.index_cast %get3A_873 : i32 to index
      %get3A_875 = arith.constant 16 : index
      %get3A_876 = tpu.vector_load %arg6[%get3A_874, %get3A_875] {strides = array<i32>} : memref<100x128xf32, #tpu.memory_space<vmem>>, vector<1x16xf32>,
      %get3A_877 = vector.shape_cast %get3A_876 : vector<1x16xf32> to vector<16xf32>
      %add3A_878 = arith.addf %add3A_854, %get3A_877 : vector<16xf32>
      %get3A_879 = arith.constant 35 : i32
      %get3A_880 = arith.index_cast %get3A_879 : i32 to index
      %get3A_881 = arith.constant 32 : index
      %get3A_882 = tpu.vector_load %arg6[%get3A_880, %get3A_881] {strides = array<i32>} : memref<100x128xf32, #tpu.memory_space<vmem>>, vector<1x16xf32>,
      %get3A_883 = vector.shape_cast %get3A_882 : vector<1x16xf32> to vector<16xf32>
      %add3A_884 = arith.addf %add3A_860, %get3A_883 : vector<16xf32>
      %get3A_885 = arith.constant 35 : i32
      %get3A_886 = arith.index_cast %get3A_885 : i32 to index
      %get3A_887 = arith.constant 48 : index
      %get3A_888 = tpu.vector_load %arg6[%get3A_886, %get3A_887] {strides = array<i32>} : memref<100x128xf32, #tpu.memory_space<vmem>>, vector<1x16xf32>,
      %get3A_889 = vector.shape_cast %get3A_888 : vector<1x16xf32> to vector<16xf32>
      %add3A_890 = arith.addf %add3A_866, %get3A_889 : vector<16xf32>
      %get3A_891 = arith.constant 36 : i32
      %get3A_892 = arith.index_cast %get3A_891 : i32 to index
      %get3A_893 = arith.constant 0 : index
      %get3A_894 = tpu.vector_load %arg6[%get3A_892, %get3A_893] {strides = array<i32>} : memref<100x128xf32, #tpu.memory_space<vmem>>, vector<1x16xf32>,
      %get3A_895 = vector.shape_cast %get3A_894 : vector<1x16xf32> to vector<16xf32>
      %add3A_896 = arith.addf %add3A_872, %get3A_895 : vector<16xf32>
      %get3A_897 = arith.constant 36 : i32
      %get3A_898 = arith.index_cast %get3A_897 : i32 to index
      %get3A_899 = arith.constant 16 : index
      %get3A_900 = tpu.vector_load %arg6[%get3A_898, %get3A_899] {strides = array<i32>} : memref<100x128xf32, #tpu.memory_space<vmem>>, vector<1x16xf32>,
      %get3A_901 = vector.shape_cast %get3A_900 : vector<1x16xf32> to vector<16xf32>
      %add3A_902 = arith.addf %add3A_878, %get3A_901 : vector<16xf32>
      %get3A_903 = arith.constant 36 : i32
      %get3A_904 = arith.index_cast %get3A_903 : i32 to index
      %get3A_905 = arith.constant 32 : index
      %get3A_906 = tpu.vector_load %arg6[%get3A_904, %get3A_905] {strides = array<i32>} : memref<100x128xf32, #tpu.memory_space<vmem>>, vector<1x16xf32>,
      %get3A_907 = vector.shape_cast %get3A_906 : vector<1x16xf32> to vector<16xf32>
      %add3A_908 = arith.addf %add3A_884, %get3A_907 : vector<16xf32>
      %get3A_909 = arith.constant 36 : i32
      %get3A_910 = arith.index_cast %get3A_909 : i32 to index
      %get3A_911 = arith.constant 48 : index
      %get3A_912 = tpu.vector_load %arg6[%get3A_910, %get3A_911] {strides = array<i32>} : memref<100x128xf32, #tpu.memory_space<vmem>>, vector<1x16xf32>,
      %get3A_913 = vector.shape_cast %get3A_912 : vector<1x16xf32> to vector<16xf32>
      %add3A_914 = arith.addf %add3A_890, %get3A_913 : vector<16xf32>
      %get3A_915 = arith.constant 37 : i32
      %get3A_916 = arith.index_cast %get3A_915 : i32 to index
      %get3A_917 = arith.constant 0 : index
      %get3A_918 = tpu.vector_load %arg6[%get3A_916, %get3A_917] {strides = array<i32>} : memref<100x128xf32, #tpu.memory_space<vmem>>, vector<1x16xf32>,
      %get3A_919 = vector.shape_cast %get3A_918 : vector<1x16xf32> to vector<16xf32>
      %add3A_920 = arith.addf %add3A_896, %get3A_919 : vector<16xf32>
      %get3A_921 = arith.constant 37 : i32
      %get3A_922 = arith.index_cast %get3A_921 : i32 to index
      %get3A_923 = arith.constant 16 : index
      %get3A_924 = tpu.vector_load %arg6[%get3A_922, %get3A_923] {strides = array<i32>} : memref<100x128xf32, #tpu.memory_space<vmem>>, vector<1x16xf32>,
      %get3A_925 = vector.shape_cast %get3A_924 : vector<1x16xf32> to vector<16xf32>
      %add3A_926 = arith.addf %add3A_902, %get3A_925 : vector<16xf32>
      %get3A_927 = arith.constant 37 : i32
      %get3A_928 = arith.index_cast %get3A_927 : i32 to index
      %get3A_929 = arith.constant 32 : index
      %get3A_930 = tpu.vector_load %arg6[%get3A_928, %get3A_929] {strides = array<i32>} : memref<100x128xf32, #tpu.memory_space<vmem>>, vector<1x16xf32>,
      %get3A_931 = vector.shape_cast %get3A_930 : vector<1x16xf32> to vector<16xf32>
      %add3A_932 = arith.addf %add3A_908, %get3A_931 : vector<16xf32>
      %get3A_933 = arith.constant 37 : i32
      %get3A_934 = arith.index_cast %get3A_933 : i32 to index
      %get3A_935 = arith.constant 48 : index
      %get3A_936 = tpu.vector_load %arg6[%get3A_934, %get3A_935] {strides = array<i32>} : memref<100x128xf32, #tpu.memory_space<vmem>>, vector<1x16xf32>,
      %get3A_937 = vector.shape_cast %get3A_936 : vector<1x16xf32> to vector<16xf32>
      %add3A_938 = arith.addf %add3A_914, %get3A_937 : vector<16xf32>
      %get3A_939 = arith.constant 38 : i32
      %get3A_940 = arith.index_cast %get3A_939 : i32 to index
      %get3A_941 = arith.constant 0 : index
      %get3A_942 = tpu.vector_load %arg6[%get3A_940, %get3A_941] {strides = array<i32>} : memref<100x128xf32, #tpu.memory_space<vmem>>, vector<1x16xf32>,
      %get3A_943 = vector.shape_cast %get3A_942 : vector<1x16xf32> to vector<16xf32>
      %add3A_944 = arith.addf %add3A_920, %get3A_943 : vector<16xf32>
      %get3A_945 = arith.constant 38 : i32
      %get3A_946 = arith.index_cast %get3A_945 : i32 to index
      %get3A_947 = arith.constant 16 : index
      %get3A_948 = tpu.vector_load %arg6[%get3A_946, %get3A_947] {strides = array<i32>} : memref<100x128xf32, #tpu.memory_space<vmem>>, vector<1x16xf32>,
      %get3A_949 = vector.shape_cast %get3A_948 : vector<1x16xf32> to vector<16xf32>
      %add3A_950 = arith.addf %add3A_926, %get3A_949 : vector<16xf32>
      %get3A_951 = arith.constant 38 : i32
      %get3A_952 = arith.index_cast %get3A_951 : i32 to index
      %get3A_953 = arith.constant 32 : index
      %get3A_954 = tpu.vector_load %arg6[%get3A_952, %get3A_953] {strides = array<i32>} : memref<100x128xf32, #tpu.memory_space<vmem>>, vector<1x16xf32>,
      %get3A_955 = vector.shape_cast %get3A_954 : vector<1x16xf32> to vector<16xf32>
      %add3A_956 = arith.addf %add3A_932, %get3A_955 : vector<16xf32>
      %get3A_957 = arith.constant 38 : i32
      %get3A_958 = arith.index_cast %get3A_957 : i32 to index
      %get3A_959 = arith.constant 48 : index
      %get3A_960 = tpu.vector_load %arg6[%get3A_958, %get3A_959] {strides = array<i32>} : memref<100x128xf32, #tpu.memory_space<vmem>>, vector<1x16xf32>,
      %get3A_961 = vector.shape_cast %get3A_960 : vector<1x16xf32> to vector<16xf32>
      %add3A_962 = arith.addf %add3A_938, %get3A_961 : vector<16xf32>
      %get3A_963 = arith.constant 39 : i32
      %get3A_964 = arith.index_cast %get3A_963 : i32 to index
      %get3A_965 = arith.constant 0 : index
      %get3A_966 = tpu.vector_load %arg6[%get3A_964, %get3A_965] {strides = array<i32>} : memref<100x128xf32, #tpu.memory_space<vmem>>, vector<1x16xf32>,
      %get3A_967 = vector.shape_cast %get3A_966 : vector<1x16xf32> to vector<16xf32>
      %add3A_968 = arith.addf %add3A_944, %get3A_967 : vector<16xf32>
      %get3A_969 = arith.constant 39 : i32
      %get3A_970 = arith.index_cast %get3A_969 : i32 to index
      %get3A_971 = arith.constant 16 : index
      %get3A_972 = tpu.vector_load %arg6[%get3A_970, %get3A_971] {strides = array<i32>} : memref<100x128xf32, #tpu.memory_space<vmem>>, vector<1x16xf32>,
      %get3A_973 = vector.shape_cast %get3A_972 : vector<1x16xf32> to vector<16xf32>
      %add3A_974 = arith.addf %add3A_950, %get3A_973 : vector<16xf32>
      %get3A_975 = arith.constant 39 : i32
      %get3A_976 = arith.index_cast %get3A_975 : i32 to index
      %get3A_977 = arith.constant 32 : index
      %get3A_978 = tpu.vector_load %arg6[%get3A_976, %get3A_977] {strides = array<i32>} : memref<100x128xf32, #tpu.memory_space<vmem>>, vector<1x16xf32>,
      %get3A_979 = vector.shape_cast %get3A_978 : vector<1x16xf32> to vector<16xf32>
      %add3A_980 = arith.addf %add3A_956, %get3A_979 : vector<16xf32>
      %get3A_981 = arith.constant 39 : i32
      %get3A_982 = arith.index_cast %get3A_981 : i32 to index
      %get3A_983 = arith.constant 48 : index
      %get3A_984 = tpu.vector_load %arg6[%get3A_982, %get3A_983] {strides = array<i32>} : memref<100x128xf32, #tpu.memory_space<vmem>>, vector<1x16xf32>,
      %get3A_985 = vector.shape_cast %get3A_984 : vector<1x16xf32> to vector<16xf32>
      %add3A_986 = arith.addf %add3A_962, %get3A_985 : vector<16xf32>
      %get3A_987 = arith.constant 40 : i32
      %get3A_988 = arith.index_cast %get3A_987 : i32 to index
      %get3A_989 = arith.constant 0 : index
      %get3A_990 = tpu.vector_load %arg6[%get3A_988, %get3A_989] {strides = array<i32>} : memref<100x128xf32, #tpu.memory_space<vmem>>, vector<1x16xf32>,
      %get3A_991 = vector.shape_cast %get3A_990 : vector<1x16xf32> to vector<16xf32>
      %add3A_992 = arith.addf %add3A_968, %get3A_991 : vector<16xf32>
      %get3A_993 = arith.constant 40 : i32
      %get3A_994 = arith.index_cast %get3A_993 : i32 to index
      %get3A_995 = arith.constant 16 : index
      %get3A_996 = tpu.vector_load %arg6[%get3A_994, %get3A_995] {strides = array<i32>} : memref<100x128xf32, #tpu.memory_space<vmem>>, vector<1x16xf32>,
      %get3A_997 = vector.shape_cast %get3A_996 : vector<1x16xf32> to vector<16xf32>
      %add3A_998 = arith.addf %add3A_974, %get3A_997 : vector<16xf32>
      %get3A_999 = arith.constant 40 : i32
      %get3A_1000 = arith.index_cast %get3A_999 : i32 to index
      %get3A_1001 = arith.constant 32 : index
      %get3A_1002 = tpu.vector_load %arg6[%get3A_1000, %get3A_1001] {strides = array<i32>} : memref<100x128xf32, #tpu.memory_space<vmem>>, vector<1x16xf32>,
      %get3A_1003 = vector.shape_cast %get3A_1002 : vector<1x16xf32> to vector<16xf32>
      %add3A_1004 = arith.addf %add3A_980, %get3A_1003 : vector<16xf32>
      %get3A_1005 = arith.constant 40 : i32
      %get3A_1006 = arith.index_cast %get3A_1005 : i32 to index
      %get3A_1007 = arith.constant 48 : index
      %get3A_1008 = tpu.vector_load %arg6[%get3A_1006, %get3A_1007] {strides = array<i32>} : memref<100x128xf32, #tpu.memory_space<vmem>>, vector<1x16xf32>,
      %get3A_1009 = vector.shape_cast %get3A_1008 : vector<1x16xf32> to vector<16xf32>
      %add3A_1010 = arith.addf %add3A_986, %get3A_1009 : vector<16xf32>
      %get3A_1011 = arith.constant 41 : i32
      %get3A_1012 = arith.index_cast %get3A_1011 : i32 to index
      %get3A_1013 = arith.constant 0 : index
      %get3A_1014 = tpu.vector_load %arg6[%get3A_1012, %get3A_1013] {strides = array<i32>} : memref<100x128xf32, #tpu.memory_space<vmem>>, vector<1x16xf32>,
      %get3A_1015 = vector.shape_cast %get3A_1014 : vector<1x16xf32> to vector<16xf32>
      %add3A_1016 = arith.addf %add3A_992, %get3A_1015 : vector<16xf32>
      %get3A_1017 = arith.constant 41 : i32
      %get3A_1018 = arith.index_cast %get3A_1017 : i32 to index
      %get3A_1019 = arith.constant 16 : index
      %get3A_1020 = tpu.vector_load %arg6[%get3A_1018, %get3A_1019] {strides = array<i32>} : memref<100x128xf32, #tpu.memory_space<vmem>>, vector<1x16xf32>,
      %get3A_1021 = vector.shape_cast %get3A_1020 : vector<1x16xf32> to vector<16xf32>
      %add3A_1022 = arith.addf %add3A_998, %get3A_1021 : vector<16xf32>
      %get3A_1023 = arith.constant 41 : i32
      %get3A_1024 = arith.index_cast %get3A_1023 : i32 to index
      %get3A_1025 = arith.constant 32 : index
      %get3A_1026 = tpu.vector_load %arg6[%get3A_1024, %get3A_1025] {strides = array<i32>} : memref<100x128xf32, #tpu.memory_space<vmem>>, vector<1x16xf32>,
      %get3A_1027 = vector.shape_cast %get3A_1026 : vector<1x16xf32> to vector<16xf32>
      %add3A_1028 = arith.addf %add3A_1004, %get3A_1027 : vector<16xf32>
      %get3A_1029 = arith.constant 41 : i32
      %get3A_1030 = arith.index_cast %get3A_1029 : i32 to index
      %get3A_1031 = arith.constant 48 : index
      %get3A_1032 = tpu.vector_load %arg6[%get3A_1030, %get3A_1031] {strides = array<i32>} : memref<100x128xf32, #tpu.memory_space<vmem>>, vector<1x16xf32>,
      %get3A_1033 = vector.shape_cast %get3A_1032 : vector<1x16xf32> to vector<16xf32>
      %add3A_1034 = arith.addf %add3A_1010, %get3A_1033 : vector<16xf32>
      %get3A_1035 = arith.constant 42 : i32
      %get3A_1036 = arith.index_cast %get3A_1035 : i32 to index
      %get3A_1037 = arith.constant 0 : index
      %get3A_1038 = tpu.vector_load %arg6[%get3A_1036, %get3A_1037] {strides = array<i32>} : memref<100x128xf32, #tpu.memory_space<vmem>>, vector<1x16xf32>,
      %get3A_1039 = vector.shape_cast %get3A_1038 : vector<1x16xf32> to vector<16xf32>
      %add3A_1040 = arith.addf %add3A_1016, %get3A_1039 : vector<16xf32>
      %get3A_1041 = arith.constant 42 : i32
      %get3A_1042 = arith.index_cast %get3A_1041 : i32 to index
      %get3A_1043 = arith.constant 16 : index
      %get3A_1044 = tpu.vector_load %arg6[%get3A_1042, %get3A_1043] {strides = array<i32>} : memref<100x128xf32, #tpu.memory_space<vmem>>, vector<1x16xf32>,
      %get3A_1045 = vector.shape_cast %get3A_1044 : vector<1x16xf32> to vector<16xf32>
      %add3A_1046 = arith.addf %add3A_1022, %get3A_1045 : vector<16xf32>
      %get3A_1047 = arith.constant 42 : i32
      %get3A_1048 = arith.index_cast %get3A_1047 : i32 to index
      %get3A_1049 = arith.constant 32 : index
      %get3A_1050 = tpu.vector_load %arg6[%get3A_1048, %get3A_1049] {strides = array<i32>} : memref<100x128xf32, #tpu.memory_space<vmem>>, vector<1x16xf32>,
      %get3A_1051 = vector.shape_cast %get3A_1050 : vector<1x16xf32> to vector<16xf32>
      %add3A_1052 = arith.addf %add3A_1028, %get3A_1051 : vector<16xf32>
      %get3A_1053 = arith.constant 42 : i32
      %get3A_1054 = arith.index_cast %get3A_1053 : i32 to index
      %get3A_1055 = arith.constant 48 : index
      %get3A_1056 = tpu.vector_load %arg6[%get3A_1054, %get3A_1055] {strides = array<i32>} : memref<100x128xf32, #tpu.memory_space<vmem>>, vector<1x16xf32>,
      %get3A_1057 = vector.shape_cast %get3A_1056 : vector<1x16xf32> to vector<16xf32>
      %add3A_1058 = arith.addf %add3A_1034, %get3A_1057 : vector<16xf32>
      %get3A_1059 = arith.constant 43 : i32
      %get3A_1060 = arith.index_cast %get3A_1059 : i32 to index
      %get3A_1061 = arith.constant 0 : index
      %get3A_1062 = tpu.vector_load %arg6[%get3A_1060, %get3A_1061] {strides = array<i32>} : memref<100x128xf32, #tpu.memory_space<vmem>>, vector<1x16xf32>,
      %get3A_1063 = vector.shape_cast %get3A_1062 : vector<1x16xf32> to vector<16xf32>
      %add3A_1064 = arith.addf %add3A_1040, %get3A_1063 : vector<16xf32>
      %get3A_1065 = arith.constant 43 : i32
      %get3A_1066 = arith.index_cast %get3A_1065 : i32 to index
      %get3A_1067 = arith.constant 16 : index
      %get3A_1068 = tpu.vector_load %arg6[%get3A_1066, %get3A_1067] {strides = array<i32>} : memref<100x128xf32, #tpu.memory_space<vmem>>, vector<1x16xf32>,
      %get3A_1069 = vector.shape_cast %get3A_1068 : vector<1x16xf32> to vector<16xf32>
      %add3A_1070 = arith.addf %add3A_1046, %get3A_1069 : vector<16xf32>
      %get3A_1071 = arith.constant 43 : i32
      %get3A_1072 = arith.index_cast %get3A_1071 : i32 to index
      %get3A_1073 = arith.constant 32 : index
      %get3A_1074 = tpu.vector_load %arg6[%get3A_1072, %get3A_1073] {strides = array<i32>} : memref<100x128xf32, #tpu.memory_space<vmem>>, vector<1x16xf32>,
      %get3A_1075 = vector.shape_cast %get3A_1074 : vector<1x16xf32> to vector<16xf32>
      %add3A_1076 = arith.addf %add3A_1052, %get3A_1075 : vector<16xf32>
      %get3A_1077 = arith.constant 43 : i32
      %get3A_1078 = arith.index_cast %get3A_1077 : i32 to index
      %get3A_1079 = arith.constant 48 : index
      %get3A_1080 = tpu.vector_load %arg6[%get3A_1078, %get3A_1079] {strides = array<i32>} : memref<100x128xf32, #tpu.memory_space<vmem>>, vector<1x16xf32>,
      %get3A_1081 = vector.shape_cast %get3A_1080 : vector<1x16xf32> to vector<16xf32>
      %add3A_1082 = arith.addf %add3A_1058, %get3A_1081 : vector<16xf32>
      %get3A_1083 = arith.constant 44 : i32
      %get3A_1084 = arith.index_cast %get3A_1083 : i32 to index
      %get3A_1085 = arith.constant 0 : index
      %get3A_1086 = tpu.vector_load %arg6[%get3A_1084, %get3A_1085] {strides = array<i32>} : memref<100x128xf32, #tpu.memory_space<vmem>>, vector<1x16xf32>,
      %get3A_1087 = vector.shape_cast %get3A_1086 : vector<1x16xf32> to vector<16xf32>
      %add3A_1088 = arith.addf %add3A_1064, %get3A_1087 : vector<16xf32>
      %get3A_1089 = arith.constant 44 : i32
      %get3A_1090 = arith.index_cast %get3A_1089 : i32 to index
      %get3A_1091 = arith.constant 16 : index
      %get3A_1092 = tpu.vector_load %arg6[%get3A_1090, %get3A_1091] {strides = array<i32>} : memref<100x128xf32, #tpu.memory_space<vmem>>, vector<1x16xf32>,
      %get3A_1093 = vector.shape_cast %get3A_1092 : vector<1x16xf32> to vector<16xf32>
      %add3A_1094 = arith.addf %add3A_1070, %get3A_1093 : vector<16xf32>
      %get3A_1095 = arith.constant 44 : i32
      %get3A_1096 = arith.index_cast %get3A_1095 : i32 to index
      %get3A_1097 = arith.constant 32 : index
      %get3A_1098 = tpu.vector_load %arg6[%get3A_1096, %get3A_1097] {strides = array<i32>} : memref<100x128xf32, #tpu.memory_space<vmem>>, vector<1x16xf32>,
      %get3A_1099 = vector.shape_cast %get3A_1098 : vector<1x16xf32> to vector<16xf32>
      %add3A_1100 = arith.addf %add3A_1076, %get3A_1099 : vector<16xf32>
      %get3A_1101 = arith.constant 44 : i32
      %get3A_1102 = arith.index_cast %get3A_1101 : i32 to index
      %get3A_1103 = arith.constant 48 : index
      %get3A_1104 = tpu.vector_load %arg6[%get3A_1102, %get3A_1103] {strides = array<i32>} : memref<100x128xf32, #tpu.memory_space<vmem>>, vector<1x16xf32>,
      %get3A_1105 = vector.shape_cast %get3A_1104 : vector<1x16xf32> to vector<16xf32>
      %add3A_1106 = arith.addf %add3A_1082, %get3A_1105 : vector<16xf32>
      %get3A_1107 = arith.constant 45 : i32
      %get3A_1108 = arith.index_cast %get3A_1107 : i32 to index
      %get3A_1109 = arith.constant 0 : index
      %get3A_1110 = tpu.vector_load %arg6[%get3A_1108, %get3A_1109] {strides = array<i32>} : memref<100x128xf32, #tpu.memory_space<vmem>>, vector<1x16xf32>,
      %get3A_1111 = vector.shape_cast %get3A_1110 : vector<1x16xf32> to vector<16xf32>
      %add3A_1112 = arith.addf %add3A_1088, %get3A_1111 : vector<16xf32>
      %get3A_1113 = arith.constant 45 : i32
      %get3A_1114 = arith.index_cast %get3A_1113 : i32 to index
      %get3A_1115 = arith.constant 16 : index
      %get3A_1116 = tpu.vector_load %arg6[%get3A_1114, %get3A_1115] {strides = array<i32>} : memref<100x128xf32, #tpu.memory_space<vmem>>, vector<1x16xf32>,
      %get3A_1117 = vector.shape_cast %get3A_1116 : vector<1x16xf32> to vector<16xf32>
      %add3A_1118 = arith.addf %add3A_1094, %get3A_1117 : vector<16xf32>
      %get3A_1119 = arith.constant 45 : i32
      %get3A_1120 = arith.index_cast %get3A_1119 : i32 to index
      %get3A_1121 = arith.constant 32 : index
      %get3A_1122 = tpu.vector_load %arg6[%get3A_1120, %get3A_1121] {strides = array<i32>} : memref<100x128xf32, #tpu.memory_space<vmem>>, vector<1x16xf32>,
      %get3A_1123 = vector.shape_cast %get3A_1122 : vector<1x16xf32> to vector<16xf32>
      %add3A_1124 = arith.addf %add3A_1100, %get3A_1123 : vector<16xf32>
      %get3A_1125 = arith.constant 45 : i32
      %get3A_1126 = arith.index_cast %get3A_1125 : i32 to index
      %get3A_1127 = arith.constant 48 : index
      %get3A_1128 = tpu.vector_load %arg6[%get3A_1126, %get3A_1127] {strides = array<i32>} : memref<100x128xf32, #tpu.memory_space<vmem>>, vector<1x16xf32>,
      %get3A_1129 = vector.shape_cast %get3A_1128 : vector<1x16xf32> to vector<16xf32>
      %add3A_1130 = arith.addf %add3A_1106, %get3A_1129 : vector<16xf32>
      %get3A_1131 = arith.constant 46 : i32
      %get3A_1132 = arith.index_cast %get3A_1131 : i32 to index
      %get3A_1133 = arith.constant 0 : index
      %get3A_1134 = tpu.vector_load %arg6[%get3A_1132, %get3A_1133] {strides = array<i32>} : memref<100x128xf32, #tpu.memory_space<vmem>>, vector<1x16xf32>,
      %get3A_1135 = vector.shape_cast %get3A_1134 : vector<1x16xf32> to vector<16xf32>
      %add3A_1136 = arith.addf %add3A_1112, %get3A_1135 : vector<16xf32>
      %get3A_1137 = arith.constant 46 : i32
      %get3A_1138 = arith.index_cast %get3A_1137 : i32 to index
      %get3A_1139 = arith.constant 16 : index
      %get3A_1140 = tpu.vector_load %arg6[%get3A_1138, %get3A_1139] {strides = array<i32>} : memref<100x128xf32, #tpu.memory_space<vmem>>, vector<1x16xf32>,
      %get3A_1141 = vector.shape_cast %get3A_1140 : vector<1x16xf32> to vector<16xf32>
      %add3A_1142 = arith.addf %add3A_1118, %get3A_1141 : vector<16xf32>
      %get3A_1143 = arith.constant 46 : i32
      %get3A_1144 = arith.index_cast %get3A_1143 : i32 to index
      %get3A_1145 = arith.constant 32 : index
      %get3A_1146 = tpu.vector_load %arg6[%get3A_1144, %get3A_1145] {strides = array<i32>} : memref<100x128xf32, #tpu.memory_space<vmem>>, vector<1x16xf32>,
      %get3A_1147 = vector.shape_cast %get3A_1146 : vector<1x16xf32> to vector<16xf32>
      %add3A_1148 = arith.addf %add3A_1124, %get3A_1147 : vector<16xf32>
      %get3A_1149 = arith.constant 46 : i32
      %get3A_1150 = arith.index_cast %get3A_1149 : i32 to index
      %get3A_1151 = arith.constant 48 : index
      %get3A_1152 = tpu.vector_load %arg6[%get3A_1150, %get3A_1151] {strides = array<i32>} : memref<100x128xf32, #tpu.memory_space<vmem>>, vector<1x16xf32>,
      %get3A_1153 = vector.shape_cast %get3A_1152 : vector<1x16xf32> to vector<16xf32>
      %add3A_1154 = arith.addf %add3A_1130, %get3A_1153 : vector<16xf32>
      %get3A_1155 = arith.constant 47 : i32
      %get3A_1156 = arith.index_cast %get3A_1155 : i32 to index
      %get3A_1157 = arith.constant 0 : index
      %get3A_1158 = tpu.vector_load %arg6[%get3A_1156, %get3A_1157] {strides = array<i32>} : memref<100x128xf32, #tpu.memory_space<vmem>>, vector<1x16xf32>,
      %get3A_1159 = vector.shape_cast %get3A_1158 : vector<1x16xf32> to vector<16xf32>
      %add3A_1160 = arith.addf %add3A_1136, %get3A_1159 : vector<16xf32>
      %get3A_1161 = arith.constant 47 : i32
      %get3A_1162 = arith.index_cast %get3A_1161 : i32 to index
      %get3A_1163 = arith.constant 16 : index
      %get3A_1164 = tpu.vector_load %arg6[%get3A_1162, %get3A_1163] {strides = array<i32>} : memref<100x128xf32, #tpu.memory_space<vmem>>, vector<1x16xf32>,
      %get3A_1165 = vector.shape_cast %get3A_1164 : vector<1x16xf32> to vector<16xf32>
      %add3A_1166 = arith.addf %add3A_1142, %get3A_1165 : vector<16xf32>
      %get3A_1167 = arith.constant 47 : i32
      %get3A_1168 = arith.index_cast %get3A_1167 : i32 to index
      %get3A_1169 = arith.constant 32 : index
      %get3A_1170 = tpu.vector_load %arg6[%get3A_1168, %get3A_1169] {strides = array<i32>} : memref<100x128xf32, #tpu.memory_space<vmem>>, vector<1x16xf32>,
      %get3A_1171 = vector.shape_cast %get3A_1170 : vector<1x16xf32> to vector<16xf32>
      %add3A_1172 = arith.addf %add3A_1148, %get3A_1171 : vector<16xf32>
      %get3A_1173 = arith.constant 47 : i32
      %get3A_1174 = arith.index_cast %get3A_1173 : i32 to index
      %get3A_1175 = arith.constant 48 : index
      %get3A_1176 = tpu.vector_load %arg6[%get3A_1174, %get3A_1175] {strides = array<i32>} : memref<100x128xf32, #tpu.memory_space<vmem>>, vector<1x16xf32>,
      %get3A_1177 = vector.shape_cast %get3A_1176 : vector<1x16xf32> to vector<16xf32>
      %add3A_1178 = arith.addf %add3A_1154, %get3A_1177 : vector<16xf32>
      %get3A_1179 = arith.constant 48 : i32
      %get3A_1180 = arith.index_cast %get3A_1179 : i32 to index
      %get3A_1181 = arith.constant 0 : index
      %get3A_1182 = tpu.vector_load %arg6[%get3A_1180, %get3A_1181] {strides = array<i32>} : memref<100x128xf32, #tpu.memory_space<vmem>>, vector<1x16xf32>,
      %get3A_1183 = vector.shape_cast %get3A_1182 : vector<1x16xf32> to vector<16xf32>
      %add3A_1184 = arith.addf %add3A_1160, %get3A_1183 : vector<16xf32>
      %get3A_1185 = arith.constant 48 : i32
      %get3A_1186 = arith.index_cast %get3A_1185 : i32 to index
      %get3A_1187 = arith.constant 16 : index
      %get3A_1188 = tpu.vector_load %arg6[%get3A_1186, %get3A_1187] {strides = array<i32>} : memref<100x128xf32, #tpu.memory_space<vmem>>, vector<1x16xf32>,
      %get3A_1189 = vector.shape_cast %get3A_1188 : vector<1x16xf32> to vector<16xf32>
      %add3A_1190 = arith.addf %add3A_1166, %get3A_1189 : vector<16xf32>
      %get3A_1191 = arith.constant 48 : i32
      %get3A_1192 = arith.index_cast %get3A_1191 : i32 to index
      %get3A_1193 = arith.constant 32 : index
      %get3A_1194 = tpu.vector_load %arg6[%get3A_1192, %get3A_1193] {strides = array<i32>} : memref<100x128xf32, #tpu.memory_space<vmem>>, vector<1x16xf32>,
      %get3A_1195 = vector.shape_cast %get3A_1194 : vector<1x16xf32> to vector<16xf32>
      %add3A_1196 = arith.addf %add3A_1172, %get3A_1195 : vector<16xf32>
      %get3A_1197 = arith.constant 48 : i32
      %get3A_1198 = arith.index_cast %get3A_1197 : i32 to index
      %get3A_1199 = arith.constant 48 : index
      %get3A_1200 = tpu.vector_load %arg6[%get3A_1198, %get3A_1199] {strides = array<i32>} : memref<100x128xf32, #tpu.memory_space<vmem>>, vector<1x16xf32>,
      %get3A_1201 = vector.shape_cast %get3A_1200 : vector<1x16xf32> to vector<16xf32>
      %add3A_1202 = arith.addf %add3A_1178, %get3A_1201 : vector<16xf32>
      %get3A_1203 = arith.constant 49 : i32
      %get3A_1204 = arith.index_cast %get3A_1203 : i32 to index
      %get3A_1205 = arith.constant 0 : index
      %get3A_1206 = tpu.vector_load %arg6[%get3A_1204, %get3A_1205] {strides = array<i32>} : memref<100x128xf32, #tpu.memory_space<vmem>>, vector<1x16xf32>,
      %get3A_1207 = vector.shape_cast %get3A_1206 : vector<1x16xf32> to vector<16xf32>
      %add3A_1208 = arith.addf %add3A_1184, %get3A_1207 : vector<16xf32>
      %get3A_1209 = arith.constant 49 : i32
      %get3A_1210 = arith.index_cast %get3A_1209 : i32 to index
      %get3A_1211 = arith.constant 16 : index
      %get3A_1212 = tpu.vector_load %arg6[%get3A_1210, %get3A_1211] {strides = array<i32>} : memref<100x128xf32, #tpu.memory_space<vmem>>, vector<1x16xf32>,
      %get3A_1213 = vector.shape_cast %get3A_1212 : vector<1x16xf32> to vector<16xf32>
      %add3A_1214 = arith.addf %add3A_1190, %get3A_1213 : vector<16xf32>
      %get3A_1215 = arith.constant 49 : i32
      %get3A_1216 = arith.index_cast %get3A_1215 : i32 to index
      %get3A_1217 = arith.constant 32 : index
      %get3A_1218 = tpu.vector_load %arg6[%get3A_1216, %get3A_1217] {strides = array<i32>} : memref<100x128xf32, #tpu.memory_space<vmem>>, vector<1x16xf32>,
      %get3A_1219 = vector.shape_cast %get3A_1218 : vector<1x16xf32> to vector<16xf32>
      %add3A_1220 = arith.addf %add3A_1196, %get3A_1219 : vector<16xf32>
      %get3A_1221 = arith.constant 49 : i32
      %get3A_1222 = arith.index_cast %get3A_1221 : i32 to index
      %get3A_1223 = arith.constant 48 : index
      %get3A_1224 = tpu.vector_load %arg6[%get3A_1222, %get3A_1223] {strides = array<i32>} : memref<100x128xf32, #tpu.memory_space<vmem>>, vector<1x16xf32>,
      %get3A_1225 = vector.shape_cast %get3A_1224 : vector<1x16xf32> to vector<16xf32>
      %add3A_1226 = arith.addf %add3A_1202, %get3A_1225 : vector<16xf32>
      %add3A_1227 = arith.constant 0 : i32
      %add3A_1228 = arith.addi %mul3A_31, %add3A_1227 : i32
      %mul3A_1229 = arith.constant 64 : i32
      %mul3A_1230 = arith.muli %add3A_1228, %mul3A_1229 : i32
      %add3A_1231 = arith.constant 0 : i32
      %add3A_1232 = arith.addi %mul3A_1230, %add3A_1231 : i32
      %swap3A = arith.index_cast %add3A_1232 : i32 to index
      %swap3A_1233 = tpu.vector_load %arg8[%swap3A] {strides = array<i32>} : memref<16384xf32, #tpu.memory_space<vmem>>, vector<16xf32>,
      %swap3A_1234 = vector.shape_cast %swap3A_1233 : vector<16xf32> to vector<16xf32>
      %swap3A_1235 = vector.shape_cast %add3A_1208 : vector<16xf32> to vector<16xf32>
      tpu.vector_store %arg8[%swap3A], %swap3A_1235 {strides = array<i32>} : memref<16384xf32, #tpu.memory_space<vmem>>, vector<16xf32>,
      %add3A_1236 = arith.constant 16 : i32
      %add3A_1237 = arith.addi %mul3A_1230, %add3A_1236 : i32
      %swap3A_1238 = arith.index_cast %add3A_1237 : i32 to index
      %swap3A_1239 = tpu.vector_load %arg8[%swap3A_1238] {strides = array<i32>} : memref<16384xf32, #tpu.memory_space<vmem>>, vector<16xf32>,
      %swap3A_1240 = vector.shape_cast %swap3A_1239 : vector<16xf32> to vector<16xf32>
      %swap3A_1241 = vector.shape_cast %add3A_1214 : vector<16xf32> to vector<16xf32>
      tpu.vector_store %arg8[%swap3A_1238], %swap3A_1241 {strides = array<i32>} : memref<16384xf32, #tpu.memory_space<vmem>>, vector<16xf32>,
      %add3A_1242 = arith.constant 32 : i32
      %add3A_1243 = arith.addi %mul3A_1230, %add3A_1242 : i32
      %swap3A_1244 = arith.index_cast %add3A_1243 : i32 to index
      %swap3A_1245 = tpu.vector_load %arg8[%swap3A_1244] {strides = array<i32>} : memref<16384xf32, #tpu.memory_space<vmem>>, vector<16xf32>,
      %swap3A_1246 = vector.shape_cast %swap3A_1245 : vector<16xf32> to vector<16xf32>
      %swap3A_1247 = vector.shape_cast %add3A_1220 : vector<16xf32> to vector<16xf32>
      tpu.vector_store %arg8[%swap3A_1244], %swap3A_1247 {strides = array<i32>} : memref<16384xf32, #tpu.memory_space<vmem>>, vector<16xf32>,
      %add3A_1248 = arith.constant 48 : i32
      %add3A_1249 = arith.addi %mul3A_1230, %add3A_1248 : i32
      %swap3A_1250 = arith.index_cast %add3A_1249 : i32 to index
      %swap3A_1251 = tpu.vector_load %arg8[%swap3A_1250] {strides = array<i32>} : memref<16384xf32, #tpu.memory_space<vmem>>, vector<16xf32>,
      %swap3A_1252 = vector.shape_cast %swap3A_1251 : vector<16xf32> to vector<16xf32>
      %swap3A_1253 = vector.shape_cast %add3A_1226 : vector<16xf32> to vector<16xf32>
      tpu.vector_store %arg8[%swap3A_1250], %swap3A_1253 {strides = array<i32>} : memref<16384xf32, #tpu.memory_space<vmem>>, vector<16xf32>,
      %get3A_1254 = arith.constant 50 : i32
      %get3A_1255 = arith.index_cast %get3A_1254 : i32 to index
      %get3A_1256 = arith.constant 0 : index
      %get3A_1257 = tpu.vector_load %arg6[%get3A_1255, %get3A_1256] {strides = array<i32>} : memref<100x128xf32, #tpu.memory_space<vmem>>, vector<1x16xf32>,
      %get3A_1258 = vector.shape_cast %get3A_1257 : vector<1x16xf32> to vector<16xf32>
      %get3A_1259 = arith.constant 50 : i32
      %get3A_1260 = arith.index_cast %get3A_1259 : i32 to index
      %get3A_1261 = arith.constant 16 : index
      %get3A_1262 = tpu.vector_load %arg6[%get3A_1260, %get3A_1261] {strides = array<i32>} : memref<100x128xf32, #tpu.memory_space<vmem>>, vector<1x16xf32>,
      %get3A_1263 = vector.shape_cast %get3A_1262 : vector<1x16xf32> to vector<16xf32>
      %get3A_1264 = arith.constant 50 : i32
      %get3A_1265 = arith.index_cast %get3A_1264 : i32 to index
      %get3A_1266 = arith.constant 32 : index
      %get3A_1267 = tpu.vector_load %arg6[%get3A_1265, %get3A_1266] {strides = array<i32>} : memref<100x128xf32, #tpu.memory_space<vmem>>, vector<1x16xf32>,
      %get3A_1268 = vector.shape_cast %get3A_1267 : vector<1x16xf32> to vector<16xf32>
      %get3A_1269 = arith.constant 50 : i32
      %get3A_1270 = arith.index_cast %get3A_1269 : i32 to index
      %get3A_1271 = arith.constant 48 : index
      %get3A_1272 = tpu.vector_load %arg6[%get3A_1270, %get3A_1271] {strides = array<i32>} : memref<100x128xf32, #tpu.memory_space<vmem>>, vector<1x16xf32>,
      %get3A_1273 = vector.shape_cast %get3A_1272 : vector<1x16xf32> to vector<16xf32>
      %get3A_1274 = arith.constant 51 : i32
      %get3A_1275 = arith.index_cast %get3A_1274 : i32 to index
      %get3A_1276 = arith.constant 0 : index
      %get3A_1277 = tpu.vector_load %arg6[%get3A_1275, %get3A_1276] {strides = array<i32>} : memref<100x128xf32, #tpu.memory_space<vmem>>, vector<1x16xf32>,
      %get3A_1278 = vector.shape_cast %get3A_1277 : vector<1x16xf32> to vector<16xf32>
      %add3A_1279 = arith.addf %get3A_1258, %get3A_1278 : vector<16xf32>
      %get3A_1280 = arith.constant 51 : i32
      %get3A_1281 = arith.index_cast %get3A_1280 : i32 to index
      %get3A_1282 = arith.constant 16 : index
      %get3A_1283 = tpu.vector_load %arg6[%get3A_1281, %get3A_1282] {strides = array<i32>} : memref<100x128xf32, #tpu.memory_space<vmem>>, vector<1x16xf32>,
      %get3A_1284 = vector.shape_cast %get3A_1283 : vector<1x16xf32> to vector<16xf32>
      %add3A_1285 = arith.addf %get3A_1263, %get3A_1284 : vector<16xf32>
      %get3A_1286 = arith.constant 51 : i32
      %get3A_1287 = arith.index_cast %get3A_1286 : i32 to index
      %get3A_1288 = arith.constant 32 : index
      %get3A_1289 = tpu.vector_load %arg6[%get3A_1287, %get3A_1288] {strides = array<i32>} : memref<100x128xf32, #tpu.memory_space<vmem>>, vector<1x16xf32>,
      %get3A_1290 = vector.shape_cast %get3A_1289 : vector<1x16xf32> to vector<16xf32>
      %add3A_1291 = arith.addf %get3A_1268, %get3A_1290 : vector<16xf32>
      %get3A_1292 = arith.constant 51 : i32
      %get3A_1293 = arith.index_cast %get3A_1292 : i32 to index
      %get3A_1294 = arith.constant 48 : index
      %get3A_1295 = tpu.vector_load %arg6[%get3A_1293, %get3A_1294] {strides = array<i32>} : memref<100x128xf32, #tpu.memory_space<vmem>>, vector<1x16xf32>,
      %get3A_1296 = vector.shape_cast %get3A_1295 : vector<1x16xf32> to vector<16xf32>
      %add3A_1297 = arith.addf %get3A_1273, %get3A_1296 : vector<16xf32>
      %get3A_1298 = arith.constant 52 : i32
      %get3A_1299 = arith.index_cast %get3A_1298 : i32 to index
      %get3A_1300 = arith.constant 0 : index
      %get3A_1301 = tpu.vector_load %arg6[%get3A_1299, %get3A_1300] {strides = array<i32>} : memref<100x128xf32, #tpu.memory_space<vmem>>, vector<1x16xf32>,
      %get3A_1302 = vector.shape_cast %get3A_1301 : vector<1x16xf32> to vector<16xf32>
      %add3A_1303 = arith.addf %add3A_1279, %get3A_1302 : vector<16xf32>
      %get3A_1304 = arith.constant 52 : i32
      %get3A_1305 = arith.index_cast %get3A_1304 : i32 to index
      %get3A_1306 = arith.constant 16 : index
      %get3A_1307 = tpu.vector_load %arg6[%get3A_1305, %get3A_1306] {strides = array<i32>} : memref<100x128xf32, #tpu.memory_space<vmem>>, vector<1x16xf32>,
      %get3A_1308 = vector.shape_cast %get3A_1307 : vector<1x16xf32> to vector<16xf32>
      %add3A_1309 = arith.addf %add3A_1285, %get3A_1308 : vector<16xf32>
      %get3A_1310 = arith.constant 52 : i32
      %get3A_1311 = arith.index_cast %get3A_1310 : i32 to index
      %get3A_1312 = arith.constant 32 : index
      %get3A_1313 = tpu.vector_load %arg6[%get3A_1311, %get3A_1312] {strides = array<i32>} : memref<100x128xf32, #tpu.memory_space<vmem>>, vector<1x16xf32>,
      %get3A_1314 = vector.shape_cast %get3A_1313 : vector<1x16xf32> to vector<16xf32>
      %add3A_1315 = arith.addf %add3A_1291, %get3A_1314 : vector<16xf32>
      %get3A_1316 = arith.constant 52 : i32
      %get3A_1317 = arith.index_cast %get3A_1316 : i32 to index
      %get3A_1318 = arith.constant 48 : index
      %get3A_1319 = tpu.vector_load %arg6[%get3A_1317, %get3A_1318] {strides = array<i32>} : memref<100x128xf32, #tpu.memory_space<vmem>>, vector<1x16xf32>,
      %get3A_1320 = vector.shape_cast %get3A_1319 : vector<1x16xf32> to vector<16xf32>
      %add3A_1321 = arith.addf %add3A_1297, %get3A_1320 : vector<16xf32>
      %get3A_1322 = arith.constant 53 : i32
      %get3A_1323 = arith.index_cast %get3A_1322 : i32 to index
      %get3A_1324 = arith.constant 0 : index
      %get3A_1325 = tpu.vector_load %arg6[%get3A_1323, %get3A_1324] {strides = array<i32>} : memref<100x128xf32, #tpu.memory_space<vmem>>, vector<1x16xf32>,
      %get3A_1326 = vector.shape_cast %get3A_1325 : vector<1x16xf32> to vector<16xf32>
      %add3A_1327 = arith.addf %add3A_1303, %get3A_1326 : vector<16xf32>
      %get3A_1328 = arith.constant 53 : i32
      %get3A_1329 = arith.index_cast %get3A_1328 : i32 to index
      %get3A_1330 = arith.constant 16 : index
      %get3A_1331 = tpu.vector_load %arg6[%get3A_1329, %get3A_1330] {strides = array<i32>} : memref<100x128xf32, #tpu.memory_space<vmem>>, vector<1x16xf32>,
      %get3A_1332 = vector.shape_cast %get3A_1331 : vector<1x16xf32> to vector<16xf32>
      %add3A_1333 = arith.addf %add3A_1309, %get3A_1332 : vector<16xf32>
      %get3A_1334 = arith.constant 53 : i32
      %get3A_1335 = arith.index_cast %get3A_1334 : i32 to index
      %get3A_1336 = arith.constant 32 : index
      %get3A_1337 = tpu.vector_load %arg6[%get3A_1335, %get3A_1336] {strides = array<i32>} : memref<100x128xf32, #tpu.memory_space<vmem>>, vector<1x16xf32>,
      %get3A_1338 = vector.shape_cast %get3A_1337 : vector<1x16xf32> to vector<16xf32>
      %add3A_1339 = arith.addf %add3A_1315, %get3A_1338 : vector<16xf32>
      %get3A_1340 = arith.constant 53 : i32
      %get3A_1341 = arith.index_cast %get3A_1340 : i32 to index
      %get3A_1342 = arith.constant 48 : index
      %get3A_1343 = tpu.vector_load %arg6[%get3A_1341, %get3A_1342] {strides = array<i32>} : memref<100x128xf32, #tpu.memory_space<vmem>>, vector<1x16xf32>,
      %get3A_1344 = vector.shape_cast %get3A_1343 : vector<1x16xf32> to vector<16xf32>
      %add3A_1345 = arith.addf %add3A_1321, %get3A_1344 : vector<16xf32>
      %get3A_1346 = arith.constant 54 : i32
      %get3A_1347 = arith.index_cast %get3A_1346 : i32 to index
      %get3A_1348 = arith.constant 0 : index
      %get3A_1349 = tpu.vector_load %arg6[%get3A_1347, %get3A_1348] {strides = array<i32>} : memref<100x128xf32, #tpu.memory_space<vmem>>, vector<1x16xf32>,
      %get3A_1350 = vector.shape_cast %get3A_1349 : vector<1x16xf32> to vector<16xf32>
      %add3A_1351 = arith.addf %add3A_1327, %get3A_1350 : vector<16xf32>
      %get3A_1352 = arith.constant 54 : i32
      %get3A_1353 = arith.index_cast %get3A_1352 : i32 to index
      %get3A_1354 = arith.constant 16 : index
      %get3A_1355 = tpu.vector_load %arg6[%get3A_1353, %get3A_1354] {strides = array<i32>} : memref<100x128xf32, #tpu.memory_space<vmem>>, vector<1x16xf32>,
      %get3A_1356 = vector.shape_cast %get3A_1355 : vector<1x16xf32> to vector<16xf32>
      %add3A_1357 = arith.addf %add3A_1333, %get3A_1356 : vector<16xf32>
      %get3A_1358 = arith.constant 54 : i32
      %get3A_1359 = arith.index_cast %get3A_1358 : i32 to index
      %get3A_1360 = arith.constant 32 : index
      %get3A_1361 = tpu.vector_load %arg6[%get3A_1359, %get3A_1360] {strides = array<i32>} : memref<100x128xf32, #tpu.memory_space<vmem>>, vector<1x16xf32>,
      %get3A_1362 = vector.shape_cast %get3A_1361 : vector<1x16xf32> to vector<16xf32>
      %add3A_1363 = arith.addf %add3A_1339, %get3A_1362 : vector<16xf32>
      %get3A_1364 = arith.constant 54 : i32
      %get3A_1365 = arith.index_cast %get3A_1364 : i32 to index
      %get3A_1366 = arith.constant 48 : index
      %get3A_1367 = tpu.vector_load %arg6[%get3A_1365, %get3A_1366] {strides = array<i32>} : memref<100x128xf32, #tpu.memory_space<vmem>>, vector<1x16xf32>,
      %get3A_1368 = vector.shape_cast %get3A_1367 : vector<1x16xf32> to vector<16xf32>
      %add3A_1369 = arith.addf %add3A_1345, %get3A_1368 : vector<16xf32>
      %get3A_1370 = arith.constant 55 : i32
      %get3A_1371 = arith.index_cast %get3A_1370 : i32 to index
      %get3A_1372 = arith.constant 0 : index
      %get3A_1373 = tpu.vector_load %arg6[%get3A_1371, %get3A_1372] {strides = array<i32>} : memref<100x128xf32, #tpu.memory_space<vmem>>, vector<1x16xf32>,
      %get3A_1374 = vector.shape_cast %get3A_1373 : vector<1x16xf32> to vector<16xf32>
      %add3A_1375 = arith.addf %add3A_1351, %get3A_1374 : vector<16xf32>
      %get3A_1376 = arith.constant 55 : i32
      %get3A_1377 = arith.index_cast %get3A_1376 : i32 to index
      %get3A_1378 = arith.constant 16 : index
      %get3A_1379 = tpu.vector_load %arg6[%get3A_1377, %get3A_1378] {strides = array<i32>} : memref<100x128xf32, #tpu.memory_space<vmem>>, vector<1x16xf32>,
      %get3A_1380 = vector.shape_cast %get3A_1379 : vector<1x16xf32> to vector<16xf32>
      %add3A_1381 = arith.addf %add3A_1357, %get3A_1380 : vector<16xf32>
      %get3A_1382 = arith.constant 55 : i32
      %get3A_1383 = arith.index_cast %get3A_1382 : i32 to index
      %get3A_1384 = arith.constant 32 : index
      %get3A_1385 = tpu.vector_load %arg6[%get3A_1383, %get3A_1384] {strides = array<i32>} : memref<100x128xf32, #tpu.memory_space<vmem>>, vector<1x16xf32>,
      %get3A_1386 = vector.shape_cast %get3A_1385 : vector<1x16xf32> to vector<16xf32>
      %add3A_1387 = arith.addf %add3A_1363, %get3A_1386 : vector<16xf32>
      %get3A_1388 = arith.constant 55 : i32
      %get3A_1389 = arith.index_cast %get3A_1388 : i32 to index
      %get3A_1390 = arith.constant 48 : index
      %get3A_1391 = tpu.vector_load %arg6[%get3A_1389, %get3A_1390] {strides = array<i32>} : memref<100x128xf32, #tpu.memory_space<vmem>>, vector<1x16xf32>,
      %get3A_1392 = vector.shape_cast %get3A_1391 : vector<1x16xf32> to vector<16xf32>
      %add3A_1393 = arith.addf %add3A_1369, %get3A_1392 : vector<16xf32>
      %get3A_1394 = arith.constant 56 : i32
      %get3A_1395 = arith.index_cast %get3A_1394 : i32 to index
      %get3A_1396 = arith.constant 0 : index
      %get3A_1397 = tpu.vector_load %arg6[%get3A_1395, %get3A_1396] {strides = array<i32>} : memref<100x128xf32, #tpu.memory_space<vmem>>, vector<1x16xf32>,
      %get3A_1398 = vector.shape_cast %get3A_1397 : vector<1x16xf32> to vector<16xf32>
      %add3A_1399 = arith.addf %add3A_1375, %get3A_1398 : vector<16xf32>
      %get3A_1400 = arith.constant 56 : i32
      %get3A_1401 = arith.index_cast %get3A_1400 : i32 to index
      %get3A_1402 = arith.constant 16 : index
      %get3A_1403 = tpu.vector_load %arg6[%get3A_1401, %get3A_1402] {strides = array<i32>} : memref<100x128xf32, #tpu.memory_space<vmem>>, vector<1x16xf32>,
      %get3A_1404 = vector.shape_cast %get3A_1403 : vector<1x16xf32> to vector<16xf32>
      %add3A_1405 = arith.addf %add3A_1381, %get3A_1404 : vector<16xf32>
      %get3A_1406 = arith.constant 56 : i32
      %get3A_1407 = arith.index_cast %get3A_1406 : i32 to index
      %get3A_1408 = arith.constant 32 : index
      %get3A_1409 = tpu.vector_load %arg6[%get3A_1407, %get3A_1408] {strides = array<i32>} : memref<100x128xf32, #tpu.memory_space<vmem>>, vector<1x16xf32>,
      %get3A_1410 = vector.shape_cast %get3A_1409 : vector<1x16xf32> to vector<16xf32>
      %add3A_1411 = arith.addf %add3A_1387, %get3A_1410 : vector<16xf32>
      %get3A_1412 = arith.constant 56 : i32
      %get3A_1413 = arith.index_cast %get3A_1412 : i32 to index
      %get3A_1414 = arith.constant 48 : index
      %get3A_1415 = tpu.vector_load %arg6[%get3A_1413, %get3A_1414] {strides = array<i32>} : memref<100x128xf32, #tpu.memory_space<vmem>>, vector<1x16xf32>,
      %get3A_1416 = vector.shape_cast %get3A_1415 : vector<1x16xf32> to vector<16xf32>
      %add3A_1417 = arith.addf %add3A_1393, %get3A_1416 : vector<16xf32>
      %get3A_1418 = arith.constant 57 : i32
      %get3A_1419 = arith.index_cast %get3A_1418 : i32 to index
      %get3A_1420 = arith.constant 0 : index
      %get3A_1421 = tpu.vector_load %arg6[%get3A_1419, %get3A_1420] {strides = array<i32>} : memref<100x128xf32, #tpu.memory_space<vmem>>, vector<1x16xf32>,
      %get3A_1422 = vector.shape_cast %get3A_1421 : vector<1x16xf32> to vector<16xf32>
      %add3A_1423 = arith.addf %add3A_1399, %get3A_1422 : vector<16xf32>
      %get3A_1424 = arith.constant 57 : i32
      %get3A_1425 = arith.index_cast %get3A_1424 : i32 to index
      %get3A_1426 = arith.constant 16 : index
      %get3A_1427 = tpu.vector_load %arg6[%get3A_1425, %get3A_1426] {strides = array<i32>} : memref<100x128xf32, #tpu.memory_space<vmem>>, vector<1x16xf32>,
      %get3A_1428 = vector.shape_cast %get3A_1427 : vector<1x16xf32> to vector<16xf32>
      %add3A_1429 = arith.addf %add3A_1405, %get3A_1428 : vector<16xf32>
      %get3A_1430 = arith.constant 57 : i32
      %get3A_1431 = arith.index_cast %get3A_1430 : i32 to index
      %get3A_1432 = arith.constant 32 : index
      %get3A_1433 = tpu.vector_load %arg6[%get3A_1431, %get3A_1432] {strides = array<i32>} : memref<100x128xf32, #tpu.memory_space<vmem>>, vector<1x16xf32>,
      %get3A_1434 = vector.shape_cast %get3A_1433 : vector<1x16xf32> to vector<16xf32>
      %add3A_1435 = arith.addf %add3A_1411, %get3A_1434 : vector<16xf32>
      %get3A_1436 = arith.constant 57 : i32
      %get3A_1437 = arith.index_cast %get3A_1436 : i32 to index
      %get3A_1438 = arith.constant 48 : index
      %get3A_1439 = tpu.vector_load %arg6[%get3A_1437, %get3A_1438] {strides = array<i32>} : memref<100x128xf32, #tpu.memory_space<vmem>>, vector<1x16xf32>,
      %get3A_1440 = vector.shape_cast %get3A_1439 : vector<1x16xf32> to vector<16xf32>
      %add3A_1441 = arith.addf %add3A_1417, %get3A_1440 : vector<16xf32>
      %get3A_1442 = arith.constant 58 : i32
      %get3A_1443 = arith.index_cast %get3A_1442 : i32 to index
      %get3A_1444 = arith.constant 0 : index
      %get3A_1445 = tpu.vector_load %arg6[%get3A_1443, %get3A_1444] {strides = array<i32>} : memref<100x128xf32, #tpu.memory_space<vmem>>, vector<1x16xf32>,
      %get3A_1446 = vector.shape_cast %get3A_1445 : vector<1x16xf32> to vector<16xf32>
      %add3A_1447 = arith.addf %add3A_1423, %get3A_1446 : vector<16xf32>
      %get3A_1448 = arith.constant 58 : i32
      %get3A_1449 = arith.index_cast %get3A_1448 : i32 to index
      %get3A_1450 = arith.constant 16 : index
      %get3A_1451 = tpu.vector_load %arg6[%get3A_1449, %get3A_1450] {strides = array<i32>} : memref<100x128xf32, #tpu.memory_space<vmem>>, vector<1x16xf32>,
      %get3A_1452 = vector.shape_cast %get3A_1451 : vector<1x16xf32> to vector<16xf32>
      %add3A_1453 = arith.addf %add3A_1429, %get3A_1452 : vector<16xf32>
      %get3A_1454 = arith.constant 58 : i32
      %get3A_1455 = arith.index_cast %get3A_1454 : i32 to index
      %get3A_1456 = arith.constant 32 : index
      %get3A_1457 = tpu.vector_load %arg6[%get3A_1455, %get3A_1456] {strides = array<i32>} : memref<100x128xf32, #tpu.memory_space<vmem>>, vector<1x16xf32>,
      %get3A_1458 = vector.shape_cast %get3A_1457 : vector<1x16xf32> to vector<16xf32>
      %add3A_1459 = arith.addf %add3A_1435, %get3A_1458 : vector<16xf32>
      %get3A_1460 = arith.constant 58 : i32
      %get3A_1461 = arith.index_cast %get3A_1460 : i32 to index
      %get3A_1462 = arith.constant 48 : index
      %get3A_1463 = tpu.vector_load %arg6[%get3A_1461, %get3A_1462] {strides = array<i32>} : memref<100x128xf32, #tpu.memory_space<vmem>>, vector<1x16xf32>,
      %get3A_1464 = vector.shape_cast %get3A_1463 : vector<1x16xf32> to vector<16xf32>
      %add3A_1465 = arith.addf %add3A_1441, %get3A_1464 : vector<16xf32>
      %get3A_1466 = arith.constant 59 : i32
      %get3A_1467 = arith.index_cast %get3A_1466 : i32 to index
      %get3A_1468 = arith.constant 0 : index
      %get3A_1469 = tpu.vector_load %arg6[%get3A_1467, %get3A_1468] {strides = array<i32>} : memref<100x128xf32, #tpu.memory_space<vmem>>, vector<1x16xf32>,
      %get3A_1470 = vector.shape_cast %get3A_1469 : vector<1x16xf32> to vector<16xf32>
      %add3A_1471 = arith.addf %add3A_1447, %get3A_1470 : vector<16xf32>
      %get3A_1472 = arith.constant 59 : i32
      %get3A_1473 = arith.index_cast %get3A_1472 : i32 to index
      %get3A_1474 = arith.constant 16 : index
      %get3A_1475 = tpu.vector_load %arg6[%get3A_1473, %get3A_1474] {strides = array<i32>} : memref<100x128xf32, #tpu.memory_space<vmem>>, vector<1x16xf32>,
      %get3A_1476 = vector.shape_cast %get3A_1475 : vector<1x16xf32> to vector<16xf32>
      %add3A_1477 = arith.addf %add3A_1453, %get3A_1476 : vector<16xf32>
      %get3A_1478 = arith.constant 59 : i32
      %get3A_1479 = arith.index_cast %get3A_1478 : i32 to index
      %get3A_1480 = arith.constant 32 : index
      %get3A_1481 = tpu.vector_load %arg6[%get3A_1479, %get3A_1480] {strides = array<i32>} : memref<100x128xf32, #tpu.memory_space<vmem>>, vector<1x16xf32>,
      %get3A_1482 = vector.shape_cast %get3A_1481 : vector<1x16xf32> to vector<16xf32>
      %add3A_1483 = arith.addf %add3A_1459, %get3A_1482 : vector<16xf32>
      %get3A_1484 = arith.constant 59 : i32
      %get3A_1485 = arith.index_cast %get3A_1484 : i32 to index
      %get3A_1486 = arith.constant 48 : index
      %get3A_1487 = tpu.vector_load %arg6[%get3A_1485, %get3A_1486] {strides = array<i32>} : memref<100x128xf32, #tpu.memory_space<vmem>>, vector<1x16xf32>,
      %get3A_1488 = vector.shape_cast %get3A_1487 : vector<1x16xf32> to vector<16xf32>
      %add3A_1489 = arith.addf %add3A_1465, %get3A_1488 : vector<16xf32>
      %get3A_1490 = arith.constant 60 : i32
      %get3A_1491 = arith.index_cast %get3A_1490 : i32 to index
      %get3A_1492 = arith.constant 0 : index
      %get3A_1493 = tpu.vector_load %arg6[%get3A_1491, %get3A_1492] {strides = array<i32>} : memref<100x128xf32, #tpu.memory_space<vmem>>, vector<1x16xf32>,
      %get3A_1494 = vector.shape_cast %get3A_1493 : vector<1x16xf32> to vector<16xf32>
      %add3A_1495 = arith.addf %add3A_1471, %get3A_1494 : vector<16xf32>
      %get3A_1496 = arith.constant 60 : i32
      %get3A_1497 = arith.index_cast %get3A_1496 : i32 to index
      %get3A_1498 = arith.constant 16 : index
      %get3A_1499 = tpu.vector_load %arg6[%get3A_1497, %get3A_1498] {strides = array<i32>} : memref<100x128xf32, #tpu.memory_space<vmem>>, vector<1x16xf32>,
      %get3A_1500 = vector.shape_cast %get3A_1499 : vector<1x16xf32> to vector<16xf32>
      %add3A_1501 = arith.addf %add3A_1477, %get3A_1500 : vector<16xf32>
      %get3A_1502 = arith.constant 60 : i32
      %get3A_1503 = arith.index_cast %get3A_1502 : i32 to index
      %get3A_1504 = arith.constant 32 : index
      %get3A_1505 = tpu.vector_load %arg6[%get3A_1503, %get3A_1504] {strides = array<i32>} : memref<100x128xf32, #tpu.memory_space<vmem>>, vector<1x16xf32>,
      %get3A_1506 = vector.shape_cast %get3A_1505 : vector<1x16xf32> to vector<16xf32>
      %add3A_1507 = arith.addf %add3A_1483, %get3A_1506 : vector<16xf32>
      %get3A_1508 = arith.constant 60 : i32
      %get3A_1509 = arith.index_cast %get3A_1508 : i32 to index
      %get3A_1510 = arith.constant 48 : index
      %get3A_1511 = tpu.vector_load %arg6[%get3A_1509, %get3A_1510] {strides = array<i32>} : memref<100x128xf32, #tpu.memory_space<vmem>>, vector<1x16xf32>,
      %get3A_1512 = vector.shape_cast %get3A_1511 : vector<1x16xf32> to vector<16xf32>
      %add3A_1513 = arith.addf %add3A_1489, %get3A_1512 : vector<16xf32>
      %get3A_1514 = arith.constant 61 : i32
      %get3A_1515 = arith.index_cast %get3A_1514 : i32 to index
      %get3A_1516 = arith.constant 0 : index
      %get3A_1517 = tpu.vector_load %arg6[%get3A_1515, %get3A_1516] {strides = array<i32>} : memref<100x128xf32, #tpu.memory_space<vmem>>, vector<1x16xf32>,
      %get3A_1518 = vector.shape_cast %get3A_1517 : vector<1x16xf32> to vector<16xf32>
      %add3A_1519 = arith.addf %add3A_1495, %get3A_1518 : vector<16xf32>
      %get3A_1520 = arith.constant 61 : i32
      %get3A_1521 = arith.index_cast %get3A_1520 : i32 to index
      %get3A_1522 = arith.constant 16 : index
      %get3A_1523 = tpu.vector_load %arg6[%get3A_1521, %get3A_1522] {strides = array<i32>} : memref<100x128xf32, #tpu.memory_space<vmem>>, vector<1x16xf32>,
      %get3A_1524 = vector.shape_cast %get3A_1523 : vector<1x16xf32> to vector<16xf32>
      %add3A_1525 = arith.addf %add3A_1501, %get3A_1524 : vector<16xf32>
      %get3A_1526 = arith.constant 61 : i32
      %get3A_1527 = arith.index_cast %get3A_1526 : i32 to index
      %get3A_1528 = arith.constant 32 : index
      %get3A_1529 = tpu.vector_load %arg6[%get3A_1527, %get3A_1528] {strides = array<i32>} : memref<100x128xf32, #tpu.memory_space<vmem>>, vector<1x16xf32>,
      %get3A_1530 = vector.shape_cast %get3A_1529 : vector<1x16xf32> to vector<16xf32>
      %add3A_1531 = arith.addf %add3A_1507, %get3A_1530 : vector<16xf32>
      %get3A_1532 = arith.constant 61 : i32
      %get3A_1533 = arith.index_cast %get3A_1532 : i32 to index
      %get3A_1534 = arith.constant 48 : index
      %get3A_1535 = tpu.vector_load %arg6[%get3A_1533, %get3A_1534] {strides = array<i32>} : memref<100x128xf32, #tpu.memory_space<vmem>>, vector<1x16xf32>,
      %get3A_1536 = vector.shape_cast %get3A_1535 : vector<1x16xf32> to vector<16xf32>
      %add3A_1537 = arith.addf %add3A_1513, %get3A_1536 : vector<16xf32>
      %get3A_1538 = arith.constant 62 : i32
      %get3A_1539 = arith.index_cast %get3A_1538 : i32 to index
      %get3A_1540 = arith.constant 0 : index
      %get3A_1541 = tpu.vector_load %arg6[%get3A_1539, %get3A_1540] {strides = array<i32>} : memref<100x128xf32, #tpu.memory_space<vmem>>, vector<1x16xf32>,
      %get3A_1542 = vector.shape_cast %get3A_1541 : vector<1x16xf32> to vector<16xf32>
      %add3A_1543 = arith.addf %add3A_1519, %get3A_1542 : vector<16xf32>
      %get3A_1544 = arith.constant 62 : i32
      %get3A_1545 = arith.index_cast %get3A_1544 : i32 to index
      %get3A_1546 = arith.constant 16 : index
      %get3A_1547 = tpu.vector_load %arg6[%get3A_1545, %get3A_1546] {strides = array<i32>} : memref<100x128xf32, #tpu.memory_space<vmem>>, vector<1x16xf32>,
      %get3A_1548 = vector.shape_cast %get3A_1547 : vector<1x16xf32> to vector<16xf32>
      %add3A_1549 = arith.addf %add3A_1525, %get3A_1548 : vector<16xf32>
      %get3A_1550 = arith.constant 62 : i32
      %get3A_1551 = arith.index_cast %get3A_1550 : i32 to index
      %get3A_1552 = arith.constant 32 : index
      %get3A_1553 = tpu.vector_load %arg6[%get3A_1551, %get3A_1552] {strides = array<i32>} : memref<100x128xf32, #tpu.memory_space<vmem>>, vector<1x16xf32>,
      %get3A_1554 = vector.shape_cast %get3A_1553 : vector<1x16xf32> to vector<16xf32>
      %add3A_1555 = arith.addf %add3A_1531, %get3A_1554 : vector<16xf32>
      %get3A_1556 = arith.constant 62 : i32
      %get3A_1557 = arith.index_cast %get3A_1556 : i32 to index
      %get3A_1558 = arith.constant 48 : index
      %get3A_1559 = tpu.vector_load %arg6[%get3A_1557, %get3A_1558] {strides = array<i32>} : memref<100x128xf32, #tpu.memory_space<vmem>>, vector<1x16xf32>,
      %get3A_1560 = vector.shape_cast %get3A_1559 : vector<1x16xf32> to vector<16xf32>
      %add3A_1561 = arith.addf %add3A_1537, %get3A_1560 : vector<16xf32>
      %get3A_1562 = arith.constant 63 : i32
      %get3A_1563 = arith.index_cast %get3A_1562 : i32 to index
      %get3A_1564 = arith.constant 0 : index
      %get3A_1565 = tpu.vector_load %arg6[%get3A_1563, %get3A_1564] {strides = array<i32>} : memref<100x128xf32, #tpu.memory_space<vmem>>, vector<1x16xf32>,
      %get3A_1566 = vector.shape_cast %get3A_1565 : vector<1x16xf32> to vector<16xf32>
      %add3A_1567 = arith.addf %add3A_1543, %get3A_1566 : vector<16xf32>
      %get3A_1568 = arith.constant 63 : i32
      %get3A_1569 = arith.index_cast %get3A_1568 : i32 to index
      %get3A_1570 = arith.constant 16 : index
      %get3A_1571 = tpu.vector_load %arg6[%get3A_1569, %get3A_1570] {strides = array<i32>} : memref<100x128xf32, #tpu.memory_space<vmem>>, vector<1x16xf32>,
      %get3A_1572 = vector.shape_cast %get3A_1571 : vector<1x16xf32> to vector<16xf32>
      %add3A_1573 = arith.addf %add3A_1549, %get3A_1572 : vector<16xf32>
      %get3A_1574 = arith.constant 63 : i32
      %get3A_1575 = arith.index_cast %get3A_1574 : i32 to index
      %get3A_1576 = arith.constant 32 : index
      %get3A_1577 = tpu.vector_load %arg6[%get3A_1575, %get3A_1576] {strides = array<i32>} : memref<100x128xf32, #tpu.memory_space<vmem>>, vector<1x16xf32>,
      %get3A_1578 = vector.shape_cast %get3A_1577 : vector<1x16xf32> to vector<16xf32>
      %add3A_1579 = arith.addf %add3A_1555, %get3A_1578 : vector<16xf32>
      %get3A_1580 = arith.constant 63 : i32
      %get3A_1581 = arith.index_cast %get3A_1580 : i32 to index
      %get3A_1582 = arith.constant 48 : index
      %get3A_1583 = tpu.vector_load %arg6[%get3A_1581, %get3A_1582] {strides = array<i32>} : memref<100x128xf32, #tpu.memory_space<vmem>>, vector<1x16xf32>,
      %get3A_1584 = vector.shape_cast %get3A_1583 : vector<1x16xf32> to vector<16xf32>
      %add3A_1585 = arith.addf %add3A_1561, %get3A_1584 : vector<16xf32>
      %get3A_1586 = arith.constant 64 : i32
      %get3A_1587 = arith.index_cast %get3A_1586 : i32 to index
      %get3A_1588 = arith.constant 0 : index
      %get3A_1589 = tpu.vector_load %arg6[%get3A_1587, %get3A_1588] {strides = array<i32>} : memref<100x128xf32, #tpu.memory_space<vmem>>, vector<1x16xf32>,
      %get3A_1590 = vector.shape_cast %get3A_1589 : vector<1x16xf32> to vector<16xf32>
      %add3A_1591 = arith.addf %add3A_1567, %get3A_1590 : vector<16xf32>
      %get3A_1592 = arith.constant 64 : i32
      %get3A_1593 = arith.index_cast %get3A_1592 : i32 to index
      %get3A_1594 = arith.constant 16 : index
      %get3A_1595 = tpu.vector_load %arg6[%get3A_1593, %get3A_1594] {strides = array<i32>} : memref<100x128xf32, #tpu.memory_space<vmem>>, vector<1x16xf32>,
      %get3A_1596 = vector.shape_cast %get3A_1595 : vector<1x16xf32> to vector<16xf32>
      %add3A_1597 = arith.addf %add3A_1573, %get3A_1596 : vector<16xf32>
      %get3A_1598 = arith.constant 64 : i32
      %get3A_1599 = arith.index_cast %get3A_1598 : i32 to index
      %get3A_1600 = arith.constant 32 : index
      %get3A_1601 = tpu.vector_load %arg6[%get3A_1599, %get3A_1600] {strides = array<i32>} : memref<100x128xf32, #tpu.memory_space<vmem>>, vector<1x16xf32>,
      %get3A_1602 = vector.shape_cast %get3A_1601 : vector<1x16xf32> to vector<16xf32>
      %add3A_1603 = arith.addf %add3A_1579, %get3A_1602 : vector<16xf32>
      %get3A_1604 = arith.constant 64 : i32
      %get3A_1605 = arith.index_cast %get3A_1604 : i32 to index
      %get3A_1606 = arith.constant 48 : index
      %get3A_1607 = tpu.vector_load %arg6[%get3A_1605, %get3A_1606] {strides = array<i32>} : memref<100x128xf32, #tpu.memory_space<vmem>>, vector<1x16xf32>,
      %get3A_1608 = vector.shape_cast %get3A_1607 : vector<1x16xf32> to vector<16xf32>
      %add3A_1609 = arith.addf %add3A_1585, %get3A_1608 : vector<16xf32>
      %get3A_1610 = arith.constant 65 : i32
      %get3A_1611 = arith.index_cast %get3A_1610 : i32 to index
      %get3A_1612 = arith.constant 0 : index
      %get3A_1613 = tpu.vector_load %arg6[%get3A_1611, %get3A_1612] {strides = array<i32>} : memref<100x128xf32, #tpu.memory_space<vmem>>, vector<1x16xf32>,
      %get3A_1614 = vector.shape_cast %get3A_1613 : vector<1x16xf32> to vector<16xf32>
      %add3A_1615 = arith.addf %add3A_1591, %get3A_1614 : vector<16xf32>
      %get3A_1616 = arith.constant 65 : i32
      %get3A_1617 = arith.index_cast %get3A_1616 : i32 to index
      %get3A_1618 = arith.constant 16 : index
      %get3A_1619 = tpu.vector_load %arg6[%get3A_1617, %get3A_1618] {strides = array<i32>} : memref<100x128xf32, #tpu.memory_space<vmem>>, vector<1x16xf32>,
      %get3A_1620 = vector.shape_cast %get3A_1619 : vector<1x16xf32> to vector<16xf32>
      %add3A_1621 = arith.addf %add3A_1597, %get3A_1620 : vector<16xf32>
      %get3A_1622 = arith.constant 65 : i32
      %get3A_1623 = arith.index_cast %get3A_1622 : i32 to index
      %get3A_1624 = arith.constant 32 : index
      %get3A_1625 = tpu.vector_load %arg6[%get3A_1623, %get3A_1624] {strides = array<i32>} : memref<100x128xf32, #tpu.memory_space<vmem>>, vector<1x16xf32>,
      %get3A_1626 = vector.shape_cast %get3A_1625 : vector<1x16xf32> to vector<16xf32>
      %add3A_1627 = arith.addf %add3A_1603, %get3A_1626 : vector<16xf32>
      %get3A_1628 = arith.constant 65 : i32
      %get3A_1629 = arith.index_cast %get3A_1628 : i32 to index
      %get3A_1630 = arith.constant 48 : index
      %get3A_1631 = tpu.vector_load %arg6[%get3A_1629, %get3A_1630] {strides = array<i32>} : memref<100x128xf32, #tpu.memory_space<vmem>>, vector<1x16xf32>,
      %get3A_1632 = vector.shape_cast %get3A_1631 : vector<1x16xf32> to vector<16xf32>
      %add3A_1633 = arith.addf %add3A_1609, %get3A_1632 : vector<16xf32>
      %get3A_1634 = arith.constant 66 : i32
      %get3A_1635 = arith.index_cast %get3A_1634 : i32 to index
      %get3A_1636 = arith.constant 0 : index
      %get3A_1637 = tpu.vector_load %arg6[%get3A_1635, %get3A_1636] {strides = array<i32>} : memref<100x128xf32, #tpu.memory_space<vmem>>, vector<1x16xf32>,
      %get3A_1638 = vector.shape_cast %get3A_1637 : vector<1x16xf32> to vector<16xf32>
      %add3A_1639 = arith.addf %add3A_1615, %get3A_1638 : vector<16xf32>
      %get3A_1640 = arith.constant 66 : i32
      %get3A_1641 = arith.index_cast %get3A_1640 : i32 to index
      %get3A_1642 = arith.constant 16 : index
      %get3A_1643 = tpu.vector_load %arg6[%get3A_1641, %get3A_1642] {strides = array<i32>} : memref<100x128xf32, #tpu.memory_space<vmem>>, vector<1x16xf32>,
      %get3A_1644 = vector.shape_cast %get3A_1643 : vector<1x16xf32> to vector<16xf32>
      %add3A_1645 = arith.addf %add3A_1621, %get3A_1644 : vector<16xf32>
      %get3A_1646 = arith.constant 66 : i32
      %get3A_1647 = arith.index_cast %get3A_1646 : i32 to index
      %get3A_1648 = arith.constant 32 : index
      %get3A_1649 = tpu.vector_load %arg6[%get3A_1647, %get3A_1648] {strides = array<i32>} : memref<100x128xf32, #tpu.memory_space<vmem>>, vector<1x16xf32>,
      %get3A_1650 = vector.shape_cast %get3A_1649 : vector<1x16xf32> to vector<16xf32>
      %add3A_1651 = arith.addf %add3A_1627, %get3A_1650 : vector<16xf32>
      %get3A_1652 = arith.constant 66 : i32
      %get3A_1653 = arith.index_cast %get3A_1652 : i32 to index
      %get3A_1654 = arith.constant 48 : index
      %get3A_1655 = tpu.vector_load %arg6[%get3A_1653, %get3A_1654] {strides = array<i32>} : memref<100x128xf32, #tpu.memory_space<vmem>>, vector<1x16xf32>,
      %get3A_1656 = vector.shape_cast %get3A_1655 : vector<1x16xf32> to vector<16xf32>
      %add3A_1657 = arith.addf %add3A_1633, %get3A_1656 : vector<16xf32>
      %get3A_1658 = arith.constant 67 : i32
      %get3A_1659 = arith.index_cast %get3A_1658 : i32 to index
      %get3A_1660 = arith.constant 0 : index
      %get3A_1661 = tpu.vector_load %arg6[%get3A_1659, %get3A_1660] {strides = array<i32>} : memref<100x128xf32, #tpu.memory_space<vmem>>, vector<1x16xf32>,
      %get3A_1662 = vector.shape_cast %get3A_1661 : vector<1x16xf32> to vector<16xf32>
      %add3A_1663 = arith.addf %add3A_1639, %get3A_1662 : vector<16xf32>
      %get3A_1664 = arith.constant 67 : i32
      %get3A_1665 = arith.index_cast %get3A_1664 : i32 to index
      %get3A_1666 = arith.constant 16 : index
      %get3A_1667 = tpu.vector_load %arg6[%get3A_1665, %get3A_1666] {strides = array<i32>} : memref<100x128xf32, #tpu.memory_space<vmem>>, vector<1x16xf32>,
      %get3A_1668 = vector.shape_cast %get3A_1667 : vector<1x16xf32> to vector<16xf32>
      %add3A_1669 = arith.addf %add3A_1645, %get3A_1668 : vector<16xf32>
      %get3A_1670 = arith.constant 67 : i32
      %get3A_1671 = arith.index_cast %get3A_1670 : i32 to index
      %get3A_1672 = arith.constant 32 : index
      %get3A_1673 = tpu.vector_load %arg6[%get3A_1671, %get3A_1672] {strides = array<i32>} : memref<100x128xf32, #tpu.memory_space<vmem>>, vector<1x16xf32>,
      %get3A_1674 = vector.shape_cast %get3A_1673 : vector<1x16xf32> to vector<16xf32>
      %add3A_1675 = arith.addf %add3A_1651, %get3A_1674 : vector<16xf32>
      %get3A_1676 = arith.constant 67 : i32
      %get3A_1677 = arith.index_cast %get3A_1676 : i32 to index
      %get3A_1678 = arith.constant 48 : index
      %get3A_1679 = tpu.vector_load %arg6[%get3A_1677, %get3A_1678] {strides = array<i32>} : memref<100x128xf32, #tpu.memory_space<vmem>>, vector<1x16xf32>,
      %get3A_1680 = vector.shape_cast %get3A_1679 : vector<1x16xf32> to vector<16xf32>
      %add3A_1681 = arith.addf %add3A_1657, %get3A_1680 : vector<16xf32>
      %get3A_1682 = arith.constant 68 : i32
      %get3A_1683 = arith.index_cast %get3A_1682 : i32 to index
      %get3A_1684 = arith.constant 0 : index
      %get3A_1685 = tpu.vector_load %arg6[%get3A_1683, %get3A_1684] {strides = array<i32>} : memref<100x128xf32, #tpu.memory_space<vmem>>, vector<1x16xf32>,
      %get3A_1686 = vector.shape_cast %get3A_1685 : vector<1x16xf32> to vector<16xf32>
      %add3A_1687 = arith.addf %add3A_1663, %get3A_1686 : vector<16xf32>
      %get3A_1688 = arith.constant 68 : i32
      %get3A_1689 = arith.index_cast %get3A_1688 : i32 to index
      %get3A_1690 = arith.constant 16 : index
      %get3A_1691 = tpu.vector_load %arg6[%get3A_1689, %get3A_1690] {strides = array<i32>} : memref<100x128xf32, #tpu.memory_space<vmem>>, vector<1x16xf32>,
      %get3A_1692 = vector.shape_cast %get3A_1691 : vector<1x16xf32> to vector<16xf32>
      %add3A_1693 = arith.addf %add3A_1669, %get3A_1692 : vector<16xf32>
      %get3A_1694 = arith.constant 68 : i32
      %get3A_1695 = arith.index_cast %get3A_1694 : i32 to index
      %get3A_1696 = arith.constant 32 : index
      %get3A_1697 = tpu.vector_load %arg6[%get3A_1695, %get3A_1696] {strides = array<i32>} : memref<100x128xf32, #tpu.memory_space<vmem>>, vector<1x16xf32>,
      %get3A_1698 = vector.shape_cast %get3A_1697 : vector<1x16xf32> to vector<16xf32>
      %add3A_1699 = arith.addf %add3A_1675, %get3A_1698 : vector<16xf32>
      %get3A_1700 = arith.constant 68 : i32
      %get3A_1701 = arith.index_cast %get3A_1700 : i32 to index
      %get3A_1702 = arith.constant 48 : index
      %get3A_1703 = tpu.vector_load %arg6[%get3A_1701, %get3A_1702] {strides = array<i32>} : memref<100x128xf32, #tpu.memory_space<vmem>>, vector<1x16xf32>,
      %get3A_1704 = vector.shape_cast %get3A_1703 : vector<1x16xf32> to vector<16xf32>
      %add3A_1705 = arith.addf %add3A_1681, %get3A_1704 : vector<16xf32>
      %get3A_1706 = arith.constant 69 : i32
      %get3A_1707 = arith.index_cast %get3A_1706 : i32 to index
      %get3A_1708 = arith.constant 0 : index
      %get3A_1709 = tpu.vector_load %arg6[%get3A_1707, %get3A_1708] {strides = array<i32>} : memref<100x128xf32, #tpu.memory_space<vmem>>, vector<1x16xf32>,
      %get3A_1710 = vector.shape_cast %get3A_1709 : vector<1x16xf32> to vector<16xf32>
      %add3A_1711 = arith.addf %add3A_1687, %get3A_1710 : vector<16xf32>
      %get3A_1712 = arith.constant 69 : i32
      %get3A_1713 = arith.index_cast %get3A_1712 : i32 to index
      %get3A_1714 = arith.constant 16 : index
      %get3A_1715 = tpu.vector_load %arg6[%get3A_1713, %get3A_1714] {strides = array<i32>} : memref<100x128xf32, #tpu.memory_space<vmem>>, vector<1x16xf32>,
      %get3A_1716 = vector.shape_cast %get3A_1715 : vector<1x16xf32> to vector<16xf32>
      %add3A_1717 = arith.addf %add3A_1693, %get3A_1716 : vector<16xf32>
      %get3A_1718 = arith.constant 69 : i32
      %get3A_1719 = arith.index_cast %get3A_1718 : i32 to index
      %get3A_1720 = arith.constant 32 : index
      %get3A_1721 = tpu.vector_load %arg6[%get3A_1719, %get3A_1720] {strides = array<i32>} : memref<100x128xf32, #tpu.memory_space<vmem>>, vector<1x16xf32>,
      %get3A_1722 = vector.shape_cast %get3A_1721 : vector<1x16xf32> to vector<16xf32>
      %add3A_1723 = arith.addf %add3A_1699, %get3A_1722 : vector<16xf32>
      %get3A_1724 = arith.constant 69 : i32
      %get3A_1725 = arith.index_cast %get3A_1724 : i32 to index
      %get3A_1726 = arith.constant 48 : index
      %get3A_1727 = tpu.vector_load %arg6[%get3A_1725, %get3A_1726] {strides = array<i32>} : memref<100x128xf32, #tpu.memory_space<vmem>>, vector<1x16xf32>,
      %get3A_1728 = vector.shape_cast %get3A_1727 : vector<1x16xf32> to vector<16xf32>
      %add3A_1729 = arith.addf %add3A_1705, %get3A_1728 : vector<16xf32>
      %get3A_1730 = arith.constant 70 : i32
      %get3A_1731 = arith.index_cast %get3A_1730 : i32 to index
      %get3A_1732 = arith.constant 0 : index
      %get3A_1733 = tpu.vector_load %arg6[%get3A_1731, %get3A_1732] {strides = array<i32>} : memref<100x128xf32, #tpu.memory_space<vmem>>, vector<1x16xf32>,
      %get3A_1734 = vector.shape_cast %get3A_1733 : vector<1x16xf32> to vector<16xf32>
      %add3A_1735 = arith.addf %add3A_1711, %get3A_1734 : vector<16xf32>
      %get3A_1736 = arith.constant 70 : i32
      %get3A_1737 = arith.index_cast %get3A_1736 : i32 to index
      %get3A_1738 = arith.constant 16 : index
      %get3A_1739 = tpu.vector_load %arg6[%get3A_1737, %get3A_1738] {strides = array<i32>} : memref<100x128xf32, #tpu.memory_space<vmem>>, vector<1x16xf32>,
      %get3A_1740 = vector.shape_cast %get3A_1739 : vector<1x16xf32> to vector<16xf32>
      %add3A_1741 = arith.addf %add3A_1717, %get3A_1740 : vector<16xf32>
      %get3A_1742 = arith.constant 70 : i32
      %get3A_1743 = arith.index_cast %get3A_1742 : i32 to index
      %get3A_1744 = arith.constant 32 : index
      %get3A_1745 = tpu.vector_load %arg6[%get3A_1743, %get3A_1744] {strides = array<i32>} : memref<100x128xf32, #tpu.memory_space<vmem>>, vector<1x16xf32>,
      %get3A_1746 = vector.shape_cast %get3A_1745 : vector<1x16xf32> to vector<16xf32>
      %add3A_1747 = arith.addf %add3A_1723, %get3A_1746 : vector<16xf32>
      %get3A_1748 = arith.constant 70 : i32
      %get3A_1749 = arith.index_cast %get3A_1748 : i32 to index
      %get3A_1750 = arith.constant 48 : index
      %get3A_1751 = tpu.vector_load %arg6[%get3A_1749, %get3A_1750] {strides = array<i32>} : memref<100x128xf32, #tpu.memory_space<vmem>>, vector<1x16xf32>,
      %get3A_1752 = vector.shape_cast %get3A_1751 : vector<1x16xf32> to vector<16xf32>
      %add3A_1753 = arith.addf %add3A_1729, %get3A_1752 : vector<16xf32>
      %get3A_1754 = arith.constant 71 : i32
      %get3A_1755 = arith.index_cast %get3A_1754 : i32 to index
      %get3A_1756 = arith.constant 0 : index
      %get3A_1757 = tpu.vector_load %arg6[%get3A_1755, %get3A_1756] {strides = array<i32>} : memref<100x128xf32, #tpu.memory_space<vmem>>, vector<1x16xf32>,
      %get3A_1758 = vector.shape_cast %get3A_1757 : vector<1x16xf32> to vector<16xf32>
      %add3A_1759 = arith.addf %add3A_1735, %get3A_1758 : vector<16xf32>
      %get3A_1760 = arith.constant 71 : i32
      %get3A_1761 = arith.index_cast %get3A_1760 : i32 to index
      %get3A_1762 = arith.constant 16 : index
      %get3A_1763 = tpu.vector_load %arg6[%get3A_1761, %get3A_1762] {strides = array<i32>} : memref<100x128xf32, #tpu.memory_space<vmem>>, vector<1x16xf32>,
      %get3A_1764 = vector.shape_cast %get3A_1763 : vector<1x16xf32> to vector<16xf32>
      %add3A_1765 = arith.addf %add3A_1741, %get3A_1764 : vector<16xf32>
      %get3A_1766 = arith.constant 71 : i32
      %get3A_1767 = arith.index_cast %get3A_1766 : i32 to index
      %get3A_1768 = arith.constant 32 : index
      %get3A_1769 = tpu.vector_load %arg6[%get3A_1767, %get3A_1768] {strides = array<i32>} : memref<100x128xf32, #tpu.memory_space<vmem>>, vector<1x16xf32>,
      %get3A_1770 = vector.shape_cast %get3A_1769 : vector<1x16xf32> to vector<16xf32>
      %add3A_1771 = arith.addf %add3A_1747, %get3A_1770 : vector<16xf32>
      %get3A_1772 = arith.constant 71 : i32
      %get3A_1773 = arith.index_cast %get3A_1772 : i32 to index
      %get3A_1774 = arith.constant 48 : index
      %get3A_1775 = tpu.vector_load %arg6[%get3A_1773, %get3A_1774] {strides = array<i32>} : memref<100x128xf32, #tpu.memory_space<vmem>>, vector<1x16xf32>,
      %get3A_1776 = vector.shape_cast %get3A_1775 : vector<1x16xf32> to vector<16xf32>
      %add3A_1777 = arith.addf %add3A_1753, %get3A_1776 : vector<16xf32>
      %get3A_1778 = arith.constant 72 : i32
      %get3A_1779 = arith.index_cast %get3A_1778 : i32 to index
      %get3A_1780 = arith.constant 0 : index
      %get3A_1781 = tpu.vector_load %arg6[%get3A_1779, %get3A_1780] {strides = array<i32>} : memref<100x128xf32, #tpu.memory_space<vmem>>, vector<1x16xf32>,
      %get3A_1782 = vector.shape_cast %get3A_1781 : vector<1x16xf32> to vector<16xf32>
      %add3A_1783 = arith.addf %add3A_1759, %get3A_1782 : vector<16xf32>
      %get3A_1784 = arith.constant 72 : i32
      %get3A_1785 = arith.index_cast %get3A_1784 : i32 to index
      %get3A_1786 = arith.constant 16 : index
      %get3A_1787 = tpu.vector_load %arg6[%get3A_1785, %get3A_1786] {strides = array<i32>} : memref<100x128xf32, #tpu.memory_space<vmem>>, vector<1x16xf32>,
      %get3A_1788 = vector.shape_cast %get3A_1787 : vector<1x16xf32> to vector<16xf32>
      %add3A_1789 = arith.addf %add3A_1765, %get3A_1788 : vector<16xf32>
      %get3A_1790 = arith.constant 72 : i32
      %get3A_1791 = arith.index_cast %get3A_1790 : i32 to index
      %get3A_1792 = arith.constant 32 : index
      %get3A_1793 = tpu.vector_load %arg6[%get3A_1791, %get3A_1792] {strides = array<i32>} : memref<100x128xf32, #tpu.memory_space<vmem>>, vector<1x16xf32>,
      %get3A_1794 = vector.shape_cast %get3A_1793 : vector<1x16xf32> to vector<16xf32>
      %add3A_1795 = arith.addf %add3A_1771, %get3A_1794 : vector<16xf32>
      %get3A_1796 = arith.constant 72 : i32
      %get3A_1797 = arith.index_cast %get3A_1796 : i32 to index
      %get3A_1798 = arith.constant 48 : index
      %get3A_1799 = tpu.vector_load %arg6[%get3A_1797, %get3A_1798] {strides = array<i32>} : memref<100x128xf32, #tpu.memory_space<vmem>>, vector<1x16xf32>,
      %get3A_1800 = vector.shape_cast %get3A_1799 : vector<1x16xf32> to vector<16xf32>
      %add3A_1801 = arith.addf %add3A_1777, %get3A_1800 : vector<16xf32>
      %get3A_1802 = arith.constant 73 : i32
      %get3A_1803 = arith.index_cast %get3A_1802 : i32 to index
      %get3A_1804 = arith.constant 0 : index
      %get3A_1805 = tpu.vector_load %arg6[%get3A_1803, %get3A_1804] {strides = array<i32>} : memref<100x128xf32, #tpu.memory_space<vmem>>, vector<1x16xf32>,
      %get3A_1806 = vector.shape_cast %get3A_1805 : vector<1x16xf32> to vector<16xf32>
      %add3A_1807 = arith.addf %add3A_1783, %get3A_1806 : vector<16xf32>
      %get3A_1808 = arith.constant 73 : i32
      %get3A_1809 = arith.index_cast %get3A_1808 : i32 to index
      %get3A_1810 = arith.constant 16 : index
      %get3A_1811 = tpu.vector_load %arg6[%get3A_1809, %get3A_1810] {strides = array<i32>} : memref<100x128xf32, #tpu.memory_space<vmem>>, vector<1x16xf32>,
      %get3A_1812 = vector.shape_cast %get3A_1811 : vector<1x16xf32> to vector<16xf32>
      %add3A_1813 = arith.addf %add3A_1789, %get3A_1812 : vector<16xf32>
      %get3A_1814 = arith.constant 73 : i32
      %get3A_1815 = arith.index_cast %get3A_1814 : i32 to index
      %get3A_1816 = arith.constant 32 : index
      %get3A_1817 = tpu.vector_load %arg6[%get3A_1815, %get3A_1816] {strides = array<i32>} : memref<100x128xf32, #tpu.memory_space<vmem>>, vector<1x16xf32>,
      %get3A_1818 = vector.shape_cast %get3A_1817 : vector<1x16xf32> to vector<16xf32>
      %add3A_1819 = arith.addf %add3A_1795, %get3A_1818 : vector<16xf32>
      %get3A_1820 = arith.constant 73 : i32
      %get3A_1821 = arith.index_cast %get3A_1820 : i32 to index
      %get3A_1822 = arith.constant 48 : index
      %get3A_1823 = tpu.vector_load %arg6[%get3A_1821, %get3A_1822] {strides = array<i32>} : memref<100x128xf32, #tpu.memory_space<vmem>>, vector<1x16xf32>,
      %get3A_1824 = vector.shape_cast %get3A_1823 : vector<1x16xf32> to vector<16xf32>
      %add3A_1825 = arith.addf %add3A_1801, %get3A_1824 : vector<16xf32>
      %get3A_1826 = arith.constant 74 : i32
      %get3A_1827 = arith.index_cast %get3A_1826 : i32 to index
      %get3A_1828 = arith.constant 0 : index
      %get3A_1829 = tpu.vector_load %arg6[%get3A_1827, %get3A_1828] {strides = array<i32>} : memref<100x128xf32, #tpu.memory_space<vmem>>, vector<1x16xf32>,
      %get3A_1830 = vector.shape_cast %get3A_1829 : vector<1x16xf32> to vector<16xf32>
      %add3A_1831 = arith.addf %add3A_1807, %get3A_1830 : vector<16xf32>
      %get3A_1832 = arith.constant 74 : i32
      %get3A_1833 = arith.index_cast %get3A_1832 : i32 to index
      %get3A_1834 = arith.constant 16 : index
      %get3A_1835 = tpu.vector_load %arg6[%get3A_1833, %get3A_1834] {strides = array<i32>} : memref<100x128xf32, #tpu.memory_space<vmem>>, vector<1x16xf32>,
      %get3A_1836 = vector.shape_cast %get3A_1835 : vector<1x16xf32> to vector<16xf32>
      %add3A_1837 = arith.addf %add3A_1813, %get3A_1836 : vector<16xf32>
      %get3A_1838 = arith.constant 74 : i32
      %get3A_1839 = arith.index_cast %get3A_1838 : i32 to index
      %get3A_1840 = arith.constant 32 : index
      %get3A_1841 = tpu.vector_load %arg6[%get3A_1839, %get3A_1840] {strides = array<i32>} : memref<100x128xf32, #tpu.memory_space<vmem>>, vector<1x16xf32>,
      %get3A_1842 = vector.shape_cast %get3A_1841 : vector<1x16xf32> to vector<16xf32>
      %add3A_1843 = arith.addf %add3A_1819, %get3A_1842 : vector<16xf32>
      %get3A_1844 = arith.constant 74 : i32
      %get3A_1845 = arith.index_cast %get3A_1844 : i32 to index
      %get3A_1846 = arith.constant 48 : index
      %get3A_1847 = tpu.vector_load %arg6[%get3A_1845, %get3A_1846] {strides = array<i32>} : memref<100x128xf32, #tpu.memory_space<vmem>>, vector<1x16xf32>,
      %get3A_1848 = vector.shape_cast %get3A_1847 : vector<1x16xf32> to vector<16xf32>
      %add3A_1849 = arith.addf %add3A_1825, %get3A_1848 : vector<16xf32>
      %get3A_1850 = arith.constant 75 : i32
      %get3A_1851 = arith.index_cast %get3A_1850 : i32 to index
      %get3A_1852 = arith.constant 0 : index
      %get3A_1853 = tpu.vector_load %arg6[%get3A_1851, %get3A_1852] {strides = array<i32>} : memref<100x128xf32, #tpu.memory_space<vmem>>, vector<1x16xf32>,
      %get3A_1854 = vector.shape_cast %get3A_1853 : vector<1x16xf32> to vector<16xf32>
      %add3A_1855 = arith.addf %add3A_1831, %get3A_1854 : vector<16xf32>
      %get3A_1856 = arith.constant 75 : i32
      %get3A_1857 = arith.index_cast %get3A_1856 : i32 to index
      %get3A_1858 = arith.constant 16 : index
      %get3A_1859 = tpu.vector_load %arg6[%get3A_1857, %get3A_1858] {strides = array<i32>} : memref<100x128xf32, #tpu.memory_space<vmem>>, vector<1x16xf32>,
      %get3A_1860 = vector.shape_cast %get3A_1859 : vector<1x16xf32> to vector<16xf32>
      %add3A_1861 = arith.addf %add3A_1837, %get3A_1860 : vector<16xf32>
      %get3A_1862 = arith.constant 75 : i32
      %get3A_1863 = arith.index_cast %get3A_1862 : i32 to index
      %get3A_1864 = arith.constant 32 : index
      %get3A_1865 = tpu.vector_load %arg6[%get3A_1863, %get3A_1864] {strides = array<i32>} : memref<100x128xf32, #tpu.memory_space<vmem>>, vector<1x16xf32>,
      %get3A_1866 = vector.shape_cast %get3A_1865 : vector<1x16xf32> to vector<16xf32>
      %add3A_1867 = arith.addf %add3A_1843, %get3A_1866 : vector<16xf32>
      %get3A_1868 = arith.constant 75 : i32
      %get3A_1869 = arith.index_cast %get3A_1868 : i32 to index
      %get3A_1870 = arith.constant 48 : index
      %get3A_1871 = tpu.vector_load %arg6[%get3A_1869, %get3A_1870] {strides = array<i32>} : memref<100x128xf32, #tpu.memory_space<vmem>>, vector<1x16xf32>,
      %get3A_1872 = vector.shape_cast %get3A_1871 : vector<1x16xf32> to vector<16xf32>
      %add3A_1873 = arith.addf %add3A_1849, %get3A_1872 : vector<16xf32>
      %get3A_1874 = arith.constant 76 : i32
      %get3A_1875 = arith.index_cast %get3A_1874 : i32 to index
      %get3A_1876 = arith.constant 0 : index
      %get3A_1877 = tpu.vector_load %arg6[%get3A_1875, %get3A_1876] {strides = array<i32>} : memref<100x128xf32, #tpu.memory_space<vmem>>, vector<1x16xf32>,
      %get3A_1878 = vector.shape_cast %get3A_1877 : vector<1x16xf32> to vector<16xf32>
      %add3A_1879 = arith.addf %add3A_1855, %get3A_1878 : vector<16xf32>
      %get3A_1880 = arith.constant 76 : i32
      %get3A_1881 = arith.index_cast %get3A_1880 : i32 to index
      %get3A_1882 = arith.constant 16 : index
      %get3A_1883 = tpu.vector_load %arg6[%get3A_1881, %get3A_1882] {strides = array<i32>} : memref<100x128xf32, #tpu.memory_space<vmem>>, vector<1x16xf32>,
      %get3A_1884 = vector.shape_cast %get3A_1883 : vector<1x16xf32> to vector<16xf32>
      %add3A_1885 = arith.addf %add3A_1861, %get3A_1884 : vector<16xf32>
      %get3A_1886 = arith.constant 76 : i32
      %get3A_1887 = arith.index_cast %get3A_1886 : i32 to index
      %get3A_1888 = arith.constant 32 : index
      %get3A_1889 = tpu.vector_load %arg6[%get3A_1887, %get3A_1888] {strides = array<i32>} : memref<100x128xf32, #tpu.memory_space<vmem>>, vector<1x16xf32>,
      %get3A_1890 = vector.shape_cast %get3A_1889 : vector<1x16xf32> to vector<16xf32>
      %add3A_1891 = arith.addf %add3A_1867, %get3A_1890 : vector<16xf32>
      %get3A_1892 = arith.constant 76 : i32
      %get3A_1893 = arith.index_cast %get3A_1892 : i32 to index
      %get3A_1894 = arith.constant 48 : index
      %get3A_1895 = tpu.vector_load %arg6[%get3A_1893, %get3A_1894] {strides = array<i32>} : memref<100x128xf32, #tpu.memory_space<vmem>>, vector<1x16xf32>,
      %get3A_1896 = vector.shape_cast %get3A_1895 : vector<1x16xf32> to vector<16xf32>
      %add3A_1897 = arith.addf %add3A_1873, %get3A_1896 : vector<16xf32>
      %get3A_1898 = arith.constant 77 : i32
      %get3A_1899 = arith.index_cast %get3A_1898 : i32 to index
      %get3A_1900 = arith.constant 0 : index
      %get3A_1901 = tpu.vector_load %arg6[%get3A_1899, %get3A_1900] {strides = array<i32>} : memref<100x128xf32, #tpu.memory_space<vmem>>, vector<1x16xf32>,
      %get3A_1902 = vector.shape_cast %get3A_1901 : vector<1x16xf32> to vector<16xf32>
      %add3A_1903 = arith.addf %add3A_1879, %get3A_1902 : vector<16xf32>
      %get3A_1904 = arith.constant 77 : i32
      %get3A_1905 = arith.index_cast %get3A_1904 : i32 to index
      %get3A_1906 = arith.constant 16 : index
      %get3A_1907 = tpu.vector_load %arg6[%get3A_1905, %get3A_1906] {strides = array<i32>} : memref<100x128xf32, #tpu.memory_space<vmem>>, vector<1x16xf32>,
      %get3A_1908 = vector.shape_cast %get3A_1907 : vector<1x16xf32> to vector<16xf32>
      %add3A_1909 = arith.addf %add3A_1885, %get3A_1908 : vector<16xf32>
      %get3A_1910 = arith.constant 77 : i32
      %get3A_1911 = arith.index_cast %get3A_1910 : i32 to index
      %get3A_1912 = arith.constant 32 : index
      %get3A_1913 = tpu.vector_load %arg6[%get3A_1911, %get3A_1912] {strides = array<i32>} : memref<100x128xf32, #tpu.memory_space<vmem>>, vector<1x16xf32>,
      %get3A_1914 = vector.shape_cast %get3A_1913 : vector<1x16xf32> to vector<16xf32>
      %add3A_1915 = arith.addf %add3A_1891, %get3A_1914 : vector<16xf32>
      %get3A_1916 = arith.constant 77 : i32
      %get3A_1917 = arith.index_cast %get3A_1916 : i32 to index
      %get3A_1918 = arith.constant 48 : index
      %get3A_1919 = tpu.vector_load %arg6[%get3A_1917, %get3A_1918] {strides = array<i32>} : memref<100x128xf32, #tpu.memory_space<vmem>>, vector<1x16xf32>,
      %get3A_1920 = vector.shape_cast %get3A_1919 : vector<1x16xf32> to vector<16xf32>
      %add3A_1921 = arith.addf %add3A_1897, %get3A_1920 : vector<16xf32>
      %get3A_1922 = arith.constant 78 : i32
      %get3A_1923 = arith.index_cast %get3A_1922 : i32 to index
      %get3A_1924 = arith.constant 0 : index
      %get3A_1925 = tpu.vector_load %arg6[%get3A_1923, %get3A_1924] {strides = array<i32>} : memref<100x128xf32, #tpu.memory_space<vmem>>, vector<1x16xf32>,
      %get3A_1926 = vector.shape_cast %get3A_1925 : vector<1x16xf32> to vector<16xf32>
      %add3A_1927 = arith.addf %add3A_1903, %get3A_1926 : vector<16xf32>
      %get3A_1928 = arith.constant 78 : i32
      %get3A_1929 = arith.index_cast %get3A_1928 : i32 to index
      %get3A_1930 = arith.constant 16 : index
      %get3A_1931 = tpu.vector_load %arg6[%get3A_1929, %get3A_1930] {strides = array<i32>} : memref<100x128xf32, #tpu.memory_space<vmem>>, vector<1x16xf32>,
      %get3A_1932 = vector.shape_cast %get3A_1931 : vector<1x16xf32> to vector<16xf32>
      %add3A_1933 = arith.addf %add3A_1909, %get3A_1932 : vector<16xf32>
      %get3A_1934 = arith.constant 78 : i32
      %get3A_1935 = arith.index_cast %get3A_1934 : i32 to index
      %get3A_1936 = arith.constant 32 : index
      %get3A_1937 = tpu.vector_load %arg6[%get3A_1935, %get3A_1936] {strides = array<i32>} : memref<100x128xf32, #tpu.memory_space<vmem>>, vector<1x16xf32>,
      %get3A_1938 = vector.shape_cast %get3A_1937 : vector<1x16xf32> to vector<16xf32>
      %add3A_1939 = arith.addf %add3A_1915, %get3A_1938 : vector<16xf32>
      %get3A_1940 = arith.constant 78 : i32
      %get3A_1941 = arith.index_cast %get3A_1940 : i32 to index
      %get3A_1942 = arith.constant 48 : index
      %get3A_1943 = tpu.vector_load %arg6[%get3A_1941, %get3A_1942] {strides = array<i32>} : memref<100x128xf32, #tpu.memory_space<vmem>>, vector<1x16xf32>,
      %get3A_1944 = vector.shape_cast %get3A_1943 : vector<1x16xf32> to vector<16xf32>
      %add3A_1945 = arith.addf %add3A_1921, %get3A_1944 : vector<16xf32>
      %get3A_1946 = arith.constant 79 : i32
      %get3A_1947 = arith.index_cast %get3A_1946 : i32 to index
      %get3A_1948 = arith.constant 0 : index
      %get3A_1949 = tpu.vector_load %arg6[%get3A_1947, %get3A_1948] {strides = array<i32>} : memref<100x128xf32, #tpu.memory_space<vmem>>, vector<1x16xf32>,
      %get3A_1950 = vector.shape_cast %get3A_1949 : vector<1x16xf32> to vector<16xf32>
      %add3A_1951 = arith.addf %add3A_1927, %get3A_1950 : vector<16xf32>
      %get3A_1952 = arith.constant 79 : i32
      %get3A_1953 = arith.index_cast %get3A_1952 : i32 to index
      %get3A_1954 = arith.constant 16 : index
      %get3A_1955 = tpu.vector_load %arg6[%get3A_1953, %get3A_1954] {strides = array<i32>} : memref<100x128xf32, #tpu.memory_space<vmem>>, vector<1x16xf32>,
      %get3A_1956 = vector.shape_cast %get3A_1955 : vector<1x16xf32> to vector<16xf32>
      %add3A_1957 = arith.addf %add3A_1933, %get3A_1956 : vector<16xf32>
      %get3A_1958 = arith.constant 79 : i32
      %get3A_1959 = arith.index_cast %get3A_1958 : i32 to index
      %get3A_1960 = arith.constant 32 : index
      %get3A_1961 = tpu.vector_load %arg6[%get3A_1959, %get3A_1960] {strides = array<i32>} : memref<100x128xf32, #tpu.memory_space<vmem>>, vector<1x16xf32>,
      %get3A_1962 = vector.shape_cast %get3A_1961 : vector<1x16xf32> to vector<16xf32>
      %add3A_1963 = arith.addf %add3A_1939, %get3A_1962 : vector<16xf32>
      %get3A_1964 = arith.constant 79 : i32
      %get3A_1965 = arith.index_cast %get3A_1964 : i32 to index
      %get3A_1966 = arith.constant 48 : index
      %get3A_1967 = tpu.vector_load %arg6[%get3A_1965, %get3A_1966] {strides = array<i32>} : memref<100x128xf32, #tpu.memory_space<vmem>>, vector<1x16xf32>,
      %get3A_1968 = vector.shape_cast %get3A_1967 : vector<1x16xf32> to vector<16xf32>
      %add3A_1969 = arith.addf %add3A_1945, %get3A_1968 : vector<16xf32>
      %get3A_1970 = arith.constant 80 : i32
      %get3A_1971 = arith.index_cast %get3A_1970 : i32 to index
      %get3A_1972 = arith.constant 0 : index
      %get3A_1973 = tpu.vector_load %arg6[%get3A_1971, %get3A_1972] {strides = array<i32>} : memref<100x128xf32, #tpu.memory_space<vmem>>, vector<1x16xf32>,
      %get3A_1974 = vector.shape_cast %get3A_1973 : vector<1x16xf32> to vector<16xf32>
      %add3A_1975 = arith.addf %add3A_1951, %get3A_1974 : vector<16xf32>
      %get3A_1976 = arith.constant 80 : i32
      %get3A_1977 = arith.index_cast %get3A_1976 : i32 to index
      %get3A_1978 = arith.constant 16 : index
      %get3A_1979 = tpu.vector_load %arg6[%get3A_1977, %get3A_1978] {strides = array<i32>} : memref<100x128xf32, #tpu.memory_space<vmem>>, vector<1x16xf32>,
      %get3A_1980 = vector.shape_cast %get3A_1979 : vector<1x16xf32> to vector<16xf32>
      %add3A_1981 = arith.addf %add3A_1957, %get3A_1980 : vector<16xf32>
      %get3A_1982 = arith.constant 80 : i32
      %get3A_1983 = arith.index_cast %get3A_1982 : i32 to index
      %get3A_1984 = arith.constant 32 : index
      %get3A_1985 = tpu.vector_load %arg6[%get3A_1983, %get3A_1984] {strides = array<i32>} : memref<100x128xf32, #tpu.memory_space<vmem>>, vector<1x16xf32>,
      %get3A_1986 = vector.shape_cast %get3A_1985 : vector<1x16xf32> to vector<16xf32>
      %add3A_1987 = arith.addf %add3A_1963, %get3A_1986 : vector<16xf32>
      %get3A_1988 = arith.constant 80 : i32
      %get3A_1989 = arith.index_cast %get3A_1988 : i32 to index
      %get3A_1990 = arith.constant 48 : index
      %get3A_1991 = tpu.vector_load %arg6[%get3A_1989, %get3A_1990] {strides = array<i32>} : memref<100x128xf32, #tpu.memory_space<vmem>>, vector<1x16xf32>,
      %get3A_1992 = vector.shape_cast %get3A_1991 : vector<1x16xf32> to vector<16xf32>
      %add3A_1993 = arith.addf %add3A_1969, %get3A_1992 : vector<16xf32>
      %get3A_1994 = arith.constant 81 : i32
      %get3A_1995 = arith.index_cast %get3A_1994 : i32 to index
      %get3A_1996 = arith.constant 0 : index
      %get3A_1997 = tpu.vector_load %arg6[%get3A_1995, %get3A_1996] {strides = array<i32>} : memref<100x128xf32, #tpu.memory_space<vmem>>, vector<1x16xf32>,
      %get3A_1998 = vector.shape_cast %get3A_1997 : vector<1x16xf32> to vector<16xf32>
      %add3A_1999 = arith.addf %add3A_1975, %get3A_1998 : vector<16xf32>
      %get3A_2000 = arith.constant 81 : i32
      %get3A_2001 = arith.index_cast %get3A_2000 : i32 to index
      %get3A_2002 = arith.constant 16 : index
      %get3A_2003 = tpu.vector_load %arg6[%get3A_2001, %get3A_2002] {strides = array<i32>} : memref<100x128xf32, #tpu.memory_space<vmem>>, vector<1x16xf32>,
      %get3A_2004 = vector.shape_cast %get3A_2003 : vector<1x16xf32> to vector<16xf32>
      %add3A_2005 = arith.addf %add3A_1981, %get3A_2004 : vector<16xf32>
      %get3A_2006 = arith.constant 81 : i32
      %get3A_2007 = arith.index_cast %get3A_2006 : i32 to index
      %get3A_2008 = arith.constant 32 : index
      %get3A_2009 = tpu.vector_load %arg6[%get3A_2007, %get3A_2008] {strides = array<i32>} : memref<100x128xf32, #tpu.memory_space<vmem>>, vector<1x16xf32>,
      %get3A_2010 = vector.shape_cast %get3A_2009 : vector<1x16xf32> to vector<16xf32>
      %add3A_2011 = arith.addf %add3A_1987, %get3A_2010 : vector<16xf32>
      %get3A_2012 = arith.constant 81 : i32
      %get3A_2013 = arith.index_cast %get3A_2012 : i32 to index
      %get3A_2014 = arith.constant 48 : index
      %get3A_2015 = tpu.vector_load %arg6[%get3A_2013, %get3A_2014] {strides = array<i32>} : memref<100x128xf32, #tpu.memory_space<vmem>>, vector<1x16xf32>,
      %get3A_2016 = vector.shape_cast %get3A_2015 : vector<1x16xf32> to vector<16xf32>
      %add3A_2017 = arith.addf %add3A_1993, %get3A_2016 : vector<16xf32>
      %get3A_2018 = arith.constant 82 : i32
      %get3A_2019 = arith.index_cast %get3A_2018 : i32 to index
      %get3A_2020 = arith.constant 0 : index
      %get3A_2021 = tpu.vector_load %arg6[%get3A_2019, %get3A_2020] {strides = array<i32>} : memref<100x128xf32, #tpu.memory_space<vmem>>, vector<1x16xf32>,
      %get3A_2022 = vector.shape_cast %get3A_2021 : vector<1x16xf32> to vector<16xf32>
      %add3A_2023 = arith.addf %add3A_1999, %get3A_2022 : vector<16xf32>
      %get3A_2024 = arith.constant 82 : i32
      %get3A_2025 = arith.index_cast %get3A_2024 : i32 to index
      %get3A_2026 = arith.constant 16 : index
      %get3A_2027 = tpu.vector_load %arg6[%get3A_2025, %get3A_2026] {strides = array<i32>} : memref<100x128xf32, #tpu.memory_space<vmem>>, vector<1x16xf32>,
      %get3A_2028 = vector.shape_cast %get3A_2027 : vector<1x16xf32> to vector<16xf32>
      %add3A_2029 = arith.addf %add3A_2005, %get3A_2028 : vector<16xf32>
      %get3A_2030 = arith.constant 82 : i32
      %get3A_2031 = arith.index_cast %get3A_2030 : i32 to index
      %get3A_2032 = arith.constant 32 : index
      %get3A_2033 = tpu.vector_load %arg6[%get3A_2031, %get3A_2032] {strides = array<i32>} : memref<100x128xf32, #tpu.memory_space<vmem>>, vector<1x16xf32>,
      %get3A_2034 = vector.shape_cast %get3A_2033 : vector<1x16xf32> to vector<16xf32>
      %add3A_2035 = arith.addf %add3A_2011, %get3A_2034 : vector<16xf32>
      %get3A_2036 = arith.constant 82 : i32
      %get3A_2037 = arith.index_cast %get3A_2036 : i32 to index
      %get3A_2038 = arith.constant 48 : index
      %get3A_2039 = tpu.vector_load %arg6[%get3A_2037, %get3A_2038] {strides = array<i32>} : memref<100x128xf32, #tpu.memory_space<vmem>>, vector<1x16xf32>,
      %get3A_2040 = vector.shape_cast %get3A_2039 : vector<1x16xf32> to vector<16xf32>
      %add3A_2041 = arith.addf %add3A_2017, %get3A_2040 : vector<16xf32>
      %get3A_2042 = arith.constant 83 : i32
      %get3A_2043 = arith.index_cast %get3A_2042 : i32 to index
      %get3A_2044 = arith.constant 0 : index
      %get3A_2045 = tpu.vector_load %arg6[%get3A_2043, %get3A_2044] {strides = array<i32>} : memref<100x128xf32, #tpu.memory_space<vmem>>, vector<1x16xf32>,
      %get3A_2046 = vector.shape_cast %get3A_2045 : vector<1x16xf32> to vector<16xf32>
      %add3A_2047 = arith.addf %add3A_2023, %get3A_2046 : vector<16xf32>
      %get3A_2048 = arith.constant 83 : i32
      %get3A_2049 = arith.index_cast %get3A_2048 : i32 to index
      %get3A_2050 = arith.constant 16 : index
      %get3A_2051 = tpu.vector_load %arg6[%get3A_2049, %get3A_2050] {strides = array<i32>} : memref<100x128xf32, #tpu.memory_space<vmem>>, vector<1x16xf32>,
      %get3A_2052 = vector.shape_cast %get3A_2051 : vector<1x16xf32> to vector<16xf32>
      %add3A_2053 = arith.addf %add3A_2029, %get3A_2052 : vector<16xf32>
      %get3A_2054 = arith.constant 83 : i32
      %get3A_2055 = arith.index_cast %get3A_2054 : i32 to index
      %get3A_2056 = arith.constant 32 : index
      %get3A_2057 = tpu.vector_load %arg6[%get3A_2055, %get3A_2056] {strides = array<i32>} : memref<100x128xf32, #tpu.memory_space<vmem>>, vector<1x16xf32>,
      %get3A_2058 = vector.shape_cast %get3A_2057 : vector<1x16xf32> to vector<16xf32>
      %add3A_2059 = arith.addf %add3A_2035, %get3A_2058 : vector<16xf32>
      %get3A_2060 = arith.constant 83 : i32
      %get3A_2061 = arith.index_cast %get3A_2060 : i32 to index
      %get3A_2062 = arith.constant 48 : index
      %get3A_2063 = tpu.vector_load %arg6[%get3A_2061, %get3A_2062] {strides = array<i32>} : memref<100x128xf32, #tpu.memory_space<vmem>>, vector<1x16xf32>,
      %get3A_2064 = vector.shape_cast %get3A_2063 : vector<1x16xf32> to vector<16xf32>
      %add3A_2065 = arith.addf %add3A_2041, %get3A_2064 : vector<16xf32>
      %get3A_2066 = arith.constant 84 : i32
      %get3A_2067 = arith.index_cast %get3A_2066 : i32 to index
      %get3A_2068 = arith.constant 0 : index
      %get3A_2069 = tpu.vector_load %arg6[%get3A_2067, %get3A_2068] {strides = array<i32>} : memref<100x128xf32, #tpu.memory_space<vmem>>, vector<1x16xf32>,
      %get3A_2070 = vector.shape_cast %get3A_2069 : vector<1x16xf32> to vector<16xf32>
      %add3A_2071 = arith.addf %add3A_2047, %get3A_2070 : vector<16xf32>
      %get3A_2072 = arith.constant 84 : i32
      %get3A_2073 = arith.index_cast %get3A_2072 : i32 to index
      %get3A_2074 = arith.constant 16 : index
      %get3A_2075 = tpu.vector_load %arg6[%get3A_2073, %get3A_2074] {strides = array<i32>} : memref<100x128xf32, #tpu.memory_space<vmem>>, vector<1x16xf32>,
      %get3A_2076 = vector.shape_cast %get3A_2075 : vector<1x16xf32> to vector<16xf32>
      %add3A_2077 = arith.addf %add3A_2053, %get3A_2076 : vector<16xf32>
      %get3A_2078 = arith.constant 84 : i32
      %get3A_2079 = arith.index_cast %get3A_2078 : i32 to index
      %get3A_2080 = arith.constant 32 : index
      %get3A_2081 = tpu.vector_load %arg6[%get3A_2079, %get3A_2080] {strides = array<i32>} : memref<100x128xf32, #tpu.memory_space<vmem>>, vector<1x16xf32>,
      %get3A_2082 = vector.shape_cast %get3A_2081 : vector<1x16xf32> to vector<16xf32>
      %add3A_2083 = arith.addf %add3A_2059, %get3A_2082 : vector<16xf32>
      %get3A_2084 = arith.constant 84 : i32
      %get3A_2085 = arith.index_cast %get3A_2084 : i32 to index
      %get3A_2086 = arith.constant 48 : index
      %get3A_2087 = tpu.vector_load %arg6[%get3A_2085, %get3A_2086] {strides = array<i32>} : memref<100x128xf32, #tpu.memory_space<vmem>>, vector<1x16xf32>,
      %get3A_2088 = vector.shape_cast %get3A_2087 : vector<1x16xf32> to vector<16xf32>
      %add3A_2089 = arith.addf %add3A_2065, %get3A_2088 : vector<16xf32>
      %get3A_2090 = arith.constant 85 : i32
      %get3A_2091 = arith.index_cast %get3A_2090 : i32 to index
      %get3A_2092 = arith.constant 0 : index
      %get3A_2093 = tpu.vector_load %arg6[%get3A_2091, %get3A_2092] {strides = array<i32>} : memref<100x128xf32, #tpu.memory_space<vmem>>, vector<1x16xf32>,
      %get3A_2094 = vector.shape_cast %get3A_2093 : vector<1x16xf32> to vector<16xf32>
      %add3A_2095 = arith.addf %add3A_2071, %get3A_2094 : vector<16xf32>
      %get3A_2096 = arith.constant 85 : i32
      %get3A_2097 = arith.index_cast %get3A_2096 : i32 to index
      %get3A_2098 = arith.constant 16 : index
      %get3A_2099 = tpu.vector_load %arg6[%get3A_2097, %get3A_2098] {strides = array<i32>} : memref<100x128xf32, #tpu.memory_space<vmem>>, vector<1x16xf32>,
      %get3A_2100 = vector.shape_cast %get3A_2099 : vector<1x16xf32> to vector<16xf32>
      %add3A_2101 = arith.addf %add3A_2077, %get3A_2100 : vector<16xf32>
      %get3A_2102 = arith.constant 85 : i32
      %get3A_2103 = arith.index_cast %get3A_2102 : i32 to index
      %get3A_2104 = arith.constant 32 : index
      %get3A_2105 = tpu.vector_load %arg6[%get3A_2103, %get3A_2104] {strides = array<i32>} : memref<100x128xf32, #tpu.memory_space<vmem>>, vector<1x16xf32>,
      %get3A_2106 = vector.shape_cast %get3A_2105 : vector<1x16xf32> to vector<16xf32>
      %add3A_2107 = arith.addf %add3A_2083, %get3A_2106 : vector<16xf32>
      %get3A_2108 = arith.constant 85 : i32
      %get3A_2109 = arith.index_cast %get3A_2108 : i32 to index
      %get3A_2110 = arith.constant 48 : index
      %get3A_2111 = tpu.vector_load %arg6[%get3A_2109, %get3A_2110] {strides = array<i32>} : memref<100x128xf32, #tpu.memory_space<vmem>>, vector<1x16xf32>,
      %get3A_2112 = vector.shape_cast %get3A_2111 : vector<1x16xf32> to vector<16xf32>
      %add3A_2113 = arith.addf %add3A_2089, %get3A_2112 : vector<16xf32>
      %get3A_2114 = arith.constant 86 : i32
      %get3A_2115 = arith.index_cast %get3A_2114 : i32 to index
      %get3A_2116 = arith.constant 0 : index
      %get3A_2117 = tpu.vector_load %arg6[%get3A_2115, %get3A_2116] {strides = array<i32>} : memref<100x128xf32, #tpu.memory_space<vmem>>, vector<1x16xf32>,
      %get3A_2118 = vector.shape_cast %get3A_2117 : vector<1x16xf32> to vector<16xf32>
      %add3A_2119 = arith.addf %add3A_2095, %get3A_2118 : vector<16xf32>
      %get3A_2120 = arith.constant 86 : i32
      %get3A_2121 = arith.index_cast %get3A_2120 : i32 to index
      %get3A_2122 = arith.constant 16 : index
      %get3A_2123 = tpu.vector_load %arg6[%get3A_2121, %get3A_2122] {strides = array<i32>} : memref<100x128xf32, #tpu.memory_space<vmem>>, vector<1x16xf32>,
      %get3A_2124 = vector.shape_cast %get3A_2123 : vector<1x16xf32> to vector<16xf32>
      %add3A_2125 = arith.addf %add3A_2101, %get3A_2124 : vector<16xf32>
      %get3A_2126 = arith.constant 86 : i32
      %get3A_2127 = arith.index_cast %get3A_2126 : i32 to index
      %get3A_2128 = arith.constant 32 : index
      %get3A_2129 = tpu.vector_load %arg6[%get3A_2127, %get3A_2128] {strides = array<i32>} : memref<100x128xf32, #tpu.memory_space<vmem>>, vector<1x16xf32>,
      %get3A_2130 = vector.shape_cast %get3A_2129 : vector<1x16xf32> to vector<16xf32>
      %add3A_2131 = arith.addf %add3A_2107, %get3A_2130 : vector<16xf32>
      %get3A_2132 = arith.constant 86 : i32
      %get3A_2133 = arith.index_cast %get3A_2132 : i32 to index
      %get3A_2134 = arith.constant 48 : index
      %get3A_2135 = tpu.vector_load %arg6[%get3A_2133, %get3A_2134] {strides = array<i32>} : memref<100x128xf32, #tpu.memory_space<vmem>>, vector<1x16xf32>,
      %get3A_2136 = vector.shape_cast %get3A_2135 : vector<1x16xf32> to vector<16xf32>
      %add3A_2137 = arith.addf %add3A_2113, %get3A_2136 : vector<16xf32>
      %get3A_2138 = arith.constant 87 : i32
      %get3A_2139 = arith.index_cast %get3A_2138 : i32 to index
      %get3A_2140 = arith.constant 0 : index
      %get3A_2141 = tpu.vector_load %arg6[%get3A_2139, %get3A_2140] {strides = array<i32>} : memref<100x128xf32, #tpu.memory_space<vmem>>, vector<1x16xf32>,
      %get3A_2142 = vector.shape_cast %get3A_2141 : vector<1x16xf32> to vector<16xf32>
      %add3A_2143 = arith.addf %add3A_2119, %get3A_2142 : vector<16xf32>
      %get3A_2144 = arith.constant 87 : i32
      %get3A_2145 = arith.index_cast %get3A_2144 : i32 to index
      %get3A_2146 = arith.constant 16 : index
      %get3A_2147 = tpu.vector_load %arg6[%get3A_2145, %get3A_2146] {strides = array<i32>} : memref<100x128xf32, #tpu.memory_space<vmem>>, vector<1x16xf32>,
      %get3A_2148 = vector.shape_cast %get3A_2147 : vector<1x16xf32> to vector<16xf32>
      %add3A_2149 = arith.addf %add3A_2125, %get3A_2148 : vector<16xf32>
      %get3A_2150 = arith.constant 87 : i32
      %get3A_2151 = arith.index_cast %get3A_2150 : i32 to index
      %get3A_2152 = arith.constant 32 : index
      %get3A_2153 = tpu.vector_load %arg6[%get3A_2151, %get3A_2152] {strides = array<i32>} : memref<100x128xf32, #tpu.memory_space<vmem>>, vector<1x16xf32>,
      %get3A_2154 = vector.shape_cast %get3A_2153 : vector<1x16xf32> to vector<16xf32>
      %add3A_2155 = arith.addf %add3A_2131, %get3A_2154 : vector<16xf32>
      %get3A_2156 = arith.constant 87 : i32
      %get3A_2157 = arith.index_cast %get3A_2156 : i32 to index
      %get3A_2158 = arith.constant 48 : index
      %get3A_2159 = tpu.vector_load %arg6[%get3A_2157, %get3A_2158] {strides = array<i32>} : memref<100x128xf32, #tpu.memory_space<vmem>>, vector<1x16xf32>,
      %get3A_2160 = vector.shape_cast %get3A_2159 : vector<1x16xf32> to vector<16xf32>
      %add3A_2161 = arith.addf %add3A_2137, %get3A_2160 : vector<16xf32>
      %get3A_2162 = arith.constant 88 : i32
      %get3A_2163 = arith.index_cast %get3A_2162 : i32 to index
      %get3A_2164 = arith.constant 0 : index
      %get3A_2165 = tpu.vector_load %arg6[%get3A_2163, %get3A_2164] {strides = array<i32>} : memref<100x128xf32, #tpu.memory_space<vmem>>, vector<1x16xf32>,
      %get3A_2166 = vector.shape_cast %get3A_2165 : vector<1x16xf32> to vector<16xf32>
      %add3A_2167 = arith.addf %add3A_2143, %get3A_2166 : vector<16xf32>
      %get3A_2168 = arith.constant 88 : i32
      %get3A_2169 = arith.index_cast %get3A_2168 : i32 to index
      %get3A_2170 = arith.constant 16 : index
      %get3A_2171 = tpu.vector_load %arg6[%get3A_2169, %get3A_2170] {strides = array<i32>} : memref<100x128xf32, #tpu.memory_space<vmem>>, vector<1x16xf32>,
      %get3A_2172 = vector.shape_cast %get3A_2171 : vector<1x16xf32> to vector<16xf32>
      %add3A_2173 = arith.addf %add3A_2149, %get3A_2172 : vector<16xf32>
      %get3A_2174 = arith.constant 88 : i32
      %get3A_2175 = arith.index_cast %get3A_2174 : i32 to index
      %get3A_2176 = arith.constant 32 : index
      %get3A_2177 = tpu.vector_load %arg6[%get3A_2175, %get3A_2176] {strides = array<i32>} : memref<100x128xf32, #tpu.memory_space<vmem>>, vector<1x16xf32>,
      %get3A_2178 = vector.shape_cast %get3A_2177 : vector<1x16xf32> to vector<16xf32>
      %add3A_2179 = arith.addf %add3A_2155, %get3A_2178 : vector<16xf32>
      %get3A_2180 = arith.constant 88 : i32
      %get3A_2181 = arith.index_cast %get3A_2180 : i32 to index
      %get3A_2182 = arith.constant 48 : index
      %get3A_2183 = tpu.vector_load %arg6[%get3A_2181, %get3A_2182] {strides = array<i32>} : memref<100x128xf32, #tpu.memory_space<vmem>>, vector<1x16xf32>,
      %get3A_2184 = vector.shape_cast %get3A_2183 : vector<1x16xf32> to vector<16xf32>
      %add3A_2185 = arith.addf %add3A_2161, %get3A_2184 : vector<16xf32>
      %get3A_2186 = arith.constant 89 : i32
      %get3A_2187 = arith.index_cast %get3A_2186 : i32 to index
      %get3A_2188 = arith.constant 0 : index
      %get3A_2189 = tpu.vector_load %arg6[%get3A_2187, %get3A_2188] {strides = array<i32>} : memref<100x128xf32, #tpu.memory_space<vmem>>, vector<1x16xf32>,
      %get3A_2190 = vector.shape_cast %get3A_2189 : vector<1x16xf32> to vector<16xf32>
      %add3A_2191 = arith.addf %add3A_2167, %get3A_2190 : vector<16xf32>
      %get3A_2192 = arith.constant 89 : i32
      %get3A_2193 = arith.index_cast %get3A_2192 : i32 to index
      %get3A_2194 = arith.constant 16 : index
      %get3A_2195 = tpu.vector_load %arg6[%get3A_2193, %get3A_2194] {strides = array<i32>} : memref<100x128xf32, #tpu.memory_space<vmem>>, vector<1x16xf32>,
      %get3A_2196 = vector.shape_cast %get3A_2195 : vector<1x16xf32> to vector<16xf32>
      %add3A_2197 = arith.addf %add3A_2173, %get3A_2196 : vector<16xf32>
      %get3A_2198 = arith.constant 89 : i32
      %get3A_2199 = arith.index_cast %get3A_2198 : i32 to index
      %get3A_2200 = arith.constant 32 : index
      %get3A_2201 = tpu.vector_load %arg6[%get3A_2199, %get3A_2200] {strides = array<i32>} : memref<100x128xf32, #tpu.memory_space<vmem>>, vector<1x16xf32>,
      %get3A_2202 = vector.shape_cast %get3A_2201 : vector<1x16xf32> to vector<16xf32>
      %add3A_2203 = arith.addf %add3A_2179, %get3A_2202 : vector<16xf32>
      %get3A_2204 = arith.constant 89 : i32
      %get3A_2205 = arith.index_cast %get3A_2204 : i32 to index
      %get3A_2206 = arith.constant 48 : index
      %get3A_2207 = tpu.vector_load %arg6[%get3A_2205, %get3A_2206] {strides = array<i32>} : memref<100x128xf32, #tpu.memory_space<vmem>>, vector<1x16xf32>,
      %get3A_2208 = vector.shape_cast %get3A_2207 : vector<1x16xf32> to vector<16xf32>
      %add3A_2209 = arith.addf %add3A_2185, %get3A_2208 : vector<16xf32>
      %get3A_2210 = arith.constant 90 : i32
      %get3A_2211 = arith.index_cast %get3A_2210 : i32 to index
      %get3A_2212 = arith.constant 0 : index
      %get3A_2213 = tpu.vector_load %arg6[%get3A_2211, %get3A_2212] {strides = array<i32>} : memref<100x128xf32, #tpu.memory_space<vmem>>, vector<1x16xf32>,
      %get3A_2214 = vector.shape_cast %get3A_2213 : vector<1x16xf32> to vector<16xf32>
      %add3A_2215 = arith.addf %add3A_2191, %get3A_2214 : vector<16xf32>
      %get3A_2216 = arith.constant 90 : i32
      %get3A_2217 = arith.index_cast %get3A_2216 : i32 to index
      %get3A_2218 = arith.constant 16 : index
      %get3A_2219 = tpu.vector_load %arg6[%get3A_2217, %get3A_2218] {strides = array<i32>} : memref<100x128xf32, #tpu.memory_space<vmem>>, vector<1x16xf32>,
      %get3A_2220 = vector.shape_cast %get3A_2219 : vector<1x16xf32> to vector<16xf32>
      %add3A_2221 = arith.addf %add3A_2197, %get3A_2220 : vector<16xf32>
      %get3A_2222 = arith.constant 90 : i32
      %get3A_2223 = arith.index_cast %get3A_2222 : i32 to index
      %get3A_2224 = arith.constant 32 : index
      %get3A_2225 = tpu.vector_load %arg6[%get3A_2223, %get3A_2224] {strides = array<i32>} : memref<100x128xf32, #tpu.memory_space<vmem>>, vector<1x16xf32>,
      %get3A_2226 = vector.shape_cast %get3A_2225 : vector<1x16xf32> to vector<16xf32>
      %add3A_2227 = arith.addf %add3A_2203, %get3A_2226 : vector<16xf32>
      %get3A_2228 = arith.constant 90 : i32
      %get3A_2229 = arith.index_cast %get3A_2228 : i32 to index
      %get3A_2230 = arith.constant 48 : index
      %get3A_2231 = tpu.vector_load %arg6[%get3A_2229, %get3A_2230] {strides = array<i32>} : memref<100x128xf32, #tpu.memory_space<vmem>>, vector<1x16xf32>,
      %get3A_2232 = vector.shape_cast %get3A_2231 : vector<1x16xf32> to vector<16xf32>
      %add3A_2233 = arith.addf %add3A_2209, %get3A_2232 : vector<16xf32>
      %get3A_2234 = arith.constant 91 : i32
      %get3A_2235 = arith.index_cast %get3A_2234 : i32 to index
      %get3A_2236 = arith.constant 0 : index
      %get3A_2237 = tpu.vector_load %arg6[%get3A_2235, %get3A_2236] {strides = array<i32>} : memref<100x128xf32, #tpu.memory_space<vmem>>, vector<1x16xf32>,
      %get3A_2238 = vector.shape_cast %get3A_2237 : vector<1x16xf32> to vector<16xf32>
      %add3A_2239 = arith.addf %add3A_2215, %get3A_2238 : vector<16xf32>
      %get3A_2240 = arith.constant 91 : i32
      %get3A_2241 = arith.index_cast %get3A_2240 : i32 to index
      %get3A_2242 = arith.constant 16 : index
      %get3A_2243 = tpu.vector_load %arg6[%get3A_2241, %get3A_2242] {strides = array<i32>} : memref<100x128xf32, #tpu.memory_space<vmem>>, vector<1x16xf32>,
      %get3A_2244 = vector.shape_cast %get3A_2243 : vector<1x16xf32> to vector<16xf32>
      %add3A_2245 = arith.addf %add3A_2221, %get3A_2244 : vector<16xf32>
      %get3A_2246 = arith.constant 91 : i32
      %get3A_2247 = arith.index_cast %get3A_2246 : i32 to index
      %get3A_2248 = arith.constant 32 : index
      %get3A_2249 = tpu.vector_load %arg6[%get3A_2247, %get3A_2248] {strides = array<i32>} : memref<100x128xf32, #tpu.memory_space<vmem>>, vector<1x16xf32>,
      %get3A_2250 = vector.shape_cast %get3A_2249 : vector<1x16xf32> to vector<16xf32>
      %add3A_2251 = arith.addf %add3A_2227, %get3A_2250 : vector<16xf32>
      %get3A_2252 = arith.constant 91 : i32
      %get3A_2253 = arith.index_cast %get3A_2252 : i32 to index
      %get3A_2254 = arith.constant 48 : index
      %get3A_2255 = tpu.vector_load %arg6[%get3A_2253, %get3A_2254] {strides = array<i32>} : memref<100x128xf32, #tpu.memory_space<vmem>>, vector<1x16xf32>,
      %get3A_2256 = vector.shape_cast %get3A_2255 : vector<1x16xf32> to vector<16xf32>
      %add3A_2257 = arith.addf %add3A_2233, %get3A_2256 : vector<16xf32>
      %get3A_2258 = arith.constant 92 : i32
      %get3A_2259 = arith.index_cast %get3A_2258 : i32 to index
      %get3A_2260 = arith.constant 0 : index
      %get3A_2261 = tpu.vector_load %arg6[%get3A_2259, %get3A_2260] {strides = array<i32>} : memref<100x128xf32, #tpu.memory_space<vmem>>, vector<1x16xf32>,
      %get3A_2262 = vector.shape_cast %get3A_2261 : vector<1x16xf32> to vector<16xf32>
      %add3A_2263 = arith.addf %add3A_2239, %get3A_2262 : vector<16xf32>
      %get3A_2264 = arith.constant 92 : i32
      %get3A_2265 = arith.index_cast %get3A_2264 : i32 to index
      %get3A_2266 = arith.constant 16 : index
      %get3A_2267 = tpu.vector_load %arg6[%get3A_2265, %get3A_2266] {strides = array<i32>} : memref<100x128xf32, #tpu.memory_space<vmem>>, vector<1x16xf32>,
      %get3A_2268 = vector.shape_cast %get3A_2267 : vector<1x16xf32> to vector<16xf32>
      %add3A_2269 = arith.addf %add3A_2245, %get3A_2268 : vector<16xf32>
      %get3A_2270 = arith.constant 92 : i32
      %get3A_2271 = arith.index_cast %get3A_2270 : i32 to index
      %get3A_2272 = arith.constant 32 : index
      %get3A_2273 = tpu.vector_load %arg6[%get3A_2271, %get3A_2272] {strides = array<i32>} : memref<100x128xf32, #tpu.memory_space<vmem>>, vector<1x16xf32>,
      %get3A_2274 = vector.shape_cast %get3A_2273 : vector<1x16xf32> to vector<16xf32>
      %add3A_2275 = arith.addf %add3A_2251, %get3A_2274 : vector<16xf32>
      %get3A_2276 = arith.constant 92 : i32
      %get3A_2277 = arith.index_cast %get3A_2276 : i32 to index
      %get3A_2278 = arith.constant 48 : index
      %get3A_2279 = tpu.vector_load %arg6[%get3A_2277, %get3A_2278] {strides = array<i32>} : memref<100x128xf32, #tpu.memory_space<vmem>>, vector<1x16xf32>,
      %get3A_2280 = vector.shape_cast %get3A_2279 : vector<1x16xf32> to vector<16xf32>
      %add3A_2281 = arith.addf %add3A_2257, %get3A_2280 : vector<16xf32>
      %get3A_2282 = arith.constant 93 : i32
      %get3A_2283 = arith.index_cast %get3A_2282 : i32 to index
      %get3A_2284 = arith.constant 0 : index
      %get3A_2285 = tpu.vector_load %arg6[%get3A_2283, %get3A_2284] {strides = array<i32>} : memref<100x128xf32, #tpu.memory_space<vmem>>, vector<1x16xf32>,
      %get3A_2286 = vector.shape_cast %get3A_2285 : vector<1x16xf32> to vector<16xf32>
      %add3A_2287 = arith.addf %add3A_2263, %get3A_2286 : vector<16xf32>
      %get3A_2288 = arith.constant 93 : i32
      %get3A_2289 = arith.index_cast %get3A_2288 : i32 to index
      %get3A_2290 = arith.constant 16 : index
      %get3A_2291 = tpu.vector_load %arg6[%get3A_2289, %get3A_2290] {strides = array<i32>} : memref<100x128xf32, #tpu.memory_space<vmem>>, vector<1x16xf32>,
      %get3A_2292 = vector.shape_cast %get3A_2291 : vector<1x16xf32> to vector<16xf32>
      %add3A_2293 = arith.addf %add3A_2269, %get3A_2292 : vector<16xf32>
      %get3A_2294 = arith.constant 93 : i32
      %get3A_2295 = arith.index_cast %get3A_2294 : i32 to index
      %get3A_2296 = arith.constant 32 : index
      %get3A_2297 = tpu.vector_load %arg6[%get3A_2295, %get3A_2296] {strides = array<i32>} : memref<100x128xf32, #tpu.memory_space<vmem>>, vector<1x16xf32>,
      %get3A_2298 = vector.shape_cast %get3A_2297 : vector<1x16xf32> to vector<16xf32>
      %add3A_2299 = arith.addf %add3A_2275, %get3A_2298 : vector<16xf32>
      %get3A_2300 = arith.constant 93 : i32
      %get3A_2301 = arith.index_cast %get3A_2300 : i32 to index
      %get3A_2302 = arith.constant 48 : index
      %get3A_2303 = tpu.vector_load %arg6[%get3A_2301, %get3A_2302] {strides = array<i32>} : memref<100x128xf32, #tpu.memory_space<vmem>>, vector<1x16xf32>,
      %get3A_2304 = vector.shape_cast %get3A_2303 : vector<1x16xf32> to vector<16xf32>
      %add3A_2305 = arith.addf %add3A_2281, %get3A_2304 : vector<16xf32>
      %get3A_2306 = arith.constant 94 : i32
      %get3A_2307 = arith.index_cast %get3A_2306 : i32 to index
      %get3A_2308 = arith.constant 0 : index
      %get3A_2309 = tpu.vector_load %arg6[%get3A_2307, %get3A_2308] {strides = array<i32>} : memref<100x128xf32, #tpu.memory_space<vmem>>, vector<1x16xf32>,
      %get3A_2310 = vector.shape_cast %get3A_2309 : vector<1x16xf32> to vector<16xf32>
      %add3A_2311 = arith.addf %add3A_2287, %get3A_2310 : vector<16xf32>
      %get3A_2312 = arith.constant 94 : i32
      %get3A_2313 = arith.index_cast %get3A_2312 : i32 to index
      %get3A_2314 = arith.constant 16 : index
      %get3A_2315 = tpu.vector_load %arg6[%get3A_2313, %get3A_2314] {strides = array<i32>} : memref<100x128xf32, #tpu.memory_space<vmem>>, vector<1x16xf32>,
      %get3A_2316 = vector.shape_cast %get3A_2315 : vector<1x16xf32> to vector<16xf32>
      %add3A_2317 = arith.addf %add3A_2293, %get3A_2316 : vector<16xf32>
      %get3A_2318 = arith.constant 94 : i32
      %get3A_2319 = arith.index_cast %get3A_2318 : i32 to index
      %get3A_2320 = arith.constant 32 : index
      %get3A_2321 = tpu.vector_load %arg6[%get3A_2319, %get3A_2320] {strides = array<i32>} : memref<100x128xf32, #tpu.memory_space<vmem>>, vector<1x16xf32>,
      %get3A_2322 = vector.shape_cast %get3A_2321 : vector<1x16xf32> to vector<16xf32>
      %add3A_2323 = arith.addf %add3A_2299, %get3A_2322 : vector<16xf32>
      %get3A_2324 = arith.constant 94 : i32
      %get3A_2325 = arith.index_cast %get3A_2324 : i32 to index
      %get3A_2326 = arith.constant 48 : index
      %get3A_2327 = tpu.vector_load %arg6[%get3A_2325, %get3A_2326] {strides = array<i32>} : memref<100x128xf32, #tpu.memory_space<vmem>>, vector<1x16xf32>,
      %get3A_2328 = vector.shape_cast %get3A_2327 : vector<1x16xf32> to vector<16xf32>
      %add3A_2329 = arith.addf %add3A_2305, %get3A_2328 : vector<16xf32>
      %get3A_2330 = arith.constant 95 : i32
      %get3A_2331 = arith.index_cast %get3A_2330 : i32 to index
      %get3A_2332 = arith.constant 0 : index
      %get3A_2333 = tpu.vector_load %arg6[%get3A_2331, %get3A_2332] {strides = array<i32>} : memref<100x128xf32, #tpu.memory_space<vmem>>, vector<1x16xf32>,
      %get3A_2334 = vector.shape_cast %get3A_2333 : vector<1x16xf32> to vector<16xf32>
      %add3A_2335 = arith.addf %add3A_2311, %get3A_2334 : vector<16xf32>
      %get3A_2336 = arith.constant 95 : i32
      %get3A_2337 = arith.index_cast %get3A_2336 : i32 to index
      %get3A_2338 = arith.constant 16 : index
      %get3A_2339 = tpu.vector_load %arg6[%get3A_2337, %get3A_2338] {strides = array<i32>} : memref<100x128xf32, #tpu.memory_space<vmem>>, vector<1x16xf32>,
      %get3A_2340 = vector.shape_cast %get3A_2339 : vector<1x16xf32> to vector<16xf32>
      %add3A_2341 = arith.addf %add3A_2317, %get3A_2340 : vector<16xf32>
      %get3A_2342 = arith.constant 95 : i32
      %get3A_2343 = arith.index_cast %get3A_2342 : i32 to index
      %get3A_2344 = arith.constant 32 : index
      %get3A_2345 = tpu.vector_load %arg6[%get3A_2343, %get3A_2344] {strides = array<i32>} : memref<100x128xf32, #tpu.memory_space<vmem>>, vector<1x16xf32>,
      %get3A_2346 = vector.shape_cast %get3A_2345 : vector<1x16xf32> to vector<16xf32>
      %add3A_2347 = arith.addf %add3A_2323, %get3A_2346 : vector<16xf32>
      %get3A_2348 = arith.constant 95 : i32
      %get3A_2349 = arith.index_cast %get3A_2348 : i32 to index
      %get3A_2350 = arith.constant 48 : index
      %get3A_2351 = tpu.vector_load %arg6[%get3A_2349, %get3A_2350] {strides = array<i32>} : memref<100x128xf32, #tpu.memory_space<vmem>>, vector<1x16xf32>,
      %get3A_2352 = vector.shape_cast %get3A_2351 : vector<1x16xf32> to vector<16xf32>
      %add3A_2353 = arith.addf %add3A_2329, %get3A_2352 : vector<16xf32>
      %get3A_2354 = arith.constant 96 : i32
      %get3A_2355 = arith.index_cast %get3A_2354 : i32 to index
      %get3A_2356 = arith.constant 0 : index
      %get3A_2357 = tpu.vector_load %arg6[%get3A_2355, %get3A_2356] {strides = array<i32>} : memref<100x128xf32, #tpu.memory_space<vmem>>, vector<1x16xf32>,
      %get3A_2358 = vector.shape_cast %get3A_2357 : vector<1x16xf32> to vector<16xf32>
      %add3A_2359 = arith.addf %add3A_2335, %get3A_2358 : vector<16xf32>
      %get3A_2360 = arith.constant 96 : i32
      %get3A_2361 = arith.index_cast %get3A_2360 : i32 to index
      %get3A_2362 = arith.constant 16 : index
      %get3A_2363 = tpu.vector_load %arg6[%get3A_2361, %get3A_2362] {strides = array<i32>} : memref<100x128xf32, #tpu.memory_space<vmem>>, vector<1x16xf32>,
      %get3A_2364 = vector.shape_cast %get3A_2363 : vector<1x16xf32> to vector<16xf32>
      %add3A_2365 = arith.addf %add3A_2341, %get3A_2364 : vector<16xf32>
      %get3A_2366 = arith.constant 96 : i32
      %get3A_2367 = arith.index_cast %get3A_2366 : i32 to index
      %get3A_2368 = arith.constant 32 : index
      %get3A_2369 = tpu.vector_load %arg6[%get3A_2367, %get3A_2368] {strides = array<i32>} : memref<100x128xf32, #tpu.memory_space<vmem>>, vector<1x16xf32>,
      %get3A_2370 = vector.shape_cast %get3A_2369 : vector<1x16xf32> to vector<16xf32>
      %add3A_2371 = arith.addf %add3A_2347, %get3A_2370 : vector<16xf32>
      %get3A_2372 = arith.constant 96 : i32
      %get3A_2373 = arith.index_cast %get3A_2372 : i32 to index
      %get3A_2374 = arith.constant 48 : index
      %get3A_2375 = tpu.vector_load %arg6[%get3A_2373, %get3A_2374] {strides = array<i32>} : memref<100x128xf32, #tpu.memory_space<vmem>>, vector<1x16xf32>,
      %get3A_2376 = vector.shape_cast %get3A_2375 : vector<1x16xf32> to vector<16xf32>
      %add3A_2377 = arith.addf %add3A_2353, %get3A_2376 : vector<16xf32>
      %get3A_2378 = arith.constant 97 : i32
      %get3A_2379 = arith.index_cast %get3A_2378 : i32 to index
      %get3A_2380 = arith.constant 0 : index
      %get3A_2381 = tpu.vector_load %arg6[%get3A_2379, %get3A_2380] {strides = array<i32>} : memref<100x128xf32, #tpu.memory_space<vmem>>, vector<1x16xf32>,
      %get3A_2382 = vector.shape_cast %get3A_2381 : vector<1x16xf32> to vector<16xf32>
      %add3A_2383 = arith.addf %add3A_2359, %get3A_2382 : vector<16xf32>
      %get3A_2384 = arith.constant 97 : i32
      %get3A_2385 = arith.index_cast %get3A_2384 : i32 to index
      %get3A_2386 = arith.constant 16 : index
      %get3A_2387 = tpu.vector_load %arg6[%get3A_2385, %get3A_2386] {strides = array<i32>} : memref<100x128xf32, #tpu.memory_space<vmem>>, vector<1x16xf32>,
      %get3A_2388 = vector.shape_cast %get3A_2387 : vector<1x16xf32> to vector<16xf32>
      %add3A_2389 = arith.addf %add3A_2365, %get3A_2388 : vector<16xf32>
      %get3A_2390 = arith.constant 97 : i32
      %get3A_2391 = arith.index_cast %get3A_2390 : i32 to index
      %get3A_2392 = arith.constant 32 : index
      %get3A_2393 = tpu.vector_load %arg6[%get3A_2391, %get3A_2392] {strides = array<i32>} : memref<100x128xf32, #tpu.memory_space<vmem>>, vector<1x16xf32>,
      %get3A_2394 = vector.shape_cast %get3A_2393 : vector<1x16xf32> to vector<16xf32>
      %add3A_2395 = arith.addf %add3A_2371, %get3A_2394 : vector<16xf32>
      %get3A_2396 = arith.constant 97 : i32
      %get3A_2397 = arith.index_cast %get3A_2396 : i32 to index
      %get3A_2398 = arith.constant 48 : index
      %get3A_2399 = tpu.vector_load %arg6[%get3A_2397, %get3A_2398] {strides = array<i32>} : memref<100x128xf32, #tpu.memory_space<vmem>>, vector<1x16xf32>,
      %get3A_2400 = vector.shape_cast %get3A_2399 : vector<1x16xf32> to vector<16xf32>
      %add3A_2401 = arith.addf %add3A_2377, %get3A_2400 : vector<16xf32>
      %get3A_2402 = arith.constant 98 : i32
      %get3A_2403 = arith.index_cast %get3A_2402 : i32 to index
      %get3A_2404 = arith.constant 0 : index
      %get3A_2405 = tpu.vector_load %arg6[%get3A_2403, %get3A_2404] {strides = array<i32>} : memref<100x128xf32, #tpu.memory_space<vmem>>, vector<1x16xf32>,
      %get3A_2406 = vector.shape_cast %get3A_2405 : vector<1x16xf32> to vector<16xf32>
      %add3A_2407 = arith.addf %add3A_2383, %get3A_2406 : vector<16xf32>
      %get3A_2408 = arith.constant 98 : i32
      %get3A_2409 = arith.index_cast %get3A_2408 : i32 to index
      %get3A_2410 = arith.constant 16 : index
      %get3A_2411 = tpu.vector_load %arg6[%get3A_2409, %get3A_2410] {strides = array<i32>} : memref<100x128xf32, #tpu.memory_space<vmem>>, vector<1x16xf32>,
      %get3A_2412 = vector.shape_cast %get3A_2411 : vector<1x16xf32> to vector<16xf32>
      %add3A_2413 = arith.addf %add3A_2389, %get3A_2412 : vector<16xf32>
      %get3A_2414 = arith.constant 98 : i32
      %get3A_2415 = arith.index_cast %get3A_2414 : i32 to index
      %get3A_2416 = arith.constant 32 : index
      %get3A_2417 = tpu.vector_load %arg6[%get3A_2415, %get3A_2416] {strides = array<i32>} : memref<100x128xf32, #tpu.memory_space<vmem>>, vector<1x16xf32>,
      %get3A_2418 = vector.shape_cast %get3A_2417 : vector<1x16xf32> to vector<16xf32>
      %add3A_2419 = arith.addf %add3A_2395, %get3A_2418 : vector<16xf32>
      %get3A_2420 = arith.constant 98 : i32
      %get3A_2421 = arith.index_cast %get3A_2420 : i32 to index
      %get3A_2422 = arith.constant 48 : index
      %get3A_2423 = tpu.vector_load %arg6[%get3A_2421, %get3A_2422] {strides = array<i32>} : memref<100x128xf32, #tpu.memory_space<vmem>>, vector<1x16xf32>,
      %get3A_2424 = vector.shape_cast %get3A_2423 : vector<1x16xf32> to vector<16xf32>
      %add3A_2425 = arith.addf %add3A_2401, %get3A_2424 : vector<16xf32>
      %get3A_2426 = arith.constant 99 : i32
      %get3A_2427 = arith.index_cast %get3A_2426 : i32 to index
      %get3A_2428 = arith.constant 0 : index
      %get3A_2429 = tpu.vector_load %arg6[%get3A_2427, %get3A_2428] {strides = array<i32>} : memref<100x128xf32, #tpu.memory_space<vmem>>, vector<1x16xf32>,
      %get3A_2430 = vector.shape_cast %get3A_2429 : vector<1x16xf32> to vector<16xf32>
      %add3A_2431 = arith.addf %add3A_2407, %get3A_2430 : vector<16xf32>
      %get3A_2432 = arith.constant 99 : i32
      %get3A_2433 = arith.index_cast %get3A_2432 : i32 to index
      %get3A_2434 = arith.constant 16 : index
      %get3A_2435 = tpu.vector_load %arg6[%get3A_2433, %get3A_2434] {strides = array<i32>} : memref<100x128xf32, #tpu.memory_space<vmem>>, vector<1x16xf32>,
      %get3A_2436 = vector.shape_cast %get3A_2435 : vector<1x16xf32> to vector<16xf32>
      %add3A_2437 = arith.addf %add3A_2413, %get3A_2436 : vector<16xf32>
      %get3A_2438 = arith.constant 99 : i32
      %get3A_2439 = arith.index_cast %get3A_2438 : i32 to index
      %get3A_2440 = arith.constant 32 : index
      %get3A_2441 = tpu.vector_load %arg6[%get3A_2439, %get3A_2440] {strides = array<i32>} : memref<100x128xf32, #tpu.memory_space<vmem>>, vector<1x16xf32>,
      %get3A_2442 = vector.shape_cast %get3A_2441 : vector<1x16xf32> to vector<16xf32>
      %add3A_2443 = arith.addf %add3A_2419, %get3A_2442 : vector<16xf32>
      %get3A_2444 = arith.constant 99 : i32
      %get3A_2445 = arith.index_cast %get3A_2444 : i32 to index
      %get3A_2446 = arith.constant 48 : index
      %get3A_2447 = tpu.vector_load %arg6[%get3A_2445, %get3A_2446] {strides = array<i32>} : memref<100x128xf32, #tpu.memory_space<vmem>>, vector<1x16xf32>,
      %get3A_2448 = vector.shape_cast %get3A_2447 : vector<1x16xf32> to vector<16xf32>
      %add3A_2449 = arith.addf %add3A_2425, %get3A_2448 : vector<16xf32>
      %add3A_2450 = arith.constant 1 : i32
      %add3A_2451 = arith.addi %mul3A_31, %add3A_2450 : i32
      %mul3A_2452 = arith.constant 64 : i32
      %mul3A_2453 = arith.muli %add3A_2451, %mul3A_2452 : i32
      %add3A_2454 = arith.constant 0 : i32
      %add3A_2455 = arith.addi %mul3A_2453, %add3A_2454 : i32
      %swap3A_2456 = arith.index_cast %add3A_2455 : i32 to index
      %swap3A_2457 = tpu.vector_load %arg8[%swap3A_2456] {strides = array<i32>} : memref<16384xf32, #tpu.memory_space<vmem>>, vector<16xf32>,
      %swap3A_2458 = vector.shape_cast %swap3A_2457 : vector<16xf32> to vector<16xf32>
      %swap3A_2459 = vector.shape_cast %add3A_2431 : vector<16xf32> to vector<16xf32>
      tpu.vector_store %arg8[%swap3A_2456], %swap3A_2459 {strides = array<i32>} : memref<16384xf32, #tpu.memory_space<vmem>>, vector<16xf32>,
      %add3A_2460 = arith.constant 16 : i32
      %add3A_2461 = arith.addi %mul3A_2453, %add3A_2460 : i32
      %swap3A_2462 = arith.index_cast %add3A_2461 : i32 to index
      %swap3A_2463 = tpu.vector_load %arg8[%swap3A_2462] {strides = array<i32>} : memref<16384xf32, #tpu.memory_space<vmem>>, vector<16xf32>,
      %swap3A_2464 = vector.shape_cast %swap3A_2463 : vector<16xf32> to vector<16xf32>
      %swap3A_2465 = vector.shape_cast %add3A_2437 : vector<16xf32> to vector<16xf32>
      tpu.vector_store %arg8[%swap3A_2462], %swap3A_2465 {strides = array<i32>} : memref<16384xf32, #tpu.memory_space<vmem>>, vector<16xf32>,
      %add3A_2466 = arith.constant 32 : i32
      %add3A_2467 = arith.addi %mul3A_2453, %add3A_2466 : i32
      %swap3A_2468 = arith.index_cast %add3A_2467 : i32 to index
      %swap3A_2469 = tpu.vector_load %arg8[%swap3A_2468] {strides = array<i32>} : memref<16384xf32, #tpu.memory_space<vmem>>, vector<16xf32>,
      %swap3A_2470 = vector.shape_cast %swap3A_2469 : vector<16xf32> to vector<16xf32>
      %swap3A_2471 = vector.shape_cast %add3A_2443 : vector<16xf32> to vector<16xf32>
      tpu.vector_store %arg8[%swap3A_2468], %swap3A_2471 {strides = array<i32>} : memref<16384xf32, #tpu.memory_space<vmem>>, vector<16xf32>,
      %add3A_2472 = arith.constant 48 : i32
      %add3A_2473 = arith.addi %mul3A_2453, %add3A_2472 : i32
      %swap3A_2474 = arith.index_cast %add3A_2473 : i32 to index
      %swap3A_2475 = tpu.vector_load %arg8[%swap3A_2474] {strides = array<i32>} : memref<16384xf32, #tpu.memory_space<vmem>>, vector<16xf32>,
      %swap3A_2476 = vector.shape_cast %swap3A_2475 : vector<16xf32> to vector<16xf32>
      %swap3A_2477 = vector.shape_cast %add3A_2449 : vector<16xf32> to vector<16xf32>
      tpu.vector_store %arg8[%swap3A_2474], %swap3A_2477 {strides = array<i32>} : memref<16384xf32, #tpu.memory_space<vmem>>, vector<16xf32>,
      %add3A_2478 = arith.constant 2 : i32
      %add3A_2479 = arith.addi %add3A_24, %add3A_2478 : i32
      %lt3A = arith.constant 128 : i32
      %lt3A_2480 = arith.cmpi slt, %add3A_2479, %lt3A : i32
      %convert_element_type3A = arith.extui %lt3A_2480 : i1 to i32
      %cond3A = arith.constant 0 : i32
      %cond3A_2481 = arith.cmpi ne, %convert_element_type3A, %cond3A : i32
      scf.if %cond3A_2481 {
        %add3A_4949 = arith.constant 2 : i32
        %add3A_4950 = arith.addi %add3A_24, %add3A_4949 : i32
        %dma_start3A_4951 = arith.constant 0 : i32
        %dma_start3A_4952 = tpu.memref_slice %arg5[%add3A_4950, %dma_start3A_4951] : memref<128x100xi32, #tpu.memory_space<vmem>> -> memref<1x100xi32, #tpu.memory_space<vmem>>
        %dma_start3A_4953 = tpu.memref_squeeze %dma_start3A_4952 : memref<1x100xi32, #tpu.memory_space<vmem>> -> memref<100xi32, #tpu.memory_space<vmem>>
        %dma_start3A_4954 = arith.constant 0 : i32
        %dma_start3A_4955 = arith.constant 0 : i32
        %dma_start3A_4956 = tpu.memref_slice %arg3[%dma_start3A_4954, %dma_start3A_4955] : memref<1000000x128xf32, #tpu.memory_space<hbm>> -> memref<1000000x128xf32, #tpu.memory_space<hbm>>
        tpu.enqueue_indirect_dma source(%dma_start3A_4956 : memref<1000000x128xf32, #tpu.memory_space<hbm>>) target(%arg6 : memref<100x128xf32, #tpu.memory_space<vmem>>) offsets(%dma_start3A_4953 : memref<100xi32, #tpu.memory_space<vmem>>) semaphore(%arg9 : memref<!tpu.dma_semaphore, #tpu.memory_space<semaphore_mem>>)
      } else {
      }
      %add3A_2482 = arith.constant 1 : i32
      %add3A_2483 = arith.addi %add3A_24, %add3A_2482 : i32
      %dma_wait3A_2484 = arith.constant 0 : i32
      %dma_wait3A_2485 = tpu.memref_slice %arg5[%add3A_2483, %dma_wait3A_2484] : memref<128x100xi32, #tpu.memory_space<vmem>> -> memref<1x100xi32, #tpu.memory_space<vmem>>
      %dma_wait3A_2486 = tpu.memref_squeeze %dma_wait3A_2485 : memref<1x100xi32, #tpu.memory_space<vmem>> -> memref<100xi32, #tpu.memory_space<vmem>>
      %dma_wait3A_2487 = arith.constant 0 : i32
      %dma_wait3A_2488 = arith.constant 0 : i32
      %dma_wait3A_2489 = tpu.memref_slice %arg3[%dma_wait3A_2487, %dma_wait3A_2488] : memref<1000000x128xf32, #tpu.memory_space<hbm>> -> memref<1000000x128xf32, #tpu.memory_space<hbm>>
      tpu.wait_indirect_dma semaphore(%arg10 : memref<!tpu.dma_semaphore, #tpu.memory_space<semaphore_mem>>) src(%dma_wait3A_2489 : memref<1000000x128xf32, #tpu.memory_space<hbm>>) dst(%arg7 : memref<100x128xf32, #tpu.memory_space<vmem>>)
      %add3A_2490 = arith.constant 1 : i32
      %add3A_2491 = arith.addi %add3A_24, %add3A_2490 : i32
      %mul3A_2492 = arith.constant 2 : i32
      %mul3A_2493 = arith.muli %mul3A_2492, %add3A_2491 : i32
      %get3A_2494 = arith.constant 0 : i32
      %get3A_2495 = arith.index_cast %get3A_2494 : i32 to index
      %get3A_2496 = arith.constant 0 : index
      %get3A_2497 = tpu.vector_load %arg7[%get3A_2495, %get3A_2496] {strides = array<i32>} : memref<100x128xf32, #tpu.memory_space<vmem>>, vector<1x16xf32>,
      %get3A_2498 = vector.shape_cast %get3A_2497 : vector<1x16xf32> to vector<16xf32>
      %get3A_2499 = arith.constant 0 : i32
      %get3A_2500 = arith.index_cast %get3A_2499 : i32 to index
      %get3A_2501 = arith.constant 16 : index
      %get3A_2502 = tpu.vector_load %arg7[%get3A_2500, %get3A_2501] {strides = array<i32>} : memref<100x128xf32, #tpu.memory_space<vmem>>, vector<1x16xf32>,
      %get3A_2503 = vector.shape_cast %get3A_2502 : vector<1x16xf32> to vector<16xf32>
      %get3A_2504 = arith.constant 0 : i32
      %get3A_2505 = arith.index_cast %get3A_2504 : i32 to index
      %get3A_2506 = arith.constant 32 : index
      %get3A_2507 = tpu.vector_load %arg7[%get3A_2505, %get3A_2506] {strides = array<i32>} : memref<100x128xf32, #tpu.memory_space<vmem>>, vector<1x16xf32>,
      %get3A_2508 = vector.shape_cast %get3A_2507 : vector<1x16xf32> to vector<16xf32>
      %get3A_2509 = arith.constant 0 : i32
      %get3A_2510 = arith.index_cast %get3A_2509 : i32 to index
      %get3A_2511 = arith.constant 48 : index
      %get3A_2512 = tpu.vector_load %arg7[%get3A_2510, %get3A_2511] {strides = array<i32>} : memref<100x128xf32, #tpu.memory_space<vmem>>, vector<1x16xf32>,
      %get3A_2513 = vector.shape_cast %get3A_2512 : vector<1x16xf32> to vector<16xf32>
      %get3A_2514 = arith.constant 1 : i32
      %get3A_2515 = arith.index_cast %get3A_2514 : i32 to index
      %get3A_2516 = arith.constant 0 : index
      %get3A_2517 = tpu.vector_load %arg7[%get3A_2515, %get3A_2516] {strides = array<i32>} : memref<100x128xf32, #tpu.memory_space<vmem>>, vector<1x16xf32>,
      %get3A_2518 = vector.shape_cast %get3A_2517 : vector<1x16xf32> to vector<16xf32>
      %add3A_2519 = arith.addf %get3A_2498, %get3A_2518 : vector<16xf32>
      %get3A_2520 = arith.constant 1 : i32
      %get3A_2521 = arith.index_cast %get3A_2520 : i32 to index
      %get3A_2522 = arith.constant 16 : index
      %get3A_2523 = tpu.vector_load %arg7[%get3A_2521, %get3A_2522] {strides = array<i32>} : memref<100x128xf32, #tpu.memory_space<vmem>>, vector<1x16xf32>,
      %get3A_2524 = vector.shape_cast %get3A_2523 : vector<1x16xf32> to vector<16xf32>
      %add3A_2525 = arith.addf %get3A_2503, %get3A_2524 : vector<16xf32>
      %get3A_2526 = arith.constant 1 : i32
      %get3A_2527 = arith.index_cast %get3A_2526 : i32 to index
      %get3A_2528 = arith.constant 32 : index
      %get3A_2529 = tpu.vector_load %arg7[%get3A_2527, %get3A_2528] {strides = array<i32>} : memref<100x128xf32, #tpu.memory_space<vmem>>, vector<1x16xf32>,
      %get3A_2530 = vector.shape_cast %get3A_2529 : vector<1x16xf32> to vector<16xf32>
      %add3A_2531 = arith.addf %get3A_2508, %get3A_2530 : vector<16xf32>
      %get3A_2532 = arith.constant 1 : i32
      %get3A_2533 = arith.index_cast %get3A_2532 : i32 to index
      %get3A_2534 = arith.constant 48 : index
      %get3A_2535 = tpu.vector_load %arg7[%get3A_2533, %get3A_2534] {strides = array<i32>} : memref<100x128xf32, #tpu.memory_space<vmem>>, vector<1x16xf32>,
      %get3A_2536 = vector.shape_cast %get3A_2535 : vector<1x16xf32> to vector<16xf32>
      %add3A_2537 = arith.addf %get3A_2513, %get3A_2536 : vector<16xf32>
      %get3A_2538 = arith.constant 2 : i32
      %get3A_2539 = arith.index_cast %get3A_2538 : i32 to index
      %get3A_2540 = arith.constant 0 : index
      %get3A_2541 = tpu.vector_load %arg7[%get3A_2539, %get3A_2540] {strides = array<i32>} : memref<100x128xf32, #tpu.memory_space<vmem>>, vector<1x16xf32>,
      %get3A_2542 = vector.shape_cast %get3A_2541 : vector<1x16xf32> to vector<16xf32>
      %add3A_2543 = arith.addf %add3A_2519, %get3A_2542 : vector<16xf32>
      %get3A_2544 = arith.constant 2 : i32
      %get3A_2545 = arith.index_cast %get3A_2544 : i32 to index
      %get3A_2546 = arith.constant 16 : index
      %get3A_2547 = tpu.vector_load %arg7[%get3A_2545, %get3A_2546] {strides = array<i32>} : memref<100x128xf32, #tpu.memory_space<vmem>>, vector<1x16xf32>,
      %get3A_2548 = vector.shape_cast %get3A_2547 : vector<1x16xf32> to vector<16xf32>
      %add3A_2549 = arith.addf %add3A_2525, %get3A_2548 : vector<16xf32>
      %get3A_2550 = arith.constant 2 : i32
      %get3A_2551 = arith.index_cast %get3A_2550 : i32 to index
      %get3A_2552 = arith.constant 32 : index
      %get3A_2553 = tpu.vector_load %arg7[%get3A_2551, %get3A_2552] {strides = array<i32>} : memref<100x128xf32, #tpu.memory_space<vmem>>, vector<1x16xf32>,
      %get3A_2554 = vector.shape_cast %get3A_2553 : vector<1x16xf32> to vector<16xf32>
      %add3A_2555 = arith.addf %add3A_2531, %get3A_2554 : vector<16xf32>
      %get3A_2556 = arith.constant 2 : i32
      %get3A_2557 = arith.index_cast %get3A_2556 : i32 to index
      %get3A_2558 = arith.constant 48 : index
      %get3A_2559 = tpu.vector_load %arg7[%get3A_2557, %get3A_2558] {strides = array<i32>} : memref<100x128xf32, #tpu.memory_space<vmem>>, vector<1x16xf32>,
      %get3A_2560 = vector.shape_cast %get3A_2559 : vector<1x16xf32> to vector<16xf32>
      %add3A_2561 = arith.addf %add3A_2537, %get3A_2560 : vector<16xf32>
      %get3A_2562 = arith.constant 3 : i32
      %get3A_2563 = arith.index_cast %get3A_2562 : i32 to index
      %get3A_2564 = arith.constant 0 : index
      %get3A_2565 = tpu.vector_load %arg7[%get3A_2563, %get3A_2564] {strides = array<i32>} : memref<100x128xf32, #tpu.memory_space<vmem>>, vector<1x16xf32>,
      %get3A_2566 = vector.shape_cast %get3A_2565 : vector<1x16xf32> to vector<16xf32>
      %add3A_2567 = arith.addf %add3A_2543, %get3A_2566 : vector<16xf32>
      %get3A_2568 = arith.constant 3 : i32
      %get3A_2569 = arith.index_cast %get3A_2568 : i32 to index
      %get3A_2570 = arith.constant 16 : index
      %get3A_2571 = tpu.vector_load %arg7[%get3A_2569, %get3A_2570] {strides = array<i32>} : memref<100x128xf32, #tpu.memory_space<vmem>>, vector<1x16xf32>,
      %get3A_2572 = vector.shape_cast %get3A_2571 : vector<1x16xf32> to vector<16xf32>
      %add3A_2573 = arith.addf %add3A_2549, %get3A_2572 : vector<16xf32>
      %get3A_2574 = arith.constant 3 : i32
      %get3A_2575 = arith.index_cast %get3A_2574 : i32 to index
      %get3A_2576 = arith.constant 32 : index
      %get3A_2577 = tpu.vector_load %arg7[%get3A_2575, %get3A_2576] {strides = array<i32>} : memref<100x128xf32, #tpu.memory_space<vmem>>, vector<1x16xf32>,
      %get3A_2578 = vector.shape_cast %get3A_2577 : vector<1x16xf32> to vector<16xf32>
      %add3A_2579 = arith.addf %add3A_2555, %get3A_2578 : vector<16xf32>
      %get3A_2580 = arith.constant 3 : i32
      %get3A_2581 = arith.index_cast %get3A_2580 : i32 to index
      %get3A_2582 = arith.constant 48 : index
      %get3A_2583 = tpu.vector_load %arg7[%get3A_2581, %get3A_2582] {strides = array<i32>} : memref<100x128xf32, #tpu.memory_space<vmem>>, vector<1x16xf32>,
      %get3A_2584 = vector.shape_cast %get3A_2583 : vector<1x16xf32> to vector<16xf32>
      %add3A_2585 = arith.addf %add3A_2561, %get3A_2584 : vector<16xf32>
      %get3A_2586 = arith.constant 4 : i32
      %get3A_2587 = arith.index_cast %get3A_2586 : i32 to index
      %get3A_2588 = arith.constant 0 : index
      %get3A_2589 = tpu.vector_load %arg7[%get3A_2587, %get3A_2588] {strides = array<i32>} : memref<100x128xf32, #tpu.memory_space<vmem>>, vector<1x16xf32>,
      %get3A_2590 = vector.shape_cast %get3A_2589 : vector<1x16xf32> to vector<16xf32>
      %add3A_2591 = arith.addf %add3A_2567, %get3A_2590 : vector<16xf32>
      %get3A_2592 = arith.constant 4 : i32
      %get3A_2593 = arith.index_cast %get3A_2592 : i32 to index
      %get3A_2594 = arith.constant 16 : index
      %get3A_2595 = tpu.vector_load %arg7[%get3A_2593, %get3A_2594] {strides = array<i32>} : memref<100x128xf32, #tpu.memory_space<vmem>>, vector<1x16xf32>,
      %get3A_2596 = vector.shape_cast %get3A_2595 : vector<1x16xf32> to vector<16xf32>
      %add3A_2597 = arith.addf %add3A_2573, %get3A_2596 : vector<16xf32>
      %get3A_2598 = arith.constant 4 : i32
      %get3A_2599 = arith.index_cast %get3A_2598 : i32 to index
      %get3A_2600 = arith.constant 32 : index
      %get3A_2601 = tpu.vector_load %arg7[%get3A_2599, %get3A_2600] {strides = array<i32>} : memref<100x128xf32, #tpu.memory_space<vmem>>, vector<1x16xf32>,
      %get3A_2602 = vector.shape_cast %get3A_2601 : vector<1x16xf32> to vector<16xf32>
      %add3A_2603 = arith.addf %add3A_2579, %get3A_2602 : vector<16xf32>
      %get3A_2604 = arith.constant 4 : i32
      %get3A_2605 = arith.index_cast %get3A_2604 : i32 to index
      %get3A_2606 = arith.constant 48 : index
      %get3A_2607 = tpu.vector_load %arg7[%get3A_2605, %get3A_2606] {strides = array<i32>} : memref<100x128xf32, #tpu.memory_space<vmem>>, vector<1x16xf32>,
      %get3A_2608 = vector.shape_cast %get3A_2607 : vector<1x16xf32> to vector<16xf32>
      %add3A_2609 = arith.addf %add3A_2585, %get3A_2608 : vector<16xf32>
      %get3A_2610 = arith.constant 5 : i32
      %get3A_2611 = arith.index_cast %get3A_2610 : i32 to index
      %get3A_2612 = arith.constant 0 : index
      %get3A_2613 = tpu.vector_load %arg7[%get3A_2611, %get3A_2612] {strides = array<i32>} : memref<100x128xf32, #tpu.memory_space<vmem>>, vector<1x16xf32>,
      %get3A_2614 = vector.shape_cast %get3A_2613 : vector<1x16xf32> to vector<16xf32>
      %add3A_2615 = arith.addf %add3A_2591, %get3A_2614 : vector<16xf32>
      %get3A_2616 = arith.constant 5 : i32
      %get3A_2617 = arith.index_cast %get3A_2616 : i32 to index
      %get3A_2618 = arith.constant 16 : index
      %get3A_2619 = tpu.vector_load %arg7[%get3A_2617, %get3A_2618] {strides = array<i32>} : memref<100x128xf32, #tpu.memory_space<vmem>>, vector<1x16xf32>,
      %get3A_2620 = vector.shape_cast %get3A_2619 : vector<1x16xf32> to vector<16xf32>
      %add3A_2621 = arith.addf %add3A_2597, %get3A_2620 : vector<16xf32>
      %get3A_2622 = arith.constant 5 : i32
      %get3A_2623 = arith.index_cast %get3A_2622 : i32 to index
      %get3A_2624 = arith.constant 32 : index
      %get3A_2625 = tpu.vector_load %arg7[%get3A_2623, %get3A_2624] {strides = array<i32>} : memref<100x128xf32, #tpu.memory_space<vmem>>, vector<1x16xf32>,
      %get3A_2626 = vector.shape_cast %get3A_2625 : vector<1x16xf32> to vector<16xf32>
      %add3A_2627 = arith.addf %add3A_2603, %get3A_2626 : vector<16xf32>
      %get3A_2628 = arith.constant 5 : i32
      %get3A_2629 = arith.index_cast %get3A_2628 : i32 to index
      %get3A_2630 = arith.constant 48 : index
      %get3A_2631 = tpu.vector_load %arg7[%get3A_2629, %get3A_2630] {strides = array<i32>} : memref<100x128xf32, #tpu.memory_space<vmem>>, vector<1x16xf32>,
      %get3A_2632 = vector.shape_cast %get3A_2631 : vector<1x16xf32> to vector<16xf32>
      %add3A_2633 = arith.addf %add3A_2609, %get3A_2632 : vector<16xf32>
      %get3A_2634 = arith.constant 6 : i32
      %get3A_2635 = arith.index_cast %get3A_2634 : i32 to index
      %get3A_2636 = arith.constant 0 : index
      %get3A_2637 = tpu.vector_load %arg7[%get3A_2635, %get3A_2636] {strides = array<i32>} : memref<100x128xf32, #tpu.memory_space<vmem>>, vector<1x16xf32>,
      %get3A_2638 = vector.shape_cast %get3A_2637 : vector<1x16xf32> to vector<16xf32>
      %add3A_2639 = arith.addf %add3A_2615, %get3A_2638 : vector<16xf32>
      %get3A_2640 = arith.constant 6 : i32
      %get3A_2641 = arith.index_cast %get3A_2640 : i32 to index
      %get3A_2642 = arith.constant 16 : index
      %get3A_2643 = tpu.vector_load %arg7[%get3A_2641, %get3A_2642] {strides = array<i32>} : memref<100x128xf32, #tpu.memory_space<vmem>>, vector<1x16xf32>,
      %get3A_2644 = vector.shape_cast %get3A_2643 : vector<1x16xf32> to vector<16xf32>
      %add3A_2645 = arith.addf %add3A_2621, %get3A_2644 : vector<16xf32>
      %get3A_2646 = arith.constant 6 : i32
      %get3A_2647 = arith.index_cast %get3A_2646 : i32 to index
      %get3A_2648 = arith.constant 32 : index
      %get3A_2649 = tpu.vector_load %arg7[%get3A_2647, %get3A_2648] {strides = array<i32>} : memref<100x128xf32, #tpu.memory_space<vmem>>, vector<1x16xf32>,
      %get3A_2650 = vector.shape_cast %get3A_2649 : vector<1x16xf32> to vector<16xf32>
      %add3A_2651 = arith.addf %add3A_2627, %get3A_2650 : vector<16xf32>
      %get3A_2652 = arith.constant 6 : i32
      %get3A_2653 = arith.index_cast %get3A_2652 : i32 to index
      %get3A_2654 = arith.constant 48 : index
      %get3A_2655 = tpu.vector_load %arg7[%get3A_2653, %get3A_2654] {strides = array<i32>} : memref<100x128xf32, #tpu.memory_space<vmem>>, vector<1x16xf32>,
      %get3A_2656 = vector.shape_cast %get3A_2655 : vector<1x16xf32> to vector<16xf32>
      %add3A_2657 = arith.addf %add3A_2633, %get3A_2656 : vector<16xf32>
      %get3A_2658 = arith.constant 7 : i32
      %get3A_2659 = arith.index_cast %get3A_2658 : i32 to index
      %get3A_2660 = arith.constant 0 : index
      %get3A_2661 = tpu.vector_load %arg7[%get3A_2659, %get3A_2660] {strides = array<i32>} : memref<100x128xf32, #tpu.memory_space<vmem>>, vector<1x16xf32>,
      %get3A_2662 = vector.shape_cast %get3A_2661 : vector<1x16xf32> to vector<16xf32>
      %add3A_2663 = arith.addf %add3A_2639, %get3A_2662 : vector<16xf32>
      %get3A_2664 = arith.constant 7 : i32
      %get3A_2665 = arith.index_cast %get3A_2664 : i32 to index
      %get3A_2666 = arith.constant 16 : index
      %get3A_2667 = tpu.vector_load %arg7[%get3A_2665, %get3A_2666] {strides = array<i32>} : memref<100x128xf32, #tpu.memory_space<vmem>>, vector<1x16xf32>,
      %get3A_2668 = vector.shape_cast %get3A_2667 : vector<1x16xf32> to vector<16xf32>
      %add3A_2669 = arith.addf %add3A_2645, %get3A_2668 : vector<16xf32>
      %get3A_2670 = arith.constant 7 : i32
      %get3A_2671 = arith.index_cast %get3A_2670 : i32 to index
      %get3A_2672 = arith.constant 32 : index
      %get3A_2673 = tpu.vector_load %arg7[%get3A_2671, %get3A_2672] {strides = array<i32>} : memref<100x128xf32, #tpu.memory_space<vmem>>, vector<1x16xf32>,
      %get3A_2674 = vector.shape_cast %get3A_2673 : vector<1x16xf32> to vector<16xf32>
      %add3A_2675 = arith.addf %add3A_2651, %get3A_2674 : vector<16xf32>
      %get3A_2676 = arith.constant 7 : i32
      %get3A_2677 = arith.index_cast %get3A_2676 : i32 to index
      %get3A_2678 = arith.constant 48 : index
      %get3A_2679 = tpu.vector_load %arg7[%get3A_2677, %get3A_2678] {strides = array<i32>} : memref<100x128xf32, #tpu.memory_space<vmem>>, vector<1x16xf32>,
      %get3A_2680 = vector.shape_cast %get3A_2679 : vector<1x16xf32> to vector<16xf32>
      %add3A_2681 = arith.addf %add3A_2657, %get3A_2680 : vector<16xf32>
      %get3A_2682 = arith.constant 8 : i32
      %get3A_2683 = arith.index_cast %get3A_2682 : i32 to index
      %get3A_2684 = arith.constant 0 : index
      %get3A_2685 = tpu.vector_load %arg7[%get3A_2683, %get3A_2684] {strides = array<i32>} : memref<100x128xf32, #tpu.memory_space<vmem>>, vector<1x16xf32>,
      %get3A_2686 = vector.shape_cast %get3A_2685 : vector<1x16xf32> to vector<16xf32>
      %add3A_2687 = arith.addf %add3A_2663, %get3A_2686 : vector<16xf32>
      %get3A_2688 = arith.constant 8 : i32
      %get3A_2689 = arith.index_cast %get3A_2688 : i32 to index
      %get3A_2690 = arith.constant 16 : index
      %get3A_2691 = tpu.vector_load %arg7[%get3A_2689, %get3A_2690] {strides = array<i32>} : memref<100x128xf32, #tpu.memory_space<vmem>>, vector<1x16xf32>,
      %get3A_2692 = vector.shape_cast %get3A_2691 : vector<1x16xf32> to vector<16xf32>
      %add3A_2693 = arith.addf %add3A_2669, %get3A_2692 : vector<16xf32>
      %get3A_2694 = arith.constant 8 : i32
      %get3A_2695 = arith.index_cast %get3A_2694 : i32 to index
      %get3A_2696 = arith.constant 32 : index
      %get3A_2697 = tpu.vector_load %arg7[%get3A_2695, %get3A_2696] {strides = array<i32>} : memref<100x128xf32, #tpu.memory_space<vmem>>, vector<1x16xf32>,
      %get3A_2698 = vector.shape_cast %get3A_2697 : vector<1x16xf32> to vector<16xf32>
      %add3A_2699 = arith.addf %add3A_2675, %get3A_2698 : vector<16xf32>
      %get3A_2700 = arith.constant 8 : i32
      %get3A_2701 = arith.index_cast %get3A_2700 : i32 to index
      %get3A_2702 = arith.constant 48 : index
      %get3A_2703 = tpu.vector_load %arg7[%get3A_2701, %get3A_2702] {strides = array<i32>} : memref<100x128xf32, #tpu.memory_space<vmem>>, vector<1x16xf32>,
      %get3A_2704 = vector.shape_cast %get3A_2703 : vector<1x16xf32> to vector<16xf32>
      %add3A_2705 = arith.addf %add3A_2681, %get3A_2704 : vector<16xf32>
      %get3A_2706 = arith.constant 9 : i32
      %get3A_2707 = arith.index_cast %get3A_2706 : i32 to index
      %get3A_2708 = arith.constant 0 : index
      %get3A_2709 = tpu.vector_load %arg7[%get3A_2707, %get3A_2708] {strides = array<i32>} : memref<100x128xf32, #tpu.memory_space<vmem>>, vector<1x16xf32>,
      %get3A_2710 = vector.shape_cast %get3A_2709 : vector<1x16xf32> to vector<16xf32>
      %add3A_2711 = arith.addf %add3A_2687, %get3A_2710 : vector<16xf32>
      %get3A_2712 = arith.constant 9 : i32
      %get3A_2713 = arith.index_cast %get3A_2712 : i32 to index
      %get3A_2714 = arith.constant 16 : index
      %get3A_2715 = tpu.vector_load %arg7[%get3A_2713, %get3A_2714] {strides = array<i32>} : memref<100x128xf32, #tpu.memory_space<vmem>>, vector<1x16xf32>,
      %get3A_2716 = vector.shape_cast %get3A_2715 : vector<1x16xf32> to vector<16xf32>
      %add3A_2717 = arith.addf %add3A_2693, %get3A_2716 : vector<16xf32>
      %get3A_2718 = arith.constant 9 : i32
      %get3A_2719 = arith.index_cast %get3A_2718 : i32 to index
      %get3A_2720 = arith.constant 32 : index
      %get3A_2721 = tpu.vector_load %arg7[%get3A_2719, %get3A_2720] {strides = array<i32>} : memref<100x128xf32, #tpu.memory_space<vmem>>, vector<1x16xf32>,
      %get3A_2722 = vector.shape_cast %get3A_2721 : vector<1x16xf32> to vector<16xf32>
      %add3A_2723 = arith.addf %add3A_2699, %get3A_2722 : vector<16xf32>
      %get3A_2724 = arith.constant 9 : i32
      %get3A_2725 = arith.index_cast %get3A_2724 : i32 to index
      %get3A_2726 = arith.constant 48 : index
      %get3A_2727 = tpu.vector_load %arg7[%get3A_2725, %get3A_2726] {strides = array<i32>} : memref<100x128xf32, #tpu.memory_space<vmem>>, vector<1x16xf32>,
      %get3A_2728 = vector.shape_cast %get3A_2727 : vector<1x16xf32> to vector<16xf32>
      %add3A_2729 = arith.addf %add3A_2705, %get3A_2728 : vector<16xf32>
      %get3A_2730 = arith.constant 10 : i32
      %get3A_2731 = arith.index_cast %get3A_2730 : i32 to index
      %get3A_2732 = arith.constant 0 : index
      %get3A_2733 = tpu.vector_load %arg7[%get3A_2731, %get3A_2732] {strides = array<i32>} : memref<100x128xf32, #tpu.memory_space<vmem>>, vector<1x16xf32>,
      %get3A_2734 = vector.shape_cast %get3A_2733 : vector<1x16xf32> to vector<16xf32>
      %add3A_2735 = arith.addf %add3A_2711, %get3A_2734 : vector<16xf32>
      %get3A_2736 = arith.constant 10 : i32
      %get3A_2737 = arith.index_cast %get3A_2736 : i32 to index
      %get3A_2738 = arith.constant 16 : index
      %get3A_2739 = tpu.vector_load %arg7[%get3A_2737, %get3A_2738] {strides = array<i32>} : memref<100x128xf32, #tpu.memory_space<vmem>>, vector<1x16xf32>,
      %get3A_2740 = vector.shape_cast %get3A_2739 : vector<1x16xf32> to vector<16xf32>
      %add3A_2741 = arith.addf %add3A_2717, %get3A_2740 : vector<16xf32>
      %get3A_2742 = arith.constant 10 : i32
      %get3A_2743 = arith.index_cast %get3A_2742 : i32 to index
      %get3A_2744 = arith.constant 32 : index
      %get3A_2745 = tpu.vector_load %arg7[%get3A_2743, %get3A_2744] {strides = array<i32>} : memref<100x128xf32, #tpu.memory_space<vmem>>, vector<1x16xf32>,
      %get3A_2746 = vector.shape_cast %get3A_2745 : vector<1x16xf32> to vector<16xf32>
      %add3A_2747 = arith.addf %add3A_2723, %get3A_2746 : vector<16xf32>
      %get3A_2748 = arith.constant 10 : i32
      %get3A_2749 = arith.index_cast %get3A_2748 : i32 to index
      %get3A_2750 = arith.constant 48 : index
      %get3A_2751 = tpu.vector_load %arg7[%get3A_2749, %get3A_2750] {strides = array<i32>} : memref<100x128xf32, #tpu.memory_space<vmem>>, vector<1x16xf32>,
      %get3A_2752 = vector.shape_cast %get3A_2751 : vector<1x16xf32> to vector<16xf32>
      %add3A_2753 = arith.addf %add3A_2729, %get3A_2752 : vector<16xf32>
      %get3A_2754 = arith.constant 11 : i32
      %get3A_2755 = arith.index_cast %get3A_2754 : i32 to index
      %get3A_2756 = arith.constant 0 : index
      %get3A_2757 = tpu.vector_load %arg7[%get3A_2755, %get3A_2756] {strides = array<i32>} : memref<100x128xf32, #tpu.memory_space<vmem>>, vector<1x16xf32>,
      %get3A_2758 = vector.shape_cast %get3A_2757 : vector<1x16xf32> to vector<16xf32>
      %add3A_2759 = arith.addf %add3A_2735, %get3A_2758 : vector<16xf32>
      %get3A_2760 = arith.constant 11 : i32
      %get3A_2761 = arith.index_cast %get3A_2760 : i32 to index
      %get3A_2762 = arith.constant 16 : index
      %get3A_2763 = tpu.vector_load %arg7[%get3A_2761, %get3A_2762] {strides = array<i32>} : memref<100x128xf32, #tpu.memory_space<vmem>>, vector<1x16xf32>,
      %get3A_2764 = vector.shape_cast %get3A_2763 : vector<1x16xf32> to vector<16xf32>
      %add3A_2765 = arith.addf %add3A_2741, %get3A_2764 : vector<16xf32>
      %get3A_2766 = arith.constant 11 : i32
      %get3A_2767 = arith.index_cast %get3A_2766 : i32 to index
      %get3A_2768 = arith.constant 32 : index
      %get3A_2769 = tpu.vector_load %arg7[%get3A_2767, %get3A_2768] {strides = array<i32>} : memref<100x128xf32, #tpu.memory_space<vmem>>, vector<1x16xf32>,
      %get3A_2770 = vector.shape_cast %get3A_2769 : vector<1x16xf32> to vector<16xf32>
      %add3A_2771 = arith.addf %add3A_2747, %get3A_2770 : vector<16xf32>
      %get3A_2772 = arith.constant 11 : i32
      %get3A_2773 = arith.index_cast %get3A_2772 : i32 to index
      %get3A_2774 = arith.constant 48 : index
      %get3A_2775 = tpu.vector_load %arg7[%get3A_2773, %get3A_2774] {strides = array<i32>} : memref<100x128xf32, #tpu.memory_space<vmem>>, vector<1x16xf32>,
      %get3A_2776 = vector.shape_cast %get3A_2775 : vector<1x16xf32> to vector<16xf32>
      %add3A_2777 = arith.addf %add3A_2753, %get3A_2776 : vector<16xf32>
      %get3A_2778 = arith.constant 12 : i32
      %get3A_2779 = arith.index_cast %get3A_2778 : i32 to index
      %get3A_2780 = arith.constant 0 : index
      %get3A_2781 = tpu.vector_load %arg7[%get3A_2779, %get3A_2780] {strides = array<i32>} : memref<100x128xf32, #tpu.memory_space<vmem>>, vector<1x16xf32>,
      %get3A_2782 = vector.shape_cast %get3A_2781 : vector<1x16xf32> to vector<16xf32>
      %add3A_2783 = arith.addf %add3A_2759, %get3A_2782 : vector<16xf32>
      %get3A_2784 = arith.constant 12 : i32
      %get3A_2785 = arith.index_cast %get3A_2784 : i32 to index
      %get3A_2786 = arith.constant 16 : index
      %get3A_2787 = tpu.vector_load %arg7[%get3A_2785, %get3A_2786] {strides = array<i32>} : memref<100x128xf32, #tpu.memory_space<vmem>>, vector<1x16xf32>,
      %get3A_2788 = vector.shape_cast %get3A_2787 : vector<1x16xf32> to vector<16xf32>
      %add3A_2789 = arith.addf %add3A_2765, %get3A_2788 : vector<16xf32>
      %get3A_2790 = arith.constant 12 : i32
      %get3A_2791 = arith.index_cast %get3A_2790 : i32 to index
      %get3A_2792 = arith.constant 32 : index
      %get3A_2793 = tpu.vector_load %arg7[%get3A_2791, %get3A_2792] {strides = array<i32>} : memref<100x128xf32, #tpu.memory_space<vmem>>, vector<1x16xf32>,
      %get3A_2794 = vector.shape_cast %get3A_2793 : vector<1x16xf32> to vector<16xf32>
      %add3A_2795 = arith.addf %add3A_2771, %get3A_2794 : vector<16xf32>
      %get3A_2796 = arith.constant 12 : i32
      %get3A_2797 = arith.index_cast %get3A_2796 : i32 to index
      %get3A_2798 = arith.constant 48 : index
      %get3A_2799 = tpu.vector_load %arg7[%get3A_2797, %get3A_2798] {strides = array<i32>} : memref<100x128xf32, #tpu.memory_space<vmem>>, vector<1x16xf32>,
      %get3A_2800 = vector.shape_cast %get3A_2799 : vector<1x16xf32> to vector<16xf32>
      %add3A_2801 = arith.addf %add3A_2777, %get3A_2800 : vector<16xf32>
      %get3A_2802 = arith.constant 13 : i32
      %get3A_2803 = arith.index_cast %get3A_2802 : i32 to index
      %get3A_2804 = arith.constant 0 : index
      %get3A_2805 = tpu.vector_load %arg7[%get3A_2803, %get3A_2804] {strides = array<i32>} : memref<100x128xf32, #tpu.memory_space<vmem>>, vector<1x16xf32>,
      %get3A_2806 = vector.shape_cast %get3A_2805 : vector<1x16xf32> to vector<16xf32>
      %add3A_2807 = arith.addf %add3A_2783, %get3A_2806 : vector<16xf32>
      %get3A_2808 = arith.constant 13 : i32
      %get3A_2809 = arith.index_cast %get3A_2808 : i32 to index
      %get3A_2810 = arith.constant 16 : index
      %get3A_2811 = tpu.vector_load %arg7[%get3A_2809, %get3A_2810] {strides = array<i32>} : memref<100x128xf32, #tpu.memory_space<vmem>>, vector<1x16xf32>,
      %get3A_2812 = vector.shape_cast %get3A_2811 : vector<1x16xf32> to vector<16xf32>
      %add3A_2813 = arith.addf %add3A_2789, %get3A_2812 : vector<16xf32>
      %get3A_2814 = arith.constant 13 : i32
      %get3A_2815 = arith.index_cast %get3A_2814 : i32 to index
      %get3A_2816 = arith.constant 32 : index
      %get3A_2817 = tpu.vector_load %arg7[%get3A_2815, %get3A_2816] {strides = array<i32>} : memref<100x128xf32, #tpu.memory_space<vmem>>, vector<1x16xf32>,
      %get3A_2818 = vector.shape_cast %get3A_2817 : vector<1x16xf32> to vector<16xf32>
      %add3A_2819 = arith.addf %add3A_2795, %get3A_2818 : vector<16xf32>
      %get3A_2820 = arith.constant 13 : i32
      %get3A_2821 = arith.index_cast %get3A_2820 : i32 to index
      %get3A_2822 = arith.constant 48 : index
      %get3A_2823 = tpu.vector_load %arg7[%get3A_2821, %get3A_2822] {strides = array<i32>} : memref<100x128xf32, #tpu.memory_space<vmem>>, vector<1x16xf32>,
      %get3A_2824 = vector.shape_cast %get3A_2823 : vector<1x16xf32> to vector<16xf32>
      %add3A_2825 = arith.addf %add3A_2801, %get3A_2824 : vector<16xf32>
      %get3A_2826 = arith.constant 14 : i32
      %get3A_2827 = arith.index_cast %get3A_2826 : i32 to index
      %get3A_2828 = arith.constant 0 : index
      %get3A_2829 = tpu.vector_load %arg7[%get3A_2827, %get3A_2828] {strides = array<i32>} : memref<100x128xf32, #tpu.memory_space<vmem>>, vector<1x16xf32>,
      %get3A_2830 = vector.shape_cast %get3A_2829 : vector<1x16xf32> to vector<16xf32>
      %add3A_2831 = arith.addf %add3A_2807, %get3A_2830 : vector<16xf32>
      %get3A_2832 = arith.constant 14 : i32
      %get3A_2833 = arith.index_cast %get3A_2832 : i32 to index
      %get3A_2834 = arith.constant 16 : index
      %get3A_2835 = tpu.vector_load %arg7[%get3A_2833, %get3A_2834] {strides = array<i32>} : memref<100x128xf32, #tpu.memory_space<vmem>>, vector<1x16xf32>,
      %get3A_2836 = vector.shape_cast %get3A_2835 : vector<1x16xf32> to vector<16xf32>
      %add3A_2837 = arith.addf %add3A_2813, %get3A_2836 : vector<16xf32>
      %get3A_2838 = arith.constant 14 : i32
      %get3A_2839 = arith.index_cast %get3A_2838 : i32 to index
      %get3A_2840 = arith.constant 32 : index
      %get3A_2841 = tpu.vector_load %arg7[%get3A_2839, %get3A_2840] {strides = array<i32>} : memref<100x128xf32, #tpu.memory_space<vmem>>, vector<1x16xf32>,
      %get3A_2842 = vector.shape_cast %get3A_2841 : vector<1x16xf32> to vector<16xf32>
      %add3A_2843 = arith.addf %add3A_2819, %get3A_2842 : vector<16xf32>
      %get3A_2844 = arith.constant 14 : i32
      %get3A_2845 = arith.index_cast %get3A_2844 : i32 to index
      %get3A_2846 = arith.constant 48 : index
      %get3A_2847 = tpu.vector_load %arg7[%get3A_2845, %get3A_2846] {strides = array<i32>} : memref<100x128xf32, #tpu.memory_space<vmem>>, vector<1x16xf32>,
      %get3A_2848 = vector.shape_cast %get3A_2847 : vector<1x16xf32> to vector<16xf32>
      %add3A_2849 = arith.addf %add3A_2825, %get3A_2848 : vector<16xf32>
      %get3A_2850 = arith.constant 15 : i32
      %get3A_2851 = arith.index_cast %get3A_2850 : i32 to index
      %get3A_2852 = arith.constant 0 : index
      %get3A_2853 = tpu.vector_load %arg7[%get3A_2851, %get3A_2852] {strides = array<i32>} : memref<100x128xf32, #tpu.memory_space<vmem>>, vector<1x16xf32>,
      %get3A_2854 = vector.shape_cast %get3A_2853 : vector<1x16xf32> to vector<16xf32>
      %add3A_2855 = arith.addf %add3A_2831, %get3A_2854 : vector<16xf32>
      %get3A_2856 = arith.constant 15 : i32
      %get3A_2857 = arith.index_cast %get3A_2856 : i32 to index
      %get3A_2858 = arith.constant 16 : index
      %get3A_2859 = tpu.vector_load %arg7[%get3A_2857, %get3A_2858] {strides = array<i32>} : memref<100x128xf32, #tpu.memory_space<vmem>>, vector<1x16xf32>,
      %get3A_2860 = vector.shape_cast %get3A_2859 : vector<1x16xf32> to vector<16xf32>
      %add3A_2861 = arith.addf %add3A_2837, %get3A_2860 : vector<16xf32>
      %get3A_2862 = arith.constant 15 : i32
      %get3A_2863 = arith.index_cast %get3A_2862 : i32 to index
      %get3A_2864 = arith.constant 32 : index
      %get3A_2865 = tpu.vector_load %arg7[%get3A_2863, %get3A_2864] {strides = array<i32>} : memref<100x128xf32, #tpu.memory_space<vmem>>, vector<1x16xf32>,
      %get3A_2866 = vector.shape_cast %get3A_2865 : vector<1x16xf32> to vector<16xf32>
      %add3A_2867 = arith.addf %add3A_2843, %get3A_2866 : vector<16xf32>
      %get3A_2868 = arith.constant 15 : i32
      %get3A_2869 = arith.index_cast %get3A_2868 : i32 to index
      %get3A_2870 = arith.constant 48 : index
      %get3A_2871 = tpu.vector_load %arg7[%get3A_2869, %get3A_2870] {strides = array<i32>} : memref<100x128xf32, #tpu.memory_space<vmem>>, vector<1x16xf32>,
      %get3A_2872 = vector.shape_cast %get3A_2871 : vector<1x16xf32> to vector<16xf32>
      %add3A_2873 = arith.addf %add3A_2849, %get3A_2872 : vector<16xf32>
      %get3A_2874 = arith.constant 16 : i32
      %get3A_2875 = arith.index_cast %get3A_2874 : i32 to index
      %get3A_2876 = arith.constant 0 : index
      %get3A_2877 = tpu.vector_load %arg7[%get3A_2875, %get3A_2876] {strides = array<i32>} : memref<100x128xf32, #tpu.memory_space<vmem>>, vector<1x16xf32>,
      %get3A_2878 = vector.shape_cast %get3A_2877 : vector<1x16xf32> to vector<16xf32>
      %add3A_2879 = arith.addf %add3A_2855, %get3A_2878 : vector<16xf32>
      %get3A_2880 = arith.constant 16 : i32
      %get3A_2881 = arith.index_cast %get3A_2880 : i32 to index
      %get3A_2882 = arith.constant 16 : index
      %get3A_2883 = tpu.vector_load %arg7[%get3A_2881, %get3A_2882] {strides = array<i32>} : memref<100x128xf32, #tpu.memory_space<vmem>>, vector<1x16xf32>,
      %get3A_2884 = vector.shape_cast %get3A_2883 : vector<1x16xf32> to vector<16xf32>
      %add3A_2885 = arith.addf %add3A_2861, %get3A_2884 : vector<16xf32>
      %get3A_2886 = arith.constant 16 : i32
      %get3A_2887 = arith.index_cast %get3A_2886 : i32 to index
      %get3A_2888 = arith.constant 32 : index
      %get3A_2889 = tpu.vector_load %arg7[%get3A_2887, %get3A_2888] {strides = array<i32>} : memref<100x128xf32, #tpu.memory_space<vmem>>, vector<1x16xf32>,
      %get3A_2890 = vector.shape_cast %get3A_2889 : vector<1x16xf32> to vector<16xf32>
      %add3A_2891 = arith.addf %add3A_2867, %get3A_2890 : vector<16xf32>
      %get3A_2892 = arith.constant 16 : i32
      %get3A_2893 = arith.index_cast %get3A_2892 : i32 to index
      %get3A_2894 = arith.constant 48 : index
      %get3A_2895 = tpu.vector_load %arg7[%get3A_2893, %get3A_2894] {strides = array<i32>} : memref<100x128xf32, #tpu.memory_space<vmem>>, vector<1x16xf32>,
      %get3A_2896 = vector.shape_cast %get3A_2895 : vector<1x16xf32> to vector<16xf32>
      %add3A_2897 = arith.addf %add3A_2873, %get3A_2896 : vector<16xf32>
      %get3A_2898 = arith.constant 17 : i32
      %get3A_2899 = arith.index_cast %get3A_2898 : i32 to index
      %get3A_2900 = arith.constant 0 : index
      %get3A_2901 = tpu.vector_load %arg7[%get3A_2899, %get3A_2900] {strides = array<i32>} : memref<100x128xf32, #tpu.memory_space<vmem>>, vector<1x16xf32>,
      %get3A_2902 = vector.shape_cast %get3A_2901 : vector<1x16xf32> to vector<16xf32>
      %add3A_2903 = arith.addf %add3A_2879, %get3A_2902 : vector<16xf32>
      %get3A_2904 = arith.constant 17 : i32
      %get3A_2905 = arith.index_cast %get3A_2904 : i32 to index
      %get3A_2906 = arith.constant 16 : index
      %get3A_2907 = tpu.vector_load %arg7[%get3A_2905, %get3A_2906] {strides = array<i32>} : memref<100x128xf32, #tpu.memory_space<vmem>>, vector<1x16xf32>,
      %get3A_2908 = vector.shape_cast %get3A_2907 : vector<1x16xf32> to vector<16xf32>
      %add3A_2909 = arith.addf %add3A_2885, %get3A_2908 : vector<16xf32>
      %get3A_2910 = arith.constant 17 : i32
      %get3A_2911 = arith.index_cast %get3A_2910 : i32 to index
      %get3A_2912 = arith.constant 32 : index
      %get3A_2913 = tpu.vector_load %arg7[%get3A_2911, %get3A_2912] {strides = array<i32>} : memref<100x128xf32, #tpu.memory_space<vmem>>, vector<1x16xf32>,
      %get3A_2914 = vector.shape_cast %get3A_2913 : vector<1x16xf32> to vector<16xf32>
      %add3A_2915 = arith.addf %add3A_2891, %get3A_2914 : vector<16xf32>
      %get3A_2916 = arith.constant 17 : i32
      %get3A_2917 = arith.index_cast %get3A_2916 : i32 to index
      %get3A_2918 = arith.constant 48 : index
      %get3A_2919 = tpu.vector_load %arg7[%get3A_2917, %get3A_2918] {strides = array<i32>} : memref<100x128xf32, #tpu.memory_space<vmem>>, vector<1x16xf32>,
      %get3A_2920 = vector.shape_cast %get3A_2919 : vector<1x16xf32> to vector<16xf32>
      %add3A_2921 = arith.addf %add3A_2897, %get3A_2920 : vector<16xf32>
      %get3A_2922 = arith.constant 18 : i32
      %get3A_2923 = arith.index_cast %get3A_2922 : i32 to index
      %get3A_2924 = arith.constant 0 : index
      %get3A_2925 = tpu.vector_load %arg7[%get3A_2923, %get3A_2924] {strides = array<i32>} : memref<100x128xf32, #tpu.memory_space<vmem>>, vector<1x16xf32>,
      %get3A_2926 = vector.shape_cast %get3A_2925 : vector<1x16xf32> to vector<16xf32>
      %add3A_2927 = arith.addf %add3A_2903, %get3A_2926 : vector<16xf32>
      %get3A_2928 = arith.constant 18 : i32
      %get3A_2929 = arith.index_cast %get3A_2928 : i32 to index
      %get3A_2930 = arith.constant 16 : index
      %get3A_2931 = tpu.vector_load %arg7[%get3A_2929, %get3A_2930] {strides = array<i32>} : memref<100x128xf32, #tpu.memory_space<vmem>>, vector<1x16xf32>,
      %get3A_2932 = vector.shape_cast %get3A_2931 : vector<1x16xf32> to vector<16xf32>
      %add3A_2933 = arith.addf %add3A_2909, %get3A_2932 : vector<16xf32>
      %get3A_2934 = arith.constant 18 : i32
      %get3A_2935 = arith.index_cast %get3A_2934 : i32 to index
      %get3A_2936 = arith.constant 32 : index
      %get3A_2937 = tpu.vector_load %arg7[%get3A_2935, %get3A_2936] {strides = array<i32>} : memref<100x128xf32, #tpu.memory_space<vmem>>, vector<1x16xf32>,
      %get3A_2938 = vector.shape_cast %get3A_2937 : vector<1x16xf32> to vector<16xf32>
      %add3A_2939 = arith.addf %add3A_2915, %get3A_2938 : vector<16xf32>
      %get3A_2940 = arith.constant 18 : i32
      %get3A_2941 = arith.index_cast %get3A_2940 : i32 to index
      %get3A_2942 = arith.constant 48 : index
      %get3A_2943 = tpu.vector_load %arg7[%get3A_2941, %get3A_2942] {strides = array<i32>} : memref<100x128xf32, #tpu.memory_space<vmem>>, vector<1x16xf32>,
      %get3A_2944 = vector.shape_cast %get3A_2943 : vector<1x16xf32> to vector<16xf32>
      %add3A_2945 = arith.addf %add3A_2921, %get3A_2944 : vector<16xf32>
      %get3A_2946 = arith.constant 19 : i32
      %get3A_2947 = arith.index_cast %get3A_2946 : i32 to index
      %get3A_2948 = arith.constant 0 : index
      %get3A_2949 = tpu.vector_load %arg7[%get3A_2947, %get3A_2948] {strides = array<i32>} : memref<100x128xf32, #tpu.memory_space<vmem>>, vector<1x16xf32>,
      %get3A_2950 = vector.shape_cast %get3A_2949 : vector<1x16xf32> to vector<16xf32>
      %add3A_2951 = arith.addf %add3A_2927, %get3A_2950 : vector<16xf32>
      %get3A_2952 = arith.constant 19 : i32
      %get3A_2953 = arith.index_cast %get3A_2952 : i32 to index
      %get3A_2954 = arith.constant 16 : index
      %get3A_2955 = tpu.vector_load %arg7[%get3A_2953, %get3A_2954] {strides = array<i32>} : memref<100x128xf32, #tpu.memory_space<vmem>>, vector<1x16xf32>,
      %get3A_2956 = vector.shape_cast %get3A_2955 : vector<1x16xf32> to vector<16xf32>
      %add3A_2957 = arith.addf %add3A_2933, %get3A_2956 : vector<16xf32>
      %get3A_2958 = arith.constant 19 : i32
      %get3A_2959 = arith.index_cast %get3A_2958 : i32 to index
      %get3A_2960 = arith.constant 32 : index
      %get3A_2961 = tpu.vector_load %arg7[%get3A_2959, %get3A_2960] {strides = array<i32>} : memref<100x128xf32, #tpu.memory_space<vmem>>, vector<1x16xf32>,
      %get3A_2962 = vector.shape_cast %get3A_2961 : vector<1x16xf32> to vector<16xf32>
      %add3A_2963 = arith.addf %add3A_2939, %get3A_2962 : vector<16xf32>
      %get3A_2964 = arith.constant 19 : i32
      %get3A_2965 = arith.index_cast %get3A_2964 : i32 to index
      %get3A_2966 = arith.constant 48 : index
      %get3A_2967 = tpu.vector_load %arg7[%get3A_2965, %get3A_2966] {strides = array<i32>} : memref<100x128xf32, #tpu.memory_space<vmem>>, vector<1x16xf32>,
      %get3A_2968 = vector.shape_cast %get3A_2967 : vector<1x16xf32> to vector<16xf32>
      %add3A_2969 = arith.addf %add3A_2945, %get3A_2968 : vector<16xf32>
      %get3A_2970 = arith.constant 20 : i32
      %get3A_2971 = arith.index_cast %get3A_2970 : i32 to index
      %get3A_2972 = arith.constant 0 : index
      %get3A_2973 = tpu.vector_load %arg7[%get3A_2971, %get3A_2972] {strides = array<i32>} : memref<100x128xf32, #tpu.memory_space<vmem>>, vector<1x16xf32>,
      %get3A_2974 = vector.shape_cast %get3A_2973 : vector<1x16xf32> to vector<16xf32>
      %add3A_2975 = arith.addf %add3A_2951, %get3A_2974 : vector<16xf32>
      %get3A_2976 = arith.constant 20 : i32
      %get3A_2977 = arith.index_cast %get3A_2976 : i32 to index
      %get3A_2978 = arith.constant 16 : index
      %get3A_2979 = tpu.vector_load %arg7[%get3A_2977, %get3A_2978] {strides = array<i32>} : memref<100x128xf32, #tpu.memory_space<vmem>>, vector<1x16xf32>,
      %get3A_2980 = vector.shape_cast %get3A_2979 : vector<1x16xf32> to vector<16xf32>
      %add3A_2981 = arith.addf %add3A_2957, %get3A_2980 : vector<16xf32>
      %get3A_2982 = arith.constant 20 : i32
      %get3A_2983 = arith.index_cast %get3A_2982 : i32 to index
      %get3A_2984 = arith.constant 32 : index
      %get3A_2985 = tpu.vector_load %arg7[%get3A_2983, %get3A_2984] {strides = array<i32>} : memref<100x128xf32, #tpu.memory_space<vmem>>, vector<1x16xf32>,
      %get3A_2986 = vector.shape_cast %get3A_2985 : vector<1x16xf32> to vector<16xf32>
      %add3A_2987 = arith.addf %add3A_2963, %get3A_2986 : vector<16xf32>
      %get3A_2988 = arith.constant 20 : i32
      %get3A_2989 = arith.index_cast %get3A_2988 : i32 to index
      %get3A_2990 = arith.constant 48 : index
      %get3A_2991 = tpu.vector_load %arg7[%get3A_2989, %get3A_2990] {strides = array<i32>} : memref<100x128xf32, #tpu.memory_space<vmem>>, vector<1x16xf32>,
      %get3A_2992 = vector.shape_cast %get3A_2991 : vector<1x16xf32> to vector<16xf32>
      %add3A_2993 = arith.addf %add3A_2969, %get3A_2992 : vector<16xf32>
      %get3A_2994 = arith.constant 21 : i32
      %get3A_2995 = arith.index_cast %get3A_2994 : i32 to index
      %get3A_2996 = arith.constant 0 : index
      %get3A_2997 = tpu.vector_load %arg7[%get3A_2995, %get3A_2996] {strides = array<i32>} : memref<100x128xf32, #tpu.memory_space<vmem>>, vector<1x16xf32>,
      %get3A_2998 = vector.shape_cast %get3A_2997 : vector<1x16xf32> to vector<16xf32>
      %add3A_2999 = arith.addf %add3A_2975, %get3A_2998 : vector<16xf32>
      %get3A_3000 = arith.constant 21 : i32
      %get3A_3001 = arith.index_cast %get3A_3000 : i32 to index
      %get3A_3002 = arith.constant 16 : index
      %get3A_3003 = tpu.vector_load %arg7[%get3A_3001, %get3A_3002] {strides = array<i32>} : memref<100x128xf32, #tpu.memory_space<vmem>>, vector<1x16xf32>,
      %get3A_3004 = vector.shape_cast %get3A_3003 : vector<1x16xf32> to vector<16xf32>
      %add3A_3005 = arith.addf %add3A_2981, %get3A_3004 : vector<16xf32>
      %get3A_3006 = arith.constant 21 : i32
      %get3A_3007 = arith.index_cast %get3A_3006 : i32 to index
      %get3A_3008 = arith.constant 32 : index
      %get3A_3009 = tpu.vector_load %arg7[%get3A_3007, %get3A_3008] {strides = array<i32>} : memref<100x128xf32, #tpu.memory_space<vmem>>, vector<1x16xf32>,
      %get3A_3010 = vector.shape_cast %get3A_3009 : vector<1x16xf32> to vector<16xf32>
      %add3A_3011 = arith.addf %add3A_2987, %get3A_3010 : vector<16xf32>
      %get3A_3012 = arith.constant 21 : i32
      %get3A_3013 = arith.index_cast %get3A_3012 : i32 to index
      %get3A_3014 = arith.constant 48 : index
      %get3A_3015 = tpu.vector_load %arg7[%get3A_3013, %get3A_3014] {strides = array<i32>} : memref<100x128xf32, #tpu.memory_space<vmem>>, vector<1x16xf32>,
      %get3A_3016 = vector.shape_cast %get3A_3015 : vector<1x16xf32> to vector<16xf32>
      %add3A_3017 = arith.addf %add3A_2993, %get3A_3016 : vector<16xf32>
      %get3A_3018 = arith.constant 22 : i32
      %get3A_3019 = arith.index_cast %get3A_3018 : i32 to index
      %get3A_3020 = arith.constant 0 : index
      %get3A_3021 = tpu.vector_load %arg7[%get3A_3019, %get3A_3020] {strides = array<i32>} : memref<100x128xf32, #tpu.memory_space<vmem>>, vector<1x16xf32>,
      %get3A_3022 = vector.shape_cast %get3A_3021 : vector<1x16xf32> to vector<16xf32>
      %add3A_3023 = arith.addf %add3A_2999, %get3A_3022 : vector<16xf32>
      %get3A_3024 = arith.constant 22 : i32
      %get3A_3025 = arith.index_cast %get3A_3024 : i32 to index
      %get3A_3026 = arith.constant 16 : index
      %get3A_3027 = tpu.vector_load %arg7[%get3A_3025, %get3A_3026] {strides = array<i32>} : memref<100x128xf32, #tpu.memory_space<vmem>>, vector<1x16xf32>,
      %get3A_3028 = vector.shape_cast %get3A_3027 : vector<1x16xf32> to vector<16xf32>
      %add3A_3029 = arith.addf %add3A_3005, %get3A_3028 : vector<16xf32>
      %get3A_3030 = arith.constant 22 : i32
      %get3A_3031 = arith.index_cast %get3A_3030 : i32 to index
      %get3A_3032 = arith.constant 32 : index
      %get3A_3033 = tpu.vector_load %arg7[%get3A_3031, %get3A_3032] {strides = array<i32>} : memref<100x128xf32, #tpu.memory_space<vmem>>, vector<1x16xf32>,
      %get3A_3034 = vector.shape_cast %get3A_3033 : vector<1x16xf32> to vector<16xf32>
      %add3A_3035 = arith.addf %add3A_3011, %get3A_3034 : vector<16xf32>
      %get3A_3036 = arith.constant 22 : i32
      %get3A_3037 = arith.index_cast %get3A_3036 : i32 to index
      %get3A_3038 = arith.constant 48 : index
      %get3A_3039 = tpu.vector_load %arg7[%get3A_3037, %get3A_3038] {strides = array<i32>} : memref<100x128xf32, #tpu.memory_space<vmem>>, vector<1x16xf32>,
      %get3A_3040 = vector.shape_cast %get3A_3039 : vector<1x16xf32> to vector<16xf32>
      %add3A_3041 = arith.addf %add3A_3017, %get3A_3040 : vector<16xf32>
      %get3A_3042 = arith.constant 23 : i32
      %get3A_3043 = arith.index_cast %get3A_3042 : i32 to index
      %get3A_3044 = arith.constant 0 : index
      %get3A_3045 = tpu.vector_load %arg7[%get3A_3043, %get3A_3044] {strides = array<i32>} : memref<100x128xf32, #tpu.memory_space<vmem>>, vector<1x16xf32>,
      %get3A_3046 = vector.shape_cast %get3A_3045 : vector<1x16xf32> to vector<16xf32>
      %add3A_3047 = arith.addf %add3A_3023, %get3A_3046 : vector<16xf32>
      %get3A_3048 = arith.constant 23 : i32
      %get3A_3049 = arith.index_cast %get3A_3048 : i32 to index
      %get3A_3050 = arith.constant 16 : index
      %get3A_3051 = tpu.vector_load %arg7[%get3A_3049, %get3A_3050] {strides = array<i32>} : memref<100x128xf32, #tpu.memory_space<vmem>>, vector<1x16xf32>,
      %get3A_3052 = vector.shape_cast %get3A_3051 : vector<1x16xf32> to vector<16xf32>
      %add3A_3053 = arith.addf %add3A_3029, %get3A_3052 : vector<16xf32>
      %get3A_3054 = arith.constant 23 : i32
      %get3A_3055 = arith.index_cast %get3A_3054 : i32 to index
      %get3A_3056 = arith.constant 32 : index
      %get3A_3057 = tpu.vector_load %arg7[%get3A_3055, %get3A_3056] {strides = array<i32>} : memref<100x128xf32, #tpu.memory_space<vmem>>, vector<1x16xf32>,
      %get3A_3058 = vector.shape_cast %get3A_3057 : vector<1x16xf32> to vector<16xf32>
      %add3A_3059 = arith.addf %add3A_3035, %get3A_3058 : vector<16xf32>
      %get3A_3060 = arith.constant 23 : i32
      %get3A_3061 = arith.index_cast %get3A_3060 : i32 to index
      %get3A_3062 = arith.constant 48 : index
      %get3A_3063 = tpu.vector_load %arg7[%get3A_3061, %get3A_3062] {strides = array<i32>} : memref<100x128xf32, #tpu.memory_space<vmem>>, vector<1x16xf32>,
      %get3A_3064 = vector.shape_cast %get3A_3063 : vector<1x16xf32> to vector<16xf32>
      %add3A_3065 = arith.addf %add3A_3041, %get3A_3064 : vector<16xf32>
      %get3A_3066 = arith.constant 24 : i32
      %get3A_3067 = arith.index_cast %get3A_3066 : i32 to index
      %get3A_3068 = arith.constant 0 : index
      %get3A_3069 = tpu.vector_load %arg7[%get3A_3067, %get3A_3068] {strides = array<i32>} : memref<100x128xf32, #tpu.memory_space<vmem>>, vector<1x16xf32>,
      %get3A_3070 = vector.shape_cast %get3A_3069 : vector<1x16xf32> to vector<16xf32>
      %add3A_3071 = arith.addf %add3A_3047, %get3A_3070 : vector<16xf32>
      %get3A_3072 = arith.constant 24 : i32
      %get3A_3073 = arith.index_cast %get3A_3072 : i32 to index
      %get3A_3074 = arith.constant 16 : index
      %get3A_3075 = tpu.vector_load %arg7[%get3A_3073, %get3A_3074] {strides = array<i32>} : memref<100x128xf32, #tpu.memory_space<vmem>>, vector<1x16xf32>,
      %get3A_3076 = vector.shape_cast %get3A_3075 : vector<1x16xf32> to vector<16xf32>
      %add3A_3077 = arith.addf %add3A_3053, %get3A_3076 : vector<16xf32>
      %get3A_3078 = arith.constant 24 : i32
      %get3A_3079 = arith.index_cast %get3A_3078 : i32 to index
      %get3A_3080 = arith.constant 32 : index
      %get3A_3081 = tpu.vector_load %arg7[%get3A_3079, %get3A_3080] {strides = array<i32>} : memref<100x128xf32, #tpu.memory_space<vmem>>, vector<1x16xf32>,
      %get3A_3082 = vector.shape_cast %get3A_3081 : vector<1x16xf32> to vector<16xf32>
      %add3A_3083 = arith.addf %add3A_3059, %get3A_3082 : vector<16xf32>
      %get3A_3084 = arith.constant 24 : i32
      %get3A_3085 = arith.index_cast %get3A_3084 : i32 to index
      %get3A_3086 = arith.constant 48 : index
      %get3A_3087 = tpu.vector_load %arg7[%get3A_3085, %get3A_3086] {strides = array<i32>} : memref<100x128xf32, #tpu.memory_space<vmem>>, vector<1x16xf32>,
      %get3A_3088 = vector.shape_cast %get3A_3087 : vector<1x16xf32> to vector<16xf32>
      %add3A_3089 = arith.addf %add3A_3065, %get3A_3088 : vector<16xf32>
      %get3A_3090 = arith.constant 25 : i32
      %get3A_3091 = arith.index_cast %get3A_3090 : i32 to index
      %get3A_3092 = arith.constant 0 : index
      %get3A_3093 = tpu.vector_load %arg7[%get3A_3091, %get3A_3092] {strides = array<i32>} : memref<100x128xf32, #tpu.memory_space<vmem>>, vector<1x16xf32>,
      %get3A_3094 = vector.shape_cast %get3A_3093 : vector<1x16xf32> to vector<16xf32>
      %add3A_3095 = arith.addf %add3A_3071, %get3A_3094 : vector<16xf32>
      %get3A_3096 = arith.constant 25 : i32
      %get3A_3097 = arith.index_cast %get3A_3096 : i32 to index
      %get3A_3098 = arith.constant 16 : index
      %get3A_3099 = tpu.vector_load %arg7[%get3A_3097, %get3A_3098] {strides = array<i32>} : memref<100x128xf32, #tpu.memory_space<vmem>>, vector<1x16xf32>,
      %get3A_3100 = vector.shape_cast %get3A_3099 : vector<1x16xf32> to vector<16xf32>
      %add3A_3101 = arith.addf %add3A_3077, %get3A_3100 : vector<16xf32>
      %get3A_3102 = arith.constant 25 : i32
      %get3A_3103 = arith.index_cast %get3A_3102 : i32 to index
      %get3A_3104 = arith.constant 32 : index
      %get3A_3105 = tpu.vector_load %arg7[%get3A_3103, %get3A_3104] {strides = array<i32>} : memref<100x128xf32, #tpu.memory_space<vmem>>, vector<1x16xf32>,
      %get3A_3106 = vector.shape_cast %get3A_3105 : vector<1x16xf32> to vector<16xf32>
      %add3A_3107 = arith.addf %add3A_3083, %get3A_3106 : vector<16xf32>
      %get3A_3108 = arith.constant 25 : i32
      %get3A_3109 = arith.index_cast %get3A_3108 : i32 to index
      %get3A_3110 = arith.constant 48 : index
      %get3A_3111 = tpu.vector_load %arg7[%get3A_3109, %get3A_3110] {strides = array<i32>} : memref<100x128xf32, #tpu.memory_space<vmem>>, vector<1x16xf32>,
      %get3A_3112 = vector.shape_cast %get3A_3111 : vector<1x16xf32> to vector<16xf32>
      %add3A_3113 = arith.addf %add3A_3089, %get3A_3112 : vector<16xf32>
      %get3A_3114 = arith.constant 26 : i32
      %get3A_3115 = arith.index_cast %get3A_3114 : i32 to index
      %get3A_3116 = arith.constant 0 : index
      %get3A_3117 = tpu.vector_load %arg7[%get3A_3115, %get3A_3116] {strides = array<i32>} : memref<100x128xf32, #tpu.memory_space<vmem>>, vector<1x16xf32>,
      %get3A_3118 = vector.shape_cast %get3A_3117 : vector<1x16xf32> to vector<16xf32>
      %add3A_3119 = arith.addf %add3A_3095, %get3A_3118 : vector<16xf32>
      %get3A_3120 = arith.constant 26 : i32
      %get3A_3121 = arith.index_cast %get3A_3120 : i32 to index
      %get3A_3122 = arith.constant 16 : index
      %get3A_3123 = tpu.vector_load %arg7[%get3A_3121, %get3A_3122] {strides = array<i32>} : memref<100x128xf32, #tpu.memory_space<vmem>>, vector<1x16xf32>,
      %get3A_3124 = vector.shape_cast %get3A_3123 : vector<1x16xf32> to vector<16xf32>
      %add3A_3125 = arith.addf %add3A_3101, %get3A_3124 : vector<16xf32>
      %get3A_3126 = arith.constant 26 : i32
      %get3A_3127 = arith.index_cast %get3A_3126 : i32 to index
      %get3A_3128 = arith.constant 32 : index
      %get3A_3129 = tpu.vector_load %arg7[%get3A_3127, %get3A_3128] {strides = array<i32>} : memref<100x128xf32, #tpu.memory_space<vmem>>, vector<1x16xf32>,
      %get3A_3130 = vector.shape_cast %get3A_3129 : vector<1x16xf32> to vector<16xf32>
      %add3A_3131 = arith.addf %add3A_3107, %get3A_3130 : vector<16xf32>
      %get3A_3132 = arith.constant 26 : i32
      %get3A_3133 = arith.index_cast %get3A_3132 : i32 to index
      %get3A_3134 = arith.constant 48 : index
      %get3A_3135 = tpu.vector_load %arg7[%get3A_3133, %get3A_3134] {strides = array<i32>} : memref<100x128xf32, #tpu.memory_space<vmem>>, vector<1x16xf32>,
      %get3A_3136 = vector.shape_cast %get3A_3135 : vector<1x16xf32> to vector<16xf32>
      %add3A_3137 = arith.addf %add3A_3113, %get3A_3136 : vector<16xf32>
      %get3A_3138 = arith.constant 27 : i32
      %get3A_3139 = arith.index_cast %get3A_3138 : i32 to index
      %get3A_3140 = arith.constant 0 : index
      %get3A_3141 = tpu.vector_load %arg7[%get3A_3139, %get3A_3140] {strides = array<i32>} : memref<100x128xf32, #tpu.memory_space<vmem>>, vector<1x16xf32>,
      %get3A_3142 = vector.shape_cast %get3A_3141 : vector<1x16xf32> to vector<16xf32>
      %add3A_3143 = arith.addf %add3A_3119, %get3A_3142 : vector<16xf32>
      %get3A_3144 = arith.constant 27 : i32
      %get3A_3145 = arith.index_cast %get3A_3144 : i32 to index
      %get3A_3146 = arith.constant 16 : index
      %get3A_3147 = tpu.vector_load %arg7[%get3A_3145, %get3A_3146] {strides = array<i32>} : memref<100x128xf32, #tpu.memory_space<vmem>>, vector<1x16xf32>,
      %get3A_3148 = vector.shape_cast %get3A_3147 : vector<1x16xf32> to vector<16xf32>
      %add3A_3149 = arith.addf %add3A_3125, %get3A_3148 : vector<16xf32>
      %get3A_3150 = arith.constant 27 : i32
      %get3A_3151 = arith.index_cast %get3A_3150 : i32 to index
      %get3A_3152 = arith.constant 32 : index
      %get3A_3153 = tpu.vector_load %arg7[%get3A_3151, %get3A_3152] {strides = array<i32>} : memref<100x128xf32, #tpu.memory_space<vmem>>, vector<1x16xf32>,
      %get3A_3154 = vector.shape_cast %get3A_3153 : vector<1x16xf32> to vector<16xf32>
      %add3A_3155 = arith.addf %add3A_3131, %get3A_3154 : vector<16xf32>
      %get3A_3156 = arith.constant 27 : i32
      %get3A_3157 = arith.index_cast %get3A_3156 : i32 to index
      %get3A_3158 = arith.constant 48 : index
      %get3A_3159 = tpu.vector_load %arg7[%get3A_3157, %get3A_3158] {strides = array<i32>} : memref<100x128xf32, #tpu.memory_space<vmem>>, vector<1x16xf32>,
      %get3A_3160 = vector.shape_cast %get3A_3159 : vector<1x16xf32> to vector<16xf32>
      %add3A_3161 = arith.addf %add3A_3137, %get3A_3160 : vector<16xf32>
      %get3A_3162 = arith.constant 28 : i32
      %get3A_3163 = arith.index_cast %get3A_3162 : i32 to index
      %get3A_3164 = arith.constant 0 : index
      %get3A_3165 = tpu.vector_load %arg7[%get3A_3163, %get3A_3164] {strides = array<i32>} : memref<100x128xf32, #tpu.memory_space<vmem>>, vector<1x16xf32>,
      %get3A_3166 = vector.shape_cast %get3A_3165 : vector<1x16xf32> to vector<16xf32>
      %add3A_3167 = arith.addf %add3A_3143, %get3A_3166 : vector<16xf32>
      %get3A_3168 = arith.constant 28 : i32
      %get3A_3169 = arith.index_cast %get3A_3168 : i32 to index
      %get3A_3170 = arith.constant 16 : index
      %get3A_3171 = tpu.vector_load %arg7[%get3A_3169, %get3A_3170] {strides = array<i32>} : memref<100x128xf32, #tpu.memory_space<vmem>>, vector<1x16xf32>,
      %get3A_3172 = vector.shape_cast %get3A_3171 : vector<1x16xf32> to vector<16xf32>
      %add3A_3173 = arith.addf %add3A_3149, %get3A_3172 : vector<16xf32>
      %get3A_3174 = arith.constant 28 : i32
      %get3A_3175 = arith.index_cast %get3A_3174 : i32 to index
      %get3A_3176 = arith.constant 32 : index
      %get3A_3177 = tpu.vector_load %arg7[%get3A_3175, %get3A_3176] {strides = array<i32>} : memref<100x128xf32, #tpu.memory_space<vmem>>, vector<1x16xf32>,
      %get3A_3178 = vector.shape_cast %get3A_3177 : vector<1x16xf32> to vector<16xf32>
      %add3A_3179 = arith.addf %add3A_3155, %get3A_3178 : vector<16xf32>
      %get3A_3180 = arith.constant 28 : i32
      %get3A_3181 = arith.index_cast %get3A_3180 : i32 to index
      %get3A_3182 = arith.constant 48 : index
      %get3A_3183 = tpu.vector_load %arg7[%get3A_3181, %get3A_3182] {strides = array<i32>} : memref<100x128xf32, #tpu.memory_space<vmem>>, vector<1x16xf32>,
      %get3A_3184 = vector.shape_cast %get3A_3183 : vector<1x16xf32> to vector<16xf32>
      %add3A_3185 = arith.addf %add3A_3161, %get3A_3184 : vector<16xf32>
      %get3A_3186 = arith.constant 29 : i32
      %get3A_3187 = arith.index_cast %get3A_3186 : i32 to index
      %get3A_3188 = arith.constant 0 : index
      %get3A_3189 = tpu.vector_load %arg7[%get3A_3187, %get3A_3188] {strides = array<i32>} : memref<100x128xf32, #tpu.memory_space<vmem>>, vector<1x16xf32>,
      %get3A_3190 = vector.shape_cast %get3A_3189 : vector<1x16xf32> to vector<16xf32>
      %add3A_3191 = arith.addf %add3A_3167, %get3A_3190 : vector<16xf32>
      %get3A_3192 = arith.constant 29 : i32
      %get3A_3193 = arith.index_cast %get3A_3192 : i32 to index
      %get3A_3194 = arith.constant 16 : index
      %get3A_3195 = tpu.vector_load %arg7[%get3A_3193, %get3A_3194] {strides = array<i32>} : memref<100x128xf32, #tpu.memory_space<vmem>>, vector<1x16xf32>,
      %get3A_3196 = vector.shape_cast %get3A_3195 : vector<1x16xf32> to vector<16xf32>
      %add3A_3197 = arith.addf %add3A_3173, %get3A_3196 : vector<16xf32>
      %get3A_3198 = arith.constant 29 : i32
      %get3A_3199 = arith.index_cast %get3A_3198 : i32 to index
      %get3A_3200 = arith.constant 32 : index
      %get3A_3201 = tpu.vector_load %arg7[%get3A_3199, %get3A_3200] {strides = array<i32>} : memref<100x128xf32, #tpu.memory_space<vmem>>, vector<1x16xf32>,
      %get3A_3202 = vector.shape_cast %get3A_3201 : vector<1x16xf32> to vector<16xf32>
      %add3A_3203 = arith.addf %add3A_3179, %get3A_3202 : vector<16xf32>
      %get3A_3204 = arith.constant 29 : i32
      %get3A_3205 = arith.index_cast %get3A_3204 : i32 to index
      %get3A_3206 = arith.constant 48 : index
      %get3A_3207 = tpu.vector_load %arg7[%get3A_3205, %get3A_3206] {strides = array<i32>} : memref<100x128xf32, #tpu.memory_space<vmem>>, vector<1x16xf32>,
      %get3A_3208 = vector.shape_cast %get3A_3207 : vector<1x16xf32> to vector<16xf32>
      %add3A_3209 = arith.addf %add3A_3185, %get3A_3208 : vector<16xf32>
      %get3A_3210 = arith.constant 30 : i32
      %get3A_3211 = arith.index_cast %get3A_3210 : i32 to index
      %get3A_3212 = arith.constant 0 : index
      %get3A_3213 = tpu.vector_load %arg7[%get3A_3211, %get3A_3212] {strides = array<i32>} : memref<100x128xf32, #tpu.memory_space<vmem>>, vector<1x16xf32>,
      %get3A_3214 = vector.shape_cast %get3A_3213 : vector<1x16xf32> to vector<16xf32>
      %add3A_3215 = arith.addf %add3A_3191, %get3A_3214 : vector<16xf32>
      %get3A_3216 = arith.constant 30 : i32
      %get3A_3217 = arith.index_cast %get3A_3216 : i32 to index
      %get3A_3218 = arith.constant 16 : index
      %get3A_3219 = tpu.vector_load %arg7[%get3A_3217, %get3A_3218] {strides = array<i32>} : memref<100x128xf32, #tpu.memory_space<vmem>>, vector<1x16xf32>,
      %get3A_3220 = vector.shape_cast %get3A_3219 : vector<1x16xf32> to vector<16xf32>
      %add3A_3221 = arith.addf %add3A_3197, %get3A_3220 : vector<16xf32>
      %get3A_3222 = arith.constant 30 : i32
      %get3A_3223 = arith.index_cast %get3A_3222 : i32 to index
      %get3A_3224 = arith.constant 32 : index
      %get3A_3225 = tpu.vector_load %arg7[%get3A_3223, %get3A_3224] {strides = array<i32>} : memref<100x128xf32, #tpu.memory_space<vmem>>, vector<1x16xf32>,
      %get3A_3226 = vector.shape_cast %get3A_3225 : vector<1x16xf32> to vector<16xf32>
      %add3A_3227 = arith.addf %add3A_3203, %get3A_3226 : vector<16xf32>
      %get3A_3228 = arith.constant 30 : i32
      %get3A_3229 = arith.index_cast %get3A_3228 : i32 to index
      %get3A_3230 = arith.constant 48 : index
      %get3A_3231 = tpu.vector_load %arg7[%get3A_3229, %get3A_3230] {strides = array<i32>} : memref<100x128xf32, #tpu.memory_space<vmem>>, vector<1x16xf32>,
      %get3A_3232 = vector.shape_cast %get3A_3231 : vector<1x16xf32> to vector<16xf32>
      %add3A_3233 = arith.addf %add3A_3209, %get3A_3232 : vector<16xf32>
      %get3A_3234 = arith.constant 31 : i32
      %get3A_3235 = arith.index_cast %get3A_3234 : i32 to index
      %get3A_3236 = arith.constant 0 : index
      %get3A_3237 = tpu.vector_load %arg7[%get3A_3235, %get3A_3236] {strides = array<i32>} : memref<100x128xf32, #tpu.memory_space<vmem>>, vector<1x16xf32>,
      %get3A_3238 = vector.shape_cast %get3A_3237 : vector<1x16xf32> to vector<16xf32>
      %add3A_3239 = arith.addf %add3A_3215, %get3A_3238 : vector<16xf32>
      %get3A_3240 = arith.constant 31 : i32
      %get3A_3241 = arith.index_cast %get3A_3240 : i32 to index
      %get3A_3242 = arith.constant 16 : index
      %get3A_3243 = tpu.vector_load %arg7[%get3A_3241, %get3A_3242] {strides = array<i32>} : memref<100x128xf32, #tpu.memory_space<vmem>>, vector<1x16xf32>,
      %get3A_3244 = vector.shape_cast %get3A_3243 : vector<1x16xf32> to vector<16xf32>
      %add3A_3245 = arith.addf %add3A_3221, %get3A_3244 : vector<16xf32>
      %get3A_3246 = arith.constant 31 : i32
      %get3A_3247 = arith.index_cast %get3A_3246 : i32 to index
      %get3A_3248 = arith.constant 32 : index
      %get3A_3249 = tpu.vector_load %arg7[%get3A_3247, %get3A_3248] {strides = array<i32>} : memref<100x128xf32, #tpu.memory_space<vmem>>, vector<1x16xf32>,
      %get3A_3250 = vector.shape_cast %get3A_3249 : vector<1x16xf32> to vector<16xf32>
      %add3A_3251 = arith.addf %add3A_3227, %get3A_3250 : vector<16xf32>
      %get3A_3252 = arith.constant 31 : i32
      %get3A_3253 = arith.index_cast %get3A_3252 : i32 to index
      %get3A_3254 = arith.constant 48 : index
      %get3A_3255 = tpu.vector_load %arg7[%get3A_3253, %get3A_3254] {strides = array<i32>} : memref<100x128xf32, #tpu.memory_space<vmem>>, vector<1x16xf32>,
      %get3A_3256 = vector.shape_cast %get3A_3255 : vector<1x16xf32> to vector<16xf32>
      %add3A_3257 = arith.addf %add3A_3233, %get3A_3256 : vector<16xf32>
      %get3A_3258 = arith.constant 32 : i32
      %get3A_3259 = arith.index_cast %get3A_3258 : i32 to index
      %get3A_3260 = arith.constant 0 : index
      %get3A_3261 = tpu.vector_load %arg7[%get3A_3259, %get3A_3260] {strides = array<i32>} : memref<100x128xf32, #tpu.memory_space<vmem>>, vector<1x16xf32>,
      %get3A_3262 = vector.shape_cast %get3A_3261 : vector<1x16xf32> to vector<16xf32>
      %add3A_3263 = arith.addf %add3A_3239, %get3A_3262 : vector<16xf32>
      %get3A_3264 = arith.constant 32 : i32
      %get3A_3265 = arith.index_cast %get3A_3264 : i32 to index
      %get3A_3266 = arith.constant 16 : index
      %get3A_3267 = tpu.vector_load %arg7[%get3A_3265, %get3A_3266] {strides = array<i32>} : memref<100x128xf32, #tpu.memory_space<vmem>>, vector<1x16xf32>,
      %get3A_3268 = vector.shape_cast %get3A_3267 : vector<1x16xf32> to vector<16xf32>
      %add3A_3269 = arith.addf %add3A_3245, %get3A_3268 : vector<16xf32>
      %get3A_3270 = arith.constant 32 : i32
      %get3A_3271 = arith.index_cast %get3A_3270 : i32 to index
      %get3A_3272 = arith.constant 32 : index
      %get3A_3273 = tpu.vector_load %arg7[%get3A_3271, %get3A_3272] {strides = array<i32>} : memref<100x128xf32, #tpu.memory_space<vmem>>, vector<1x16xf32>,
      %get3A_3274 = vector.shape_cast %get3A_3273 : vector<1x16xf32> to vector<16xf32>
      %add3A_3275 = arith.addf %add3A_3251, %get3A_3274 : vector<16xf32>
      %get3A_3276 = arith.constant 32 : i32
      %get3A_3277 = arith.index_cast %get3A_3276 : i32 to index
      %get3A_3278 = arith.constant 48 : index
      %get3A_3279 = tpu.vector_load %arg7[%get3A_3277, %get3A_3278] {strides = array<i32>} : memref<100x128xf32, #tpu.memory_space<vmem>>, vector<1x16xf32>,
      %get3A_3280 = vector.shape_cast %get3A_3279 : vector<1x16xf32> to vector<16xf32>
      %add3A_3281 = arith.addf %add3A_3257, %get3A_3280 : vector<16xf32>
      %get3A_3282 = arith.constant 33 : i32
      %get3A_3283 = arith.index_cast %get3A_3282 : i32 to index
      %get3A_3284 = arith.constant 0 : index
      %get3A_3285 = tpu.vector_load %arg7[%get3A_3283, %get3A_3284] {strides = array<i32>} : memref<100x128xf32, #tpu.memory_space<vmem>>, vector<1x16xf32>,
      %get3A_3286 = vector.shape_cast %get3A_3285 : vector<1x16xf32> to vector<16xf32>
      %add3A_3287 = arith.addf %add3A_3263, %get3A_3286 : vector<16xf32>
      %get3A_3288 = arith.constant 33 : i32
      %get3A_3289 = arith.index_cast %get3A_3288 : i32 to index
      %get3A_3290 = arith.constant 16 : index
      %get3A_3291 = tpu.vector_load %arg7[%get3A_3289, %get3A_3290] {strides = array<i32>} : memref<100x128xf32, #tpu.memory_space<vmem>>, vector<1x16xf32>,
      %get3A_3292 = vector.shape_cast %get3A_3291 : vector<1x16xf32> to vector<16xf32>
      %add3A_3293 = arith.addf %add3A_3269, %get3A_3292 : vector<16xf32>
      %get3A_3294 = arith.constant 33 : i32
      %get3A_3295 = arith.index_cast %get3A_3294 : i32 to index
      %get3A_3296 = arith.constant 32 : index
      %get3A_3297 = tpu.vector_load %arg7[%get3A_3295, %get3A_3296] {strides = array<i32>} : memref<100x128xf32, #tpu.memory_space<vmem>>, vector<1x16xf32>,
      %get3A_3298 = vector.shape_cast %get3A_3297 : vector<1x16xf32> to vector<16xf32>
      %add3A_3299 = arith.addf %add3A_3275, %get3A_3298 : vector<16xf32>
      %get3A_3300 = arith.constant 33 : i32
      %get3A_3301 = arith.index_cast %get3A_3300 : i32 to index
      %get3A_3302 = arith.constant 48 : index
      %get3A_3303 = tpu.vector_load %arg7[%get3A_3301, %get3A_3302] {strides = array<i32>} : memref<100x128xf32, #tpu.memory_space<vmem>>, vector<1x16xf32>,
      %get3A_3304 = vector.shape_cast %get3A_3303 : vector<1x16xf32> to vector<16xf32>
      %add3A_3305 = arith.addf %add3A_3281, %get3A_3304 : vector<16xf32>
      %get3A_3306 = arith.constant 34 : i32
      %get3A_3307 = arith.index_cast %get3A_3306 : i32 to index
      %get3A_3308 = arith.constant 0 : index
      %get3A_3309 = tpu.vector_load %arg7[%get3A_3307, %get3A_3308] {strides = array<i32>} : memref<100x128xf32, #tpu.memory_space<vmem>>, vector<1x16xf32>,
      %get3A_3310 = vector.shape_cast %get3A_3309 : vector<1x16xf32> to vector<16xf32>
      %add3A_3311 = arith.addf %add3A_3287, %get3A_3310 : vector<16xf32>
      %get3A_3312 = arith.constant 34 : i32
      %get3A_3313 = arith.index_cast %get3A_3312 : i32 to index
      %get3A_3314 = arith.constant 16 : index
      %get3A_3315 = tpu.vector_load %arg7[%get3A_3313, %get3A_3314] {strides = array<i32>} : memref<100x128xf32, #tpu.memory_space<vmem>>, vector<1x16xf32>,
      %get3A_3316 = vector.shape_cast %get3A_3315 : vector<1x16xf32> to vector<16xf32>
      %add3A_3317 = arith.addf %add3A_3293, %get3A_3316 : vector<16xf32>
      %get3A_3318 = arith.constant 34 : i32
      %get3A_3319 = arith.index_cast %get3A_3318 : i32 to index
      %get3A_3320 = arith.constant 32 : index
      %get3A_3321 = tpu.vector_load %arg7[%get3A_3319, %get3A_3320] {strides = array<i32>} : memref<100x128xf32, #tpu.memory_space<vmem>>, vector<1x16xf32>,
      %get3A_3322 = vector.shape_cast %get3A_3321 : vector<1x16xf32> to vector<16xf32>
      %add3A_3323 = arith.addf %add3A_3299, %get3A_3322 : vector<16xf32>
      %get3A_3324 = arith.constant 34 : i32
      %get3A_3325 = arith.index_cast %get3A_3324 : i32 to index
      %get3A_3326 = arith.constant 48 : index
      %get3A_3327 = tpu.vector_load %arg7[%get3A_3325, %get3A_3326] {strides = array<i32>} : memref<100x128xf32, #tpu.memory_space<vmem>>, vector<1x16xf32>,
      %get3A_3328 = vector.shape_cast %get3A_3327 : vector<1x16xf32> to vector<16xf32>
      %add3A_3329 = arith.addf %add3A_3305, %get3A_3328 : vector<16xf32>
      %get3A_3330 = arith.constant 35 : i32
      %get3A_3331 = arith.index_cast %get3A_3330 : i32 to index
      %get3A_3332 = arith.constant 0 : index
      %get3A_3333 = tpu.vector_load %arg7[%get3A_3331, %get3A_3332] {strides = array<i32>} : memref<100x128xf32, #tpu.memory_space<vmem>>, vector<1x16xf32>,
      %get3A_3334 = vector.shape_cast %get3A_3333 : vector<1x16xf32> to vector<16xf32>
      %add3A_3335 = arith.addf %add3A_3311, %get3A_3334 : vector<16xf32>
      %get3A_3336 = arith.constant 35 : i32
      %get3A_3337 = arith.index_cast %get3A_3336 : i32 to index
      %get3A_3338 = arith.constant 16 : index
      %get3A_3339 = tpu.vector_load %arg7[%get3A_3337, %get3A_3338] {strides = array<i32>} : memref<100x128xf32, #tpu.memory_space<vmem>>, vector<1x16xf32>,
      %get3A_3340 = vector.shape_cast %get3A_3339 : vector<1x16xf32> to vector<16xf32>
      %add3A_3341 = arith.addf %add3A_3317, %get3A_3340 : vector<16xf32>
      %get3A_3342 = arith.constant 35 : i32
      %get3A_3343 = arith.index_cast %get3A_3342 : i32 to index
      %get3A_3344 = arith.constant 32 : index
      %get3A_3345 = tpu.vector_load %arg7[%get3A_3343, %get3A_3344] {strides = array<i32>} : memref<100x128xf32, #tpu.memory_space<vmem>>, vector<1x16xf32>,
      %get3A_3346 = vector.shape_cast %get3A_3345 : vector<1x16xf32> to vector<16xf32>
      %add3A_3347 = arith.addf %add3A_3323, %get3A_3346 : vector<16xf32>
      %get3A_3348 = arith.constant 35 : i32
      %get3A_3349 = arith.index_cast %get3A_3348 : i32 to index
      %get3A_3350 = arith.constant 48 : index
      %get3A_3351 = tpu.vector_load %arg7[%get3A_3349, %get3A_3350] {strides = array<i32>} : memref<100x128xf32, #tpu.memory_space<vmem>>, vector<1x16xf32>,
      %get3A_3352 = vector.shape_cast %get3A_3351 : vector<1x16xf32> to vector<16xf32>
      %add3A_3353 = arith.addf %add3A_3329, %get3A_3352 : vector<16xf32>
      %get3A_3354 = arith.constant 36 : i32
      %get3A_3355 = arith.index_cast %get3A_3354 : i32 to index
      %get3A_3356 = arith.constant 0 : index
      %get3A_3357 = tpu.vector_load %arg7[%get3A_3355, %get3A_3356] {strides = array<i32>} : memref<100x128xf32, #tpu.memory_space<vmem>>, vector<1x16xf32>,
      %get3A_3358 = vector.shape_cast %get3A_3357 : vector<1x16xf32> to vector<16xf32>
      %add3A_3359 = arith.addf %add3A_3335, %get3A_3358 : vector<16xf32>
      %get3A_3360 = arith.constant 36 : i32
      %get3A_3361 = arith.index_cast %get3A_3360 : i32 to index
      %get3A_3362 = arith.constant 16 : index
      %get3A_3363 = tpu.vector_load %arg7[%get3A_3361, %get3A_3362] {strides = array<i32>} : memref<100x128xf32, #tpu.memory_space<vmem>>, vector<1x16xf32>,
      %get3A_3364 = vector.shape_cast %get3A_3363 : vector<1x16xf32> to vector<16xf32>
      %add3A_3365 = arith.addf %add3A_3341, %get3A_3364 : vector<16xf32>
      %get3A_3366 = arith.constant 36 : i32
      %get3A_3367 = arith.index_cast %get3A_3366 : i32 to index
      %get3A_3368 = arith.constant 32 : index
      %get3A_3369 = tpu.vector_load %arg7[%get3A_3367, %get3A_3368] {strides = array<i32>} : memref<100x128xf32, #tpu.memory_space<vmem>>, vector<1x16xf32>,
      %get3A_3370 = vector.shape_cast %get3A_3369 : vector<1x16xf32> to vector<16xf32>
      %add3A_3371 = arith.addf %add3A_3347, %get3A_3370 : vector<16xf32>
      %get3A_3372 = arith.constant 36 : i32
      %get3A_3373 = arith.index_cast %get3A_3372 : i32 to index
      %get3A_3374 = arith.constant 48 : index
      %get3A_3375 = tpu.vector_load %arg7[%get3A_3373, %get3A_3374] {strides = array<i32>} : memref<100x128xf32, #tpu.memory_space<vmem>>, vector<1x16xf32>,
      %get3A_3376 = vector.shape_cast %get3A_3375 : vector<1x16xf32> to vector<16xf32>
      %add3A_3377 = arith.addf %add3A_3353, %get3A_3376 : vector<16xf32>
      %get3A_3378 = arith.constant 37 : i32
      %get3A_3379 = arith.index_cast %get3A_3378 : i32 to index
      %get3A_3380 = arith.constant 0 : index
      %get3A_3381 = tpu.vector_load %arg7[%get3A_3379, %get3A_3380] {strides = array<i32>} : memref<100x128xf32, #tpu.memory_space<vmem>>, vector<1x16xf32>,
      %get3A_3382 = vector.shape_cast %get3A_3381 : vector<1x16xf32> to vector<16xf32>
      %add3A_3383 = arith.addf %add3A_3359, %get3A_3382 : vector<16xf32>
      %get3A_3384 = arith.constant 37 : i32
      %get3A_3385 = arith.index_cast %get3A_3384 : i32 to index
      %get3A_3386 = arith.constant 16 : index
      %get3A_3387 = tpu.vector_load %arg7[%get3A_3385, %get3A_3386] {strides = array<i32>} : memref<100x128xf32, #tpu.memory_space<vmem>>, vector<1x16xf32>,
      %get3A_3388 = vector.shape_cast %get3A_3387 : vector<1x16xf32> to vector<16xf32>
      %add3A_3389 = arith.addf %add3A_3365, %get3A_3388 : vector<16xf32>
      %get3A_3390 = arith.constant 37 : i32
      %get3A_3391 = arith.index_cast %get3A_3390 : i32 to index
      %get3A_3392 = arith.constant 32 : index
      %get3A_3393 = tpu.vector_load %arg7[%get3A_3391, %get3A_3392] {strides = array<i32>} : memref<100x128xf32, #tpu.memory_space<vmem>>, vector<1x16xf32>,
      %get3A_3394 = vector.shape_cast %get3A_3393 : vector<1x16xf32> to vector<16xf32>
      %add3A_3395 = arith.addf %add3A_3371, %get3A_3394 : vector<16xf32>
      %get3A_3396 = arith.constant 37 : i32
      %get3A_3397 = arith.index_cast %get3A_3396 : i32 to index
      %get3A_3398 = arith.constant 48 : index
      %get3A_3399 = tpu.vector_load %arg7[%get3A_3397, %get3A_3398] {strides = array<i32>} : memref<100x128xf32, #tpu.memory_space<vmem>>, vector<1x16xf32>,
      %get3A_3400 = vector.shape_cast %get3A_3399 : vector<1x16xf32> to vector<16xf32>
      %add3A_3401 = arith.addf %add3A_3377, %get3A_3400 : vector<16xf32>
      %get3A_3402 = arith.constant 38 : i32
      %get3A_3403 = arith.index_cast %get3A_3402 : i32 to index
      %get3A_3404 = arith.constant 0 : index
      %get3A_3405 = tpu.vector_load %arg7[%get3A_3403, %get3A_3404] {strides = array<i32>} : memref<100x128xf32, #tpu.memory_space<vmem>>, vector<1x16xf32>,
      %get3A_3406 = vector.shape_cast %get3A_3405 : vector<1x16xf32> to vector<16xf32>
      %add3A_3407 = arith.addf %add3A_3383, %get3A_3406 : vector<16xf32>
      %get3A_3408 = arith.constant 38 : i32
      %get3A_3409 = arith.index_cast %get3A_3408 : i32 to index
      %get3A_3410 = arith.constant 16 : index
      %get3A_3411 = tpu.vector_load %arg7[%get3A_3409, %get3A_3410] {strides = array<i32>} : memref<100x128xf32, #tpu.memory_space<vmem>>, vector<1x16xf32>,
      %get3A_3412 = vector.shape_cast %get3A_3411 : vector<1x16xf32> to vector<16xf32>
      %add3A_3413 = arith.addf %add3A_3389, %get3A_3412 : vector<16xf32>
      %get3A_3414 = arith.constant 38 : i32
      %get3A_3415 = arith.index_cast %get3A_3414 : i32 to index
      %get3A_3416 = arith.constant 32 : index
      %get3A_3417 = tpu.vector_load %arg7[%get3A_3415, %get3A_3416] {strides = array<i32>} : memref<100x128xf32, #tpu.memory_space<vmem>>, vector<1x16xf32>,
      %get3A_3418 = vector.shape_cast %get3A_3417 : vector<1x16xf32> to vector<16xf32>
      %add3A_3419 = arith.addf %add3A_3395, %get3A_3418 : vector<16xf32>
      %get3A_3420 = arith.constant 38 : i32
      %get3A_3421 = arith.index_cast %get3A_3420 : i32 to index
      %get3A_3422 = arith.constant 48 : index
      %get3A_3423 = tpu.vector_load %arg7[%get3A_3421, %get3A_3422] {strides = array<i32>} : memref<100x128xf32, #tpu.memory_space<vmem>>, vector<1x16xf32>,
      %get3A_3424 = vector.shape_cast %get3A_3423 : vector<1x16xf32> to vector<16xf32>
      %add3A_3425 = arith.addf %add3A_3401, %get3A_3424 : vector<16xf32>
      %get3A_3426 = arith.constant 39 : i32
      %get3A_3427 = arith.index_cast %get3A_3426 : i32 to index
      %get3A_3428 = arith.constant 0 : index
      %get3A_3429 = tpu.vector_load %arg7[%get3A_3427, %get3A_3428] {strides = array<i32>} : memref<100x128xf32, #tpu.memory_space<vmem>>, vector<1x16xf32>,
      %get3A_3430 = vector.shape_cast %get3A_3429 : vector<1x16xf32> to vector<16xf32>
      %add3A_3431 = arith.addf %add3A_3407, %get3A_3430 : vector<16xf32>
      %get3A_3432 = arith.constant 39 : i32
      %get3A_3433 = arith.index_cast %get3A_3432 : i32 to index
      %get3A_3434 = arith.constant 16 : index
      %get3A_3435 = tpu.vector_load %arg7[%get3A_3433, %get3A_3434] {strides = array<i32>} : memref<100x128xf32, #tpu.memory_space<vmem>>, vector<1x16xf32>,
      %get3A_3436 = vector.shape_cast %get3A_3435 : vector<1x16xf32> to vector<16xf32>
      %add3A_3437 = arith.addf %add3A_3413, %get3A_3436 : vector<16xf32>
      %get3A_3438 = arith.constant 39 : i32
      %get3A_3439 = arith.index_cast %get3A_3438 : i32 to index
      %get3A_3440 = arith.constant 32 : index
      %get3A_3441 = tpu.vector_load %arg7[%get3A_3439, %get3A_3440] {strides = array<i32>} : memref<100x128xf32, #tpu.memory_space<vmem>>, vector<1x16xf32>,
      %get3A_3442 = vector.shape_cast %get3A_3441 : vector<1x16xf32> to vector<16xf32>
      %add3A_3443 = arith.addf %add3A_3419, %get3A_3442 : vector<16xf32>
      %get3A_3444 = arith.constant 39 : i32
      %get3A_3445 = arith.index_cast %get3A_3444 : i32 to index
      %get3A_3446 = arith.constant 48 : index
      %get3A_3447 = tpu.vector_load %arg7[%get3A_3445, %get3A_3446] {strides = array<i32>} : memref<100x128xf32, #tpu.memory_space<vmem>>, vector<1x16xf32>,
      %get3A_3448 = vector.shape_cast %get3A_3447 : vector<1x16xf32> to vector<16xf32>
      %add3A_3449 = arith.addf %add3A_3425, %get3A_3448 : vector<16xf32>
      %get3A_3450 = arith.constant 40 : i32
      %get3A_3451 = arith.index_cast %get3A_3450 : i32 to index
      %get3A_3452 = arith.constant 0 : index
      %get3A_3453 = tpu.vector_load %arg7[%get3A_3451, %get3A_3452] {strides = array<i32>} : memref<100x128xf32, #tpu.memory_space<vmem>>, vector<1x16xf32>,
      %get3A_3454 = vector.shape_cast %get3A_3453 : vector<1x16xf32> to vector<16xf32>
      %add3A_3455 = arith.addf %add3A_3431, %get3A_3454 : vector<16xf32>
      %get3A_3456 = arith.constant 40 : i32
      %get3A_3457 = arith.index_cast %get3A_3456 : i32 to index
      %get3A_3458 = arith.constant 16 : index
      %get3A_3459 = tpu.vector_load %arg7[%get3A_3457, %get3A_3458] {strides = array<i32>} : memref<100x128xf32, #tpu.memory_space<vmem>>, vector<1x16xf32>,
      %get3A_3460 = vector.shape_cast %get3A_3459 : vector<1x16xf32> to vector<16xf32>
      %add3A_3461 = arith.addf %add3A_3437, %get3A_3460 : vector<16xf32>
      %get3A_3462 = arith.constant 40 : i32
      %get3A_3463 = arith.index_cast %get3A_3462 : i32 to index
      %get3A_3464 = arith.constant 32 : index
      %get3A_3465 = tpu.vector_load %arg7[%get3A_3463, %get3A_3464] {strides = array<i32>} : memref<100x128xf32, #tpu.memory_space<vmem>>, vector<1x16xf32>,
      %get3A_3466 = vector.shape_cast %get3A_3465 : vector<1x16xf32> to vector<16xf32>
      %add3A_3467 = arith.addf %add3A_3443, %get3A_3466 : vector<16xf32>
      %get3A_3468 = arith.constant 40 : i32
      %get3A_3469 = arith.index_cast %get3A_3468 : i32 to index
      %get3A_3470 = arith.constant 48 : index
      %get3A_3471 = tpu.vector_load %arg7[%get3A_3469, %get3A_3470] {strides = array<i32>} : memref<100x128xf32, #tpu.memory_space<vmem>>, vector<1x16xf32>,
      %get3A_3472 = vector.shape_cast %get3A_3471 : vector<1x16xf32> to vector<16xf32>
      %add3A_3473 = arith.addf %add3A_3449, %get3A_3472 : vector<16xf32>
      %get3A_3474 = arith.constant 41 : i32
      %get3A_3475 = arith.index_cast %get3A_3474 : i32 to index
      %get3A_3476 = arith.constant 0 : index
      %get3A_3477 = tpu.vector_load %arg7[%get3A_3475, %get3A_3476] {strides = array<i32>} : memref<100x128xf32, #tpu.memory_space<vmem>>, vector<1x16xf32>,
      %get3A_3478 = vector.shape_cast %get3A_3477 : vector<1x16xf32> to vector<16xf32>
      %add3A_3479 = arith.addf %add3A_3455, %get3A_3478 : vector<16xf32>
      %get3A_3480 = arith.constant 41 : i32
      %get3A_3481 = arith.index_cast %get3A_3480 : i32 to index
      %get3A_3482 = arith.constant 16 : index
      %get3A_3483 = tpu.vector_load %arg7[%get3A_3481, %get3A_3482] {strides = array<i32>} : memref<100x128xf32, #tpu.memory_space<vmem>>, vector<1x16xf32>,
      %get3A_3484 = vector.shape_cast %get3A_3483 : vector<1x16xf32> to vector<16xf32>
      %add3A_3485 = arith.addf %add3A_3461, %get3A_3484 : vector<16xf32>
      %get3A_3486 = arith.constant 41 : i32
      %get3A_3487 = arith.index_cast %get3A_3486 : i32 to index
      %get3A_3488 = arith.constant 32 : index
      %get3A_3489 = tpu.vector_load %arg7[%get3A_3487, %get3A_3488] {strides = array<i32>} : memref<100x128xf32, #tpu.memory_space<vmem>>, vector<1x16xf32>,
      %get3A_3490 = vector.shape_cast %get3A_3489 : vector<1x16xf32> to vector<16xf32>
      %add3A_3491 = arith.addf %add3A_3467, %get3A_3490 : vector<16xf32>
      %get3A_3492 = arith.constant 41 : i32
      %get3A_3493 = arith.index_cast %get3A_3492 : i32 to index
      %get3A_3494 = arith.constant 48 : index
      %get3A_3495 = tpu.vector_load %arg7[%get3A_3493, %get3A_3494] {strides = array<i32>} : memref<100x128xf32, #tpu.memory_space<vmem>>, vector<1x16xf32>,
      %get3A_3496 = vector.shape_cast %get3A_3495 : vector<1x16xf32> to vector<16xf32>
      %add3A_3497 = arith.addf %add3A_3473, %get3A_3496 : vector<16xf32>
      %get3A_3498 = arith.constant 42 : i32
      %get3A_3499 = arith.index_cast %get3A_3498 : i32 to index
      %get3A_3500 = arith.constant 0 : index
      %get3A_3501 = tpu.vector_load %arg7[%get3A_3499, %get3A_3500] {strides = array<i32>} : memref<100x128xf32, #tpu.memory_space<vmem>>, vector<1x16xf32>,
      %get3A_3502 = vector.shape_cast %get3A_3501 : vector<1x16xf32> to vector<16xf32>
      %add3A_3503 = arith.addf %add3A_3479, %get3A_3502 : vector<16xf32>
      %get3A_3504 = arith.constant 42 : i32
      %get3A_3505 = arith.index_cast %get3A_3504 : i32 to index
      %get3A_3506 = arith.constant 16 : index
      %get3A_3507 = tpu.vector_load %arg7[%get3A_3505, %get3A_3506] {strides = array<i32>} : memref<100x128xf32, #tpu.memory_space<vmem>>, vector<1x16xf32>,
      %get3A_3508 = vector.shape_cast %get3A_3507 : vector<1x16xf32> to vector<16xf32>
      %add3A_3509 = arith.addf %add3A_3485, %get3A_3508 : vector<16xf32>
      %get3A_3510 = arith.constant 42 : i32
      %get3A_3511 = arith.index_cast %get3A_3510 : i32 to index
      %get3A_3512 = arith.constant 32 : index
      %get3A_3513 = tpu.vector_load %arg7[%get3A_3511, %get3A_3512] {strides = array<i32>} : memref<100x128xf32, #tpu.memory_space<vmem>>, vector<1x16xf32>,
      %get3A_3514 = vector.shape_cast %get3A_3513 : vector<1x16xf32> to vector<16xf32>
      %add3A_3515 = arith.addf %add3A_3491, %get3A_3514 : vector<16xf32>
      %get3A_3516 = arith.constant 42 : i32
      %get3A_3517 = arith.index_cast %get3A_3516 : i32 to index
      %get3A_3518 = arith.constant 48 : index
      %get3A_3519 = tpu.vector_load %arg7[%get3A_3517, %get3A_3518] {strides = array<i32>} : memref<100x128xf32, #tpu.memory_space<vmem>>, vector<1x16xf32>,
      %get3A_3520 = vector.shape_cast %get3A_3519 : vector<1x16xf32> to vector<16xf32>
      %add3A_3521 = arith.addf %add3A_3497, %get3A_3520 : vector<16xf32>
      %get3A_3522 = arith.constant 43 : i32
      %get3A_3523 = arith.index_cast %get3A_3522 : i32 to index
      %get3A_3524 = arith.constant 0 : index
      %get3A_3525 = tpu.vector_load %arg7[%get3A_3523, %get3A_3524] {strides = array<i32>} : memref<100x128xf32, #tpu.memory_space<vmem>>, vector<1x16xf32>,
      %get3A_3526 = vector.shape_cast %get3A_3525 : vector<1x16xf32> to vector<16xf32>
      %add3A_3527 = arith.addf %add3A_3503, %get3A_3526 : vector<16xf32>
      %get3A_3528 = arith.constant 43 : i32
      %get3A_3529 = arith.index_cast %get3A_3528 : i32 to index
      %get3A_3530 = arith.constant 16 : index
      %get3A_3531 = tpu.vector_load %arg7[%get3A_3529, %get3A_3530] {strides = array<i32>} : memref<100x128xf32, #tpu.memory_space<vmem>>, vector<1x16xf32>,
      %get3A_3532 = vector.shape_cast %get3A_3531 : vector<1x16xf32> to vector<16xf32>
      %add3A_3533 = arith.addf %add3A_3509, %get3A_3532 : vector<16xf32>
      %get3A_3534 = arith.constant 43 : i32
      %get3A_3535 = arith.index_cast %get3A_3534 : i32 to index
      %get3A_3536 = arith.constant 32 : index
      %get3A_3537 = tpu.vector_load %arg7[%get3A_3535, %get3A_3536] {strides = array<i32>} : memref<100x128xf32, #tpu.memory_space<vmem>>, vector<1x16xf32>,
      %get3A_3538 = vector.shape_cast %get3A_3537 : vector<1x16xf32> to vector<16xf32>
      %add3A_3539 = arith.addf %add3A_3515, %get3A_3538 : vector<16xf32>
      %get3A_3540 = arith.constant 43 : i32
      %get3A_3541 = arith.index_cast %get3A_3540 : i32 to index
      %get3A_3542 = arith.constant 48 : index
      %get3A_3543 = tpu.vector_load %arg7[%get3A_3541, %get3A_3542] {strides = array<i32>} : memref<100x128xf32, #tpu.memory_space<vmem>>, vector<1x16xf32>,
      %get3A_3544 = vector.shape_cast %get3A_3543 : vector<1x16xf32> to vector<16xf32>
      %add3A_3545 = arith.addf %add3A_3521, %get3A_3544 : vector<16xf32>
      %get3A_3546 = arith.constant 44 : i32
      %get3A_3547 = arith.index_cast %get3A_3546 : i32 to index
      %get3A_3548 = arith.constant 0 : index
      %get3A_3549 = tpu.vector_load %arg7[%get3A_3547, %get3A_3548] {strides = array<i32>} : memref<100x128xf32, #tpu.memory_space<vmem>>, vector<1x16xf32>,
      %get3A_3550 = vector.shape_cast %get3A_3549 : vector<1x16xf32> to vector<16xf32>
      %add3A_3551 = arith.addf %add3A_3527, %get3A_3550 : vector<16xf32>
      %get3A_3552 = arith.constant 44 : i32
      %get3A_3553 = arith.index_cast %get3A_3552 : i32 to index
      %get3A_3554 = arith.constant 16 : index
      %get3A_3555 = tpu.vector_load %arg7[%get3A_3553, %get3A_3554] {strides = array<i32>} : memref<100x128xf32, #tpu.memory_space<vmem>>, vector<1x16xf32>,
      %get3A_3556 = vector.shape_cast %get3A_3555 : vector<1x16xf32> to vector<16xf32>
      %add3A_3557 = arith.addf %add3A_3533, %get3A_3556 : vector<16xf32>
      %get3A_3558 = arith.constant 44 : i32
      %get3A_3559 = arith.index_cast %get3A_3558 : i32 to index
      %get3A_3560 = arith.constant 32 : index
      %get3A_3561 = tpu.vector_load %arg7[%get3A_3559, %get3A_3560] {strides = array<i32>} : memref<100x128xf32, #tpu.memory_space<vmem>>, vector<1x16xf32>,
      %get3A_3562 = vector.shape_cast %get3A_3561 : vector<1x16xf32> to vector<16xf32>
      %add3A_3563 = arith.addf %add3A_3539, %get3A_3562 : vector<16xf32>
      %get3A_3564 = arith.constant 44 : i32
      %get3A_3565 = arith.index_cast %get3A_3564 : i32 to index
      %get3A_3566 = arith.constant 48 : index
      %get3A_3567 = tpu.vector_load %arg7[%get3A_3565, %get3A_3566] {strides = array<i32>} : memref<100x128xf32, #tpu.memory_space<vmem>>, vector<1x16xf32>,
      %get3A_3568 = vector.shape_cast %get3A_3567 : vector<1x16xf32> to vector<16xf32>
      %add3A_3569 = arith.addf %add3A_3545, %get3A_3568 : vector<16xf32>
      %get3A_3570 = arith.constant 45 : i32
      %get3A_3571 = arith.index_cast %get3A_3570 : i32 to index
      %get3A_3572 = arith.constant 0 : index
      %get3A_3573 = tpu.vector_load %arg7[%get3A_3571, %get3A_3572] {strides = array<i32>} : memref<100x128xf32, #tpu.memory_space<vmem>>, vector<1x16xf32>,
      %get3A_3574 = vector.shape_cast %get3A_3573 : vector<1x16xf32> to vector<16xf32>
      %add3A_3575 = arith.addf %add3A_3551, %get3A_3574 : vector<16xf32>
      %get3A_3576 = arith.constant 45 : i32
      %get3A_3577 = arith.index_cast %get3A_3576 : i32 to index
      %get3A_3578 = arith.constant 16 : index
      %get3A_3579 = tpu.vector_load %arg7[%get3A_3577, %get3A_3578] {strides = array<i32>} : memref<100x128xf32, #tpu.memory_space<vmem>>, vector<1x16xf32>,
      %get3A_3580 = vector.shape_cast %get3A_3579 : vector<1x16xf32> to vector<16xf32>
      %add3A_3581 = arith.addf %add3A_3557, %get3A_3580 : vector<16xf32>
      %get3A_3582 = arith.constant 45 : i32
      %get3A_3583 = arith.index_cast %get3A_3582 : i32 to index
      %get3A_3584 = arith.constant 32 : index
      %get3A_3585 = tpu.vector_load %arg7[%get3A_3583, %get3A_3584] {strides = array<i32>} : memref<100x128xf32, #tpu.memory_space<vmem>>, vector<1x16xf32>,
      %get3A_3586 = vector.shape_cast %get3A_3585 : vector<1x16xf32> to vector<16xf32>
      %add3A_3587 = arith.addf %add3A_3563, %get3A_3586 : vector<16xf32>
      %get3A_3588 = arith.constant 45 : i32
      %get3A_3589 = arith.index_cast %get3A_3588 : i32 to index
      %get3A_3590 = arith.constant 48 : index
      %get3A_3591 = tpu.vector_load %arg7[%get3A_3589, %get3A_3590] {strides = array<i32>} : memref<100x128xf32, #tpu.memory_space<vmem>>, vector<1x16xf32>,
      %get3A_3592 = vector.shape_cast %get3A_3591 : vector<1x16xf32> to vector<16xf32>
      %add3A_3593 = arith.addf %add3A_3569, %get3A_3592 : vector<16xf32>
      %get3A_3594 = arith.constant 46 : i32
      %get3A_3595 = arith.index_cast %get3A_3594 : i32 to index
      %get3A_3596 = arith.constant 0 : index
      %get3A_3597 = tpu.vector_load %arg7[%get3A_3595, %get3A_3596] {strides = array<i32>} : memref<100x128xf32, #tpu.memory_space<vmem>>, vector<1x16xf32>,
      %get3A_3598 = vector.shape_cast %get3A_3597 : vector<1x16xf32> to vector<16xf32>
      %add3A_3599 = arith.addf %add3A_3575, %get3A_3598 : vector<16xf32>
      %get3A_3600 = arith.constant 46 : i32
      %get3A_3601 = arith.index_cast %get3A_3600 : i32 to index
      %get3A_3602 = arith.constant 16 : index
      %get3A_3603 = tpu.vector_load %arg7[%get3A_3601, %get3A_3602] {strides = array<i32>} : memref<100x128xf32, #tpu.memory_space<vmem>>, vector<1x16xf32>,
      %get3A_3604 = vector.shape_cast %get3A_3603 : vector<1x16xf32> to vector<16xf32>
      %add3A_3605 = arith.addf %add3A_3581, %get3A_3604 : vector<16xf32>
      %get3A_3606 = arith.constant 46 : i32
      %get3A_3607 = arith.index_cast %get3A_3606 : i32 to index
      %get3A_3608 = arith.constant 32 : index
      %get3A_3609 = tpu.vector_load %arg7[%get3A_3607, %get3A_3608] {strides = array<i32>} : memref<100x128xf32, #tpu.memory_space<vmem>>, vector<1x16xf32>,
      %get3A_3610 = vector.shape_cast %get3A_3609 : vector<1x16xf32> to vector<16xf32>
      %add3A_3611 = arith.addf %add3A_3587, %get3A_3610 : vector<16xf32>
      %get3A_3612 = arith.constant 46 : i32
      %get3A_3613 = arith.index_cast %get3A_3612 : i32 to index
      %get3A_3614 = arith.constant 48 : index
      %get3A_3615 = tpu.vector_load %arg7[%get3A_3613, %get3A_3614] {strides = array<i32>} : memref<100x128xf32, #tpu.memory_space<vmem>>, vector<1x16xf32>,
      %get3A_3616 = vector.shape_cast %get3A_3615 : vector<1x16xf32> to vector<16xf32>
      %add3A_3617 = arith.addf %add3A_3593, %get3A_3616 : vector<16xf32>
      %get3A_3618 = arith.constant 47 : i32
      %get3A_3619 = arith.index_cast %get3A_3618 : i32 to index
      %get3A_3620 = arith.constant 0 : index
      %get3A_3621 = tpu.vector_load %arg7[%get3A_3619, %get3A_3620] {strides = array<i32>} : memref<100x128xf32, #tpu.memory_space<vmem>>, vector<1x16xf32>,
      %get3A_3622 = vector.shape_cast %get3A_3621 : vector<1x16xf32> to vector<16xf32>
      %add3A_3623 = arith.addf %add3A_3599, %get3A_3622 : vector<16xf32>
      %get3A_3624 = arith.constant 47 : i32
      %get3A_3625 = arith.index_cast %get3A_3624 : i32 to index
      %get3A_3626 = arith.constant 16 : index
      %get3A_3627 = tpu.vector_load %arg7[%get3A_3625, %get3A_3626] {strides = array<i32>} : memref<100x128xf32, #tpu.memory_space<vmem>>, vector<1x16xf32>,
      %get3A_3628 = vector.shape_cast %get3A_3627 : vector<1x16xf32> to vector<16xf32>
      %add3A_3629 = arith.addf %add3A_3605, %get3A_3628 : vector<16xf32>
      %get3A_3630 = arith.constant 47 : i32
      %get3A_3631 = arith.index_cast %get3A_3630 : i32 to index
      %get3A_3632 = arith.constant 32 : index
      %get3A_3633 = tpu.vector_load %arg7[%get3A_3631, %get3A_3632] {strides = array<i32>} : memref<100x128xf32, #tpu.memory_space<vmem>>, vector<1x16xf32>,
      %get3A_3634 = vector.shape_cast %get3A_3633 : vector<1x16xf32> to vector<16xf32>
      %add3A_3635 = arith.addf %add3A_3611, %get3A_3634 : vector<16xf32>
      %get3A_3636 = arith.constant 47 : i32
      %get3A_3637 = arith.index_cast %get3A_3636 : i32 to index
      %get3A_3638 = arith.constant 48 : index
      %get3A_3639 = tpu.vector_load %arg7[%get3A_3637, %get3A_3638] {strides = array<i32>} : memref<100x128xf32, #tpu.memory_space<vmem>>, vector<1x16xf32>,
      %get3A_3640 = vector.shape_cast %get3A_3639 : vector<1x16xf32> to vector<16xf32>
      %add3A_3641 = arith.addf %add3A_3617, %get3A_3640 : vector<16xf32>
      %get3A_3642 = arith.constant 48 : i32
      %get3A_3643 = arith.index_cast %get3A_3642 : i32 to index
      %get3A_3644 = arith.constant 0 : index
      %get3A_3645 = tpu.vector_load %arg7[%get3A_3643, %get3A_3644] {strides = array<i32>} : memref<100x128xf32, #tpu.memory_space<vmem>>, vector<1x16xf32>,
      %get3A_3646 = vector.shape_cast %get3A_3645 : vector<1x16xf32> to vector<16xf32>
      %add3A_3647 = arith.addf %add3A_3623, %get3A_3646 : vector<16xf32>
      %get3A_3648 = arith.constant 48 : i32
      %get3A_3649 = arith.index_cast %get3A_3648 : i32 to index
      %get3A_3650 = arith.constant 16 : index
      %get3A_3651 = tpu.vector_load %arg7[%get3A_3649, %get3A_3650] {strides = array<i32>} : memref<100x128xf32, #tpu.memory_space<vmem>>, vector<1x16xf32>,
      %get3A_3652 = vector.shape_cast %get3A_3651 : vector<1x16xf32> to vector<16xf32>
      %add3A_3653 = arith.addf %add3A_3629, %get3A_3652 : vector<16xf32>
      %get3A_3654 = arith.constant 48 : i32
      %get3A_3655 = arith.index_cast %get3A_3654 : i32 to index
      %get3A_3656 = arith.constant 32 : index
      %get3A_3657 = tpu.vector_load %arg7[%get3A_3655, %get3A_3656] {strides = array<i32>} : memref<100x128xf32, #tpu.memory_space<vmem>>, vector<1x16xf32>,
      %get3A_3658 = vector.shape_cast %get3A_3657 : vector<1x16xf32> to vector<16xf32>
      %add3A_3659 = arith.addf %add3A_3635, %get3A_3658 : vector<16xf32>
      %get3A_3660 = arith.constant 48 : i32
      %get3A_3661 = arith.index_cast %get3A_3660 : i32 to index
      %get3A_3662 = arith.constant 48 : index
      %get3A_3663 = tpu.vector_load %arg7[%get3A_3661, %get3A_3662] {strides = array<i32>} : memref<100x128xf32, #tpu.memory_space<vmem>>, vector<1x16xf32>,
      %get3A_3664 = vector.shape_cast %get3A_3663 : vector<1x16xf32> to vector<16xf32>
      %add3A_3665 = arith.addf %add3A_3641, %get3A_3664 : vector<16xf32>
      %get3A_3666 = arith.constant 49 : i32
      %get3A_3667 = arith.index_cast %get3A_3666 : i32 to index
      %get3A_3668 = arith.constant 0 : index
      %get3A_3669 = tpu.vector_load %arg7[%get3A_3667, %get3A_3668] {strides = array<i32>} : memref<100x128xf32, #tpu.memory_space<vmem>>, vector<1x16xf32>,
      %get3A_3670 = vector.shape_cast %get3A_3669 : vector<1x16xf32> to vector<16xf32>
      %add3A_3671 = arith.addf %add3A_3647, %get3A_3670 : vector<16xf32>
      %get3A_3672 = arith.constant 49 : i32
      %get3A_3673 = arith.index_cast %get3A_3672 : i32 to index
      %get3A_3674 = arith.constant 16 : index
      %get3A_3675 = tpu.vector_load %arg7[%get3A_3673, %get3A_3674] {strides = array<i32>} : memref<100x128xf32, #tpu.memory_space<vmem>>, vector<1x16xf32>,
      %get3A_3676 = vector.shape_cast %get3A_3675 : vector<1x16xf32> to vector<16xf32>
      %add3A_3677 = arith.addf %add3A_3653, %get3A_3676 : vector<16xf32>
      %get3A_3678 = arith.constant 49 : i32
      %get3A_3679 = arith.index_cast %get3A_3678 : i32 to index
      %get3A_3680 = arith.constant 32 : index
      %get3A_3681 = tpu.vector_load %arg7[%get3A_3679, %get3A_3680] {strides = array<i32>} : memref<100x128xf32, #tpu.memory_space<vmem>>, vector<1x16xf32>,
      %get3A_3682 = vector.shape_cast %get3A_3681 : vector<1x16xf32> to vector<16xf32>
      %add3A_3683 = arith.addf %add3A_3659, %get3A_3682 : vector<16xf32>
      %get3A_3684 = arith.constant 49 : i32
      %get3A_3685 = arith.index_cast %get3A_3684 : i32 to index
      %get3A_3686 = arith.constant 48 : index
      %get3A_3687 = tpu.vector_load %arg7[%get3A_3685, %get3A_3686] {strides = array<i32>} : memref<100x128xf32, #tpu.memory_space<vmem>>, vector<1x16xf32>,
      %get3A_3688 = vector.shape_cast %get3A_3687 : vector<1x16xf32> to vector<16xf32>
      %add3A_3689 = arith.addf %add3A_3665, %get3A_3688 : vector<16xf32>
      %add3A_3690 = arith.constant 0 : i32
      %add3A_3691 = arith.addi %mul3A_2493, %add3A_3690 : i32
      %mul3A_3692 = arith.constant 64 : i32
      %mul3A_3693 = arith.muli %add3A_3691, %mul3A_3692 : i32
      %add3A_3694 = arith.constant 0 : i32
      %add3A_3695 = arith.addi %mul3A_3693, %add3A_3694 : i32
      %swap3A_3696 = arith.index_cast %add3A_3695 : i32 to index
      %swap3A_3697 = tpu.vector_load %arg8[%swap3A_3696] {strides = array<i32>} : memref<16384xf32, #tpu.memory_space<vmem>>, vector<16xf32>,
      %swap3A_3698 = vector.shape_cast %swap3A_3697 : vector<16xf32> to vector<16xf32>
      %swap3A_3699 = vector.shape_cast %add3A_3671 : vector<16xf32> to vector<16xf32>
      tpu.vector_store %arg8[%swap3A_3696], %swap3A_3699 {strides = array<i32>} : memref<16384xf32, #tpu.memory_space<vmem>>, vector<16xf32>,
      %add3A_3700 = arith.constant 16 : i32
      %add3A_3701 = arith.addi %mul3A_3693, %add3A_3700 : i32
      %swap3A_3702 = arith.index_cast %add3A_3701 : i32 to index
      %swap3A_3703 = tpu.vector_load %arg8[%swap3A_3702] {strides = array<i32>} : memref<16384xf32, #tpu.memory_space<vmem>>, vector<16xf32>,
      %swap3A_3704 = vector.shape_cast %swap3A_3703 : vector<16xf32> to vector<16xf32>
      %swap3A_3705 = vector.shape_cast %add3A_3677 : vector<16xf32> to vector<16xf32>
      tpu.vector_store %arg8[%swap3A_3702], %swap3A_3705 {strides = array<i32>} : memref<16384xf32, #tpu.memory_space<vmem>>, vector<16xf32>,
      %add3A_3706 = arith.constant 32 : i32
      %add3A_3707 = arith.addi %mul3A_3693, %add3A_3706 : i32
      %swap3A_3708 = arith.index_cast %add3A_3707 : i32 to index
      %swap3A_3709 = tpu.vector_load %arg8[%swap3A_3708] {strides = array<i32>} : memref<16384xf32, #tpu.memory_space<vmem>>, vector<16xf32>,
      %swap3A_3710 = vector.shape_cast %swap3A_3709 : vector<16xf32> to vector<16xf32>
      %swap3A_3711 = vector.shape_cast %add3A_3683 : vector<16xf32> to vector<16xf32>
      tpu.vector_store %arg8[%swap3A_3708], %swap3A_3711 {strides = array<i32>} : memref<16384xf32, #tpu.memory_space<vmem>>, vector<16xf32>,
      %add3A_3712 = arith.constant 48 : i32
      %add3A_3713 = arith.addi %mul3A_3693, %add3A_3712 : i32
      %swap3A_3714 = arith.index_cast %add3A_3713 : i32 to index
      %swap3A_3715 = tpu.vector_load %arg8[%swap3A_3714] {strides = array<i32>} : memref<16384xf32, #tpu.memory_space<vmem>>, vector<16xf32>,
      %swap3A_3716 = vector.shape_cast %swap3A_3715 : vector<16xf32> to vector<16xf32>
      %swap3A_3717 = vector.shape_cast %add3A_3689 : vector<16xf32> to vector<16xf32>
      tpu.vector_store %arg8[%swap3A_3714], %swap3A_3717 {strides = array<i32>} : memref<16384xf32, #tpu.memory_space<vmem>>, vector<16xf32>,
      %get3A_3718 = arith.constant 50 : i32
      %get3A_3719 = arith.index_cast %get3A_3718 : i32 to index
      %get3A_3720 = arith.constant 0 : index
      %get3A_3721 = tpu.vector_load %arg7[%get3A_3719, %get3A_3720] {strides = array<i32>} : memref<100x128xf32, #tpu.memory_space<vmem>>, vector<1x16xf32>,
      %get3A_3722 = vector.shape_cast %get3A_3721 : vector<1x16xf32> to vector<16xf32>
      %get3A_3723 = arith.constant 50 : i32
      %get3A_3724 = arith.index_cast %get3A_3723 : i32 to index
      %get3A_3725 = arith.constant 16 : index
      %get3A_3726 = tpu.vector_load %arg7[%get3A_3724, %get3A_3725] {strides = array<i32>} : memref<100x128xf32, #tpu.memory_space<vmem>>, vector<1x16xf32>,
      %get3A_3727 = vector.shape_cast %get3A_3726 : vector<1x16xf32> to vector<16xf32>
      %get3A_3728 = arith.constant 50 : i32
      %get3A_3729 = arith.index_cast %get3A_3728 : i32 to index
      %get3A_3730 = arith.constant 32 : index
      %get3A_3731 = tpu.vector_load %arg7[%get3A_3729, %get3A_3730] {strides = array<i32>} : memref<100x128xf32, #tpu.memory_space<vmem>>, vector<1x16xf32>,
      %get3A_3732 = vector.shape_cast %get3A_3731 : vector<1x16xf32> to vector<16xf32>
      %get3A_3733 = arith.constant 50 : i32
      %get3A_3734 = arith.index_cast %get3A_3733 : i32 to index
      %get3A_3735 = arith.constant 48 : index
      %get3A_3736 = tpu.vector_load %arg7[%get3A_3734, %get3A_3735] {strides = array<i32>} : memref<100x128xf32, #tpu.memory_space<vmem>>, vector<1x16xf32>,
      %get3A_3737 = vector.shape_cast %get3A_3736 : vector<1x16xf32> to vector<16xf32>
      %get3A_3738 = arith.constant 51 : i32
      %get3A_3739 = arith.index_cast %get3A_3738 : i32 to index
      %get3A_3740 = arith.constant 0 : index
      %get3A_3741 = tpu.vector_load %arg7[%get3A_3739, %get3A_3740] {strides = array<i32>} : memref<100x128xf32, #tpu.memory_space<vmem>>, vector<1x16xf32>,
      %get3A_3742 = vector.shape_cast %get3A_3741 : vector<1x16xf32> to vector<16xf32>
      %add3A_3743 = arith.addf %get3A_3722, %get3A_3742 : vector<16xf32>
      %get3A_3744 = arith.constant 51 : i32
      %get3A_3745 = arith.index_cast %get3A_3744 : i32 to index
      %get3A_3746 = arith.constant 16 : index
      %get3A_3747 = tpu.vector_load %arg7[%get3A_3745, %get3A_3746] {strides = array<i32>} : memref<100x128xf32, #tpu.memory_space<vmem>>, vector<1x16xf32>,
      %get3A_3748 = vector.shape_cast %get3A_3747 : vector<1x16xf32> to vector<16xf32>
      %add3A_3749 = arith.addf %get3A_3727, %get3A_3748 : vector<16xf32>
      %get3A_3750 = arith.constant 51 : i32
      %get3A_3751 = arith.index_cast %get3A_3750 : i32 to index
      %get3A_3752 = arith.constant 32 : index
      %get3A_3753 = tpu.vector_load %arg7[%get3A_3751, %get3A_3752] {strides = array<i32>} : memref<100x128xf32, #tpu.memory_space<vmem>>, vector<1x16xf32>,
      %get3A_3754 = vector.shape_cast %get3A_3753 : vector<1x16xf32> to vector<16xf32>
      %add3A_3755 = arith.addf %get3A_3732, %get3A_3754 : vector<16xf32>
      %get3A_3756 = arith.constant 51 : i32
      %get3A_3757 = arith.index_cast %get3A_3756 : i32 to index
      %get3A_3758 = arith.constant 48 : index
      %get3A_3759 = tpu.vector_load %arg7[%get3A_3757, %get3A_3758] {strides = array<i32>} : memref<100x128xf32, #tpu.memory_space<vmem>>, vector<1x16xf32>,
      %get3A_3760 = vector.shape_cast %get3A_3759 : vector<1x16xf32> to vector<16xf32>
      %add3A_3761 = arith.addf %get3A_3737, %get3A_3760 : vector<16xf32>
      %get3A_3762 = arith.constant 52 : i32
      %get3A_3763 = arith.index_cast %get3A_3762 : i32 to index
      %get3A_3764 = arith.constant 0 : index
      %get3A_3765 = tpu.vector_load %arg7[%get3A_3763, %get3A_3764] {strides = array<i32>} : memref<100x128xf32, #tpu.memory_space<vmem>>, vector<1x16xf32>,
      %get3A_3766 = vector.shape_cast %get3A_3765 : vector<1x16xf32> to vector<16xf32>
      %add3A_3767 = arith.addf %add3A_3743, %get3A_3766 : vector<16xf32>
      %get3A_3768 = arith.constant 52 : i32
      %get3A_3769 = arith.index_cast %get3A_3768 : i32 to index
      %get3A_3770 = arith.constant 16 : index
      %get3A_3771 = tpu.vector_load %arg7[%get3A_3769, %get3A_3770] {strides = array<i32>} : memref<100x128xf32, #tpu.memory_space<vmem>>, vector<1x16xf32>,
      %get3A_3772 = vector.shape_cast %get3A_3771 : vector<1x16xf32> to vector<16xf32>
      %add3A_3773 = arith.addf %add3A_3749, %get3A_3772 : vector<16xf32>
      %get3A_3774 = arith.constant 52 : i32
      %get3A_3775 = arith.index_cast %get3A_3774 : i32 to index
      %get3A_3776 = arith.constant 32 : index
      %get3A_3777 = tpu.vector_load %arg7[%get3A_3775, %get3A_3776] {strides = array<i32>} : memref<100x128xf32, #tpu.memory_space<vmem>>, vector<1x16xf32>,
      %get3A_3778 = vector.shape_cast %get3A_3777 : vector<1x16xf32> to vector<16xf32>
      %add3A_3779 = arith.addf %add3A_3755, %get3A_3778 : vector<16xf32>
      %get3A_3780 = arith.constant 52 : i32
      %get3A_3781 = arith.index_cast %get3A_3780 : i32 to index
      %get3A_3782 = arith.constant 48 : index
      %get3A_3783 = tpu.vector_load %arg7[%get3A_3781, %get3A_3782] {strides = array<i32>} : memref<100x128xf32, #tpu.memory_space<vmem>>, vector<1x16xf32>,
      %get3A_3784 = vector.shape_cast %get3A_3783 : vector<1x16xf32> to vector<16xf32>
      %add3A_3785 = arith.addf %add3A_3761, %get3A_3784 : vector<16xf32>
      %get3A_3786 = arith.constant 53 : i32
      %get3A_3787 = arith.index_cast %get3A_3786 : i32 to index
      %get3A_3788 = arith.constant 0 : index
      %get3A_3789 = tpu.vector_load %arg7[%get3A_3787, %get3A_3788] {strides = array<i32>} : memref<100x128xf32, #tpu.memory_space<vmem>>, vector<1x16xf32>,
      %get3A_3790 = vector.shape_cast %get3A_3789 : vector<1x16xf32> to vector<16xf32>
      %add3A_3791 = arith.addf %add3A_3767, %get3A_3790 : vector<16xf32>
      %get3A_3792 = arith.constant 53 : i32
      %get3A_3793 = arith.index_cast %get3A_3792 : i32 to index
      %get3A_3794 = arith.constant 16 : index
      %get3A_3795 = tpu.vector_load %arg7[%get3A_3793, %get3A_3794] {strides = array<i32>} : memref<100x128xf32, #tpu.memory_space<vmem>>, vector<1x16xf32>,
      %get3A_3796 = vector.shape_cast %get3A_3795 : vector<1x16xf32> to vector<16xf32>
      %add3A_3797 = arith.addf %add3A_3773, %get3A_3796 : vector<16xf32>
      %get3A_3798 = arith.constant 53 : i32
      %get3A_3799 = arith.index_cast %get3A_3798 : i32 to index
      %get3A_3800 = arith.constant 32 : index
      %get3A_3801 = tpu.vector_load %arg7[%get3A_3799, %get3A_3800] {strides = array<i32>} : memref<100x128xf32, #tpu.memory_space<vmem>>, vector<1x16xf32>,
      %get3A_3802 = vector.shape_cast %get3A_3801 : vector<1x16xf32> to vector<16xf32>
      %add3A_3803 = arith.addf %add3A_3779, %get3A_3802 : vector<16xf32>
      %get3A_3804 = arith.constant 53 : i32
      %get3A_3805 = arith.index_cast %get3A_3804 : i32 to index
      %get3A_3806 = arith.constant 48 : index
      %get3A_3807 = tpu.vector_load %arg7[%get3A_3805, %get3A_3806] {strides = array<i32>} : memref<100x128xf32, #tpu.memory_space<vmem>>, vector<1x16xf32>,
      %get3A_3808 = vector.shape_cast %get3A_3807 : vector<1x16xf32> to vector<16xf32>
      %add3A_3809 = arith.addf %add3A_3785, %get3A_3808 : vector<16xf32>
      %get3A_3810 = arith.constant 54 : i32
      %get3A_3811 = arith.index_cast %get3A_3810 : i32 to index
      %get3A_3812 = arith.constant 0 : index
      %get3A_3813 = tpu.vector_load %arg7[%get3A_3811, %get3A_3812] {strides = array<i32>} : memref<100x128xf32, #tpu.memory_space<vmem>>, vector<1x16xf32>,
      %get3A_3814 = vector.shape_cast %get3A_3813 : vector<1x16xf32> to vector<16xf32>
      %add3A_3815 = arith.addf %add3A_3791, %get3A_3814 : vector<16xf32>
      %get3A_3816 = arith.constant 54 : i32
      %get3A_3817 = arith.index_cast %get3A_3816 : i32 to index
      %get3A_3818 = arith.constant 16 : index
      %get3A_3819 = tpu.vector_load %arg7[%get3A_3817, %get3A_3818] {strides = array<i32>} : memref<100x128xf32, #tpu.memory_space<vmem>>, vector<1x16xf32>,
      %get3A_3820 = vector.shape_cast %get3A_3819 : vector<1x16xf32> to vector<16xf32>
      %add3A_3821 = arith.addf %add3A_3797, %get3A_3820 : vector<16xf32>
      %get3A_3822 = arith.constant 54 : i32
      %get3A_3823 = arith.index_cast %get3A_3822 : i32 to index
      %get3A_3824 = arith.constant 32 : index
      %get3A_3825 = tpu.vector_load %arg7[%get3A_3823, %get3A_3824] {strides = array<i32>} : memref<100x128xf32, #tpu.memory_space<vmem>>, vector<1x16xf32>,
      %get3A_3826 = vector.shape_cast %get3A_3825 : vector<1x16xf32> to vector<16xf32>
      %add3A_3827 = arith.addf %add3A_3803, %get3A_3826 : vector<16xf32>
      %get3A_3828 = arith.constant 54 : i32
      %get3A_3829 = arith.index_cast %get3A_3828 : i32 to index
      %get3A_3830 = arith.constant 48 : index
      %get3A_3831 = tpu.vector_load %arg7[%get3A_3829, %get3A_3830] {strides = array<i32>} : memref<100x128xf32, #tpu.memory_space<vmem>>, vector<1x16xf32>,
      %get3A_3832 = vector.shape_cast %get3A_3831 : vector<1x16xf32> to vector<16xf32>
      %add3A_3833 = arith.addf %add3A_3809, %get3A_3832 : vector<16xf32>
      %get3A_3834 = arith.constant 55 : i32
      %get3A_3835 = arith.index_cast %get3A_3834 : i32 to index
      %get3A_3836 = arith.constant 0 : index
      %get3A_3837 = tpu.vector_load %arg7[%get3A_3835, %get3A_3836] {strides = array<i32>} : memref<100x128xf32, #tpu.memory_space<vmem>>, vector<1x16xf32>,
      %get3A_3838 = vector.shape_cast %get3A_3837 : vector<1x16xf32> to vector<16xf32>
      %add3A_3839 = arith.addf %add3A_3815, %get3A_3838 : vector<16xf32>
      %get3A_3840 = arith.constant 55 : i32
      %get3A_3841 = arith.index_cast %get3A_3840 : i32 to index
      %get3A_3842 = arith.constant 16 : index
      %get3A_3843 = tpu.vector_load %arg7[%get3A_3841, %get3A_3842] {strides = array<i32>} : memref<100x128xf32, #tpu.memory_space<vmem>>, vector<1x16xf32>,
      %get3A_3844 = vector.shape_cast %get3A_3843 : vector<1x16xf32> to vector<16xf32>
      %add3A_3845 = arith.addf %add3A_3821, %get3A_3844 : vector<16xf32>
      %get3A_3846 = arith.constant 55 : i32
      %get3A_3847 = arith.index_cast %get3A_3846 : i32 to index
      %get3A_3848 = arith.constant 32 : index
      %get3A_3849 = tpu.vector_load %arg7[%get3A_3847, %get3A_3848] {strides = array<i32>} : memref<100x128xf32, #tpu.memory_space<vmem>>, vector<1x16xf32>,
      %get3A_3850 = vector.shape_cast %get3A_3849 : vector<1x16xf32> to vector<16xf32>
      %add3A_3851 = arith.addf %add3A_3827, %get3A_3850 : vector<16xf32>
      %get3A_3852 = arith.constant 55 : i32
      %get3A_3853 = arith.index_cast %get3A_3852 : i32 to index
      %get3A_3854 = arith.constant 48 : index
      %get3A_3855 = tpu.vector_load %arg7[%get3A_3853, %get3A_3854] {strides = array<i32>} : memref<100x128xf32, #tpu.memory_space<vmem>>, vector<1x16xf32>,
      %get3A_3856 = vector.shape_cast %get3A_3855 : vector<1x16xf32> to vector<16xf32>
      %add3A_3857 = arith.addf %add3A_3833, %get3A_3856 : vector<16xf32>
      %get3A_3858 = arith.constant 56 : i32
      %get3A_3859 = arith.index_cast %get3A_3858 : i32 to index
      %get3A_3860 = arith.constant 0 : index
      %get3A_3861 = tpu.vector_load %arg7[%get3A_3859, %get3A_3860] {strides = array<i32>} : memref<100x128xf32, #tpu.memory_space<vmem>>, vector<1x16xf32>,
      %get3A_3862 = vector.shape_cast %get3A_3861 : vector<1x16xf32> to vector<16xf32>
      %add3A_3863 = arith.addf %add3A_3839, %get3A_3862 : vector<16xf32>
      %get3A_3864 = arith.constant 56 : i32
      %get3A_3865 = arith.index_cast %get3A_3864 : i32 to index
      %get3A_3866 = arith.constant 16 : index
      %get3A_3867 = tpu.vector_load %arg7[%get3A_3865, %get3A_3866] {strides = array<i32>} : memref<100x128xf32, #tpu.memory_space<vmem>>, vector<1x16xf32>,
      %get3A_3868 = vector.shape_cast %get3A_3867 : vector<1x16xf32> to vector<16xf32>
      %add3A_3869 = arith.addf %add3A_3845, %get3A_3868 : vector<16xf32>
      %get3A_3870 = arith.constant 56 : i32
      %get3A_3871 = arith.index_cast %get3A_3870 : i32 to index
      %get3A_3872 = arith.constant 32 : index
      %get3A_3873 = tpu.vector_load %arg7[%get3A_3871, %get3A_3872] {strides = array<i32>} : memref<100x128xf32, #tpu.memory_space<vmem>>, vector<1x16xf32>,
      %get3A_3874 = vector.shape_cast %get3A_3873 : vector<1x16xf32> to vector<16xf32>
      %add3A_3875 = arith.addf %add3A_3851, %get3A_3874 : vector<16xf32>
      %get3A_3876 = arith.constant 56 : i32
      %get3A_3877 = arith.index_cast %get3A_3876 : i32 to index
      %get3A_3878 = arith.constant 48 : index
      %get3A_3879 = tpu.vector_load %arg7[%get3A_3877, %get3A_3878] {strides = array<i32>} : memref<100x128xf32, #tpu.memory_space<vmem>>, vector<1x16xf32>,
      %get3A_3880 = vector.shape_cast %get3A_3879 : vector<1x16xf32> to vector<16xf32>
      %add3A_3881 = arith.addf %add3A_3857, %get3A_3880 : vector<16xf32>
      %get3A_3882 = arith.constant 57 : i32
      %get3A_3883 = arith.index_cast %get3A_3882 : i32 to index
      %get3A_3884 = arith.constant 0 : index
      %get3A_3885 = tpu.vector_load %arg7[%get3A_3883, %get3A_3884] {strides = array<i32>} : memref<100x128xf32, #tpu.memory_space<vmem>>, vector<1x16xf32>,
      %get3A_3886 = vector.shape_cast %get3A_3885 : vector<1x16xf32> to vector<16xf32>
      %add3A_3887 = arith.addf %add3A_3863, %get3A_3886 : vector<16xf32>
      %get3A_3888 = arith.constant 57 : i32
      %get3A_3889 = arith.index_cast %get3A_3888 : i32 to index
      %get3A_3890 = arith.constant 16 : index
      %get3A_3891 = tpu.vector_load %arg7[%get3A_3889, %get3A_3890] {strides = array<i32>} : memref<100x128xf32, #tpu.memory_space<vmem>>, vector<1x16xf32>,
      %get3A_3892 = vector.shape_cast %get3A_3891 : vector<1x16xf32> to vector<16xf32>
      %add3A_3893 = arith.addf %add3A_3869, %get3A_3892 : vector<16xf32>
      %get3A_3894 = arith.constant 57 : i32
      %get3A_3895 = arith.index_cast %get3A_3894 : i32 to index
      %get3A_3896 = arith.constant 32 : index
      %get3A_3897 = tpu.vector_load %arg7[%get3A_3895, %get3A_3896] {strides = array<i32>} : memref<100x128xf32, #tpu.memory_space<vmem>>, vector<1x16xf32>,
      %get3A_3898 = vector.shape_cast %get3A_3897 : vector<1x16xf32> to vector<16xf32>
      %add3A_3899 = arith.addf %add3A_3875, %get3A_3898 : vector<16xf32>
      %get3A_3900 = arith.constant 57 : i32
      %get3A_3901 = arith.index_cast %get3A_3900 : i32 to index
      %get3A_3902 = arith.constant 48 : index
      %get3A_3903 = tpu.vector_load %arg7[%get3A_3901, %get3A_3902] {strides = array<i32>} : memref<100x128xf32, #tpu.memory_space<vmem>>, vector<1x16xf32>,
      %get3A_3904 = vector.shape_cast %get3A_3903 : vector<1x16xf32> to vector<16xf32>
      %add3A_3905 = arith.addf %add3A_3881, %get3A_3904 : vector<16xf32>
      %get3A_3906 = arith.constant 58 : i32
      %get3A_3907 = arith.index_cast %get3A_3906 : i32 to index
      %get3A_3908 = arith.constant 0 : index
      %get3A_3909 = tpu.vector_load %arg7[%get3A_3907, %get3A_3908] {strides = array<i32>} : memref<100x128xf32, #tpu.memory_space<vmem>>, vector<1x16xf32>,
      %get3A_3910 = vector.shape_cast %get3A_3909 : vector<1x16xf32> to vector<16xf32>
      %add3A_3911 = arith.addf %add3A_3887, %get3A_3910 : vector<16xf32>
      %get3A_3912 = arith.constant 58 : i32
      %get3A_3913 = arith.index_cast %get3A_3912 : i32 to index
      %get3A_3914 = arith.constant 16 : index
      %get3A_3915 = tpu.vector_load %arg7[%get3A_3913, %get3A_3914] {strides = array<i32>} : memref<100x128xf32, #tpu.memory_space<vmem>>, vector<1x16xf32>,
      %get3A_3916 = vector.shape_cast %get3A_3915 : vector<1x16xf32> to vector<16xf32>
      %add3A_3917 = arith.addf %add3A_3893, %get3A_3916 : vector<16xf32>
      %get3A_3918 = arith.constant 58 : i32
      %get3A_3919 = arith.index_cast %get3A_3918 : i32 to index
      %get3A_3920 = arith.constant 32 : index
      %get3A_3921 = tpu.vector_load %arg7[%get3A_3919, %get3A_3920] {strides = array<i32>} : memref<100x128xf32, #tpu.memory_space<vmem>>, vector<1x16xf32>,
      %get3A_3922 = vector.shape_cast %get3A_3921 : vector<1x16xf32> to vector<16xf32>
      %add3A_3923 = arith.addf %add3A_3899, %get3A_3922 : vector<16xf32>
      %get3A_3924 = arith.constant 58 : i32
      %get3A_3925 = arith.index_cast %get3A_3924 : i32 to index
      %get3A_3926 = arith.constant 48 : index
      %get3A_3927 = tpu.vector_load %arg7[%get3A_3925, %get3A_3926] {strides = array<i32>} : memref<100x128xf32, #tpu.memory_space<vmem>>, vector<1x16xf32>,
      %get3A_3928 = vector.shape_cast %get3A_3927 : vector<1x16xf32> to vector<16xf32>
      %add3A_3929 = arith.addf %add3A_3905, %get3A_3928 : vector<16xf32>
      %get3A_3930 = arith.constant 59 : i32
      %get3A_3931 = arith.index_cast %get3A_3930 : i32 to index
      %get3A_3932 = arith.constant 0 : index
      %get3A_3933 = tpu.vector_load %arg7[%get3A_3931, %get3A_3932] {strides = array<i32>} : memref<100x128xf32, #tpu.memory_space<vmem>>, vector<1x16xf32>,
      %get3A_3934 = vector.shape_cast %get3A_3933 : vector<1x16xf32> to vector<16xf32>
      %add3A_3935 = arith.addf %add3A_3911, %get3A_3934 : vector<16xf32>
      %get3A_3936 = arith.constant 59 : i32
      %get3A_3937 = arith.index_cast %get3A_3936 : i32 to index
      %get3A_3938 = arith.constant 16 : index
      %get3A_3939 = tpu.vector_load %arg7[%get3A_3937, %get3A_3938] {strides = array<i32>} : memref<100x128xf32, #tpu.memory_space<vmem>>, vector<1x16xf32>,
      %get3A_3940 = vector.shape_cast %get3A_3939 : vector<1x16xf32> to vector<16xf32>
      %add3A_3941 = arith.addf %add3A_3917, %get3A_3940 : vector<16xf32>
      %get3A_3942 = arith.constant 59 : i32
      %get3A_3943 = arith.index_cast %get3A_3942 : i32 to index
      %get3A_3944 = arith.constant 32 : index
      %get3A_3945 = tpu.vector_load %arg7[%get3A_3943, %get3A_3944] {strides = array<i32>} : memref<100x128xf32, #tpu.memory_space<vmem>>, vector<1x16xf32>,
      %get3A_3946 = vector.shape_cast %get3A_3945 : vector<1x16xf32> to vector<16xf32>
      %add3A_3947 = arith.addf %add3A_3923, %get3A_3946 : vector<16xf32>
      %get3A_3948 = arith.constant 59 : i32
      %get3A_3949 = arith.index_cast %get3A_3948 : i32 to index
      %get3A_3950 = arith.constant 48 : index
      %get3A_3951 = tpu.vector_load %arg7[%get3A_3949, %get3A_3950] {strides = array<i32>} : memref<100x128xf32, #tpu.memory_space<vmem>>, vector<1x16xf32>,
      %get3A_3952 = vector.shape_cast %get3A_3951 : vector<1x16xf32> to vector<16xf32>
      %add3A_3953 = arith.addf %add3A_3929, %get3A_3952 : vector<16xf32>
      %get3A_3954 = arith.constant 60 : i32
      %get3A_3955 = arith.index_cast %get3A_3954 : i32 to index
      %get3A_3956 = arith.constant 0 : index
      %get3A_3957 = tpu.vector_load %arg7[%get3A_3955, %get3A_3956] {strides = array<i32>} : memref<100x128xf32, #tpu.memory_space<vmem>>, vector<1x16xf32>,
      %get3A_3958 = vector.shape_cast %get3A_3957 : vector<1x16xf32> to vector<16xf32>
      %add3A_3959 = arith.addf %add3A_3935, %get3A_3958 : vector<16xf32>
      %get3A_3960 = arith.constant 60 : i32
      %get3A_3961 = arith.index_cast %get3A_3960 : i32 to index
      %get3A_3962 = arith.constant 16 : index
      %get3A_3963 = tpu.vector_load %arg7[%get3A_3961, %get3A_3962] {strides = array<i32>} : memref<100x128xf32, #tpu.memory_space<vmem>>, vector<1x16xf32>,
      %get3A_3964 = vector.shape_cast %get3A_3963 : vector<1x16xf32> to vector<16xf32>
      %add3A_3965 = arith.addf %add3A_3941, %get3A_3964 : vector<16xf32>
      %get3A_3966 = arith.constant 60 : i32
      %get3A_3967 = arith.index_cast %get3A_3966 : i32 to index
      %get3A_3968 = arith.constant 32 : index
      %get3A_3969 = tpu.vector_load %arg7[%get3A_3967, %get3A_3968] {strides = array<i32>} : memref<100x128xf32, #tpu.memory_space<vmem>>, vector<1x16xf32>,
      %get3A_3970 = vector.shape_cast %get3A_3969 : vector<1x16xf32> to vector<16xf32>
      %add3A_3971 = arith.addf %add3A_3947, %get3A_3970 : vector<16xf32>
      %get3A_3972 = arith.constant 60 : i32
      %get3A_3973 = arith.index_cast %get3A_3972 : i32 to index
      %get3A_3974 = arith.constant 48 : index
      %get3A_3975 = tpu.vector_load %arg7[%get3A_3973, %get3A_3974] {strides = array<i32>} : memref<100x128xf32, #tpu.memory_space<vmem>>, vector<1x16xf32>,
      %get3A_3976 = vector.shape_cast %get3A_3975 : vector<1x16xf32> to vector<16xf32>
      %add3A_3977 = arith.addf %add3A_3953, %get3A_3976 : vector<16xf32>
      %get3A_3978 = arith.constant 61 : i32
      %get3A_3979 = arith.index_cast %get3A_3978 : i32 to index
      %get3A_3980 = arith.constant 0 : index
      %get3A_3981 = tpu.vector_load %arg7[%get3A_3979, %get3A_3980] {strides = array<i32>} : memref<100x128xf32, #tpu.memory_space<vmem>>, vector<1x16xf32>,
      %get3A_3982 = vector.shape_cast %get3A_3981 : vector<1x16xf32> to vector<16xf32>
      %add3A_3983 = arith.addf %add3A_3959, %get3A_3982 : vector<16xf32>
      %get3A_3984 = arith.constant 61 : i32
      %get3A_3985 = arith.index_cast %get3A_3984 : i32 to index
      %get3A_3986 = arith.constant 16 : index
      %get3A_3987 = tpu.vector_load %arg7[%get3A_3985, %get3A_3986] {strides = array<i32>} : memref<100x128xf32, #tpu.memory_space<vmem>>, vector<1x16xf32>,
      %get3A_3988 = vector.shape_cast %get3A_3987 : vector<1x16xf32> to vector<16xf32>
      %add3A_3989 = arith.addf %add3A_3965, %get3A_3988 : vector<16xf32>
      %get3A_3990 = arith.constant 61 : i32
      %get3A_3991 = arith.index_cast %get3A_3990 : i32 to index
      %get3A_3992 = arith.constant 32 : index
      %get3A_3993 = tpu.vector_load %arg7[%get3A_3991, %get3A_3992] {strides = array<i32>} : memref<100x128xf32, #tpu.memory_space<vmem>>, vector<1x16xf32>,
      %get3A_3994 = vector.shape_cast %get3A_3993 : vector<1x16xf32> to vector<16xf32>
      %add3A_3995 = arith.addf %add3A_3971, %get3A_3994 : vector<16xf32>
      %get3A_3996 = arith.constant 61 : i32
      %get3A_3997 = arith.index_cast %get3A_3996 : i32 to index
      %get3A_3998 = arith.constant 48 : index
      %get3A_3999 = tpu.vector_load %arg7[%get3A_3997, %get3A_3998] {strides = array<i32>} : memref<100x128xf32, #tpu.memory_space<vmem>>, vector<1x16xf32>,
      %get3A_4000 = vector.shape_cast %get3A_3999 : vector<1x16xf32> to vector<16xf32>
      %add3A_4001 = arith.addf %add3A_3977, %get3A_4000 : vector<16xf32>
      %get3A_4002 = arith.constant 62 : i32
      %get3A_4003 = arith.index_cast %get3A_4002 : i32 to index
      %get3A_4004 = arith.constant 0 : index
      %get3A_4005 = tpu.vector_load %arg7[%get3A_4003, %get3A_4004] {strides = array<i32>} : memref<100x128xf32, #tpu.memory_space<vmem>>, vector<1x16xf32>,
      %get3A_4006 = vector.shape_cast %get3A_4005 : vector<1x16xf32> to vector<16xf32>
      %add3A_4007 = arith.addf %add3A_3983, %get3A_4006 : vector<16xf32>
      %get3A_4008 = arith.constant 62 : i32
      %get3A_4009 = arith.index_cast %get3A_4008 : i32 to index
      %get3A_4010 = arith.constant 16 : index
      %get3A_4011 = tpu.vector_load %arg7[%get3A_4009, %get3A_4010] {strides = array<i32>} : memref<100x128xf32, #tpu.memory_space<vmem>>, vector<1x16xf32>,
      %get3A_4012 = vector.shape_cast %get3A_4011 : vector<1x16xf32> to vector<16xf32>
      %add3A_4013 = arith.addf %add3A_3989, %get3A_4012 : vector<16xf32>
      %get3A_4014 = arith.constant 62 : i32
      %get3A_4015 = arith.index_cast %get3A_4014 : i32 to index
      %get3A_4016 = arith.constant 32 : index
      %get3A_4017 = tpu.vector_load %arg7[%get3A_4015, %get3A_4016] {strides = array<i32>} : memref<100x128xf32, #tpu.memory_space<vmem>>, vector<1x16xf32>,
      %get3A_4018 = vector.shape_cast %get3A_4017 : vector<1x16xf32> to vector<16xf32>
      %add3A_4019 = arith.addf %add3A_3995, %get3A_4018 : vector<16xf32>
      %get3A_4020 = arith.constant 62 : i32
      %get3A_4021 = arith.index_cast %get3A_4020 : i32 to index
      %get3A_4022 = arith.constant 48 : index
      %get3A_4023 = tpu.vector_load %arg7[%get3A_4021, %get3A_4022] {strides = array<i32>} : memref<100x128xf32, #tpu.memory_space<vmem>>, vector<1x16xf32>,
      %get3A_4024 = vector.shape_cast %get3A_4023 : vector<1x16xf32> to vector<16xf32>
      %add3A_4025 = arith.addf %add3A_4001, %get3A_4024 : vector<16xf32>
      %get3A_4026 = arith.constant 63 : i32
      %get3A_4027 = arith.index_cast %get3A_4026 : i32 to index
      %get3A_4028 = arith.constant 0 : index
      %get3A_4029 = tpu.vector_load %arg7[%get3A_4027, %get3A_4028] {strides = array<i32>} : memref<100x128xf32, #tpu.memory_space<vmem>>, vector<1x16xf32>,
      %get3A_4030 = vector.shape_cast %get3A_4029 : vector<1x16xf32> to vector<16xf32>
      %add3A_4031 = arith.addf %add3A_4007, %get3A_4030 : vector<16xf32>
      %get3A_4032 = arith.constant 63 : i32
      %get3A_4033 = arith.index_cast %get3A_4032 : i32 to index
      %get3A_4034 = arith.constant 16 : index
      %get3A_4035 = tpu.vector_load %arg7[%get3A_4033, %get3A_4034] {strides = array<i32>} : memref<100x128xf32, #tpu.memory_space<vmem>>, vector<1x16xf32>,
      %get3A_4036 = vector.shape_cast %get3A_4035 : vector<1x16xf32> to vector<16xf32>
      %add3A_4037 = arith.addf %add3A_4013, %get3A_4036 : vector<16xf32>
      %get3A_4038 = arith.constant 63 : i32
      %get3A_4039 = arith.index_cast %get3A_4038 : i32 to index
      %get3A_4040 = arith.constant 32 : index
      %get3A_4041 = tpu.vector_load %arg7[%get3A_4039, %get3A_4040] {strides = array<i32>} : memref<100x128xf32, #tpu.memory_space<vmem>>, vector<1x16xf32>,
      %get3A_4042 = vector.shape_cast %get3A_4041 : vector<1x16xf32> to vector<16xf32>
      %add3A_4043 = arith.addf %add3A_4019, %get3A_4042 : vector<16xf32>
      %get3A_4044 = arith.constant 63 : i32
      %get3A_4045 = arith.index_cast %get3A_4044 : i32 to index
      %get3A_4046 = arith.constant 48 : index
      %get3A_4047 = tpu.vector_load %arg7[%get3A_4045, %get3A_4046] {strides = array<i32>} : memref<100x128xf32, #tpu.memory_space<vmem>>, vector<1x16xf32>,
      %get3A_4048 = vector.shape_cast %get3A_4047 : vector<1x16xf32> to vector<16xf32>
      %add3A_4049 = arith.addf %add3A_4025, %get3A_4048 : vector<16xf32>
      %get3A_4050 = arith.constant 64 : i32
      %get3A_4051 = arith.index_cast %get3A_4050 : i32 to index
      %get3A_4052 = arith.constant 0 : index
      %get3A_4053 = tpu.vector_load %arg7[%get3A_4051, %get3A_4052] {strides = array<i32>} : memref<100x128xf32, #tpu.memory_space<vmem>>, vector<1x16xf32>,
      %get3A_4054 = vector.shape_cast %get3A_4053 : vector<1x16xf32> to vector<16xf32>
      %add3A_4055 = arith.addf %add3A_4031, %get3A_4054 : vector<16xf32>
      %get3A_4056 = arith.constant 64 : i32
      %get3A_4057 = arith.index_cast %get3A_4056 : i32 to index
      %get3A_4058 = arith.constant 16 : index
      %get3A_4059 = tpu.vector_load %arg7[%get3A_4057, %get3A_4058] {strides = array<i32>} : memref<100x128xf32, #tpu.memory_space<vmem>>, vector<1x16xf32>,
      %get3A_4060 = vector.shape_cast %get3A_4059 : vector<1x16xf32> to vector<16xf32>
      %add3A_4061 = arith.addf %add3A_4037, %get3A_4060 : vector<16xf32>
      %get3A_4062 = arith.constant 64 : i32
      %get3A_4063 = arith.index_cast %get3A_4062 : i32 to index
      %get3A_4064 = arith.constant 32 : index
      %get3A_4065 = tpu.vector_load %arg7[%get3A_4063, %get3A_4064] {strides = array<i32>} : memref<100x128xf32, #tpu.memory_space<vmem>>, vector<1x16xf32>,
      %get3A_4066 = vector.shape_cast %get3A_4065 : vector<1x16xf32> to vector<16xf32>
      %add3A_4067 = arith.addf %add3A_4043, %get3A_4066 : vector<16xf32>
      %get3A_4068 = arith.constant 64 : i32
      %get3A_4069 = arith.index_cast %get3A_4068 : i32 to index
      %get3A_4070 = arith.constant 48 : index
      %get3A_4071 = tpu.vector_load %arg7[%get3A_4069, %get3A_4070] {strides = array<i32>} : memref<100x128xf32, #tpu.memory_space<vmem>>, vector<1x16xf32>,
      %get3A_4072 = vector.shape_cast %get3A_4071 : vector<1x16xf32> to vector<16xf32>
      %add3A_4073 = arith.addf %add3A_4049, %get3A_4072 : vector<16xf32>
      %get3A_4074 = arith.constant 65 : i32
      %get3A_4075 = arith.index_cast %get3A_4074 : i32 to index
      %get3A_4076 = arith.constant 0 : index
      %get3A_4077 = tpu.vector_load %arg7[%get3A_4075, %get3A_4076] {strides = array<i32>} : memref<100x128xf32, #tpu.memory_space<vmem>>, vector<1x16xf32>,
      %get3A_4078 = vector.shape_cast %get3A_4077 : vector<1x16xf32> to vector<16xf32>
      %add3A_4079 = arith.addf %add3A_4055, %get3A_4078 : vector<16xf32>
      %get3A_4080 = arith.constant 65 : i32
      %get3A_4081 = arith.index_cast %get3A_4080 : i32 to index
      %get3A_4082 = arith.constant 16 : index
      %get3A_4083 = tpu.vector_load %arg7[%get3A_4081, %get3A_4082] {strides = array<i32>} : memref<100x128xf32, #tpu.memory_space<vmem>>, vector<1x16xf32>,
      %get3A_4084 = vector.shape_cast %get3A_4083 : vector<1x16xf32> to vector<16xf32>
      %add3A_4085 = arith.addf %add3A_4061, %get3A_4084 : vector<16xf32>
      %get3A_4086 = arith.constant 65 : i32
      %get3A_4087 = arith.index_cast %get3A_4086 : i32 to index
      %get3A_4088 = arith.constant 32 : index
      %get3A_4089 = tpu.vector_load %arg7[%get3A_4087, %get3A_4088] {strides = array<i32>} : memref<100x128xf32, #tpu.memory_space<vmem>>, vector<1x16xf32>,
      %get3A_4090 = vector.shape_cast %get3A_4089 : vector<1x16xf32> to vector<16xf32>
      %add3A_4091 = arith.addf %add3A_4067, %get3A_4090 : vector<16xf32>
      %get3A_4092 = arith.constant 65 : i32
      %get3A_4093 = arith.index_cast %get3A_4092 : i32 to index
      %get3A_4094 = arith.constant 48 : index
      %get3A_4095 = tpu.vector_load %arg7[%get3A_4093, %get3A_4094] {strides = array<i32>} : memref<100x128xf32, #tpu.memory_space<vmem>>, vector<1x16xf32>,
      %get3A_4096 = vector.shape_cast %get3A_4095 : vector<1x16xf32> to vector<16xf32>
      %add3A_4097 = arith.addf %add3A_4073, %get3A_4096 : vector<16xf32>
      %get3A_4098 = arith.constant 66 : i32
      %get3A_4099 = arith.index_cast %get3A_4098 : i32 to index
      %get3A_4100 = arith.constant 0 : index
      %get3A_4101 = tpu.vector_load %arg7[%get3A_4099, %get3A_4100] {strides = array<i32>} : memref<100x128xf32, #tpu.memory_space<vmem>>, vector<1x16xf32>,
      %get3A_4102 = vector.shape_cast %get3A_4101 : vector<1x16xf32> to vector<16xf32>
      %add3A_4103 = arith.addf %add3A_4079, %get3A_4102 : vector<16xf32>
      %get3A_4104 = arith.constant 66 : i32
      %get3A_4105 = arith.index_cast %get3A_4104 : i32 to index
      %get3A_4106 = arith.constant 16 : index
      %get3A_4107 = tpu.vector_load %arg7[%get3A_4105, %get3A_4106] {strides = array<i32>} : memref<100x128xf32, #tpu.memory_space<vmem>>, vector<1x16xf32>,
      %get3A_4108 = vector.shape_cast %get3A_4107 : vector<1x16xf32> to vector<16xf32>
      %add3A_4109 = arith.addf %add3A_4085, %get3A_4108 : vector<16xf32>
      %get3A_4110 = arith.constant 66 : i32
      %get3A_4111 = arith.index_cast %get3A_4110 : i32 to index
      %get3A_4112 = arith.constant 32 : index
      %get3A_4113 = tpu.vector_load %arg7[%get3A_4111, %get3A_4112] {strides = array<i32>} : memref<100x128xf32, #tpu.memory_space<vmem>>, vector<1x16xf32>,
      %get3A_4114 = vector.shape_cast %get3A_4113 : vector<1x16xf32> to vector<16xf32>
      %add3A_4115 = arith.addf %add3A_4091, %get3A_4114 : vector<16xf32>
      %get3A_4116 = arith.constant 66 : i32
      %get3A_4117 = arith.index_cast %get3A_4116 : i32 to index
      %get3A_4118 = arith.constant 48 : index
      %get3A_4119 = tpu.vector_load %arg7[%get3A_4117, %get3A_4118] {strides = array<i32>} : memref<100x128xf32, #tpu.memory_space<vmem>>, vector<1x16xf32>,
      %get3A_4120 = vector.shape_cast %get3A_4119 : vector<1x16xf32> to vector<16xf32>
      %add3A_4121 = arith.addf %add3A_4097, %get3A_4120 : vector<16xf32>
      %get3A_4122 = arith.constant 67 : i32
      %get3A_4123 = arith.index_cast %get3A_4122 : i32 to index
      %get3A_4124 = arith.constant 0 : index
      %get3A_4125 = tpu.vector_load %arg7[%get3A_4123, %get3A_4124] {strides = array<i32>} : memref<100x128xf32, #tpu.memory_space<vmem>>, vector<1x16xf32>,
      %get3A_4126 = vector.shape_cast %get3A_4125 : vector<1x16xf32> to vector<16xf32>
      %add3A_4127 = arith.addf %add3A_4103, %get3A_4126 : vector<16xf32>
      %get3A_4128 = arith.constant 67 : i32
      %get3A_4129 = arith.index_cast %get3A_4128 : i32 to index
      %get3A_4130 = arith.constant 16 : index
      %get3A_4131 = tpu.vector_load %arg7[%get3A_4129, %get3A_4130] {strides = array<i32>} : memref<100x128xf32, #tpu.memory_space<vmem>>, vector<1x16xf32>,
      %get3A_4132 = vector.shape_cast %get3A_4131 : vector<1x16xf32> to vector<16xf32>
      %add3A_4133 = arith.addf %add3A_4109, %get3A_4132 : vector<16xf32>
      %get3A_4134 = arith.constant 67 : i32
      %get3A_4135 = arith.index_cast %get3A_4134 : i32 to index
      %get3A_4136 = arith.constant 32 : index
      %get3A_4137 = tpu.vector_load %arg7[%get3A_4135, %get3A_4136] {strides = array<i32>} : memref<100x128xf32, #tpu.memory_space<vmem>>, vector<1x16xf32>,
      %get3A_4138 = vector.shape_cast %get3A_4137 : vector<1x16xf32> to vector<16xf32>
      %add3A_4139 = arith.addf %add3A_4115, %get3A_4138 : vector<16xf32>
      %get3A_4140 = arith.constant 67 : i32
      %get3A_4141 = arith.index_cast %get3A_4140 : i32 to index
      %get3A_4142 = arith.constant 48 : index
      %get3A_4143 = tpu.vector_load %arg7[%get3A_4141, %get3A_4142] {strides = array<i32>} : memref<100x128xf32, #tpu.memory_space<vmem>>, vector<1x16xf32>,
      %get3A_4144 = vector.shape_cast %get3A_4143 : vector<1x16xf32> to vector<16xf32>
      %add3A_4145 = arith.addf %add3A_4121, %get3A_4144 : vector<16xf32>
      %get3A_4146 = arith.constant 68 : i32
      %get3A_4147 = arith.index_cast %get3A_4146 : i32 to index
      %get3A_4148 = arith.constant 0 : index
      %get3A_4149 = tpu.vector_load %arg7[%get3A_4147, %get3A_4148] {strides = array<i32>} : memref<100x128xf32, #tpu.memory_space<vmem>>, vector<1x16xf32>,
      %get3A_4150 = vector.shape_cast %get3A_4149 : vector<1x16xf32> to vector<16xf32>
      %add3A_4151 = arith.addf %add3A_4127, %get3A_4150 : vector<16xf32>
      %get3A_4152 = arith.constant 68 : i32
      %get3A_4153 = arith.index_cast %get3A_4152 : i32 to index
      %get3A_4154 = arith.constant 16 : index
      %get3A_4155 = tpu.vector_load %arg7[%get3A_4153, %get3A_4154] {strides = array<i32>} : memref<100x128xf32, #tpu.memory_space<vmem>>, vector<1x16xf32>,
      %get3A_4156 = vector.shape_cast %get3A_4155 : vector<1x16xf32> to vector<16xf32>
      %add3A_4157 = arith.addf %add3A_4133, %get3A_4156 : vector<16xf32>
      %get3A_4158 = arith.constant 68 : i32
      %get3A_4159 = arith.index_cast %get3A_4158 : i32 to index
      %get3A_4160 = arith.constant 32 : index
      %get3A_4161 = tpu.vector_load %arg7[%get3A_4159, %get3A_4160] {strides = array<i32>} : memref<100x128xf32, #tpu.memory_space<vmem>>, vector<1x16xf32>,
      %get3A_4162 = vector.shape_cast %get3A_4161 : vector<1x16xf32> to vector<16xf32>
      %add3A_4163 = arith.addf %add3A_4139, %get3A_4162 : vector<16xf32>
      %get3A_4164 = arith.constant 68 : i32
      %get3A_4165 = arith.index_cast %get3A_4164 : i32 to index
      %get3A_4166 = arith.constant 48 : index
      %get3A_4167 = tpu.vector_load %arg7[%get3A_4165, %get3A_4166] {strides = array<i32>} : memref<100x128xf32, #tpu.memory_space<vmem>>, vector<1x16xf32>,
      %get3A_4168 = vector.shape_cast %get3A_4167 : vector<1x16xf32> to vector<16xf32>
      %add3A_4169 = arith.addf %add3A_4145, %get3A_4168 : vector<16xf32>
      %get3A_4170 = arith.constant 69 : i32
      %get3A_4171 = arith.index_cast %get3A_4170 : i32 to index
      %get3A_4172 = arith.constant 0 : index
      %get3A_4173 = tpu.vector_load %arg7[%get3A_4171, %get3A_4172] {strides = array<i32>} : memref<100x128xf32, #tpu.memory_space<vmem>>, vector<1x16xf32>,
      %get3A_4174 = vector.shape_cast %get3A_4173 : vector<1x16xf32> to vector<16xf32>
      %add3A_4175 = arith.addf %add3A_4151, %get3A_4174 : vector<16xf32>
      %get3A_4176 = arith.constant 69 : i32
      %get3A_4177 = arith.index_cast %get3A_4176 : i32 to index
      %get3A_4178 = arith.constant 16 : index
      %get3A_4179 = tpu.vector_load %arg7[%get3A_4177, %get3A_4178] {strides = array<i32>} : memref<100x128xf32, #tpu.memory_space<vmem>>, vector<1x16xf32>,
      %get3A_4180 = vector.shape_cast %get3A_4179 : vector<1x16xf32> to vector<16xf32>
      %add3A_4181 = arith.addf %add3A_4157, %get3A_4180 : vector<16xf32>
      %get3A_4182 = arith.constant 69 : i32
      %get3A_4183 = arith.index_cast %get3A_4182 : i32 to index
      %get3A_4184 = arith.constant 32 : index
      %get3A_4185 = tpu.vector_load %arg7[%get3A_4183, %get3A_4184] {strides = array<i32>} : memref<100x128xf32, #tpu.memory_space<vmem>>, vector<1x16xf32>,
      %get3A_4186 = vector.shape_cast %get3A_4185 : vector<1x16xf32> to vector<16xf32>
      %add3A_4187 = arith.addf %add3A_4163, %get3A_4186 : vector<16xf32>
      %get3A_4188 = arith.constant 69 : i32
      %get3A_4189 = arith.index_cast %get3A_4188 : i32 to index
      %get3A_4190 = arith.constant 48 : index
      %get3A_4191 = tpu.vector_load %arg7[%get3A_4189, %get3A_4190] {strides = array<i32>} : memref<100x128xf32, #tpu.memory_space<vmem>>, vector<1x16xf32>,
      %get3A_4192 = vector.shape_cast %get3A_4191 : vector<1x16xf32> to vector<16xf32>
      %add3A_4193 = arith.addf %add3A_4169, %get3A_4192 : vector<16xf32>
      %get3A_4194 = arith.constant 70 : i32
      %get3A_4195 = arith.index_cast %get3A_4194 : i32 to index
      %get3A_4196 = arith.constant 0 : index
      %get3A_4197 = tpu.vector_load %arg7[%get3A_4195, %get3A_4196] {strides = array<i32>} : memref<100x128xf32, #tpu.memory_space<vmem>>, vector<1x16xf32>,
      %get3A_4198 = vector.shape_cast %get3A_4197 : vector<1x16xf32> to vector<16xf32>
      %add3A_4199 = arith.addf %add3A_4175, %get3A_4198 : vector<16xf32>
      %get3A_4200 = arith.constant 70 : i32
      %get3A_4201 = arith.index_cast %get3A_4200 : i32 to index
      %get3A_4202 = arith.constant 16 : index
      %get3A_4203 = tpu.vector_load %arg7[%get3A_4201, %get3A_4202] {strides = array<i32>} : memref<100x128xf32, #tpu.memory_space<vmem>>, vector<1x16xf32>,
      %get3A_4204 = vector.shape_cast %get3A_4203 : vector<1x16xf32> to vector<16xf32>
      %add3A_4205 = arith.addf %add3A_4181, %get3A_4204 : vector<16xf32>
      %get3A_4206 = arith.constant 70 : i32
      %get3A_4207 = arith.index_cast %get3A_4206 : i32 to index
      %get3A_4208 = arith.constant 32 : index
      %get3A_4209 = tpu.vector_load %arg7[%get3A_4207, %get3A_4208] {strides = array<i32>} : memref<100x128xf32, #tpu.memory_space<vmem>>, vector<1x16xf32>,
      %get3A_4210 = vector.shape_cast %get3A_4209 : vector<1x16xf32> to vector<16xf32>
      %add3A_4211 = arith.addf %add3A_4187, %get3A_4210 : vector<16xf32>
      %get3A_4212 = arith.constant 70 : i32
      %get3A_4213 = arith.index_cast %get3A_4212 : i32 to index
      %get3A_4214 = arith.constant 48 : index
      %get3A_4215 = tpu.vector_load %arg7[%get3A_4213, %get3A_4214] {strides = array<i32>} : memref<100x128xf32, #tpu.memory_space<vmem>>, vector<1x16xf32>,
      %get3A_4216 = vector.shape_cast %get3A_4215 : vector<1x16xf32> to vector<16xf32>
      %add3A_4217 = arith.addf %add3A_4193, %get3A_4216 : vector<16xf32>
      %get3A_4218 = arith.constant 71 : i32
      %get3A_4219 = arith.index_cast %get3A_4218 : i32 to index
      %get3A_4220 = arith.constant 0 : index
      %get3A_4221 = tpu.vector_load %arg7[%get3A_4219, %get3A_4220] {strides = array<i32>} : memref<100x128xf32, #tpu.memory_space<vmem>>, vector<1x16xf32>,
      %get3A_4222 = vector.shape_cast %get3A_4221 : vector<1x16xf32> to vector<16xf32>
      %add3A_4223 = arith.addf %add3A_4199, %get3A_4222 : vector<16xf32>
      %get3A_4224 = arith.constant 71 : i32
      %get3A_4225 = arith.index_cast %get3A_4224 : i32 to index
      %get3A_4226 = arith.constant 16 : index
      %get3A_4227 = tpu.vector_load %arg7[%get3A_4225, %get3A_4226] {strides = array<i32>} : memref<100x128xf32, #tpu.memory_space<vmem>>, vector<1x16xf32>,
      %get3A_4228 = vector.shape_cast %get3A_4227 : vector<1x16xf32> to vector<16xf32>
      %add3A_4229 = arith.addf %add3A_4205, %get3A_4228 : vector<16xf32>
      %get3A_4230 = arith.constant 71 : i32
      %get3A_4231 = arith.index_cast %get3A_4230 : i32 to index
      %get3A_4232 = arith.constant 32 : index
      %get3A_4233 = tpu.vector_load %arg7[%get3A_4231, %get3A_4232] {strides = array<i32>} : memref<100x128xf32, #tpu.memory_space<vmem>>, vector<1x16xf32>,
      %get3A_4234 = vector.shape_cast %get3A_4233 : vector<1x16xf32> to vector<16xf32>
      %add3A_4235 = arith.addf %add3A_4211, %get3A_4234 : vector<16xf32>
      %get3A_4236 = arith.constant 71 : i32
      %get3A_4237 = arith.index_cast %get3A_4236 : i32 to index
      %get3A_4238 = arith.constant 48 : index
      %get3A_4239 = tpu.vector_load %arg7[%get3A_4237, %get3A_4238] {strides = array<i32>} : memref<100x128xf32, #tpu.memory_space<vmem>>, vector<1x16xf32>,
      %get3A_4240 = vector.shape_cast %get3A_4239 : vector<1x16xf32> to vector<16xf32>
      %add3A_4241 = arith.addf %add3A_4217, %get3A_4240 : vector<16xf32>
      %get3A_4242 = arith.constant 72 : i32
      %get3A_4243 = arith.index_cast %get3A_4242 : i32 to index
      %get3A_4244 = arith.constant 0 : index
      %get3A_4245 = tpu.vector_load %arg7[%get3A_4243, %get3A_4244] {strides = array<i32>} : memref<100x128xf32, #tpu.memory_space<vmem>>, vector<1x16xf32>,
      %get3A_4246 = vector.shape_cast %get3A_4245 : vector<1x16xf32> to vector<16xf32>
      %add3A_4247 = arith.addf %add3A_4223, %get3A_4246 : vector<16xf32>
      %get3A_4248 = arith.constant 72 : i32
      %get3A_4249 = arith.index_cast %get3A_4248 : i32 to index
      %get3A_4250 = arith.constant 16 : index
      %get3A_4251 = tpu.vector_load %arg7[%get3A_4249, %get3A_4250] {strides = array<i32>} : memref<100x128xf32, #tpu.memory_space<vmem>>, vector<1x16xf32>,
      %get3A_4252 = vector.shape_cast %get3A_4251 : vector<1x16xf32> to vector<16xf32>
      %add3A_4253 = arith.addf %add3A_4229, %get3A_4252 : vector<16xf32>
      %get3A_4254 = arith.constant 72 : i32
      %get3A_4255 = arith.index_cast %get3A_4254 : i32 to index
      %get3A_4256 = arith.constant 32 : index
      %get3A_4257 = tpu.vector_load %arg7[%get3A_4255, %get3A_4256] {strides = array<i32>} : memref<100x128xf32, #tpu.memory_space<vmem>>, vector<1x16xf32>,
      %get3A_4258 = vector.shape_cast %get3A_4257 : vector<1x16xf32> to vector<16xf32>
      %add3A_4259 = arith.addf %add3A_4235, %get3A_4258 : vector<16xf32>
      %get3A_4260 = arith.constant 72 : i32
      %get3A_4261 = arith.index_cast %get3A_4260 : i32 to index
      %get3A_4262 = arith.constant 48 : index
      %get3A_4263 = tpu.vector_load %arg7[%get3A_4261, %get3A_4262] {strides = array<i32>} : memref<100x128xf32, #tpu.memory_space<vmem>>, vector<1x16xf32>,
      %get3A_4264 = vector.shape_cast %get3A_4263 : vector<1x16xf32> to vector<16xf32>
      %add3A_4265 = arith.addf %add3A_4241, %get3A_4264 : vector<16xf32>
      %get3A_4266 = arith.constant 73 : i32
      %get3A_4267 = arith.index_cast %get3A_4266 : i32 to index
      %get3A_4268 = arith.constant 0 : index
      %get3A_4269 = tpu.vector_load %arg7[%get3A_4267, %get3A_4268] {strides = array<i32>} : memref<100x128xf32, #tpu.memory_space<vmem>>, vector<1x16xf32>,
      %get3A_4270 = vector.shape_cast %get3A_4269 : vector<1x16xf32> to vector<16xf32>
      %add3A_4271 = arith.addf %add3A_4247, %get3A_4270 : vector<16xf32>
      %get3A_4272 = arith.constant 73 : i32
      %get3A_4273 = arith.index_cast %get3A_4272 : i32 to index
      %get3A_4274 = arith.constant 16 : index
      %get3A_4275 = tpu.vector_load %arg7[%get3A_4273, %get3A_4274] {strides = array<i32>} : memref<100x128xf32, #tpu.memory_space<vmem>>, vector<1x16xf32>,
      %get3A_4276 = vector.shape_cast %get3A_4275 : vector<1x16xf32> to vector<16xf32>
      %add3A_4277 = arith.addf %add3A_4253, %get3A_4276 : vector<16xf32>
      %get3A_4278 = arith.constant 73 : i32
      %get3A_4279 = arith.index_cast %get3A_4278 : i32 to index
      %get3A_4280 = arith.constant 32 : index
      %get3A_4281 = tpu.vector_load %arg7[%get3A_4279, %get3A_4280] {strides = array<i32>} : memref<100x128xf32, #tpu.memory_space<vmem>>, vector<1x16xf32>,
      %get3A_4282 = vector.shape_cast %get3A_4281 : vector<1x16xf32> to vector<16xf32>
      %add3A_4283 = arith.addf %add3A_4259, %get3A_4282 : vector<16xf32>
      %get3A_4284 = arith.constant 73 : i32
      %get3A_4285 = arith.index_cast %get3A_4284 : i32 to index
      %get3A_4286 = arith.constant 48 : index
      %get3A_4287 = tpu.vector_load %arg7[%get3A_4285, %get3A_4286] {strides = array<i32>} : memref<100x128xf32, #tpu.memory_space<vmem>>, vector<1x16xf32>,
      %get3A_4288 = vector.shape_cast %get3A_4287 : vector<1x16xf32> to vector<16xf32>
      %add3A_4289 = arith.addf %add3A_4265, %get3A_4288 : vector<16xf32>
      %get3A_4290 = arith.constant 74 : i32
      %get3A_4291 = arith.index_cast %get3A_4290 : i32 to index
      %get3A_4292 = arith.constant 0 : index
      %get3A_4293 = tpu.vector_load %arg7[%get3A_4291, %get3A_4292] {strides = array<i32>} : memref<100x128xf32, #tpu.memory_space<vmem>>, vector<1x16xf32>,
      %get3A_4294 = vector.shape_cast %get3A_4293 : vector<1x16xf32> to vector<16xf32>
      %add3A_4295 = arith.addf %add3A_4271, %get3A_4294 : vector<16xf32>
      %get3A_4296 = arith.constant 74 : i32
      %get3A_4297 = arith.index_cast %get3A_4296 : i32 to index
      %get3A_4298 = arith.constant 16 : index
      %get3A_4299 = tpu.vector_load %arg7[%get3A_4297, %get3A_4298] {strides = array<i32>} : memref<100x128xf32, #tpu.memory_space<vmem>>, vector<1x16xf32>,
      %get3A_4300 = vector.shape_cast %get3A_4299 : vector<1x16xf32> to vector<16xf32>
      %add3A_4301 = arith.addf %add3A_4277, %get3A_4300 : vector<16xf32>
      %get3A_4302 = arith.constant 74 : i32
      %get3A_4303 = arith.index_cast %get3A_4302 : i32 to index
      %get3A_4304 = arith.constant 32 : index
      %get3A_4305 = tpu.vector_load %arg7[%get3A_4303, %get3A_4304] {strides = array<i32>} : memref<100x128xf32, #tpu.memory_space<vmem>>, vector<1x16xf32>,
      %get3A_4306 = vector.shape_cast %get3A_4305 : vector<1x16xf32> to vector<16xf32>
      %add3A_4307 = arith.addf %add3A_4283, %get3A_4306 : vector<16xf32>
      %get3A_4308 = arith.constant 74 : i32
      %get3A_4309 = arith.index_cast %get3A_4308 : i32 to index
      %get3A_4310 = arith.constant 48 : index
      %get3A_4311 = tpu.vector_load %arg7[%get3A_4309, %get3A_4310] {strides = array<i32>} : memref<100x128xf32, #tpu.memory_space<vmem>>, vector<1x16xf32>,
      %get3A_4312 = vector.shape_cast %get3A_4311 : vector<1x16xf32> to vector<16xf32>
      %add3A_4313 = arith.addf %add3A_4289, %get3A_4312 : vector<16xf32>
      %get3A_4314 = arith.constant 75 : i32
      %get3A_4315 = arith.index_cast %get3A_4314 : i32 to index
      %get3A_4316 = arith.constant 0 : index
      %get3A_4317 = tpu.vector_load %arg7[%get3A_4315, %get3A_4316] {strides = array<i32>} : memref<100x128xf32, #tpu.memory_space<vmem>>, vector<1x16xf32>,
      %get3A_4318 = vector.shape_cast %get3A_4317 : vector<1x16xf32> to vector<16xf32>
      %add3A_4319 = arith.addf %add3A_4295, %get3A_4318 : vector<16xf32>
      %get3A_4320 = arith.constant 75 : i32
      %get3A_4321 = arith.index_cast %get3A_4320 : i32 to index
      %get3A_4322 = arith.constant 16 : index
      %get3A_4323 = tpu.vector_load %arg7[%get3A_4321, %get3A_4322] {strides = array<i32>} : memref<100x128xf32, #tpu.memory_space<vmem>>, vector<1x16xf32>,
      %get3A_4324 = vector.shape_cast %get3A_4323 : vector<1x16xf32> to vector<16xf32>
      %add3A_4325 = arith.addf %add3A_4301, %get3A_4324 : vector<16xf32>
      %get3A_4326 = arith.constant 75 : i32
      %get3A_4327 = arith.index_cast %get3A_4326 : i32 to index
      %get3A_4328 = arith.constant 32 : index
      %get3A_4329 = tpu.vector_load %arg7[%get3A_4327, %get3A_4328] {strides = array<i32>} : memref<100x128xf32, #tpu.memory_space<vmem>>, vector<1x16xf32>,
      %get3A_4330 = vector.shape_cast %get3A_4329 : vector<1x16xf32> to vector<16xf32>
      %add3A_4331 = arith.addf %add3A_4307, %get3A_4330 : vector<16xf32>
      %get3A_4332 = arith.constant 75 : i32
      %get3A_4333 = arith.index_cast %get3A_4332 : i32 to index
      %get3A_4334 = arith.constant 48 : index
      %get3A_4335 = tpu.vector_load %arg7[%get3A_4333, %get3A_4334] {strides = array<i32>} : memref<100x128xf32, #tpu.memory_space<vmem>>, vector<1x16xf32>,
      %get3A_4336 = vector.shape_cast %get3A_4335 : vector<1x16xf32> to vector<16xf32>
      %add3A_4337 = arith.addf %add3A_4313, %get3A_4336 : vector<16xf32>
      %get3A_4338 = arith.constant 76 : i32
      %get3A_4339 = arith.index_cast %get3A_4338 : i32 to index
      %get3A_4340 = arith.constant 0 : index
      %get3A_4341 = tpu.vector_load %arg7[%get3A_4339, %get3A_4340] {strides = array<i32>} : memref<100x128xf32, #tpu.memory_space<vmem>>, vector<1x16xf32>,
      %get3A_4342 = vector.shape_cast %get3A_4341 : vector<1x16xf32> to vector<16xf32>
      %add3A_4343 = arith.addf %add3A_4319, %get3A_4342 : vector<16xf32>
      %get3A_4344 = arith.constant 76 : i32
      %get3A_4345 = arith.index_cast %get3A_4344 : i32 to index
      %get3A_4346 = arith.constant 16 : index
      %get3A_4347 = tpu.vector_load %arg7[%get3A_4345, %get3A_4346] {strides = array<i32>} : memref<100x128xf32, #tpu.memory_space<vmem>>, vector<1x16xf32>,
      %get3A_4348 = vector.shape_cast %get3A_4347 : vector<1x16xf32> to vector<16xf32>
      %add3A_4349 = arith.addf %add3A_4325, %get3A_4348 : vector<16xf32>
      %get3A_4350 = arith.constant 76 : i32
      %get3A_4351 = arith.index_cast %get3A_4350 : i32 to index
      %get3A_4352 = arith.constant 32 : index
      %get3A_4353 = tpu.vector_load %arg7[%get3A_4351, %get3A_4352] {strides = array<i32>} : memref<100x128xf32, #tpu.memory_space<vmem>>, vector<1x16xf32>,
      %get3A_4354 = vector.shape_cast %get3A_4353 : vector<1x16xf32> to vector<16xf32>
      %add3A_4355 = arith.addf %add3A_4331, %get3A_4354 : vector<16xf32>
      %get3A_4356 = arith.constant 76 : i32
      %get3A_4357 = arith.index_cast %get3A_4356 : i32 to index
      %get3A_4358 = arith.constant 48 : index
      %get3A_4359 = tpu.vector_load %arg7[%get3A_4357, %get3A_4358] {strides = array<i32>} : memref<100x128xf32, #tpu.memory_space<vmem>>, vector<1x16xf32>,
      %get3A_4360 = vector.shape_cast %get3A_4359 : vector<1x16xf32> to vector<16xf32>
      %add3A_4361 = arith.addf %add3A_4337, %get3A_4360 : vector<16xf32>
      %get3A_4362 = arith.constant 77 : i32
      %get3A_4363 = arith.index_cast %get3A_4362 : i32 to index
      %get3A_4364 = arith.constant 0 : index
      %get3A_4365 = tpu.vector_load %arg7[%get3A_4363, %get3A_4364] {strides = array<i32>} : memref<100x128xf32, #tpu.memory_space<vmem>>, vector<1x16xf32>,
      %get3A_4366 = vector.shape_cast %get3A_4365 : vector<1x16xf32> to vector<16xf32>
      %add3A_4367 = arith.addf %add3A_4343, %get3A_4366 : vector<16xf32>
      %get3A_4368 = arith.constant 77 : i32
      %get3A_4369 = arith.index_cast %get3A_4368 : i32 to index
      %get3A_4370 = arith.constant 16 : index
      %get3A_4371 = tpu.vector_load %arg7[%get3A_4369, %get3A_4370] {strides = array<i32>} : memref<100x128xf32, #tpu.memory_space<vmem>>, vector<1x16xf32>,
      %get3A_4372 = vector.shape_cast %get3A_4371 : vector<1x16xf32> to vector<16xf32>
      %add3A_4373 = arith.addf %add3A_4349, %get3A_4372 : vector<16xf32>
      %get3A_4374 = arith.constant 77 : i32
      %get3A_4375 = arith.index_cast %get3A_4374 : i32 to index
      %get3A_4376 = arith.constant 32 : index
      %get3A_4377 = tpu.vector_load %arg7[%get3A_4375, %get3A_4376] {strides = array<i32>} : memref<100x128xf32, #tpu.memory_space<vmem>>, vector<1x16xf32>,
      %get3A_4378 = vector.shape_cast %get3A_4377 : vector<1x16xf32> to vector<16xf32>
      %add3A_4379 = arith.addf %add3A_4355, %get3A_4378 : vector<16xf32>
      %get3A_4380 = arith.constant 77 : i32
      %get3A_4381 = arith.index_cast %get3A_4380 : i32 to index
      %get3A_4382 = arith.constant 48 : index
      %get3A_4383 = tpu.vector_load %arg7[%get3A_4381, %get3A_4382] {strides = array<i32>} : memref<100x128xf32, #tpu.memory_space<vmem>>, vector<1x16xf32>,
      %get3A_4384 = vector.shape_cast %get3A_4383 : vector<1x16xf32> to vector<16xf32>
      %add3A_4385 = arith.addf %add3A_4361, %get3A_4384 : vector<16xf32>
      %get3A_4386 = arith.constant 78 : i32
      %get3A_4387 = arith.index_cast %get3A_4386 : i32 to index
      %get3A_4388 = arith.constant 0 : index
      %get3A_4389 = tpu.vector_load %arg7[%get3A_4387, %get3A_4388] {strides = array<i32>} : memref<100x128xf32, #tpu.memory_space<vmem>>, vector<1x16xf32>,
      %get3A_4390 = vector.shape_cast %get3A_4389 : vector<1x16xf32> to vector<16xf32>
      %add3A_4391 = arith.addf %add3A_4367, %get3A_4390 : vector<16xf32>
      %get3A_4392 = arith.constant 78 : i32
      %get3A_4393 = arith.index_cast %get3A_4392 : i32 to index
      %get3A_4394 = arith.constant 16 : index
      %get3A_4395 = tpu.vector_load %arg7[%get3A_4393, %get3A_4394] {strides = array<i32>} : memref<100x128xf32, #tpu.memory_space<vmem>>, vector<1x16xf32>,
      %get3A_4396 = vector.shape_cast %get3A_4395 : vector<1x16xf32> to vector<16xf32>
      %add3A_4397 = arith.addf %add3A_4373, %get3A_4396 : vector<16xf32>
      %get3A_4398 = arith.constant 78 : i32
      %get3A_4399 = arith.index_cast %get3A_4398 : i32 to index
      %get3A_4400 = arith.constant 32 : index
      %get3A_4401 = tpu.vector_load %arg7[%get3A_4399, %get3A_4400] {strides = array<i32>} : memref<100x128xf32, #tpu.memory_space<vmem>>, vector<1x16xf32>,
      %get3A_4402 = vector.shape_cast %get3A_4401 : vector<1x16xf32> to vector<16xf32>
      %add3A_4403 = arith.addf %add3A_4379, %get3A_4402 : vector<16xf32>
      %get3A_4404 = arith.constant 78 : i32
      %get3A_4405 = arith.index_cast %get3A_4404 : i32 to index
      %get3A_4406 = arith.constant 48 : index
      %get3A_4407 = tpu.vector_load %arg7[%get3A_4405, %get3A_4406] {strides = array<i32>} : memref<100x128xf32, #tpu.memory_space<vmem>>, vector<1x16xf32>,
      %get3A_4408 = vector.shape_cast %get3A_4407 : vector<1x16xf32> to vector<16xf32>
      %add3A_4409 = arith.addf %add3A_4385, %get3A_4408 : vector<16xf32>
      %get3A_4410 = arith.constant 79 : i32
      %get3A_4411 = arith.index_cast %get3A_4410 : i32 to index
      %get3A_4412 = arith.constant 0 : index
      %get3A_4413 = tpu.vector_load %arg7[%get3A_4411, %get3A_4412] {strides = array<i32>} : memref<100x128xf32, #tpu.memory_space<vmem>>, vector<1x16xf32>,
      %get3A_4414 = vector.shape_cast %get3A_4413 : vector<1x16xf32> to vector<16xf32>
      %add3A_4415 = arith.addf %add3A_4391, %get3A_4414 : vector<16xf32>
      %get3A_4416 = arith.constant 79 : i32
      %get3A_4417 = arith.index_cast %get3A_4416 : i32 to index
      %get3A_4418 = arith.constant 16 : index
      %get3A_4419 = tpu.vector_load %arg7[%get3A_4417, %get3A_4418] {strides = array<i32>} : memref<100x128xf32, #tpu.memory_space<vmem>>, vector<1x16xf32>,
      %get3A_4420 = vector.shape_cast %get3A_4419 : vector<1x16xf32> to vector<16xf32>
      %add3A_4421 = arith.addf %add3A_4397, %get3A_4420 : vector<16xf32>
      %get3A_4422 = arith.constant 79 : i32
      %get3A_4423 = arith.index_cast %get3A_4422 : i32 to index
      %get3A_4424 = arith.constant 32 : index
      %get3A_4425 = tpu.vector_load %arg7[%get3A_4423, %get3A_4424] {strides = array<i32>} : memref<100x128xf32, #tpu.memory_space<vmem>>, vector<1x16xf32>,
      %get3A_4426 = vector.shape_cast %get3A_4425 : vector<1x16xf32> to vector<16xf32>
      %add3A_4427 = arith.addf %add3A_4403, %get3A_4426 : vector<16xf32>
      %get3A_4428 = arith.constant 79 : i32
      %get3A_4429 = arith.index_cast %get3A_4428 : i32 to index
      %get3A_4430 = arith.constant 48 : index
      %get3A_4431 = tpu.vector_load %arg7[%get3A_4429, %get3A_4430] {strides = array<i32>} : memref<100x128xf32, #tpu.memory_space<vmem>>, vector<1x16xf32>,
      %get3A_4432 = vector.shape_cast %get3A_4431 : vector<1x16xf32> to vector<16xf32>
      %add3A_4433 = arith.addf %add3A_4409, %get3A_4432 : vector<16xf32>
      %get3A_4434 = arith.constant 80 : i32
      %get3A_4435 = arith.index_cast %get3A_4434 : i32 to index
      %get3A_4436 = arith.constant 0 : index
      %get3A_4437 = tpu.vector_load %arg7[%get3A_4435, %get3A_4436] {strides = array<i32>} : memref<100x128xf32, #tpu.memory_space<vmem>>, vector<1x16xf32>,
      %get3A_4438 = vector.shape_cast %get3A_4437 : vector<1x16xf32> to vector<16xf32>
      %add3A_4439 = arith.addf %add3A_4415, %get3A_4438 : vector<16xf32>
      %get3A_4440 = arith.constant 80 : i32
      %get3A_4441 = arith.index_cast %get3A_4440 : i32 to index
      %get3A_4442 = arith.constant 16 : index
      %get3A_4443 = tpu.vector_load %arg7[%get3A_4441, %get3A_4442] {strides = array<i32>} : memref<100x128xf32, #tpu.memory_space<vmem>>, vector<1x16xf32>,
      %get3A_4444 = vector.shape_cast %get3A_4443 : vector<1x16xf32> to vector<16xf32>
      %add3A_4445 = arith.addf %add3A_4421, %get3A_4444 : vector<16xf32>
      %get3A_4446 = arith.constant 80 : i32
      %get3A_4447 = arith.index_cast %get3A_4446 : i32 to index
      %get3A_4448 = arith.constant 32 : index
      %get3A_4449 = tpu.vector_load %arg7[%get3A_4447, %get3A_4448] {strides = array<i32>} : memref<100x128xf32, #tpu.memory_space<vmem>>, vector<1x16xf32>,
      %get3A_4450 = vector.shape_cast %get3A_4449 : vector<1x16xf32> to vector<16xf32>
      %add3A_4451 = arith.addf %add3A_4427, %get3A_4450 : vector<16xf32>
      %get3A_4452 = arith.constant 80 : i32
      %get3A_4453 = arith.index_cast %get3A_4452 : i32 to index
      %get3A_4454 = arith.constant 48 : index
      %get3A_4455 = tpu.vector_load %arg7[%get3A_4453, %get3A_4454] {strides = array<i32>} : memref<100x128xf32, #tpu.memory_space<vmem>>, vector<1x16xf32>,
      %get3A_4456 = vector.shape_cast %get3A_4455 : vector<1x16xf32> to vector<16xf32>
      %add3A_4457 = arith.addf %add3A_4433, %get3A_4456 : vector<16xf32>
      %get3A_4458 = arith.constant 81 : i32
      %get3A_4459 = arith.index_cast %get3A_4458 : i32 to index
      %get3A_4460 = arith.constant 0 : index
      %get3A_4461 = tpu.vector_load %arg7[%get3A_4459, %get3A_4460] {strides = array<i32>} : memref<100x128xf32, #tpu.memory_space<vmem>>, vector<1x16xf32>,
      %get3A_4462 = vector.shape_cast %get3A_4461 : vector<1x16xf32> to vector<16xf32>
      %add3A_4463 = arith.addf %add3A_4439, %get3A_4462 : vector<16xf32>
      %get3A_4464 = arith.constant 81 : i32
      %get3A_4465 = arith.index_cast %get3A_4464 : i32 to index
      %get3A_4466 = arith.constant 16 : index
      %get3A_4467 = tpu.vector_load %arg7[%get3A_4465, %get3A_4466] {strides = array<i32>} : memref<100x128xf32, #tpu.memory_space<vmem>>, vector<1x16xf32>,
      %get3A_4468 = vector.shape_cast %get3A_4467 : vector<1x16xf32> to vector<16xf32>
      %add3A_4469 = arith.addf %add3A_4445, %get3A_4468 : vector<16xf32>
      %get3A_4470 = arith.constant 81 : i32
      %get3A_4471 = arith.index_cast %get3A_4470 : i32 to index
      %get3A_4472 = arith.constant 32 : index
      %get3A_4473 = tpu.vector_load %arg7[%get3A_4471, %get3A_4472] {strides = array<i32>} : memref<100x128xf32, #tpu.memory_space<vmem>>, vector<1x16xf32>,
      %get3A_4474 = vector.shape_cast %get3A_4473 : vector<1x16xf32> to vector<16xf32>
      %add3A_4475 = arith.addf %add3A_4451, %get3A_4474 : vector<16xf32>
      %get3A_4476 = arith.constant 81 : i32
      %get3A_4477 = arith.index_cast %get3A_4476 : i32 to index
      %get3A_4478 = arith.constant 48 : index
      %get3A_4479 = tpu.vector_load %arg7[%get3A_4477, %get3A_4478] {strides = array<i32>} : memref<100x128xf32, #tpu.memory_space<vmem>>, vector<1x16xf32>,
      %get3A_4480 = vector.shape_cast %get3A_4479 : vector<1x16xf32> to vector<16xf32>
      %add3A_4481 = arith.addf %add3A_4457, %get3A_4480 : vector<16xf32>
      %get3A_4482 = arith.constant 82 : i32
      %get3A_4483 = arith.index_cast %get3A_4482 : i32 to index
      %get3A_4484 = arith.constant 0 : index
      %get3A_4485 = tpu.vector_load %arg7[%get3A_4483, %get3A_4484] {strides = array<i32>} : memref<100x128xf32, #tpu.memory_space<vmem>>, vector<1x16xf32>,
      %get3A_4486 = vector.shape_cast %get3A_4485 : vector<1x16xf32> to vector<16xf32>
      %add3A_4487 = arith.addf %add3A_4463, %get3A_4486 : vector<16xf32>
      %get3A_4488 = arith.constant 82 : i32
      %get3A_4489 = arith.index_cast %get3A_4488 : i32 to index
      %get3A_4490 = arith.constant 16 : index
      %get3A_4491 = tpu.vector_load %arg7[%get3A_4489, %get3A_4490] {strides = array<i32>} : memref<100x128xf32, #tpu.memory_space<vmem>>, vector<1x16xf32>,
      %get3A_4492 = vector.shape_cast %get3A_4491 : vector<1x16xf32> to vector<16xf32>
      %add3A_4493 = arith.addf %add3A_4469, %get3A_4492 : vector<16xf32>
      %get3A_4494 = arith.constant 82 : i32
      %get3A_4495 = arith.index_cast %get3A_4494 : i32 to index
      %get3A_4496 = arith.constant 32 : index
      %get3A_4497 = tpu.vector_load %arg7[%get3A_4495, %get3A_4496] {strides = array<i32>} : memref<100x128xf32, #tpu.memory_space<vmem>>, vector<1x16xf32>,
      %get3A_4498 = vector.shape_cast %get3A_4497 : vector<1x16xf32> to vector<16xf32>
      %add3A_4499 = arith.addf %add3A_4475, %get3A_4498 : vector<16xf32>
      %get3A_4500 = arith.constant 82 : i32
      %get3A_4501 = arith.index_cast %get3A_4500 : i32 to index
      %get3A_4502 = arith.constant 48 : index
      %get3A_4503 = tpu.vector_load %arg7[%get3A_4501, %get3A_4502] {strides = array<i32>} : memref<100x128xf32, #tpu.memory_space<vmem>>, vector<1x16xf32>,
      %get3A_4504 = vector.shape_cast %get3A_4503 : vector<1x16xf32> to vector<16xf32>
      %add3A_4505 = arith.addf %add3A_4481, %get3A_4504 : vector<16xf32>
      %get3A_4506 = arith.constant 83 : i32
      %get3A_4507 = arith.index_cast %get3A_4506 : i32 to index
      %get3A_4508 = arith.constant 0 : index
      %get3A_4509 = tpu.vector_load %arg7[%get3A_4507, %get3A_4508] {strides = array<i32>} : memref<100x128xf32, #tpu.memory_space<vmem>>, vector<1x16xf32>,
      %get3A_4510 = vector.shape_cast %get3A_4509 : vector<1x16xf32> to vector<16xf32>
      %add3A_4511 = arith.addf %add3A_4487, %get3A_4510 : vector<16xf32>
      %get3A_4512 = arith.constant 83 : i32
      %get3A_4513 = arith.index_cast %get3A_4512 : i32 to index
      %get3A_4514 = arith.constant 16 : index
      %get3A_4515 = tpu.vector_load %arg7[%get3A_4513, %get3A_4514] {strides = array<i32>} : memref<100x128xf32, #tpu.memory_space<vmem>>, vector<1x16xf32>,
      %get3A_4516 = vector.shape_cast %get3A_4515 : vector<1x16xf32> to vector<16xf32>
      %add3A_4517 = arith.addf %add3A_4493, %get3A_4516 : vector<16xf32>
      %get3A_4518 = arith.constant 83 : i32
      %get3A_4519 = arith.index_cast %get3A_4518 : i32 to index
      %get3A_4520 = arith.constant 32 : index
      %get3A_4521 = tpu.vector_load %arg7[%get3A_4519, %get3A_4520] {strides = array<i32>} : memref<100x128xf32, #tpu.memory_space<vmem>>, vector<1x16xf32>,
      %get3A_4522 = vector.shape_cast %get3A_4521 : vector<1x16xf32> to vector<16xf32>
      %add3A_4523 = arith.addf %add3A_4499, %get3A_4522 : vector<16xf32>
      %get3A_4524 = arith.constant 83 : i32
      %get3A_4525 = arith.index_cast %get3A_4524 : i32 to index
      %get3A_4526 = arith.constant 48 : index
      %get3A_4527 = tpu.vector_load %arg7[%get3A_4525, %get3A_4526] {strides = array<i32>} : memref<100x128xf32, #tpu.memory_space<vmem>>, vector<1x16xf32>,
      %get3A_4528 = vector.shape_cast %get3A_4527 : vector<1x16xf32> to vector<16xf32>
      %add3A_4529 = arith.addf %add3A_4505, %get3A_4528 : vector<16xf32>
      %get3A_4530 = arith.constant 84 : i32
      %get3A_4531 = arith.index_cast %get3A_4530 : i32 to index
      %get3A_4532 = arith.constant 0 : index
      %get3A_4533 = tpu.vector_load %arg7[%get3A_4531, %get3A_4532] {strides = array<i32>} : memref<100x128xf32, #tpu.memory_space<vmem>>, vector<1x16xf32>,
      %get3A_4534 = vector.shape_cast %get3A_4533 : vector<1x16xf32> to vector<16xf32>
      %add3A_4535 = arith.addf %add3A_4511, %get3A_4534 : vector<16xf32>
      %get3A_4536 = arith.constant 84 : i32
      %get3A_4537 = arith.index_cast %get3A_4536 : i32 to index
      %get3A_4538 = arith.constant 16 : index
      %get3A_4539 = tpu.vector_load %arg7[%get3A_4537, %get3A_4538] {strides = array<i32>} : memref<100x128xf32, #tpu.memory_space<vmem>>, vector<1x16xf32>,
      %get3A_4540 = vector.shape_cast %get3A_4539 : vector<1x16xf32> to vector<16xf32>
      %add3A_4541 = arith.addf %add3A_4517, %get3A_4540 : vector<16xf32>
      %get3A_4542 = arith.constant 84 : i32
      %get3A_4543 = arith.index_cast %get3A_4542 : i32 to index
      %get3A_4544 = arith.constant 32 : index
      %get3A_4545 = tpu.vector_load %arg7[%get3A_4543, %get3A_4544] {strides = array<i32>} : memref<100x128xf32, #tpu.memory_space<vmem>>, vector<1x16xf32>,
      %get3A_4546 = vector.shape_cast %get3A_4545 : vector<1x16xf32> to vector<16xf32>
      %add3A_4547 = arith.addf %add3A_4523, %get3A_4546 : vector<16xf32>
      %get3A_4548 = arith.constant 84 : i32
      %get3A_4549 = arith.index_cast %get3A_4548 : i32 to index
      %get3A_4550 = arith.constant 48 : index
      %get3A_4551 = tpu.vector_load %arg7[%get3A_4549, %get3A_4550] {strides = array<i32>} : memref<100x128xf32, #tpu.memory_space<vmem>>, vector<1x16xf32>,
      %get3A_4552 = vector.shape_cast %get3A_4551 : vector<1x16xf32> to vector<16xf32>
      %add3A_4553 = arith.addf %add3A_4529, %get3A_4552 : vector<16xf32>
      %get3A_4554 = arith.constant 85 : i32
      %get3A_4555 = arith.index_cast %get3A_4554 : i32 to index
      %get3A_4556 = arith.constant 0 : index
      %get3A_4557 = tpu.vector_load %arg7[%get3A_4555, %get3A_4556] {strides = array<i32>} : memref<100x128xf32, #tpu.memory_space<vmem>>, vector<1x16xf32>,
      %get3A_4558 = vector.shape_cast %get3A_4557 : vector<1x16xf32> to vector<16xf32>
      %add3A_4559 = arith.addf %add3A_4535, %get3A_4558 : vector<16xf32>
      %get3A_4560 = arith.constant 85 : i32
      %get3A_4561 = arith.index_cast %get3A_4560 : i32 to index
      %get3A_4562 = arith.constant 16 : index
      %get3A_4563 = tpu.vector_load %arg7[%get3A_4561, %get3A_4562] {strides = array<i32>} : memref<100x128xf32, #tpu.memory_space<vmem>>, vector<1x16xf32>,
      %get3A_4564 = vector.shape_cast %get3A_4563 : vector<1x16xf32> to vector<16xf32>
      %add3A_4565 = arith.addf %add3A_4541, %get3A_4564 : vector<16xf32>
      %get3A_4566 = arith.constant 85 : i32
      %get3A_4567 = arith.index_cast %get3A_4566 : i32 to index
      %get3A_4568 = arith.constant 32 : index
      %get3A_4569 = tpu.vector_load %arg7[%get3A_4567, %get3A_4568] {strides = array<i32>} : memref<100x128xf32, #tpu.memory_space<vmem>>, vector<1x16xf32>,
      %get3A_4570 = vector.shape_cast %get3A_4569 : vector<1x16xf32> to vector<16xf32>
      %add3A_4571 = arith.addf %add3A_4547, %get3A_4570 : vector<16xf32>
      %get3A_4572 = arith.constant 85 : i32
      %get3A_4573 = arith.index_cast %get3A_4572 : i32 to index
      %get3A_4574 = arith.constant 48 : index
      %get3A_4575 = tpu.vector_load %arg7[%get3A_4573, %get3A_4574] {strides = array<i32>} : memref<100x128xf32, #tpu.memory_space<vmem>>, vector<1x16xf32>,
      %get3A_4576 = vector.shape_cast %get3A_4575 : vector<1x16xf32> to vector<16xf32>
      %add3A_4577 = arith.addf %add3A_4553, %get3A_4576 : vector<16xf32>
      %get3A_4578 = arith.constant 86 : i32
      %get3A_4579 = arith.index_cast %get3A_4578 : i32 to index
      %get3A_4580 = arith.constant 0 : index
      %get3A_4581 = tpu.vector_load %arg7[%get3A_4579, %get3A_4580] {strides = array<i32>} : memref<100x128xf32, #tpu.memory_space<vmem>>, vector<1x16xf32>,
      %get3A_4582 = vector.shape_cast %get3A_4581 : vector<1x16xf32> to vector<16xf32>
      %add3A_4583 = arith.addf %add3A_4559, %get3A_4582 : vector<16xf32>
      %get3A_4584 = arith.constant 86 : i32
      %get3A_4585 = arith.index_cast %get3A_4584 : i32 to index
      %get3A_4586 = arith.constant 16 : index
      %get3A_4587 = tpu.vector_load %arg7[%get3A_4585, %get3A_4586] {strides = array<i32>} : memref<100x128xf32, #tpu.memory_space<vmem>>, vector<1x16xf32>,
      %get3A_4588 = vector.shape_cast %get3A_4587 : vector<1x16xf32> to vector<16xf32>
      %add3A_4589 = arith.addf %add3A_4565, %get3A_4588 : vector<16xf32>
      %get3A_4590 = arith.constant 86 : i32
      %get3A_4591 = arith.index_cast %get3A_4590 : i32 to index
      %get3A_4592 = arith.constant 32 : index
      %get3A_4593 = tpu.vector_load %arg7[%get3A_4591, %get3A_4592] {strides = array<i32>} : memref<100x128xf32, #tpu.memory_space<vmem>>, vector<1x16xf32>,
      %get3A_4594 = vector.shape_cast %get3A_4593 : vector<1x16xf32> to vector<16xf32>
      %add3A_4595 = arith.addf %add3A_4571, %get3A_4594 : vector<16xf32>
      %get3A_4596 = arith.constant 86 : i32
      %get3A_4597 = arith.index_cast %get3A_4596 : i32 to index
      %get3A_4598 = arith.constant 48 : index
      %get3A_4599 = tpu.vector_load %arg7[%get3A_4597, %get3A_4598] {strides = array<i32>} : memref<100x128xf32, #tpu.memory_space<vmem>>, vector<1x16xf32>,
      %get3A_4600 = vector.shape_cast %get3A_4599 : vector<1x16xf32> to vector<16xf32>
      %add3A_4601 = arith.addf %add3A_4577, %get3A_4600 : vector<16xf32>
      %get3A_4602 = arith.constant 87 : i32
      %get3A_4603 = arith.index_cast %get3A_4602 : i32 to index
      %get3A_4604 = arith.constant 0 : index
      %get3A_4605 = tpu.vector_load %arg7[%get3A_4603, %get3A_4604] {strides = array<i32>} : memref<100x128xf32, #tpu.memory_space<vmem>>, vector<1x16xf32>,
      %get3A_4606 = vector.shape_cast %get3A_4605 : vector<1x16xf32> to vector<16xf32>
      %add3A_4607 = arith.addf %add3A_4583, %get3A_4606 : vector<16xf32>
      %get3A_4608 = arith.constant 87 : i32
      %get3A_4609 = arith.index_cast %get3A_4608 : i32 to index
      %get3A_4610 = arith.constant 16 : index
      %get3A_4611 = tpu.vector_load %arg7[%get3A_4609, %get3A_4610] {strides = array<i32>} : memref<100x128xf32, #tpu.memory_space<vmem>>, vector<1x16xf32>,
      %get3A_4612 = vector.shape_cast %get3A_4611 : vector<1x16xf32> to vector<16xf32>
      %add3A_4613 = arith.addf %add3A_4589, %get3A_4612 : vector<16xf32>
      %get3A_4614 = arith.constant 87 : i32
      %get3A_4615 = arith.index_cast %get3A_4614 : i32 to index
      %get3A_4616 = arith.constant 32 : index
      %get3A_4617 = tpu.vector_load %arg7[%get3A_4615, %get3A_4616] {strides = array<i32>} : memref<100x128xf32, #tpu.memory_space<vmem>>, vector<1x16xf32>,
      %get3A_4618 = vector.shape_cast %get3A_4617 : vector<1x16xf32> to vector<16xf32>
      %add3A_4619 = arith.addf %add3A_4595, %get3A_4618 : vector<16xf32>
      %get3A_4620 = arith.constant 87 : i32
      %get3A_4621 = arith.index_cast %get3A_4620 : i32 to index
      %get3A_4622 = arith.constant 48 : index
      %get3A_4623 = tpu.vector_load %arg7[%get3A_4621, %get3A_4622] {strides = array<i32>} : memref<100x128xf32, #tpu.memory_space<vmem>>, vector<1x16xf32>,
      %get3A_4624 = vector.shape_cast %get3A_4623 : vector<1x16xf32> to vector<16xf32>
      %add3A_4625 = arith.addf %add3A_4601, %get3A_4624 : vector<16xf32>
      %get3A_4626 = arith.constant 88 : i32
      %get3A_4627 = arith.index_cast %get3A_4626 : i32 to index
      %get3A_4628 = arith.constant 0 : index
      %get3A_4629 = tpu.vector_load %arg7[%get3A_4627, %get3A_4628] {strides = array<i32>} : memref<100x128xf32, #tpu.memory_space<vmem>>, vector<1x16xf32>,
      %get3A_4630 = vector.shape_cast %get3A_4629 : vector<1x16xf32> to vector<16xf32>
      %add3A_4631 = arith.addf %add3A_4607, %get3A_4630 : vector<16xf32>
      %get3A_4632 = arith.constant 88 : i32
      %get3A_4633 = arith.index_cast %get3A_4632 : i32 to index
      %get3A_4634 = arith.constant 16 : index
      %get3A_4635 = tpu.vector_load %arg7[%get3A_4633, %get3A_4634] {strides = array<i32>} : memref<100x128xf32, #tpu.memory_space<vmem>>, vector<1x16xf32>,
      %get3A_4636 = vector.shape_cast %get3A_4635 : vector<1x16xf32> to vector<16xf32>
      %add3A_4637 = arith.addf %add3A_4613, %get3A_4636 : vector<16xf32>
      %get3A_4638 = arith.constant 88 : i32
      %get3A_4639 = arith.index_cast %get3A_4638 : i32 to index
      %get3A_4640 = arith.constant 32 : index
      %get3A_4641 = tpu.vector_load %arg7[%get3A_4639, %get3A_4640] {strides = array<i32>} : memref<100x128xf32, #tpu.memory_space<vmem>>, vector<1x16xf32>,
      %get3A_4642 = vector.shape_cast %get3A_4641 : vector<1x16xf32> to vector<16xf32>
      %add3A_4643 = arith.addf %add3A_4619, %get3A_4642 : vector<16xf32>
      %get3A_4644 = arith.constant 88 : i32
      %get3A_4645 = arith.index_cast %get3A_4644 : i32 to index
      %get3A_4646 = arith.constant 48 : index
      %get3A_4647 = tpu.vector_load %arg7[%get3A_4645, %get3A_4646] {strides = array<i32>} : memref<100x128xf32, #tpu.memory_space<vmem>>, vector<1x16xf32>,
      %get3A_4648 = vector.shape_cast %get3A_4647 : vector<1x16xf32> to vector<16xf32>
      %add3A_4649 = arith.addf %add3A_4625, %get3A_4648 : vector<16xf32>
      %get3A_4650 = arith.constant 89 : i32
      %get3A_4651 = arith.index_cast %get3A_4650 : i32 to index
      %get3A_4652 = arith.constant 0 : index
      %get3A_4653 = tpu.vector_load %arg7[%get3A_4651, %get3A_4652] {strides = array<i32>} : memref<100x128xf32, #tpu.memory_space<vmem>>, vector<1x16xf32>,
      %get3A_4654 = vector.shape_cast %get3A_4653 : vector<1x16xf32> to vector<16xf32>
      %add3A_4655 = arith.addf %add3A_4631, %get3A_4654 : vector<16xf32>
      %get3A_4656 = arith.constant 89 : i32
      %get3A_4657 = arith.index_cast %get3A_4656 : i32 to index
      %get3A_4658 = arith.constant 16 : index
      %get3A_4659 = tpu.vector_load %arg7[%get3A_4657, %get3A_4658] {strides = array<i32>} : memref<100x128xf32, #tpu.memory_space<vmem>>, vector<1x16xf32>,
      %get3A_4660 = vector.shape_cast %get3A_4659 : vector<1x16xf32> to vector<16xf32>
      %add3A_4661 = arith.addf %add3A_4637, %get3A_4660 : vector<16xf32>
      %get3A_4662 = arith.constant 89 : i32
      %get3A_4663 = arith.index_cast %get3A_4662 : i32 to index
      %get3A_4664 = arith.constant 32 : index
      %get3A_4665 = tpu.vector_load %arg7[%get3A_4663, %get3A_4664] {strides = array<i32>} : memref<100x128xf32, #tpu.memory_space<vmem>>, vector<1x16xf32>,
      %get3A_4666 = vector.shape_cast %get3A_4665 : vector<1x16xf32> to vector<16xf32>
      %add3A_4667 = arith.addf %add3A_4643, %get3A_4666 : vector<16xf32>
      %get3A_4668 = arith.constant 89 : i32
      %get3A_4669 = arith.index_cast %get3A_4668 : i32 to index
      %get3A_4670 = arith.constant 48 : index
      %get3A_4671 = tpu.vector_load %arg7[%get3A_4669, %get3A_4670] {strides = array<i32>} : memref<100x128xf32, #tpu.memory_space<vmem>>, vector<1x16xf32>,
      %get3A_4672 = vector.shape_cast %get3A_4671 : vector<1x16xf32> to vector<16xf32>
      %add3A_4673 = arith.addf %add3A_4649, %get3A_4672 : vector<16xf32>
      %get3A_4674 = arith.constant 90 : i32
      %get3A_4675 = arith.index_cast %get3A_4674 : i32 to index
      %get3A_4676 = arith.constant 0 : index
      %get3A_4677 = tpu.vector_load %arg7[%get3A_4675, %get3A_4676] {strides = array<i32>} : memref<100x128xf32, #tpu.memory_space<vmem>>, vector<1x16xf32>,
      %get3A_4678 = vector.shape_cast %get3A_4677 : vector<1x16xf32> to vector<16xf32>
      %add3A_4679 = arith.addf %add3A_4655, %get3A_4678 : vector<16xf32>
      %get3A_4680 = arith.constant 90 : i32
      %get3A_4681 = arith.index_cast %get3A_4680 : i32 to index
      %get3A_4682 = arith.constant 16 : index
      %get3A_4683 = tpu.vector_load %arg7[%get3A_4681, %get3A_4682] {strides = array<i32>} : memref<100x128xf32, #tpu.memory_space<vmem>>, vector<1x16xf32>,
      %get3A_4684 = vector.shape_cast %get3A_4683 : vector<1x16xf32> to vector<16xf32>
      %add3A_4685 = arith.addf %add3A_4661, %get3A_4684 : vector<16xf32>
      %get3A_4686 = arith.constant 90 : i32
      %get3A_4687 = arith.index_cast %get3A_4686 : i32 to index
      %get3A_4688 = arith.constant 32 : index
      %get3A_4689 = tpu.vector_load %arg7[%get3A_4687, %get3A_4688] {strides = array<i32>} : memref<100x128xf32, #tpu.memory_space<vmem>>, vector<1x16xf32>,
      %get3A_4690 = vector.shape_cast %get3A_4689 : vector<1x16xf32> to vector<16xf32>
      %add3A_4691 = arith.addf %add3A_4667, %get3A_4690 : vector<16xf32>
      %get3A_4692 = arith.constant 90 : i32
      %get3A_4693 = arith.index_cast %get3A_4692 : i32 to index
      %get3A_4694 = arith.constant 48 : index
      %get3A_4695 = tpu.vector_load %arg7[%get3A_4693, %get3A_4694] {strides = array<i32>} : memref<100x128xf32, #tpu.memory_space<vmem>>, vector<1x16xf32>,
      %get3A_4696 = vector.shape_cast %get3A_4695 : vector<1x16xf32> to vector<16xf32>
      %add3A_4697 = arith.addf %add3A_4673, %get3A_4696 : vector<16xf32>
      %get3A_4698 = arith.constant 91 : i32
      %get3A_4699 = arith.index_cast %get3A_4698 : i32 to index
      %get3A_4700 = arith.constant 0 : index
      %get3A_4701 = tpu.vector_load %arg7[%get3A_4699, %get3A_4700] {strides = array<i32>} : memref<100x128xf32, #tpu.memory_space<vmem>>, vector<1x16xf32>,
      %get3A_4702 = vector.shape_cast %get3A_4701 : vector<1x16xf32> to vector<16xf32>
      %add3A_4703 = arith.addf %add3A_4679, %get3A_4702 : vector<16xf32>
      %get3A_4704 = arith.constant 91 : i32
      %get3A_4705 = arith.index_cast %get3A_4704 : i32 to index
      %get3A_4706 = arith.constant 16 : index
      %get3A_4707 = tpu.vector_load %arg7[%get3A_4705, %get3A_4706] {strides = array<i32>} : memref<100x128xf32, #tpu.memory_space<vmem>>, vector<1x16xf32>,
      %get3A_4708 = vector.shape_cast %get3A_4707 : vector<1x16xf32> to vector<16xf32>
      %add3A_4709 = arith.addf %add3A_4685, %get3A_4708 : vector<16xf32>
      %get3A_4710 = arith.constant 91 : i32
      %get3A_4711 = arith.index_cast %get3A_4710 : i32 to index
      %get3A_4712 = arith.constant 32 : index
      %get3A_4713 = tpu.vector_load %arg7[%get3A_4711, %get3A_4712] {strides = array<i32>} : memref<100x128xf32, #tpu.memory_space<vmem>>, vector<1x16xf32>,
      %get3A_4714 = vector.shape_cast %get3A_4713 : vector<1x16xf32> to vector<16xf32>
      %add3A_4715 = arith.addf %add3A_4691, %get3A_4714 : vector<16xf32>
      %get3A_4716 = arith.constant 91 : i32
      %get3A_4717 = arith.index_cast %get3A_4716 : i32 to index
      %get3A_4718 = arith.constant 48 : index
      %get3A_4719 = tpu.vector_load %arg7[%get3A_4717, %get3A_4718] {strides = array<i32>} : memref<100x128xf32, #tpu.memory_space<vmem>>, vector<1x16xf32>,
      %get3A_4720 = vector.shape_cast %get3A_4719 : vector<1x16xf32> to vector<16xf32>
      %add3A_4721 = arith.addf %add3A_4697, %get3A_4720 : vector<16xf32>
      %get3A_4722 = arith.constant 92 : i32
      %get3A_4723 = arith.index_cast %get3A_4722 : i32 to index
      %get3A_4724 = arith.constant 0 : index
      %get3A_4725 = tpu.vector_load %arg7[%get3A_4723, %get3A_4724] {strides = array<i32>} : memref<100x128xf32, #tpu.memory_space<vmem>>, vector<1x16xf32>,
      %get3A_4726 = vector.shape_cast %get3A_4725 : vector<1x16xf32> to vector<16xf32>
      %add3A_4727 = arith.addf %add3A_4703, %get3A_4726 : vector<16xf32>
      %get3A_4728 = arith.constant 92 : i32
      %get3A_4729 = arith.index_cast %get3A_4728 : i32 to index
      %get3A_4730 = arith.constant 16 : index
      %get3A_4731 = tpu.vector_load %arg7[%get3A_4729, %get3A_4730] {strides = array<i32>} : memref<100x128xf32, #tpu.memory_space<vmem>>, vector<1x16xf32>,
      %get3A_4732 = vector.shape_cast %get3A_4731 : vector<1x16xf32> to vector<16xf32>
      %add3A_4733 = arith.addf %add3A_4709, %get3A_4732 : vector<16xf32>
      %get3A_4734 = arith.constant 92 : i32
      %get3A_4735 = arith.index_cast %get3A_4734 : i32 to index
      %get3A_4736 = arith.constant 32 : index
      %get3A_4737 = tpu.vector_load %arg7[%get3A_4735, %get3A_4736] {strides = array<i32>} : memref<100x128xf32, #tpu.memory_space<vmem>>, vector<1x16xf32>,
      %get3A_4738 = vector.shape_cast %get3A_4737 : vector<1x16xf32> to vector<16xf32>
      %add3A_4739 = arith.addf %add3A_4715, %get3A_4738 : vector<16xf32>
      %get3A_4740 = arith.constant 92 : i32
      %get3A_4741 = arith.index_cast %get3A_4740 : i32 to index
      %get3A_4742 = arith.constant 48 : index
      %get3A_4743 = tpu.vector_load %arg7[%get3A_4741, %get3A_4742] {strides = array<i32>} : memref<100x128xf32, #tpu.memory_space<vmem>>, vector<1x16xf32>,
      %get3A_4744 = vector.shape_cast %get3A_4743 : vector<1x16xf32> to vector<16xf32>
      %add3A_4745 = arith.addf %add3A_4721, %get3A_4744 : vector<16xf32>
      %get3A_4746 = arith.constant 93 : i32
      %get3A_4747 = arith.index_cast %get3A_4746 : i32 to index
      %get3A_4748 = arith.constant 0 : index
      %get3A_4749 = tpu.vector_load %arg7[%get3A_4747, %get3A_4748] {strides = array<i32>} : memref<100x128xf32, #tpu.memory_space<vmem>>, vector<1x16xf32>,
      %get3A_4750 = vector.shape_cast %get3A_4749 : vector<1x16xf32> to vector<16xf32>
      %add3A_4751 = arith.addf %add3A_4727, %get3A_4750 : vector<16xf32>
      %get3A_4752 = arith.constant 93 : i32
      %get3A_4753 = arith.index_cast %get3A_4752 : i32 to index
      %get3A_4754 = arith.constant 16 : index
      %get3A_4755 = tpu.vector_load %arg7[%get3A_4753, %get3A_4754] {strides = array<i32>} : memref<100x128xf32, #tpu.memory_space<vmem>>, vector<1x16xf32>,
      %get3A_4756 = vector.shape_cast %get3A_4755 : vector<1x16xf32> to vector<16xf32>
      %add3A_4757 = arith.addf %add3A_4733, %get3A_4756 : vector<16xf32>
      %get3A_4758 = arith.constant 93 : i32
      %get3A_4759 = arith.index_cast %get3A_4758 : i32 to index
      %get3A_4760 = arith.constant 32 : index
      %get3A_4761 = tpu.vector_load %arg7[%get3A_4759, %get3A_4760] {strides = array<i32>} : memref<100x128xf32, #tpu.memory_space<vmem>>, vector<1x16xf32>,
      %get3A_4762 = vector.shape_cast %get3A_4761 : vector<1x16xf32> to vector<16xf32>
      %add3A_4763 = arith.addf %add3A_4739, %get3A_4762 : vector<16xf32>
      %get3A_4764 = arith.constant 93 : i32
      %get3A_4765 = arith.index_cast %get3A_4764 : i32 to index
      %get3A_4766 = arith.constant 48 : index
      %get3A_4767 = tpu.vector_load %arg7[%get3A_4765, %get3A_4766] {strides = array<i32>} : memref<100x128xf32, #tpu.memory_space<vmem>>, vector<1x16xf32>,
      %get3A_4768 = vector.shape_cast %get3A_4767 : vector<1x16xf32> to vector<16xf32>
      %add3A_4769 = arith.addf %add3A_4745, %get3A_4768 : vector<16xf32>
      %get3A_4770 = arith.constant 94 : i32
      %get3A_4771 = arith.index_cast %get3A_4770 : i32 to index
      %get3A_4772 = arith.constant 0 : index
      %get3A_4773 = tpu.vector_load %arg7[%get3A_4771, %get3A_4772] {strides = array<i32>} : memref<100x128xf32, #tpu.memory_space<vmem>>, vector<1x16xf32>,
      %get3A_4774 = vector.shape_cast %get3A_4773 : vector<1x16xf32> to vector<16xf32>
      %add3A_4775 = arith.addf %add3A_4751, %get3A_4774 : vector<16xf32>
      %get3A_4776 = arith.constant 94 : i32
      %get3A_4777 = arith.index_cast %get3A_4776 : i32 to index
      %get3A_4778 = arith.constant 16 : index
      %get3A_4779 = tpu.vector_load %arg7[%get3A_4777, %get3A_4778] {strides = array<i32>} : memref<100x128xf32, #tpu.memory_space<vmem>>, vector<1x16xf32>,
      %get3A_4780 = vector.shape_cast %get3A_4779 : vector<1x16xf32> to vector<16xf32>
      %add3A_4781 = arith.addf %add3A_4757, %get3A_4780 : vector<16xf32>
      %get3A_4782 = arith.constant 94 : i32
      %get3A_4783 = arith.index_cast %get3A_4782 : i32 to index
      %get3A_4784 = arith.constant 32 : index
      %get3A_4785 = tpu.vector_load %arg7[%get3A_4783, %get3A_4784] {strides = array<i32>} : memref<100x128xf32, #tpu.memory_space<vmem>>, vector<1x16xf32>,
      %get3A_4786 = vector.shape_cast %get3A_4785 : vector<1x16xf32> to vector<16xf32>
      %add3A_4787 = arith.addf %add3A_4763, %get3A_4786 : vector<16xf32>
      %get3A_4788 = arith.constant 94 : i32
      %get3A_4789 = arith.index_cast %get3A_4788 : i32 to index
      %get3A_4790 = arith.constant 48 : index
      %get3A_4791 = tpu.vector_load %arg7[%get3A_4789, %get3A_4790] {strides = array<i32>} : memref<100x128xf32, #tpu.memory_space<vmem>>, vector<1x16xf32>,
      %get3A_4792 = vector.shape_cast %get3A_4791 : vector<1x16xf32> to vector<16xf32>
      %add3A_4793 = arith.addf %add3A_4769, %get3A_4792 : vector<16xf32>
      %get3A_4794 = arith.constant 95 : i32
      %get3A_4795 = arith.index_cast %get3A_4794 : i32 to index
      %get3A_4796 = arith.constant 0 : index
      %get3A_4797 = tpu.vector_load %arg7[%get3A_4795, %get3A_4796] {strides = array<i32>} : memref<100x128xf32, #tpu.memory_space<vmem>>, vector<1x16xf32>,
      %get3A_4798 = vector.shape_cast %get3A_4797 : vector<1x16xf32> to vector<16xf32>
      %add3A_4799 = arith.addf %add3A_4775, %get3A_4798 : vector<16xf32>
      %get3A_4800 = arith.constant 95 : i32
      %get3A_4801 = arith.index_cast %get3A_4800 : i32 to index
      %get3A_4802 = arith.constant 16 : index
      %get3A_4803 = tpu.vector_load %arg7[%get3A_4801, %get3A_4802] {strides = array<i32>} : memref<100x128xf32, #tpu.memory_space<vmem>>, vector<1x16xf32>,
      %get3A_4804 = vector.shape_cast %get3A_4803 : vector<1x16xf32> to vector<16xf32>
      %add3A_4805 = arith.addf %add3A_4781, %get3A_4804 : vector<16xf32>
      %get3A_4806 = arith.constant 95 : i32
      %get3A_4807 = arith.index_cast %get3A_4806 : i32 to index
      %get3A_4808 = arith.constant 32 : index
      %get3A_4809 = tpu.vector_load %arg7[%get3A_4807, %get3A_4808] {strides = array<i32>} : memref<100x128xf32, #tpu.memory_space<vmem>>, vector<1x16xf32>,
      %get3A_4810 = vector.shape_cast %get3A_4809 : vector<1x16xf32> to vector<16xf32>
      %add3A_4811 = arith.addf %add3A_4787, %get3A_4810 : vector<16xf32>
      %get3A_4812 = arith.constant 95 : i32
      %get3A_4813 = arith.index_cast %get3A_4812 : i32 to index
      %get3A_4814 = arith.constant 48 : index
      %get3A_4815 = tpu.vector_load %arg7[%get3A_4813, %get3A_4814] {strides = array<i32>} : memref<100x128xf32, #tpu.memory_space<vmem>>, vector<1x16xf32>,
      %get3A_4816 = vector.shape_cast %get3A_4815 : vector<1x16xf32> to vector<16xf32>
      %add3A_4817 = arith.addf %add3A_4793, %get3A_4816 : vector<16xf32>
      %get3A_4818 = arith.constant 96 : i32
      %get3A_4819 = arith.index_cast %get3A_4818 : i32 to index
      %get3A_4820 = arith.constant 0 : index
      %get3A_4821 = tpu.vector_load %arg7[%get3A_4819, %get3A_4820] {strides = array<i32>} : memref<100x128xf32, #tpu.memory_space<vmem>>, vector<1x16xf32>,
      %get3A_4822 = vector.shape_cast %get3A_4821 : vector<1x16xf32> to vector<16xf32>
      %add3A_4823 = arith.addf %add3A_4799, %get3A_4822 : vector<16xf32>
      %get3A_4824 = arith.constant 96 : i32
      %get3A_4825 = arith.index_cast %get3A_4824 : i32 to index
      %get3A_4826 = arith.constant 16 : index
      %get3A_4827 = tpu.vector_load %arg7[%get3A_4825, %get3A_4826] {strides = array<i32>} : memref<100x128xf32, #tpu.memory_space<vmem>>, vector<1x16xf32>,
      %get3A_4828 = vector.shape_cast %get3A_4827 : vector<1x16xf32> to vector<16xf32>
      %add3A_4829 = arith.addf %add3A_4805, %get3A_4828 : vector<16xf32>
      %get3A_4830 = arith.constant 96 : i32
      %get3A_4831 = arith.index_cast %get3A_4830 : i32 to index
      %get3A_4832 = arith.constant 32 : index
      %get3A_4833 = tpu.vector_load %arg7[%get3A_4831, %get3A_4832] {strides = array<i32>} : memref<100x128xf32, #tpu.memory_space<vmem>>, vector<1x16xf32>,
      %get3A_4834 = vector.shape_cast %get3A_4833 : vector<1x16xf32> to vector<16xf32>
      %add3A_4835 = arith.addf %add3A_4811, %get3A_4834 : vector<16xf32>
      %get3A_4836 = arith.constant 96 : i32
      %get3A_4837 = arith.index_cast %get3A_4836 : i32 to index
      %get3A_4838 = arith.constant 48 : index
      %get3A_4839 = tpu.vector_load %arg7[%get3A_4837, %get3A_4838] {strides = array<i32>} : memref<100x128xf32, #tpu.memory_space<vmem>>, vector<1x16xf32>,
      %get3A_4840 = vector.shape_cast %get3A_4839 : vector<1x16xf32> to vector<16xf32>
      %add3A_4841 = arith.addf %add3A_4817, %get3A_4840 : vector<16xf32>
      %get3A_4842 = arith.constant 97 : i32
      %get3A_4843 = arith.index_cast %get3A_4842 : i32 to index
      %get3A_4844 = arith.constant 0 : index
      %get3A_4845 = tpu.vector_load %arg7[%get3A_4843, %get3A_4844] {strides = array<i32>} : memref<100x128xf32, #tpu.memory_space<vmem>>, vector<1x16xf32>,
      %get3A_4846 = vector.shape_cast %get3A_4845 : vector<1x16xf32> to vector<16xf32>
      %add3A_4847 = arith.addf %add3A_4823, %get3A_4846 : vector<16xf32>
      %get3A_4848 = arith.constant 97 : i32
      %get3A_4849 = arith.index_cast %get3A_4848 : i32 to index
      %get3A_4850 = arith.constant 16 : index
      %get3A_4851 = tpu.vector_load %arg7[%get3A_4849, %get3A_4850] {strides = array<i32>} : memref<100x128xf32, #tpu.memory_space<vmem>>, vector<1x16xf32>,
      %get3A_4852 = vector.shape_cast %get3A_4851 : vector<1x16xf32> to vector<16xf32>
      %add3A_4853 = arith.addf %add3A_4829, %get3A_4852 : vector<16xf32>
      %get3A_4854 = arith.constant 97 : i32
      %get3A_4855 = arith.index_cast %get3A_4854 : i32 to index
      %get3A_4856 = arith.constant 32 : index
      %get3A_4857 = tpu.vector_load %arg7[%get3A_4855, %get3A_4856] {strides = array<i32>} : memref<100x128xf32, #tpu.memory_space<vmem>>, vector<1x16xf32>,
      %get3A_4858 = vector.shape_cast %get3A_4857 : vector<1x16xf32> to vector<16xf32>
      %add3A_4859 = arith.addf %add3A_4835, %get3A_4858 : vector<16xf32>
      %get3A_4860 = arith.constant 97 : i32
      %get3A_4861 = arith.index_cast %get3A_4860 : i32 to index
      %get3A_4862 = arith.constant 48 : index
      %get3A_4863 = tpu.vector_load %arg7[%get3A_4861, %get3A_4862] {strides = array<i32>} : memref<100x128xf32, #tpu.memory_space<vmem>>, vector<1x16xf32>,
      %get3A_4864 = vector.shape_cast %get3A_4863 : vector<1x16xf32> to vector<16xf32>
      %add3A_4865 = arith.addf %add3A_4841, %get3A_4864 : vector<16xf32>
      %get3A_4866 = arith.constant 98 : i32
      %get3A_4867 = arith.index_cast %get3A_4866 : i32 to index
      %get3A_4868 = arith.constant 0 : index
      %get3A_4869 = tpu.vector_load %arg7[%get3A_4867, %get3A_4868] {strides = array<i32>} : memref<100x128xf32, #tpu.memory_space<vmem>>, vector<1x16xf32>,
      %get3A_4870 = vector.shape_cast %get3A_4869 : vector<1x16xf32> to vector<16xf32>
      %add3A_4871 = arith.addf %add3A_4847, %get3A_4870 : vector<16xf32>
      %get3A_4872 = arith.constant 98 : i32
      %get3A_4873 = arith.index_cast %get3A_4872 : i32 to index
      %get3A_4874 = arith.constant 16 : index
      %get3A_4875 = tpu.vector_load %arg7[%get3A_4873, %get3A_4874] {strides = array<i32>} : memref<100x128xf32, #tpu.memory_space<vmem>>, vector<1x16xf32>,
      %get3A_4876 = vector.shape_cast %get3A_4875 : vector<1x16xf32> to vector<16xf32>
      %add3A_4877 = arith.addf %add3A_4853, %get3A_4876 : vector<16xf32>
      %get3A_4878 = arith.constant 98 : i32
      %get3A_4879 = arith.index_cast %get3A_4878 : i32 to index
      %get3A_4880 = arith.constant 32 : index
      %get3A_4881 = tpu.vector_load %arg7[%get3A_4879, %get3A_4880] {strides = array<i32>} : memref<100x128xf32, #tpu.memory_space<vmem>>, vector<1x16xf32>,
      %get3A_4882 = vector.shape_cast %get3A_4881 : vector<1x16xf32> to vector<16xf32>
      %add3A_4883 = arith.addf %add3A_4859, %get3A_4882 : vector<16xf32>
      %get3A_4884 = arith.constant 98 : i32
      %get3A_4885 = arith.index_cast %get3A_4884 : i32 to index
      %get3A_4886 = arith.constant 48 : index
      %get3A_4887 = tpu.vector_load %arg7[%get3A_4885, %get3A_4886] {strides = array<i32>} : memref<100x128xf32, #tpu.memory_space<vmem>>, vector<1x16xf32>,
      %get3A_4888 = vector.shape_cast %get3A_4887 : vector<1x16xf32> to vector<16xf32>
      %add3A_4889 = arith.addf %add3A_4865, %get3A_4888 : vector<16xf32>
      %get3A_4890 = arith.constant 99 : i32
      %get3A_4891 = arith.index_cast %get3A_4890 : i32 to index
      %get3A_4892 = arith.constant 0 : index
      %get3A_4893 = tpu.vector_load %arg7[%get3A_4891, %get3A_4892] {strides = array<i32>} : memref<100x128xf32, #tpu.memory_space<vmem>>, vector<1x16xf32>,
      %get3A_4894 = vector.shape_cast %get3A_4893 : vector<1x16xf32> to vector<16xf32>
      %add3A_4895 = arith.addf %add3A_4871, %get3A_4894 : vector<16xf32>
      %get3A_4896 = arith.constant 99 : i32
      %get3A_4897 = arith.index_cast %get3A_4896 : i32 to index
      %get3A_4898 = arith.constant 16 : index
      %get3A_4899 = tpu.vector_load %arg7[%get3A_4897, %get3A_4898] {strides = array<i32>} : memref<100x128xf32, #tpu.memory_space<vmem>>, vector<1x16xf32>,
      %get3A_4900 = vector.shape_cast %get3A_4899 : vector<1x16xf32> to vector<16xf32>
      %add3A_4901 = arith.addf %add3A_4877, %get3A_4900 : vector<16xf32>
      %get3A_4902 = arith.constant 99 : i32
      %get3A_4903 = arith.index_cast %get3A_4902 : i32 to index
      %get3A_4904 = arith.constant 32 : index
      %get3A_4905 = tpu.vector_load %arg7[%get3A_4903, %get3A_4904] {strides = array<i32>} : memref<100x128xf32, #tpu.memory_space<vmem>>, vector<1x16xf32>,
      %get3A_4906 = vector.shape_cast %get3A_4905 : vector<1x16xf32> to vector<16xf32>
      %add3A_4907 = arith.addf %add3A_4883, %get3A_4906 : vector<16xf32>
      %get3A_4908 = arith.constant 99 : i32
      %get3A_4909 = arith.index_cast %get3A_4908 : i32 to index
      %get3A_4910 = arith.constant 48 : index
      %get3A_4911 = tpu.vector_load %arg7[%get3A_4909, %get3A_4910] {strides = array<i32>} : memref<100x128xf32, #tpu.memory_space<vmem>>, vector<1x16xf32>,
      %get3A_4912 = vector.shape_cast %get3A_4911 : vector<1x16xf32> to vector<16xf32>
      %add3A_4913 = arith.addf %add3A_4889, %get3A_4912 : vector<16xf32>
      %add3A_4914 = arith.constant 1 : i32
      %add3A_4915 = arith.addi %mul3A_2493, %add3A_4914 : i32
      %mul3A_4916 = arith.constant 64 : i32
      %mul3A_4917 = arith.muli %add3A_4915, %mul3A_4916 : i32
      %add3A_4918 = arith.constant 0 : i32
      %add3A_4919 = arith.addi %mul3A_4917, %add3A_4918 : i32
      %swap3A_4920 = arith.index_cast %add3A_4919 : i32 to index
      %swap3A_4921 = tpu.vector_load %arg8[%swap3A_4920] {strides = array<i32>} : memref<16384xf32, #tpu.memory_space<vmem>>, vector<16xf32>,
      %swap3A_4922 = vector.shape_cast %swap3A_4921 : vector<16xf32> to vector<16xf32>
      %swap3A_4923 = vector.shape_cast %add3A_4895 : vector<16xf32> to vector<16xf32>
      tpu.vector_store %arg8[%swap3A_4920], %swap3A_4923 {strides = array<i32>} : memref<16384xf32, #tpu.memory_space<vmem>>, vector<16xf32>,
      %add3A_4924 = arith.constant 16 : i32
      %add3A_4925 = arith.addi %mul3A_4917, %add3A_4924 : i32
      %swap3A_4926 = arith.index_cast %add3A_4925 : i32 to index
      %swap3A_4927 = tpu.vector_load %arg8[%swap3A_4926] {strides = array<i32>} : memref<16384xf32, #tpu.memory_space<vmem>>, vector<16xf32>,
      %swap3A_4928 = vector.shape_cast %swap3A_4927 : vector<16xf32> to vector<16xf32>
      %swap3A_4929 = vector.shape_cast %add3A_4901 : vector<16xf32> to vector<16xf32>
      tpu.vector_store %arg8[%swap3A_4926], %swap3A_4929 {strides = array<i32>} : memref<16384xf32, #tpu.memory_space<vmem>>, vector<16xf32>,
      %add3A_4930 = arith.constant 32 : i32
      %add3A_4931 = arith.addi %mul3A_4917, %add3A_4930 : i32
      %swap3A_4932 = arith.index_cast %add3A_4931 : i32 to index
      %swap3A_4933 = tpu.vector_load %arg8[%swap3A_4932] {strides = array<i32>} : memref<16384xf32, #tpu.memory_space<vmem>>, vector<16xf32>,
      %swap3A_4934 = vector.shape_cast %swap3A_4933 : vector<16xf32> to vector<16xf32>
      %swap3A_4935 = vector.shape_cast %add3A_4907 : vector<16xf32> to vector<16xf32>
      tpu.vector_store %arg8[%swap3A_4932], %swap3A_4935 {strides = array<i32>} : memref<16384xf32, #tpu.memory_space<vmem>>, vector<16xf32>,
      %add3A_4936 = arith.constant 48 : i32
      %add3A_4937 = arith.addi %mul3A_4917, %add3A_4936 : i32
      %swap3A_4938 = arith.index_cast %add3A_4937 : i32 to index
      %swap3A_4939 = tpu.vector_load %arg8[%swap3A_4938] {strides = array<i32>} : memref<16384xf32, #tpu.memory_space<vmem>>, vector<16xf32>,
      %swap3A_4940 = vector.shape_cast %swap3A_4939 : vector<16xf32> to vector<16xf32>
      %swap3A_4941 = vector.shape_cast %add3A_4913 : vector<16xf32> to vector<16xf32>
      tpu.vector_store %arg8[%swap3A_4938], %swap3A_4941 {strides = array<i32>} : memref<16384xf32, #tpu.memory_space<vmem>>, vector<16xf32>,
      %add3A_4942 = arith.constant 3 : i32
      %add3A_4943 = arith.addi %add3A_24, %add3A_4942 : i32
      %lt3A_4944 = arith.constant 128 : i32
      %lt3A_4945 = arith.cmpi slt, %add3A_4943, %lt3A_4944 : i32
      %convert_element_type3A_4946 = arith.extui %lt3A_4945 : i1 to i32
      %cond3A_4947 = arith.constant 0 : i32
      %cond3A_4948 = arith.cmpi ne, %convert_element_type3A_4946, %cond3A_4947 : i32
      scf.if %cond3A_4948 {
        %add3A_4949 = arith.constant 3 : i32
        %add3A_4950 = arith.addi %add3A_24, %add3A_4949 : i32
        %dma_start3A_4951 = arith.constant 0 : i32
        %dma_start3A_4952 = tpu.memref_slice %arg5[%add3A_4950, %dma_start3A_4951] : memref<128x100xi32, #tpu.memory_space<vmem>> -> memref<1x100xi32, #tpu.memory_space<vmem>>
        %dma_start3A_4953 = tpu.memref_squeeze %dma_start3A_4952 : memref<1x100xi32, #tpu.memory_space<vmem>> -> memref<100xi32, #tpu.memory_space<vmem>>
        %dma_start3A_4954 = arith.constant 0 : i32
        %dma_start3A_4955 = arith.constant 0 : i32
        %dma_start3A_4956 = tpu.memref_slice %arg3[%dma_start3A_4954, %dma_start3A_4955] : memref<1000000x128xf32, #tpu.memory_space<hbm>> -> memref<1000000x128xf32, #tpu.memory_space<hbm>>
        tpu.enqueue_indirect_dma source(%dma_start3A_4956 : memref<1000000x128xf32, #tpu.memory_space<hbm>>) target(%arg7 : memref<100x128xf32, #tpu.memory_space<vmem>>) offsets(%dma_start3A_4953 : memref<100xi32, #tpu.memory_space<vmem>>) semaphore(%arg10 : memref<!tpu.dma_semaphore, #tpu.memory_space<semaphore_mem>>)
      } else {
      }
    }
    %scan3A_19 = arith.constant 64 : i32
    "tpu.region"() ({
      %run_scoped3A = tpu.sem_alloc : memref<!tpu.dma_semaphore, #tpu.memory_space<semaphore_mem>>
      %dma_start3A_20 = arith.constant 0 : i32
      %dma_start3A_21 = tpu.memref_slice %arg4[%add3A, %dma_start3A_20] : memref<32x16384xf32, #tpu.memory_space<hbm>> -> memref<1x16384xf32, #tpu.memory_space<hbm>>
      %dma_start3A_22 = tpu.memref_squeeze %dma_start3A_21 : memref<1x16384xf32, #tpu.memory_space<hbm>> -> memref<16384xf32, #tpu.memory_space<hbm>>
      %dma_start3A_23 = arith.constant 0 : i32
      %dma_start3A_24 = tpu.memref_slice %arg4[%add3A, %dma_start3A_23] : memref<32x16384xf32, #tpu.memory_space<hbm>> -> memref<1x16384xf32, #tpu.memory_space<hbm>>
      %dma_start3A_25 = tpu.memref_squeeze %dma_start3A_24 : memref<1x16384xf32, #tpu.memory_space<hbm>> -> memref<16384xf32, #tpu.memory_space<hbm>>
      tpu.enqueue_dma source(%arg8 : memref<16384xf32, #tpu.memory_space<vmem>>) target(%dma_start3A_25 : memref<16384xf32, #tpu.memory_space<hbm>>) target_semaphore(%run_scoped3A : memref<!tpu.dma_semaphore, #tpu.memory_space<semaphore_mem>>)
      %dma_wait3A = arith.constant 0 : i32
      %dma_wait3A_26 = tpu.memref_slice %arg4[%add3A, %dma_wait3A] : memref<32x16384xf32, #tpu.memory_space<hbm>> -> memref<1x16384xf32, #tpu.memory_space<hbm>>
      %dma_wait3A_27 = tpu.memref_squeeze %dma_wait3A_26 : memref<1x16384xf32, #tpu.memory_space<hbm>> -> memref<16384xf32, #tpu.memory_space<hbm>>
      %dma_wait3A_28 = arith.constant 0 : i32
      %dma_wait3A_29 = tpu.memref_slice %arg4[%add3A, %dma_wait3A_28] : memref<32x16384xf32, #tpu.memory_space<hbm>> -> memref<1x16384xf32, #tpu.memory_space<hbm>>
      %dma_wait3A_30 = tpu.memref_squeeze %dma_wait3A_29 : memref<1x16384xf32, #tpu.memory_space<hbm>> -> memref<16384xf32, #tpu.memory_space<hbm>>
      tpu.wait_dma2 semaphore(%run_scoped3A : memref<!tpu.dma_semaphore, #tpu.memory_space<semaphore_mem>>) src(%arg8 : memref<16384xf32, #tpu.memory_space<vmem>>) dst(%dma_wait3A_30 : memref<16384xf32, #tpu.memory_space<hbm>>)
      tpu.yield
    }) : () -> ()
    return
  }
}

module attributes {stable_mosaic.version = 14 : i64} {
  func.func @body(%arg0: i32, %arg1: memref<64x16384xf32, #tpu.memory_space<vmem>>, %arg2: memref<16384x128xf32, #tpu.memory_space<vmem>>) attributes {dimension_semantics = [#tpu.dimension_semantics<arbitrary>], iteration_bounds = array<i64: 62>, scalar_prefetch = 0 : i64, scratch_operands = 0 : i64, tpu.core_type = #tpu.core_type<tc>, window_params = [{transform_indices = @transform_0, window_bounds = array<i64: 64, 16384>}, {transform_indices = @transform_1, window_bounds = array<i64: 16384, 128>}]} {
    %get3A = arith.constant 0 : index
    %get3A_0 = arith.constant 0 : index
    %get3A_1 = vector.load %arg1[%get3A, %get3A_0] : memref<64x16384xf32, #tpu.memory_space<vmem>>, vector<64x16384xf32>
    %transpose3A = tpu.transpose %get3A_1, [1, 0] : vector<64x16384xf32> -> vector<16384x64xf32>
    %broadcast_in_dim3A = arith.constant 0.000000e+00 : f32
    %broadcast_in_dim3A_2 = vector.broadcast %broadcast_in_dim3A : f32 to vector<16384x64xf32>
    %concatenate3A = tpu.concatenate %transpose3A, %broadcast_in_dim3A_2 in 1 : vector<16384x64xf32>, vector<16384x64xf32> -> vector<16384x128xf32>
    %swap3A = arith.constant 0 : index
    %swap3A_3 = arith.constant 0 : index
    %swap3A_4 = vector.load %arg2[%swap3A, %swap3A_3] : memref<16384x128xf32, #tpu.memory_space<vmem>>, vector<16384x128xf32>
    tpu.vector_store %arg2[%swap3A, %swap3A_3], %concatenate3A {strides = array<i32>} : memref<16384x128xf32, #tpu.memory_space<vmem>>, vector<16384x128xf32>,
    return
  }
  func.func @transform_0(%arg0: i32) -> (i32, i32) {
    %c0_i32 = arith.constant 0 : i32
    %c0_i32_0 = arith.constant 0 : i32
    return %c0_i32, %arg0 : i32, i32
  }
  func.func @transform_1(%arg0: i32) -> (i32, i32) {
    %c0_i32 = arith.constant 0 : i32
    %c0_i32_0 = arith.constant 0 : i32
    return %arg0, %c0_i32 : i32, i32
  }
}

module attributes {stable_mosaic.version = 14 : i64} {
  func.func @body(%arg0: i32, %arg1: memref<512x64xf32, #tpu.memory_space<vmem>>, %arg2: memref<512x64xf32, #tpu.memory_space<vmem>>, %arg3: memref<512x1xf32, #tpu.memory_space<vmem>>, %arg4: memref<512x1xf32, #tpu.memory_space<vmem>>, %arg5: memref<1000x64xf32, #tpu.memory_space<vmem>>, %arg6: memref<1000x64xf32, #tpu.memory_space<vmem>>, %arg7: memref<1000x1xf32, #tpu.memory_space<vmem>>, %arg8: memref<1000x512xf32, #tpu.memory_space<vmem>>) attributes {dimension_semantics = [#tpu.dimension_semantics<arbitrary>], iteration_bounds = array<i64: 8>, scalar_prefetch = 0 : i64, scratch_operands = 0 : i64, tpu.core_type = #tpu.core_type<tc>, window_params = [{transform_indices = @transform_0, window_bounds = array<i64: 512, 64>}, {transform_indices = @transform_1, window_bounds = array<i64: 512, 64>}, {transform_indices = @transform_2, window_bounds = array<i64: 512, 1>}, {transform_indices = @transform_3, window_bounds = array<i64: 512, 1>}, {pipeline_mode = #tpu.pipeline_mode<synchronous>, transform_indices = @transform_4, window_bounds = array<i64: 1000, 64>}, {pipeline_mode = #tpu.pipeline_mode<synchronous>, transform_indices = @transform_5, window_bounds = array<i64: 1000, 64>}, {pipeline_mode = #tpu.pipeline_mode<synchronous>, transform_indices = @transform_6, window_bounds = array<i64: 1000, 1>}, {transform_indices = @transform_7, window_bounds = array<i64: 1000, 512>}]} {
    %get3A = arith.constant 0 : index
    %get3A_0 = arith.constant 0 : index
    %get3A_1 = vector.load %arg1[%get3A, %get3A_0] : memref<512x64xf32, #tpu.memory_space<vmem>>, vector<512x64xf32>
    %get3A_2 = arith.constant 0 : index
    %get3A_3 = arith.constant 0 : index
    %get3A_4 = vector.load %arg3[%get3A_2, %get3A_3] : memref<512x1xf32, #tpu.memory_space<vmem>>, vector<512x1xf32>
    %div3A = vector.broadcast %get3A_4 : vector<512x1xf32> to vector<512x64xf32>
    %div3A_5 = arith.divf %get3A_1, %div3A : vector<512x64xf32>
    %get3A_6 = arith.constant 0 : index
    %get3A_7 = arith.constant 0 : index
    %get3A_8 = vector.load %arg2[%get3A_6, %get3A_7] : memref<512x64xf32, #tpu.memory_space<vmem>>, vector<512x64xf32>
    %get3A_9 = arith.constant 0 : index
    %get3A_10 = arith.constant 0 : index
    %get3A_11 = vector.load %arg4[%get3A_9, %get3A_10] : memref<512x1xf32, #tpu.memory_space<vmem>>, vector<512x1xf32>
    %div3A_12 = vector.broadcast %get3A_11 : vector<512x1xf32> to vector<512x64xf32>
    %div3A_13 = arith.divf %get3A_8, %div3A_12 : vector<512x64xf32>
    %get3A_14 = arith.constant 0 : index
    %get3A_15 = arith.constant 0 : index
    %get3A_16 = vector.load %arg5[%get3A_14, %get3A_15] : memref<1000x64xf32, #tpu.memory_space<vmem>>, vector<1000x64xf32>
    %dot_general3A = arith.constant dense<0.000000e+00> : vector<1000x512xf32>
    %dot_general3A_17 = tpu.matmul %get3A_16, %div3A_5, %dot_general3A {dimension_numbers = #tpu.dot_dimension_numbers<[1], [1], [0], [0], [0, 0, 1, 0], [], []>, transpose_lhs_hint = false} : vector<1000x64xf32>, vector<512x64xf32>, vector<1000x512xf32> -> vector<1000x512xf32>
    %get3A_18 = arith.constant 0 : index
    %get3A_19 = arith.constant 0 : index
    %get3A_20 = vector.load %arg6[%get3A_18, %get3A_19] : memref<1000x64xf32, #tpu.memory_space<vmem>>, vector<1000x64xf32>
    %dot_general3A_21 = arith.constant dense<0.000000e+00> : vector<1000x512xf32>
    %dot_general3A_22 = tpu.matmul %get3A_20, %div3A_13, %dot_general3A_21 {dimension_numbers = #tpu.dot_dimension_numbers<[1], [1], [0], [0], [0, 0, 1, 0], [], []>, transpose_lhs_hint = false} : vector<1000x64xf32>, vector<512x64xf32>, vector<1000x512xf32> -> vector<1000x512xf32>
    %add3A = arith.addf %dot_general3A_17, %dot_general3A_22 : vector<1000x512xf32>
    %get3A_23 = arith.constant 0 : index
    %get3A_24 = arith.constant 0 : index
    %get3A_25 = vector.load %arg7[%get3A_23, %get3A_24] : memref<1000x1xf32, #tpu.memory_space<vmem>>, vector<1000x1xf32>
    %add3A_26 = vector.broadcast %get3A_25 : vector<1000x1xf32> to vector<1000x512xf32>
    %add3A_27 = arith.addf %add3A, %add3A_26 : vector<1000x512xf32>
    %swap3A = arith.constant 0 : index
    %swap3A_28 = arith.constant 0 : index
    %swap3A_29 = vector.load %arg8[%swap3A, %swap3A_28] : memref<1000x512xf32, #tpu.memory_space<vmem>>, vector<1000x512xf32>
    tpu.vector_store %arg8[%swap3A, %swap3A_28], %add3A_27 {strides = array<i32>} : memref<1000x512xf32, #tpu.memory_space<vmem>>, vector<1000x512xf32>,
    return
  }
  func.func @transform_0(%arg0: i32) -> (i32, i32) {
    %c0_i32 = arith.constant 0 : i32
    %c0_i32_0 = arith.constant 0 : i32
    return %arg0, %c0_i32 : i32, i32
  }
  func.func @transform_1(%arg0: i32) -> (i32, i32) {
    %c0_i32 = arith.constant 0 : i32
    %c0_i32_0 = arith.constant 0 : i32
    return %arg0, %c0_i32 : i32, i32
  }
  func.func @transform_2(%arg0: i32) -> (i32, i32) {
    %c0_i32 = arith.constant 0 : i32
    %c0_i32_0 = arith.constant 0 : i32
    return %arg0, %c0_i32 : i32, i32
  }
  func.func @transform_3(%arg0: i32) -> (i32, i32) {
    %c0_i32 = arith.constant 0 : i32
    %c0_i32_0 = arith.constant 0 : i32
    return %arg0, %c0_i32 : i32, i32
  }
  func.func @transform_4(%arg0: i32) -> (i32, i32) {
    %c0_i32 = arith.constant 0 : i32
    %c0_i32_0 = arith.constant 0 : i32
    %c0_i32_1 = arith.constant 0 : i32
    return %c0_i32, %c0_i32_0 : i32, i32
  }
  func.func @transform_5(%arg0: i32) -> (i32, i32) {
    %c0_i32 = arith.constant 0 : i32
    %c0_i32_0 = arith.constant 0 : i32
    %c0_i32_1 = arith.constant 0 : i32
    return %c0_i32, %c0_i32_0 : i32, i32
  }
  func.func @transform_6(%arg0: i32) -> (i32, i32) {
    %c0_i32 = arith.constant 0 : i32
    %c0_i32_0 = arith.constant 0 : i32
    %c0_i32_1 = arith.constant 0 : i32
    return %c0_i32, %c0_i32_0 : i32, i32
  }
  func.func @transform_7(%arg0: i32) -> (i32, i32) {
    %c0_i32 = arith.constant 0 : i32
    %c0_i32_0 = arith.constant 0 : i32
    return %c0_i32, %arg0 : i32, i32
  }
}

</mosaic_0001>

<sc_bundles>
// kernel: kernel.5.cloned.1.call-start
scs
__scs_entry_jumppad:
0x0: {  	(pc) =	sbr.rel $0x88, $3  }
0x1: {  	(tag) =	ssettag $0x0;
	lr =	simm.s32 $0x1  }
0x2: {  	[smem:$0x3F9A] =	sst lr;
	_ =	strace $0xD0000000  }
0x3: {  	_ = 	snop  }
0x4: {  	_ = 	snop  }
0x5: {  	_ = 	snop  }
0x6: {  	_ = 	snop  }
0x7: {  	_ = 	snop  }
__scs_overlays_trampoline_lowered:
0x8: {  	[smem:$0x3FA9] =	sst s0  }
0x9: {  	[smem:$0x3FAA] =	sst s1  }
0xa: {  	[smem:$0x3FAB] =	sst s2  }
0xb: {  	[smem:$0x3FAC] =	sst s3  }
0xc: {  	[smem:$0x3FAD] =	sst s4  }
0xd: {  	[smem:$0x3FAE] =	sst s5  }
0xe: {  	[smem:$0x3FAF] =	sst s6  }
0xf: {  	[smem:$0x3FB0] =	sst s7  }
0x10: {  	[smem:$0x3FB1] =	sst s8  }
0x11: {  	[smem:$0x3FB2] =	sst s9;
	s0 =	simm.s32 @!p0 $0x0  }
0x12: {  	s1 =	sld [smem:$0x3F98];
	s0 =	simm.s32 @p0 $0x1  }
0x13: {  	[smem:$0x3FB3] =	sst s0;
	s0 =	simm.s32 @!p1 $0x0  }
0x14: {  	s2 =	sld [smem:$0x3F97];
	s0 =	simm.s32 @p1 $0x1  }
0x15: {  	[smem:$0x3FB4] =	sst s0;
	s0 =	simm.s32 @!p2 $0x0  }
0x16: {  	s3 =	sld [smem:$0x3FDB];
	s0 =	simm.s32 @p2 $0x1  }
0x17: {  	s4 =	simm.s32 $0x1BF5;
	[smem:$0x3FB6] =	sst s0  }
0x18: {  	s0 =	sld [smem:$0x3F99];
	_ =	swait.ge [sflag:s4], $0x0  }
0x19: {  	s7 =	sld [smem:$0x3F9A]  }
0x1a: {  	s8 =	sadd.s32 $0xFFFFE003, lr  }
0x1b: {  	s9 =	sadd.s32 $0xFFFFFEF7, lr;
	s5 =	simm.s32 $0xFFFFFFFF;
	p2 =	slt.u32 s8, $0xFFFFF086  }
0x1c: {  	p1 =	slt.u32 s9, $0xF7A;
	s5 =	simm.s32 @!p2 $0x0  }
0x1d: {  	s5 =	simm.s32 @p1 $0x1;
	p0 =	seq.s32 s7, s2  }
0x1e: {  	s7 =	smul.u32 @!p0 $0xF7A, s2;
	p2 =	seq.s32 @!p0 s5, $0x0  }
0x1f: {  	s9 =	smul.u32 $0xF7A, s1;
	s8 =	simm.s32 @!p0 $0x1BF5;
	p2 =	por !p2, p0  }
0x20: {  	[sflag:s8] =	ssyncset.s32 @!p0 $0xFFFFF086;
	s6 =	sadd.s32 @!p0 s3, s7;
	s7 =	simm.s32 @!p0 $0x108  }
0x21: {  	s3 =	sadd.s32 s3, s9;
	s6 =	sadd.s32 @!p0 $0x88, s6;
	s7 =	simm.s32 @p2 $0x1082  }
0x22: {  	[simem:s7], [sflag:s8] =	dma.local @!p0 [hbm:s6], $0xF7A  }
0x23: {  	s9 =	sor.u32 $0xD0000000, s2;
	s6 =	simm.s32 $0x108;
	_ =	swait.ge @!p0 [sflag:s8], $0x0  }
0x24: {  	s3 =	sadd.s32 $0x88, s3;
	s6 =	simm.s32 @!p1 $0x1082;
	[sflag:s4] =	ssyncset.s32 $0xFFFFF086  }
0x25: {  	[simem:s6], [sflag:s4] =	dma.local [hbm:s3], $0xF7A  }
0x26: {  	[smem:$0x3F9A] =	sst s1;
	(tag) =	ssettag s2;
	_ =	strace s9  }
0x27: {  	s1 =	sld [smem:$0x3FAA]  }
0x28: {  	s2 =	sld [smem:$0x3FAB]  }
0x29: {  	s4 =	sld [smem:$0x3FAD]  }
0x2a: {  	p0 =	seq.s32 s5, $0x0;
	s5 =	sld [smem:$0x3FAE]  }
0x2b: {  	s6 =	sld [smem:$0x3FAF]  }
0x2c: {  	s7 =	sld [smem:$0x3FB0]  }
0x2d: {  	s3 =	simm.s32 $0x108;
	s8 =	sld [smem:$0x3FB1]  }
0x2e: {  	s3 =	simm.s32 @!p0 $0x1082;
	s9 =	sld [smem:$0x3FB2]  }
0x2f: {  	lr =	sadd.s32 s0, s3;
	s0 =	sld [smem:$0x3FA9]  }
0x30: {  	s3 =	sld [smem:$0x3FAC]  }
0x31: {  	[smem:$0x3FB5] =	sst s10  }
0x32: {  	s10 =	sld [smem:$0x3FB3];
	_ =	sdelay $0x3  }
0x33: {  	p0 =	seq.s32 s10, $0x1;
	s10 =	sld [smem:$0x3FB5];
	_ =	sdelay $0x3  }
0x34: {  	[smem:$0x3FB5] =	sst s10  }
0x35: {  	s10 =	sld [smem:$0x3FB4];
	_ =	sdelay $0x3  }
0x36: {  	p1 =	seq.s32 s10, $0x1;
	s10 =	sld [smem:$0x3FB5];
	_ =	sdelay $0x3  }
0x37: {  	[smem:$0x3FB5] =	sst s10  }
0x38: {  	s10 =	sld [smem:$0x3FB6]  }
0x39: {  	_ = 	snop;
	(pc) =	sbr.ind lr, $3  }
0x3a: {  	_ = 	snop  }
0x3b: {  	_ = 	snop  }
0x3c: {  	p2 =	seq.s32 s10, $0x1;
	s10 =	sld [smem:$0x3FB5]  }
0x3d: {  	_ =	shalt  }
0x3e: {  	_ =	shalt  }
0x3f: {  	_ =	shalt  }
0x40: {  	_ =	shalt  }
0x41: {  	_ =	shalt  }
0x42: {  	_ =	shalt  }
0x43: {  	_ =	shalt  }
0x44: {  	_ =	shalt  }
0x45: {  	_ =	shalt  }
0x46: {  	_ =	shalt  }
0x47: {  	_ =	shalt  }
0x48: {  	_ =	shalt  }
0x49: {  	_ =	shalt  }
0x4a: {  	_ =	shalt  }
0x4b: {  	_ =	shalt  }
0x4c: {  	_ =	shalt  }
0x4d: {  	_ =	shalt  }
0x4e: {  	_ =	shalt  }
0x4f: {  	_ =	shalt  }
0x50: {  	_ =	shalt  }
0x51: {  	_ =	shalt  }
0x52: {  	_ =	shalt  }
0x53: {  	_ =	shalt  }
0x54: {  	_ =	shalt  }
0x55: {  	_ =	shalt  }
0x56: {  	_ =	shalt  }
0x57: {  	_ =	shalt  }
0x58: {  	_ =	shalt  }
0x59: {  	_ =	shalt  }
0x5a: {  	_ =	shalt  }
0x5b: {  	_ =	shalt  }
0x5c: {  	_ =	shalt  }
0x5d: {  	_ =	shalt  }
0x5e: {  	_ =	shalt  }
0x5f: {  	_ =	shalt  }
0x60: {  	_ =	shalt  }
0x61: {  	_ =	shalt  }
0x62: {  	_ =	shalt  }
0x63: {  	_ =	shalt  }
0x64: {  	_ =	shalt  }
0x65: {  	_ =	shalt  }
0x66: {  	_ =	shalt  }
0x67: {  	_ =	shalt  }
0x68: {  	_ =	shalt  }
0x69: {  	_ =	shalt  }
0x6a: {  	_ =	shalt  }
0x6b: {  	_ =	shalt  }
0x6c: {  	_ =	shalt  }
0x6d: {  	_ =	shalt  }
0x6e: {  	_ =	shalt  }
0x6f: {  	_ =	shalt  }
0x70: {  	_ =	shalt  }
0x71: {  	_ =	shalt  }
0x72: {  	_ =	shalt  }
0x73: {  	_ =	shalt  }
0x74: {  	_ =	shalt  }
0x75: {  	_ =	shalt  }
0x76: {  	_ =	shalt  }
0x77: {  	_ =	shalt  }
0x78: {  	_ =	shalt  }
0x79: {  	_ =	shalt  }
0x7a: {  	_ =	shalt  }
0x7b: {  	_ =	shalt  }
0x7c: {  	_ =	shalt  }
0x7d: {  	_ =	shalt  }
0x7e: {  	_ =	shalt  }
0x7f: {  	_ =	shalt  }
0x80: {  	_ =	shalt  }
0x81: {  	_ =	shalt  }
0x82: {  	_ =	shalt  }
0x83: {  	_ =	shalt  }
0x84: {  	_ =	shalt  }
0x85: {  	_ =	shalt  }
0x86: {  	_ =	shalt  }
0x87: {  	_ =	shalt  }
.Lfunc_end0:
.L_simem_size_0:
called_computation_lowered:
.L_overlay_start_0:
0x88: {  	s2 =	sld [smem:$0x3FD9]  }
0x89: {  	s3 =	sld [smem:$0x3FFE];
	_ =	sdelay $0x1  }
0x8a: {  	s1 =	srdreg.scid  }
0x8b: {  	s0 =	sand.u32 $0x1, s1  }
0x8c: {  	s14 =	sshll.u32 s0, $0xA;
	s2 =	sadd.s32 s3, s2  }
0x8d: {  	s2 =	sadd.s32 s2, s14  }
0x8e: {  	[smem:$0x3FC1] =	sst s2  }
0x8f: {  	_ = 	snop  }
0x90: {  	s2 =	sld [smem:$0x3FD0];
	_ =	sdelay $0x2  }
0x91: {  	s15 =	simm.s32 $0xA;
	s4 =	simm.s32 $0x10  }
0x92: {  	[smem:s4], [sflag:s15] =	dma.local [hbm:s2], $0x1  }
0x93: {  	_ =	swait.eq [sflag:s15], $0x1  }
0x94: {  	[sflag:s15] =	ssyncset.done $0x0  }
0x95: {  	[sflag:s15] =	ssyncadd.s32 $0xFFFFFFFF  }
0x96: {  	s16 =	sld [smem:$0x10];
	(tm) =	ssettm $0x1  }
0x97: {  	s17 =	sld [smem:$0x3FFB];
	_ =	sdelay $0x3  }
0x98: {  	_ =	strace s17  }
0x99: {  	s3 =	sld [smem:$0x3FFC];
	_ =	sdelay $0x3  }
0x9a: {  	_ =	strace s3  }
0x9b: {  	s3 =	sld [smem:$0x3FFD];
	_ =	sdelay $0x3  }
0x9c: {  	_ =	strace s3  }
0x9d: {  	_ =	strace $0x8FFFFFFF  }
0x9e: {  	s18 =	sld [smem:$0x3FDB];
	_ =	sdelay $0x1  }
0x9f: {  	s19 =	simm.s32 $_scs_section_size  }
0xa0: {  	s5 =	simm.s32 $_size__tile_overlayer_lowered;
	s6 =	simm.s32 $_tile_overlayer_lowered  }
0xa1: {  	s22 =	simm.s32 $0x1BFF;
	s21 =	sshll.u32 s6, $0x1;
	s3 =	sadd.s32 s19, s18  }
0xa2: {  	s7 =	simm.s32 $0x0;
	s20 =	sshll.u32 s5, $0x1;
	s5 =	sadd.s32 s21, s3  }
0xa3: {  	[timem:s7], [sflag:s22] =	dma.local [hbm:s5], s20  }
0xa4: {  	_ =	swait.ge [sflag:s22], s20  }
0xa5: {  	s4 =	ssub.s32 $0x0, s20;
	[sflag:s22] =	ssyncset.done $0x0  }
0xa6: {  	[sflag:s22] =	ssyncadd.s32 s4;
	_ =	sdelay $0x1  }
0xa7: {  	s23 =	simm.s32 $0x1B8B  }
0xa8: {  	_ =	swait.ge [sflag:s23], $0x1  }
0xa9: {  	[sflag:s23] =	ssyncset.done $0x0  }
0xaa: {  	s25 =	simm.s32 $0x1B8E;
	s24 =	sld [smem:$0x3FFE];
	[sflag:s23] =	ssyncadd.s32 $0xFFFFFFFF  }
0xab: {  	s26 =	simm.s32 $execute0_lowered;
	[smem:$0x3FD2] =	sst s25  }
0xac: {  	s5 =	sshll.u32 s26, $0x1;
	_ =	strace $0x80000046;
	[dreg:$0x1] =	wrdreg $0xFFFFFFFF  }
0xad: {  	s28 =	simm.s32 $_size_execute0_lowered;
	s3 =	sadd.s32 s3, s5;
	[dreg:$0x0] =	wrdreg $0x0  }
0xae: {  	s5 =	sshll.u32 s28, $0x1;
	[dreg:$0x2] =	wrdreg s3  }
0xaf: {  	[dreg:$0x3] =	wrdreg s5  }
0xb0: {  	[dreg:$0x4] =	wrdreg $0xC0  }
0xb1: {  	_ =	task [dreg:s7], $0x5FFFF  }
0xb2: {  	[dreg:$0x1] =	wrdreg $0xFFFFFFFF  }
0xb3: {  	[dreg:$0x0] =	wrdreg $0x60  }
0xb4: {  	[dreg:$0x2] =	wrdreg s16  }
0xb5: {  	[dreg:$0x3] =	wrdreg s24  }
0xb6: {  	[dreg:$0x4] =	wrdreg $0x9  }
0xb7: {  	_ =	task.clear_ibuf [dreg:s7], $0x5FFFF;
	_ =	strace $0x90000046  }
0xb8: {  	s29 =	simm.s32 $0x9;
	_ =	strace $0x80000048  }
0xb9: {  	_ =	swait.ge [sflag:s29], $0x1  }
0xba: {  	[sflag:s29] =	ssyncadd.s32 $0xFFFFFFFF  }
0xbb: {  	_ =	strace $0x90000048  }
0xbc: {  	_ =	sfence  }
0xbd: {  	s30 =	sld [smem:$0x0];
	_ =	sdelay $0x2  }
0xbe: {  	s31 =	sshll.u32 s1, $0xD;
	s1 =	sshrl.u32 s1, $0x2  }
0xbf: {  	s3 =	sand.u32 $0x4000, s31;
	s1 =	sadd.s32 s1, s30  }
0xc0: {  	s0 =	sor.u32 s3, s0;
	s1 =	sshll.u32 s1, $0x11  }
0xc1: {  	s0 =	sor.u32 s1, s0  }
0xc2: {  	s0 =	sadd.s32 $0x8F2B, s0  }
0xc3: {  	[sflag:s0] =	ssyncadd.remote.s32 $0x1  }
0xc4: {  	_ =	sfence.sel $0xFFFF  }
0xc5: {  	[dreg:$0x0] =	wrdreg $0xFFFFFFFF;
	(pc) =	sbr.abs _section_cstart, $3  }
0xc6: {  	[dreg:$0x1] =	wrdreg $0xFFFFFFFF  }
0xc7: {  	_ =	task.clear_ibuf [dreg:s7], $0x2FFFF;
	_ =	strace $0x9FFFFFFF  }
0xc8: {  	(tm) =	ssettm $0x7FFFFFFF  }
0xc9: {  	_ =	shalt  }
tec
execute0_lowered:
.L_overlay_start_1:
0x0: {  	(tag) =	ssettag $0x1  }
0x1: {  	s4 =	rddreg [dreg:$0x0]  }
0x2: {  	s5 =	rddreg [dreg:$0x1]  }
0x3: {  	s0 =	rddreg [dreg:$0x2];
	s1 =	simm.s32 $0x0;
	s6 =	srdreg.scid  }
0x4: {  	s2 =	stileid.u32;
	s10 =	simm.s32 $0x80;
	s11 =	simm.s32 $0x7400  }
0x5: {  	s12 =	simm.s32 $0x1;
	s13 =	simm.s32 $0x2;
	s14 =	simm.s32 $0x400  }
0x6: {  	s15 =	simm.s32 $0xA800;
	s16 =	simm.s32 $0x0;
	[smem:$0x7FF] =	sst s1  }
0x7: {  	s3 =	sadd.s32 $0x1000, s5;
	s6 =	sand.u32 $0x1, s6;
	s7 =	sshll.u32 s2, $0x4  }
0x8: {  	s9 =	sshll.u32 s2, $0xB;
	_ =	strace $0x80000047;
	s8 =	sshll.u32 s6, $0xF  }
.Ltmp0:
0x9: {  	s7 =	sand.u32 $0x70, s7;
	s6 =	ssub.s32 $0x2, s6;
	(pc) =	sbr.rel .LBB2_1-.Ltmp0, $4  }
0xa: {  	s8 =	sor.u32 s9, s8;
	s5 =	sadd.s32 s7, s5;
	s31 =	sshrl.u32 s6, $0x1  }
0xb: {  	s7 =	simm.s32 $0x3;
	s9 =	sand.u32 $0xC000, s8;
	s6 =	ssub.s32 s6, s31  }
0xc: {  	s4 =	sadd.s32 s4, s8;
	s8 =	simm.s32 $0x64;
	s5 =	sadd.s32 s9, s5  }
0xd: {  	s6 =	smax.u32 s6, $0x1;
	s9 =	simm.s32 $0x4000;
	s5 =	sadd.s32 $0xF43400, s5  }
.LBB2_4:
0xe: {  	s16 =	sadd.s32 $0x1, s16  }
0xf: {  	p0 =	sne.s32 s16, s6  }
.Ltmp1:
0x10: {  	_ = 	snop;
	(pc) =	sbr.rel @!p0 .LBB2_5-.Ltmp1, $4  }
0x11: {  	[hbm4b:s5+s10] =	stream.strided.scatter [tilespmem:s15], [sflag:$0x3], $0x4000, s14, s10, $0x38;
	[tilespmem:$0xE800] =	vst v63  }
0x12: {  	_ =	swait.ge [sflag:s7], $0x4000  }
0x13: {  	[sflag:s7] =	ssyncset.done $0x0  }
0x14: {  	[sflag:s7] =	ssyncadd.s32 $0xFFFFC000  }
.LBB2_1:
0x15: {  	[tilespmem:s1], [sflag:$0x3] =	stream.linear.gather [hbm4b:s4+s1], $0x4000, $0x38;
	[tilespmem:$0xE800] =	vst v63  }
0x16: {  	_ =	swait.ge [sflag:s7], $0x4000  }
0x17: {  	[sflag:s7] =	ssyncset.done $0x0  }
0x18: {  	[sflag:s7] =	ssyncadd.s32 $0xFFFFC000  }
0x19: {  	[tilespmem:s9], [sflag:$0x1] =	stream.indirect.gather [hbm4b:s3+s8], $0x80, s1, s8, $0xb8;
	[tilespmem:$0xE800] =	vst v63  }
0x1a: {  	s17 =	simm.s32 $0x0  }
0x1b: {  	[tilespmem:s11], [sflag:$0x2] =	stream.indirect.gather [hbm4b:s3+s8], $0x80, s10, s8, $0xb8;
	[tilespmem:$0xE800] =	vst v63  }
.LBB2_2:
0x1c: {  	_ =	swait.ge [sflag:s12], $0x3200  }
0x1d: {  	[sflag:s12] =	ssyncset.done $0x0  }
0x1e: {  	[sflag:s12] =	ssyncadd.s32 $0xFFFFCE00  }
0x1f: {  	v56 =	vld [tilespmem:$0x47B0];
	_ =	sdelay $0x4  }
0x20: {  	[tilespmem:$0x1F5D0] =	vst v56;
	v56 =	vld [tilespmem:$0x4810];
	_ =	sdelay $0x4  }
0x21: {  	[tilespmem:$0x1F5E0] =	vst v56;
	v56 =	vld [tilespmem:$0x4820];
	_ =	sdelay $0x4  }
0x22: {  	[tilespmem:$0x1F5F0] =	vst v56;
	v56 =	vld [tilespmem:$0x4830];
	_ =	sdelay $0x4  }
0x23: {  	[tilespmem:$0x1F610] =	vst v56;
	v56 =	vld [tilespmem:$0x4880];
	_ =	sdelay $0x4  }
0x24: {  	[tilespmem:$0x1F600] =	vst v56;
	v56 =	vld [tilespmem:$0x4890];
	_ =	sdelay $0x4  }
0x25: {  	[tilespmem:$0x1F620] =	vst v56;
	v56 =	vld [tilespmem:$0x48A0];
	_ =	sdelay $0x4  }
0x26: {  	[tilespmem:$0x1F630] =	vst v56;
	v56 =	vld [tilespmem:$0x48B0];
	_ =	sdelay $0x4  }
0x27: {  	[tilespmem:$0x1F650] =	vst v56;
	v56 =	vld [tilespmem:$0x4900];
	_ =	sdelay $0x4  }
0x28: {  	[tilespmem:$0x1F640] =	vst v56;
	v56 =	vld [tilespmem:$0x4910];
	_ =	sdelay $0x4  }
0x29: {  	[tilespmem:$0x1F660] =	vst v56;
	v56 =	vld [tilespmem:$0x4920];
	_ =	sdelay $0x4  }
0x2a: {  	[tilespmem:$0x1F670] =	vst v56;
	v56 =	vld [tilespmem:$0x4930];
	_ =	sdelay $0x4  }
0x2b: {  	[tilespmem:$0x1F690] =	vst v56;
	v56 =	vld [tilespmem:$0x4980];
	_ =	sdelay $0x4  }
0x2c: {  	[tilespmem:$0x1F680] =	vst v56;
	v56 =	vld [tilespmem:$0x4990];
	_ =	sdelay $0x4  }
0x2d: {  	[tilespmem:$0x1F6A0] =	vst v56;
	v56 =	vld [tilespmem:$0x49A0];
	_ =	sdelay $0x4  }
0x2e: {  	[tilespmem:$0x1F6B0] =	vst v56;
	v56 =	vld [tilespmem:$0x49B0];
	_ =	sdelay $0x4  }
0x2f: {  	[tilespmem:$0x1F6D0] =	vst v56;
	v56 =	vld [tilespmem:$0x4A00];
	_ =	sdelay $0x4  }
0x30: {  	[tilespmem:$0x1F6C0] =	vst v56;
	v56 =	vld [tilespmem:$0x4A10];
	_ =	sdelay $0x4  }
0x31: {  	[tilespmem:$0x1F6E0] =	vst v56;
	v56 =	vld [tilespmem:$0x4A20];
	_ =	sdelay $0x4  }
0x32: {  	[tilespmem:$0x1F6F0] =	vst v56;
	v56 =	vld [tilespmem:$0x4A30];
	_ =	sdelay $0x4  }
0x33: {  	[tilespmem:$0x1F710] =	vst v56;
	v56 =	vld [tilespmem:$0x4A80];
	_ =	sdelay $0x4  }
0x34: {  	[tilespmem:$0x1F700] =	vst v56;
	v56 =	vld [tilespmem:$0x4A90];
	_ =	sdelay $0x4  }
0x35: {  	[tilespmem:$0x1F720] =	vst v56;
	v56 =	vld [tilespmem:$0x4AA0];
	_ =	sdelay $0x4  }
0x36: {  	[tilespmem:$0x1F730] =	vst v56;
	v56 =	vld [tilespmem:$0x4AB0];
	_ =	sdelay $0x3  }
0x37: {  	v3 =	vld [tilespmem:$0x4000]  }
0x38: {  	[tilespmem:$0x1F750] =	vst v56;
	v56 =	vld [tilespmem:$0x4B00]  }
0x39: {  	v4 =	vld [tilespmem:$0x4010]  }
0x3a: {  	v5 =	vld [tilespmem:$0x4020]  }
0x3b: {  	v16 =	vld [tilespmem:$0x4030]  }
0x3c: {  	v17 =	vld [tilespmem:$0x4080]  }
0x3d: {  	[tilespmem:$0x1F740] =	vst v56;
	v56 =	vld [tilespmem:$0x4B10]  }
0x3e: {  	v20 =	vld [tilespmem:$0x4090]  }
0x3f: {  	v21 =	vld [tilespmem:$0x40A0]  }
0x40: {  	v32 =	vld [tilespmem:$0x40B0]  }
0x41: {  	v33 =	vld [tilespmem:$0x4100]  }
0x42: {  	[tilespmem:$0x1F760] =	vst v56;
	v56 =	vld [tilespmem:$0x4B20]  }
0x43: {  	v36 =	vld [tilespmem:$0x4110]  }
0x44: {  	v37 =	vld [tilespmem:$0x4120]  }
0x45: {  	v48 =	vld [tilespmem:$0x4130]  }
0x46: {  	v49 =	vld [tilespmem:$0x4180]  }
0x47: {  	[tilespmem:$0x1F770] =	vst v56;
	v56 =	vld [tilespmem:$0x4B30]  }
0x48: {  	v52 =	vld [tilespmem:$0x4190]  }
0x49: {  	v53 =	vld [tilespmem:$0x41A0]  }
0x4a: {  	v62 =	vld [tilespmem:$0x41B0]  }
0x4b: {  	v63 =	vld [tilespmem:$0x4200]  }
0x4c: {  	[tilespmem:$0x1F790] =	vst v56;
	v56 =	vld [tilespmem:$0x4B80]  }
0x4d: {  	v0 =	vld [tilespmem:$0x4210]  }
0x4e: {  	v2 =	vld [tilespmem:$0x4220]  }
0x4f: {  	v9 =	vld [tilespmem:$0x4230]  }
0x50: {  	v1 =	vld [tilespmem:$0x4280]  }
0x51: {  	[tilespmem:$0x1F780] =	vst v56;
	v56 =	vld [tilespmem:$0x4B90]  }
0x52: {  	v6 =	vld [tilespmem:$0x4290]  }
0x53: {  	v8 =	vld [tilespmem:$0x42A0]  }
0x54: {  	v13 =	vld [tilespmem:$0x42B0]  }
0x55: {  	v7 =	vld [tilespmem:$0x4300]  }
0x56: {  	[tilespmem:$0x1F7A0] =	vst v56;
	v56 =	vld [tilespmem:$0x4BA0]  }
0x57: {  	v10 =	vld [tilespmem:$0x4310]  }
0x58: {  	v12 =	vld [tilespmem:$0x4320]  }
0x59: {  	v19 =	vld [tilespmem:$0x4330]  }
0x5a: {  	v11 =	vld [tilespmem:$0x4380]  }
0x5b: {  	[tilespmem:$0x1F7B0] =	vst v56;
	v56 =	vld [tilespmem:$0x4BB0]  }
0x5c: {  	v14 =	vld [tilespmem:$0x4390]  }
0x5d: {  	v18 =	vld [tilespmem:$0x43A0]  }
0x5e: {  	v25 =	vld [tilespmem:$0x43B0]  }
0x5f: {  	v15 =	vld [tilespmem:$0x4400]  }
0x60: {  	[tilespmem:$0x1F7D0] =	vst v56;
	v56 =	vld [tilespmem:$0x4C00]  }
0x61: {  	v22 =	vld [tilespmem:$0x4410]  }
0x62: {  	v24 =	vld [tilespmem:$0x4420]  }
0x63: {  	v29 =	vld [tilespmem:$0x4430]  }
0x64: {  	v23 =	vld [tilespmem:$0x4480]  }
0x65: {  	[tilespmem:$0x1F7C0] =	vst v56;
	v56 =	vld [tilespmem:$0x4C10]  }
0x66: {  	v26 =	vld [tilespmem:$0x4490]  }
0x67: {  	v28 =	vld [tilespmem:$0x44A0]  }
0x68: {  	v35 =	vld [tilespmem:$0x44B0]  }
0x69: {  	v27 =	vld [tilespmem:$0x4500]  }
0x6a: {  	[tilespmem:$0x1F7E0] =	vst v56;
	v56 =	vld [tilespmem:$0x4C20]  }
0x6b: {  	v30 =	vld [tilespmem:$0x4510]  }
0x6c: {  	v34 =	vld [tilespmem:$0x4520]  }
0x6d: {  	v41 =	vld [tilespmem:$0x4530]  }
0x6e: {  	v31 =	vld [tilespmem:$0x4580]  }
0x6f: {  	[tilespmem:$0x1F7F0] =	vst v56;
	v56 =	vld [tilespmem:$0x4C30]  }
0x70: {  	v38 =	vld [tilespmem:$0x4590]  }
0x71: {  	v40 =	vld [tilespmem:$0x45A0]  }
0x72: {  	v45 =	vld [tilespmem:$0x45B0]  }
0x73: {  	v39 =	vld [tilespmem:$0x4600]  }
0x74: {  	[tilespmem:$0x1F810] =	vst v56;
	v56 =	vld [tilespmem:$0x4C80]  }
0x75: {  	v42 =	vld [tilespmem:$0x4610]  }
0x76: {  	v44 =	vld [tilespmem:$0x4620]  }
0x77: {  	v51 =	vld [tilespmem:$0x4630]  }
0x78: {  	v43 =	vld [tilespmem:$0x4680]  }
0x79: {  	[tilespmem:$0x1F800] =	vst v56;
	v56 =	vld [tilespmem:$0x4C90]  }
0x7a: {  	v46 =	vld [tilespmem:$0x4690]  }
0x7b: {  	v50 =	vld [tilespmem:$0x46A0]  }
0x7c: {  	v60 =	vld [tilespmem:$0x46B0]  }
0x7d: {  	v47 =	vld [tilespmem:$0x4700]  }
0x7e: {  	[tilespmem:$0x1F820] =	vst v56;
	v56 =	vld [tilespmem:$0x4CA0]  }
0x7f: {  	v54 =	vld [tilespmem:$0x4710]  }
0x80: {  	v61 =	vld [tilespmem:$0x4720]  }
0x81: {  	v55 =	vld [tilespmem:$0x4730]  }
0x82: {  	v58 =	vld [tilespmem:$0x4790]  }
0x83: {  	[tilespmem:$0x1F830] =	vst v56;
	v56 =	vld [tilespmem:$0x4CB0]  }
0x84: {  	v57 =	vld [tilespmem:$0x47A0]  }
0x85: {  	v59 =	vld [tilespmem:$0x4800]  }
0x86: {  	[tilespmem:$0x1F5C0] =	vst v55;
	v55 =	vld [tilespmem:$0x4780]  }
0x87: {  	v17 =	vadd.f32 v17, v3;
	v3 =	vld [tilespmem:$0x4D10]  }
0x88: {  	[tilespmem:$0x1F840] =	vst v56;
	v56 =	vld [tilespmem:$0x4D00]  }
0x89: {  	v20 =	vadd.f32 v20, v4;
	v4 =	vld [tilespmem:$0x4D20]  }
0x8a: {  	v21 =	vadd.f32 v21, v5;
	v17 =	vadd.f32 v33, v17;
	v5 =	vld [tilespmem:$0x4D30]  }
0x8b: {  	v32 =	vadd.f32 v32, v16;
	v20 =	vadd.f32 v36, v20;
	v16 =	vld [tilespmem:$0x4D80]  }
0x8c: {  	v21 =	vadd.f32 v37, v21;
	v33 =	vadd.f32 v49, v17;
	v17 =	vld [tilespmem:$0x4D90]  }
0x8d: {  	v32 =	vadd.f32 v48, v32;
	v36 =	vadd.f32 v52, v20;
	v20 =	vld [tilespmem:$0x4DA0]  }
0x8e: {  	v37 =	vadd.f32 v53, v21;
	v33 =	vadd.f32 v63, v33;
	v21 =	vld [tilespmem:$0x4DB0]  }
0x8f: {  	v48 =	vadd.f32 v62, v32;
	v32 =	vld [tilespmem:$0x4E00]  }
0x90: {  	v1 =	vadd.f32 v1, v33;
	v33 =	vld [tilespmem:$0x4E10]  }
0x91: {  	v0 =	vadd.f32 v0, v36;
	v36 =	vld [tilespmem:$0x4E20]  }
0x92: {  	v2 =	vadd.f32 v2, v37;
	v9 =	vadd.f32 v9, v48;
	v37 =	vld [tilespmem:$0x4E30]  }
0x93: {  	v1 =	vadd.f32 v7, v1;
	v48 =	vld [tilespmem:$0x4E80]  }
0x94: {  	v0 =	vadd.f32 v6, v0;
	v53 =	vadd.f32 v13, v9;
	v49 =	vld [tilespmem:$0x4E90]  }
0x95: {  	v1 =	vadd.f32 v11, v1;
	v52 =	vld [tilespmem:$0x4EA0]  }
0x96: {  	v0 =	vadd.f32 v10, v0;
	v6 =	vadd.f32 v19, v53;
	v53 =	vld [tilespmem:$0x4EB0]  }
0x97: {  	v1 =	vadd.f32 v15, v1;
	v7 =	vld [tilespmem:$0x4F00]  }
0x98: {  	v2 =	vadd.f32 v8, v2;
	v0 =	vadd.f32 v14, v0;
	v8 =	vld [tilespmem:$0x4F10]  }
0x99: {  	v1 =	vadd.f32 v23, v1;
	v9 =	vld [tilespmem:$0x4F20]  }
0x9a: {  	v0 =	vadd.f32 v22, v0;
	v10 =	vld [tilespmem:$0x4F30]  }
0x9b: {  	v1 =	vadd.f32 v27, v1;
	v11 =	vld [tilespmem:$0x4F80]  }
0x9c: {  	v2 =	vadd.f32 v12, v2;
	v0 =	vadd.f32 v26, v0;
	v12 =	vld [tilespmem:$0x4F90]  }
0x9d: {  	v1 =	vadd.f32 v31, v1;
	v13 =	vld [tilespmem:$0x4FA0]  }
0x9e: {  	v2 =	vadd.f32 v18, v2;
	v0 =	vadd.f32 v30, v0;
	v14 =	vld [tilespmem:$0x4FB0]  }
0x9f: {  	v6 =	vadd.f32 v25, v6;
	v1 =	vadd.f32 v39, v1;
	v15 =	vld [tilespmem:$0x5000]  }
0xa0: {  	v2 =	vadd.f32 v24, v2;
	v0 =	vadd.f32 v38, v0;
	v18 =	vld [tilespmem:$0x5010]  }
0xa1: {  	v6 =	vadd.f32 v29, v6;
	v1 =	vadd.f32 v43, v1;
	v19 =	vld [tilespmem:$0x5020]  }
0xa2: {  	v2 =	vadd.f32 v28, v2;
	v0 =	vadd.f32 v42, v0;
	v22 =	vld [tilespmem:$0x5030]  }
0xa3: {  	v6 =	vadd.f32 v35, v6;
	v1 =	vadd.f32 v47, v1;
	v23 =	vld [tilespmem:$0x5080]  }
0xa4: {  	v2 =	vadd.f32 v34, v2;
	v0 =	vadd.f32 v46, v0;
	v24 =	vld [tilespmem:$0x5090]  }
0xa5: {  	v6 =	vadd.f32 v41, v6;
	v1 =	vadd.f32 v55, v1;
	v55 =	vld [tilespmem:$0x1F5C0]  }
0xa6: {  	v2 =	vadd.f32 v40, v2;
	v0 =	vadd.f32 v54, v0;
	v25 =	vld [tilespmem:$0x50A0]  }
0xa7: {  	v6 =	vadd.f32 v45, v6;
	v26 =	vld [tilespmem:$0x50B0]  }
0xa8: {  	v2 =	vadd.f32 v44, v2;
	v0 =	vadd.f32 v58, v0;
	v58 =	vld [tilespmem:$0x1F5D0]  }
0xa9: {  	v6 =	vadd.f32 v51, v6;
	v1 =	vadd.f32 v59, v1;
	v59 =	vld [tilespmem:$0x1F5E0]  }
0xaa: {  	v2 =	vadd.f32 v50, v2;
	v27 =	vld [tilespmem:$0x5100]  }
0xab: {  	v6 =	vadd.f32 v60, v6;
	v60 =	vld [tilespmem:$0x1F5F0]  }
0xac: {  	v2 =	vadd.f32 v61, v2;
	v61 =	vld [tilespmem:$0x1F600]  }
0xad: {  	v28 =	vld [tilespmem:$0x5110]  }
0xae: {  	v62 =	vld [tilespmem:$0x1F610]  }
0xaf: {  	v63 =	vld [tilespmem:$0x1F620]  }
0xb0: {  	v29 =	vld [tilespmem:$0x5120]  }
0xb1: {  	v34 =	vld [tilespmem:$0x1F630]  }
0xb2: {  	v35 =	vld [tilespmem:$0x1F640]  }
0xb3: {  	v30 =	vld [tilespmem:$0x5130]  }
0xb4: {  	v38 =	vld [tilespmem:$0x1F650]  }
0xb5: {  	v39 =	vld [tilespmem:$0x1F660]  }
0xb6: {  	v31 =	vld [tilespmem:$0x5180]  }
0xb7: {  	v40 =	vld [tilespmem:$0x1F670]  }
0xb8: {  	v41 =	vld [tilespmem:$0x1F680]  }
0xb9: {  	v42 =	vld [tilespmem:$0x1F690]  }
0xba: {  	v43 =	vld [tilespmem:$0x1F6A0]  }
0xbb: {  	v44 =	vld [tilespmem:$0x1F6B0]  }
0xbc: {  	v45 =	vld [tilespmem:$0x1F6C0]  }
0xbd: {  	v46 =	vld [tilespmem:$0x1F6D0]  }
0xbe: {  	v47 =	vld [tilespmem:$0x1F6E0]  }
0xbf: {  	v50 =	vld [tilespmem:$0x1F6F0]  }
0xc0: {  	v51 =	vld [tilespmem:$0x1F700]  }
0xc1: {  	v54 =	vld [tilespmem:$0x1F710]  }
0xc2: {  	v2 =	vadd.f32 v57, v2;
	v57 =	vld [tilespmem:$0x1F730]  }
0xc3: {  	v6 =	vadd.f32 v55, v6;
	v55 =	vld [tilespmem:$0x1F720]  }
0xc4: {  	v0 =	vadd.f32 v59, v0;
	v59 =	vld [tilespmem:$0x1F750]  }
0xc5: {  	v2 =	vadd.f32 v60, v2;
	v60 =	vld [tilespmem:$0x1F760]  }
0xc6: {  	v1 =	vadd.f32 v61, v1;
	v61 =	vld [tilespmem:$0x1F770]  }
0xc7: {  	v2 =	vadd.f32 v34, v2;
	v34 =	vld [tilespmem:$0x5190]  }
0xc8: {  	v1 =	vadd.f32 v35, v1;
	v35 =	vld [tilespmem:$0x51A0]  }
0xc9: {  	v6 =	vadd.f32 v58, v6;
	v0 =	vadd.f32 v63, v0;
	v58 =	vld [tilespmem:$0x1F740]  }
0xca: {  	v63 =	vld [tilespmem:$0x1F790]  }
0xcb: {  	v0 =	vadd.f32 v39, v0;
	v39 =	vld [tilespmem:$0x5200]  }
0xcc: {  	v2 =	vadd.f32 v40, v2;
	v40 =	vld [tilespmem:$0x5210]  }
0xcd: {  	v6 =	vadd.f32 v62, v6;
	v1 =	vadd.f32 v41, v1;
	v41 =	vld [tilespmem:$0x5220]  }
0xce: {  	v62 =	vld [tilespmem:$0x1F780]  }
0xcf: {  	v6 =	vadd.f32 v38, v6;
	v38 =	vld [tilespmem:$0x51B0]  }
0xd0: {  	v0 =	vadd.f32 v43, v0;
	v43 =	vld [tilespmem:$0x5280]  }
0xd1: {  	v2 =	vadd.f32 v44, v2;
	v44 =	vld [tilespmem:$0x5290]  }
0xd2: {  	v1 =	vadd.f32 v45, v1;
	v45 =	vld [tilespmem:$0x52A0]  }
0xd3: {  	v6 =	vadd.f32 v42, v6;
	v42 =	vld [tilespmem:$0x5230]  }
0xd4: {  	v2 =	vadd.f32 v50, v2;
	v50 =	vld [tilespmem:$0x1F7A0]  }
0xd5: {  	v0 =	vadd.f32 v47, v0;
	v1 =	vadd.f32 v51, v1;
	v51 =	vld [tilespmem:$0x1F7B0]  }
0xd6: {  	v47 =	vld [tilespmem:$0x5300]  }
0xd7: {  	v0 =	vadd.f32 v55, v0;
	v55 =	vld [tilespmem:$0x1F7D0]  }
0xd8: {  	v6 =	vadd.f32 v46, v6;
	v2 =	vadd.f32 v57, v2;
	v57 =	vld [tilespmem:$0x1F7E0]  }
0xd9: {  	v1 =	vadd.f32 v58, v1;
	v58 =	vld [tilespmem:$0x1F7F0]  }
0xda: {  	v6 =	vadd.f32 v54, v6;
	v54 =	vld [tilespmem:$0x1F7C0]  }
0xdb: {  	v0 =	vadd.f32 v60, v0;
	v60 =	vld [tilespmem:$0x1F810]  }
0xdc: {  	v2 =	vadd.f32 v61, v2;
	v61 =	vld [tilespmem:$0x1F820];
	v6 =	vadd.f32 v59, v6  }
0xdd: {  	v1 =	vadd.f32 v62, v1;
	v62 =	vld [tilespmem:$0x1F830];
	v0 =	vadd.f32 v50, v0  }
0xde: {  	v2 =	vadd.f32 v51, v2;
	v59 =	vld [tilespmem:$0x1F800];
	v6 =	vadd.f32 v63, v6  }
0xdf: {  	v0 =	vadd.f32 v57, v0;
	v63 =	vld [tilespmem:$0x1F840]  }
0xe0: {  	v46 =	vld [tilespmem:$0x52B0];
	v2 =	vadd.f32 v58, v2;
	v6 =	vadd.f32 v55, v6  }
0xe1: {  	v50 =	vld [tilespmem:$0x5310];
	v1 =	vadd.f32 v54, v1;
	v0 =	vadd.f32 v61, v0  }
0xe2: {  	v51 =	vld [tilespmem:$0x5320];
	v2 =	vadd.f32 v62, v2;
	v6 =	vadd.f32 v60, v6  }
0xe3: {  	v57 =	vld [tilespmem:$0x5500];
	v1 =	vadd.f32 v59, v1;
	v0 =	vadd.f32 v3, v0  }
0xe4: {  	v58 =	vld [tilespmem:$0x5510];
	v2 =	vadd.f32 v4, v2;
	v6 =	vadd.f32 v63, v6  }
0xe5: {  	v54 =	vld [tilespmem:$0x5330];
	v1 =	vadd.f32 v56, v1;
	v0 =	vadd.f32 v17, v0  }
0xe6: {  	v55 =	vld [tilespmem:$0x54A0];
	v2 =	vadd.f32 v20, v2;
	v5 =	vadd.f32 v5, v6  }
0xe7: {  	v61 =	vld [tilespmem:$0x5580];
	v1 =	vadd.f32 v16, v1;
	v0 =	vadd.f32 v33, v0  }
0xe8: {  	v62 =	vld [tilespmem:$0x5590];
	v2 =	vadd.f32 v36, v2;
	v5 =	vadd.f32 v21, v5  }
0xe9: {  	v59 =	vld [tilespmem:$0x5520];
	v1 =	vadd.f32 v32, v1;
	v0 =	vadd.f32 v49, v0  }
0xea: {  	v3 =	vld [tilespmem:$0x5380];
	v2 =	vadd.f32 v52, v2;
	v5 =	vadd.f32 v37, v5  }
0xeb: {  	v4 =	vld [tilespmem:$0x5390];
	v1 =	vadd.f32 v48, v1;
	v0 =	vadd.f32 v8, v0  }
0xec: {  	v60 =	vld [tilespmem:$0x5530];
	v2 =	vadd.f32 v9, v2;
	v5 =	vadd.f32 v53, v5  }
0xed: {  	v56 =	vld [tilespmem:$0x54B0];
	v1 =	vadd.f32 v7, v1;
	v0 =	vadd.f32 v12, v0  }
0xee: {  	v17 =	vld [tilespmem:$0x5400];
	v2 =	vadd.f32 v13, v2;
	v5 =	vadd.f32 v10, v5  }
0xef: {  	v20 =	vld [tilespmem:$0x5410];
	v1 =	vadd.f32 v11, v1;
	v0 =	vadd.f32 v18, v0  }
0xf0: {  	v63 =	vld [tilespmem:$0x55A0];
	v2 =	vadd.f32 v19, v2;
	v5 =	vadd.f32 v14, v5  }
0xf1: {  	v16 =	vld [tilespmem:$0x53B0];
	v1 =	vadd.f32 v15, v1;
	v0 =	vadd.f32 v24, v0  }
0xf2: {  	v6 =	vld [tilespmem:$0x53A0];
	v2 =	vadd.f32 v25, v2;
	v5 =	vadd.f32 v22, v5  }
0xf3: {  	v33 =	vld [tilespmem:$0x5600];
	v1 =	vadd.f32 v23, v1;
	v0 =	vadd.f32 v28, v0  }
0xf4: {  	v36 =	vld [tilespmem:$0x5630];
	v2 =	vadd.f32 v29, v2;
	v5 =	vadd.f32 v26, v5  }
0xf5: {  	v32 =	vld [tilespmem:$0x55B0];
	v1 =	vadd.f32 v27, v1;
	v0 =	vadd.f32 v34, v0  }
0xf6: {  	v49 =	vld [tilespmem:$0x5430];
	v2 =	vadd.f32 v35, v2;
	v5 =	vadd.f32 v30, v5  }
0xf7: {  	v52 =	vld [tilespmem:$0x5480];
	v1 =	vadd.f32 v31, v1;
	v0 =	vadd.f32 v40, v0  }
0xf8: {  	v48 =	vld [tilespmem:$0x5420];
	v2 =	vadd.f32 v41, v2;
	v5 =	vadd.f32 v38, v5  }
0xf9: {  	v37 =	vld [tilespmem:$0x5680];
	v1 =	vadd.f32 v39, v1;
	v0 =	vadd.f32 v44, v0  }
0xfa: {  	v53 =	vld [tilespmem:$0x5490];
	v2 =	vadd.f32 v45, v2;
	v5 =	vadd.f32 v42, v5  }
0xfb: {  	v34 =	vld [tilespmem:$0x5610];
	v1 =	vadd.f32 v43, v1;
	v0 =	vadd.f32 v50, v0  }
0xfc: {  	v35 =	vld [tilespmem:$0x5620];
	v2 =	vadd.f32 v51, v2;
	v5 =	vadd.f32 v46, v5  }
0xfd: {  	v40 =	vld [tilespmem:$0x56B0];
	v1 =	vadd.f32 v47, v1;
	v0 =	vadd.f32 v4, v0  }
0xfe: {  	v41 =	vld [tilespmem:$0x5700];
	v2 =	vadd.f32 v6, v2;
	v5 =	vadd.f32 v54, v5  }
0xff: {  	v39 =	vld [tilespmem:$0x56A0];
	v1 =	vadd.f32 v3, v1;
	v0 =	vadd.f32 v20, v0  }
0x100: {  	v38 =	vld [tilespmem:$0x5690];
	v2 =	vadd.f32 v48, v2;
	v5 =	vadd.f32 v16, v5  }
0x101: {  	v44 =	vld [tilespmem:$0x5730];
	v1 =	vadd.f32 v17, v1;
	v0 =	vadd.f32 v53, v0  }
0x102: {  	v45 =	vld [tilespmem:$0x5780];
	v2 =	vadd.f32 v55, v2;
	v5 =	vadd.f32 v49, v5  }
0x103: {  	v43 =	vld [tilespmem:$0x5720];
	v1 =	vadd.f32 v52, v1;
	v0 =	vadd.f32 v58, v0  }
0x104: {  	v42 =	vld [tilespmem:$0x5710];
	v2 =	vadd.f32 v59, v2;
	v5 =	vadd.f32 v56, v5  }
0x105: {  	v50 =	vld [tilespmem:$0x5810];
	v1 =	vadd.f32 v57, v1;
	v0 =	vadd.f32 v62, v0  }
0x106: {  	v51 =	vld [tilespmem:$0x5820];
	v2 =	vadd.f32 v63, v2;
	v5 =	vadd.f32 v60, v5  }
0x107: {  	v47 =	vld [tilespmem:$0x57A0];
	v1 =	vadd.f32 v61, v1;
	v0 =	vadd.f32 v34, v0  }
0x108: {  	v46 =	vld [tilespmem:$0x5790];
	v2 =	vadd.f32 v35, v2;
	v5 =	vadd.f32 v32, v5  }
0x109: {  	v48 =	vld [tilespmem:$0x57B0];
	v1 =	vadd.f32 v33, v1;
	v0 =	vadd.f32 v38, v0  }
0x10a: {  	v54 =	vld [tilespmem:$0x5890];
	v2 =	vadd.f32 v39, v2;
	v5 =	vadd.f32 v36, v5  }
0x10b: {  	v55 =	vld [tilespmem:$0x58A0];
	v1 =	vadd.f32 v37, v1;
	v0 =	vadd.f32 v42, v0  }
0x10c: {  	v49 =	vld [tilespmem:$0x5800];
	v2 =	vadd.f32 v43, v2;
	v5 =	vadd.f32 v40, v5  }
0x10d: {  	v52 =	vld [tilespmem:$0x5830];
	v1 =	vadd.f32 v41, v1;
	v0 =	vadd.f32 v46, v0  }
0x10e: {  	v53 =	vld [tilespmem:$0x5880];
	v2 =	vadd.f32 v47, v2;
	v5 =	vadd.f32 v44, v5  }
0x10f: {  	v56 =	vld [tilespmem:$0x58B0];
	v1 =	vadd.f32 v45, v1;
	v0 =	vadd.f32 v50, v0  }
0x110: {  	v2 =	vadd.f32 v51, v2;
	v5 =	vadd.f32 v48, v5  }
0x111: {  	v1 =	vadd.f32 v49, v1;
	v0 =	vadd.f32 v54, v0  }
0x112: {  	s18 =	sshra.s32 s17, $0x2;
	v2 =	vadd.f32 v55, v2;
	v57 =	vadd.f32 v52, v5  }
0x113: {  	v1 =	vadd.f32 v53, v1;
	[tilespmem:s18+$0xA810] =	vst v0  }
0x114: {  	[tilespmem:s18+$0xA820] =	vst v2;
	v58 =	vadd.f32 v56, v57  }
0x115: {  	[tilespmem:s18+$0xA800] =	vst v1  }
0x116: {  	[tilespmem:s18+$0xA830] =	vst v58  }
0x117: {  	v56 =	vld [tilespmem:$0x60B0];
	_ =	sdelay $0x4  }
0x118: {  	[tilespmem:$0x1F860] =	vst v56;
	v56 =	vld [tilespmem:$0x6110];
	_ =	sdelay $0x4  }
0x119: {  	[tilespmem:$0x1F870] =	vst v56;
	v56 =	vld [tilespmem:$0x6120];
	_ =	sdelay $0x1  }
0x11a: {  	v3 =	vld [tilespmem:$0x5900]  }
0x11b: {  	v4 =	vld [tilespmem:$0x5910]  }
0x11c: {  	v5 =	vld [tilespmem:$0x5920]  }
0x11d: {  	[tilespmem:$0x1F880] =	vst v56;
	v56 =	vld [tilespmem:$0x6130]  }
0x11e: {  	v16 =	vld [tilespmem:$0x5930]  }
0x11f: {  	v17 =	vld [tilespmem:$0x5980]  }
0x120: {  	v20 =	vld [tilespmem:$0x5990]  }
0x121: {  	v21 =	vld [tilespmem:$0x59A0]  }
0x122: {  	[tilespmem:$0x1F8A0] =	vst v56;
	v56 =	vld [tilespmem:$0x6180]  }
0x123: {  	v32 =	vld [tilespmem:$0x59B0]  }
0x124: {  	v33 =	vld [tilespmem:$0x5A00]  }
0x125: {  	v36 =	vld [tilespmem:$0x5A10]  }
0x126: {  	v37 =	vld [tilespmem:$0x5A20]  }
0x127: {  	[tilespmem:$0x1F890] =	vst v56;
	v56 =	vld [tilespmem:$0x6190]  }
0x128: {  	v48 =	vld [tilespmem:$0x5A30]  }
0x129: {  	v49 =	vld [tilespmem:$0x5A80]  }
0x12a: {  	v52 =	vld [tilespmem:$0x5A90]  }
0x12b: {  	v53 =	vld [tilespmem:$0x5AA0]  }
0x12c: {  	[tilespmem:$0x1F8B0] =	vst v56;
	v56 =	vld [tilespmem:$0x61A0]  }
0x12d: {  	v62 =	vld [tilespmem:$0x5AB0]  }
0x12e: {  	v63 =	vld [tilespmem:$0x5B00]  }
0x12f: {  	v0 =	vld [tilespmem:$0x5B10]  }
0x130: {  	v2 =	vld [tilespmem:$0x5B20]  }
0x131: {  	[tilespmem:$0x1F8C0] =	vst v56;
	v56 =	vld [tilespmem:$0x61B0]  }
0x132: {  	v9 =	vld [tilespmem:$0x5B30]  }
0x133: {  	v1 =	vld [tilespmem:$0x5B80]  }
0x134: {  	v6 =	vld [tilespmem:$0x5B90]  }
0x135: {  	v8 =	vld [tilespmem:$0x5BA0]  }
0x136: {  	[tilespmem:$0x1F8E0] =	vst v56;
	v56 =	vld [tilespmem:$0x6200]  }
0x137: {  	v13 =	vld [tilespmem:$0x5BB0]  }
0x138: {  	v7 =	vld [tilespmem:$0x5C00]  }
0x139: {  	v10 =	vld [tilespmem:$0x5C10]  }
0x13a: {  	v12 =	vld [tilespmem:$0x5C20]  }
0x13b: {  	[tilespmem:$0x1F8D0] =	vst v56;
	v56 =	vld [tilespmem:$0x6210]  }
0x13c: {  	v19 =	vld [tilespmem:$0x5C30]  }
0x13d: {  	v11 =	vld [tilespmem:$0x5C80]  }
0x13e: {  	v14 =	vld [tilespmem:$0x5C90]  }
0x13f: {  	v18 =	vld [tilespmem:$0x5CA0]  }
0x140: {  	[tilespmem:$0x1F8F0] =	vst v56;
	v56 =	vld [tilespmem:$0x6220]  }
0x141: {  	v25 =	vld [tilespmem:$0x5CB0]  }
0x142: {  	v15 =	vld [tilespmem:$0x5D00]  }
0x143: {  	v22 =	vld [tilespmem:$0x5D10]  }
0x144: {  	v24 =	vld [tilespmem:$0x5D20]  }
0x145: {  	[tilespmem:$0x1F900] =	vst v56;
	v56 =	vld [tilespmem:$0x6230]  }
0x146: {  	v29 =	vld [tilespmem:$0x5D30]  }
0x147: {  	v23 =	vld [tilespmem:$0x5D80]  }
0x148: {  	v26 =	vld [tilespmem:$0x5D90]  }
0x149: {  	v28 =	vld [tilespmem:$0x5DA0]  }
0x14a: {  	[tilespmem:$0x1F920] =	vst v56;
	v56 =	vld [tilespmem:$0x6280]  }
0x14b: {  	v35 =	vld [tilespmem:$0x5DB0]  }
0x14c: {  	v27 =	vld [tilespmem:$0x5E00]  }
0x14d: {  	v30 =	vld [tilespmem:$0x5E10]  }
0x14e: {  	v34 =	vld [tilespmem:$0x5E20]  }
0x14f: {  	[tilespmem:$0x1F910] =	vst v56;
	v56 =	vld [tilespmem:$0x6290]  }
0x150: {  	v41 =	vld [tilespmem:$0x5E30]  }
0x151: {  	v31 =	vld [tilespmem:$0x5E80]  }
0x152: {  	v38 =	vld [tilespmem:$0x5E90]  }
0x153: {  	v40 =	vld [tilespmem:$0x5EA0]  }
0x154: {  	[tilespmem:$0x1F930] =	vst v56;
	v56 =	vld [tilespmem:$0x62A0]  }
0x155: {  	v45 =	vld [tilespmem:$0x5EB0]  }
0x156: {  	v39 =	vld [tilespmem:$0x5F00]  }
0x157: {  	v42 =	vld [tilespmem:$0x5F10]  }
0x158: {  	v44 =	vld [tilespmem:$0x5F20]  }
0x159: {  	[tilespmem:$0x1F940] =	vst v56;
	v56 =	vld [tilespmem:$0x62B0]  }
0x15a: {  	v51 =	vld [tilespmem:$0x5F30]  }
0x15b: {  	v43 =	vld [tilespmem:$0x5F80]  }
0x15c: {  	v46 =	vld [tilespmem:$0x5F90]  }
0x15d: {  	v50 =	vld [tilespmem:$0x5FA0]  }
0x15e: {  	[tilespmem:$0x1F960] =	vst v56;
	v56 =	vld [tilespmem:$0x6300]  }
0x15f: {  	v60 =	vld [tilespmem:$0x5FB0]  }
0x160: {  	v47 =	vld [tilespmem:$0x6000]  }
0x161: {  	v54 =	vld [tilespmem:$0x6010]  }
0x162: {  	v61 =	vld [tilespmem:$0x6020]  }
0x163: {  	[tilespmem:$0x1F950] =	vst v56;
	v56 =	vld [tilespmem:$0x6310]  }
0x164: {  	v59 =	vld [tilespmem:$0x6030]  }
0x165: {  	v55 =	vld [tilespmem:$0x6080]  }
0x166: {  	v58 =	vld [tilespmem:$0x6090]  }
0x167: {  	v57 =	vld [tilespmem:$0x60A0]  }
0x168: {  	[tilespmem:$0x1F970] =	vst v56;
	v56 =	vld [tilespmem:$0x6320]  }
0x169: {  	[tilespmem:$0x1F850] =	vst v59;
	v59 =	vld [tilespmem:$0x6100]  }
0x16a: {  	v17 =	vadd.f32 v17, v3;
	v3 =	vld [tilespmem:$0x6610]  }
0x16b: {  	v20 =	vadd.f32 v20, v4;
	v4 =	vld [tilespmem:$0x6620]  }
0x16c: {  	v21 =	vadd.f32 v21, v5;
	v5 =	vld [tilespmem:$0x6630]  }
0x16d: {  	v17 =	vadd.f32 v33, v17;
	[tilespmem:$0x1F980] =	vst v56;
	v56 =	vld [tilespmem:$0x6330]  }
0x16e: {  	v32 =	vadd.f32 v32, v16;
	v16 =	vld [tilespmem:$0x6680];
	v20 =	vadd.f32 v36, v20  }
0x16f: {  	v21 =	vadd.f32 v37, v21;
	v33 =	vadd.f32 v49, v17;
	v17 =	vld [tilespmem:$0x6690]  }
0x170: {  	v36 =	vadd.f32 v52, v20;
	v20 =	vld [tilespmem:$0x66A0]  }
0x171: {  	v32 =	vadd.f32 v48, v32;
	v37 =	vadd.f32 v53, v21;
	v21 =	vld [tilespmem:$0x66B0]  }
0x172: {  	[tilespmem:$0x1F9A0] =	vst v56;
	v56 =	vld [tilespmem:$0x6380]  }
0x173: {  	v48 =	vadd.f32 v62, v32;
	v32 =	vld [tilespmem:$0x6700]  }
0x174: {  	v49 =	vld [tilespmem:$0x6790]  }
0x175: {  	v52 =	vld [tilespmem:$0x67A0]  }
0x176: {  	v0 =	vadd.f32 v0, v36;
	v36 =	vld [tilespmem:$0x6720]  }
0x177: {  	[tilespmem:$0x1F990] =	vst v56;
	v56 =	vld [tilespmem:$0x6390]  }
0x178: {  	v33 =	vadd.f32 v63, v33;
	v2 =	vadd.f32 v2, v37;
	v37 =	vld [tilespmem:$0x6730]  }
0x179: {  	v9 =	vadd.f32 v9, v48;
	v48 =	vld [tilespmem:$0x6780]  }
0x17a: {  	v1 =	vadd.f32 v1, v33;
	v33 =	vld [tilespmem:$0x6710]  }
0x17b: {  	v2 =	vadd.f32 v8, v2;
	v8 =	vld [tilespmem:$0x6810]  }
0x17c: {  	[tilespmem:$0x1F9B0] =	vst v56;
	v56 =	vld [tilespmem:$0x63A0]  }
0x17d: {  	v53 =	vadd.f32 v13, v9;
	v9 =	vld [tilespmem:$0x6820]  }
0x17e: {  	v13 =	vld [tilespmem:$0x68A0]  }
0x17f: {  	v0 =	vadd.f32 v6, v0;
	v6 =	vadd.f32 v19, v53;
	v53 =	vld [tilespmem:$0x67B0]  }
0x180: {  	v1 =	vadd.f32 v7, v1;
	v7 =	vld [tilespmem:$0x6800]  }
0x181: {  	[tilespmem:$0x1F9C0] =	vst v56;
	v56 =	vld [tilespmem:$0x63B0]  }
0x182: {  	v0 =	vadd.f32 v10, v0;
	v10 =	vld [tilespmem:$0x6830]  }
0x183: {  	v2 =	vadd.f32 v12, v2;
	v12 =	vld [tilespmem:$0x6890]  }
0x184: {  	v19 =	vld [tilespmem:$0x6920]  }
0x185: {  	v1 =	vadd.f32 v11, v1;
	v11 =	vld [tilespmem:$0x6880]  }
0x186: {  	[tilespmem:$0x1F9E0] =	vst v56;
	v56 =	vld [tilespmem:$0x6400]  }
0x187: {  	v0 =	vadd.f32 v14, v0;
	v14 =	vld [tilespmem:$0x68B0]  }
0x188: {  	v2 =	vadd.f32 v18, v2;
	v18 =	vld [tilespmem:$0x6910]  }
0x189: {  	v6 =	vadd.f32 v25, v6;
	v25 =	vld [tilespmem:$0x69A0]  }
0x18a: {  	v1 =	vadd.f32 v15, v1;
	v15 =	vld [tilespmem:$0x6900]  }
0x18b: {  	[tilespmem:$0x1F9D0] =	vst v56;
	v56 =	vld [tilespmem:$0x6410]  }
0x18c: {  	v0 =	vadd.f32 v22, v0;
	v22 =	vld [tilespmem:$0x6930]  }
0x18d: {  	v2 =	vadd.f32 v24, v2;
	v24 =	vld [tilespmem:$0x6990]  }
0x18e: {  	v6 =	vadd.f32 v29, v6;
	v29 =	vld [tilespmem:$0x6A20]  }
0x18f: {  	v1 =	vadd.f32 v23, v1;
	v2 =	vadd.f32 v28, v2;
	v23 =	vld [tilespmem:$0x6980]  }
0x190: {  	v0 =	vadd.f32 v26, v0;
	v6 =	vadd.f32 v35, v6;
	[tilespmem:$0x1F9F0] =	vst v56;
	v56 =	vld [tilespmem:$0x6420]  }
0x191: {  	v26 =	vld [tilespmem:$0x69B0];
	v1 =	vadd.f32 v27, v1;
	v2 =	vadd.f32 v34, v2  }
0x192: {  	v28 =	vld [tilespmem:$0x6A10];
	v0 =	vadd.f32 v30, v0;
	v6 =	vadd.f32 v41, v6  }
0x193: {  	v62 =	vld [tilespmem:$0x1F8A0];
	v1 =	vadd.f32 v31, v1;
	v2 =	vadd.f32 v40, v2  }
0x194: {  	v27 =	vld [tilespmem:$0x6A00];
	v0 =	vadd.f32 v38, v0;
	v6 =	vadd.f32 v45, v6  }
0x195: {  	v1 =	vadd.f32 v39, v1;
	v2 =	vadd.f32 v44, v2;
	[tilespmem:$0x1FA00] =	vst v56;
	v56 =	vld [tilespmem:$0x6430]  }
0x196: {  	v30 =	vld [tilespmem:$0x6A30];
	v0 =	vadd.f32 v42, v0;
	v6 =	vadd.f32 v51, v6  }
0x197: {  	v31 =	vld [tilespmem:$0x6A80];
	v1 =	vadd.f32 v43, v1;
	v2 =	vadd.f32 v50, v2  }
0x198: {  	v0 =	vadd.f32 v46, v0;
	v6 =	vadd.f32 v60, v6;
	v60 =	vld [tilespmem:$0x1F880]  }
0x199: {  	v1 =	vadd.f32 v47, v1;
	v2 =	vadd.f32 v61, v2;
	v61 =	vld [tilespmem:$0x1F890]  }
0x19a: {  	[tilespmem:$0x1FA20] =	vst v56;
	v56 =	vld [tilespmem:$0x6480]  }
0x19b: {  	v0 =	vadd.f32 v54, v0;
	v1 =	vadd.f32 v55, v1;
	v55 =	vld [tilespmem:$0x1F850]  }
0x19c: {  	v63 =	vld [tilespmem:$0x1F8B0]  }
0x19d: {  	v0 =	vadd.f32 v58, v0;
	v58 =	vld [tilespmem:$0x1F860]  }
0x19e: {  	v34 =	vld [tilespmem:$0x1F8C0]  }
0x19f: {  	v2 =	vadd.f32 v57, v2;
	[tilespmem:$0x1FA10] =	vst v56;
	v56 =	vld [tilespmem:$0x6490]  }
0x1a0: {  	v1 =	vadd.f32 v59, v1;
	v59 =	vld [tilespmem:$0x1F870];
	v6 =	vadd.f32 v55, v6  }
0x1a1: {  	v2 =	vadd.f32 v60, v2;
	v38 =	vld [tilespmem:$0x1F8E0]  }
0x1a2: {  	v6 =	vadd.f32 v58, v6;
	v35 =	vld [tilespmem:$0x1F8D0]  }
0x1a3: {  	v2 =	vadd.f32 v34, v2;
	v34 =	vld [tilespmem:$0x6A90]  }
0x1a4: {  	v6 =	vadd.f32 v62, v6;
	[tilespmem:$0x1FA30] =	vst v56;
	v56 =	vld [tilespmem:$0x64A0]  }
0x1a5: {  	v1 =	vadd.f32 v61, v1;
	v39 =	vld [tilespmem:$0x1F8F0]  }
0x1a6: {  	v0 =	vadd.f32 v59, v0;
	v6 =	vadd.f32 v38, v6;
	v38 =	vld [tilespmem:$0x6AB0]  }
0x1a7: {  	v1 =	vadd.f32 v35, v1;
	v35 =	vld [tilespmem:$0x6AA0]  }
0x1a8: {  	v0 =	vadd.f32 v63, v0;
	v40 =	vld [tilespmem:$0x1F900]  }
0x1a9: {  	[tilespmem:$0x1FA40] =	vst v56;
	v56 =	vld [tilespmem:$0x64B0]  }
0x1aa: {  	v0 =	vadd.f32 v39, v0;
	v39 =	vld [tilespmem:$0x6B00]  }
0x1ab: {  	v42 =	vld [tilespmem:$0x1F920]  }
0x1ac: {  	v41 =	vld [tilespmem:$0x1F910]  }
0x1ad: {  	v2 =	vadd.f32 v40, v2;
	v40 =	vld [tilespmem:$0x6B10]  }
0x1ae: {  	[tilespmem:$0x1FA60] =	vst v56;
	v56 =	vld [tilespmem:$0x6500]  }
0x1af: {  	v43 =	vld [tilespmem:$0x1F930]  }
0x1b0: {  	v6 =	vadd.f32 v42, v6;
	v42 =	vld [tilespmem:$0x6B30]  }
0x1b1: {  	v1 =	vadd.f32 v41, v1;
	v41 =	vld [tilespmem:$0x6B20]  }
0x1b2: {  	v44 =	vld [tilespmem:$0x1F940]  }
0x1b3: {  	[tilespmem:$0x1FA50] =	vst v56;
	v56 =	vld [tilespmem:$0x6510]  }
0x1b4: {  	v0 =	vadd.f32 v43, v0;
	v43 =	vld [tilespmem:$0x6B80]  }
0x1b5: {  	v46 =	vld [tilespmem:$0x1F960]  }
0x1b6: {  	v45 =	vld [tilespmem:$0x1F950]  }
0x1b7: {  	v2 =	vadd.f32 v44, v2;
	v44 =	vld [tilespmem:$0x6B90]  }
0x1b8: {  	[tilespmem:$0x1FA70] =	vst v56;
	v56 =	vld [tilespmem:$0x6520]  }
0x1b9: {  	v47 =	vld [tilespmem:$0x1F970]  }
0x1ba: {  	v6 =	vadd.f32 v46, v6;
	v46 =	vld [tilespmem:$0x6BB0]  }
0x1bb: {  	v1 =	vadd.f32 v45, v1;
	v45 =	vld [tilespmem:$0x6BA0]  }
0x1bc: {  	v50 =	vld [tilespmem:$0x1F980]  }
0x1bd: {  	[tilespmem:$0x1FA80] =	vst v56;
	v56 =	vld [tilespmem:$0x6530]  }
0x1be: {  	v0 =	vadd.f32 v47, v0;
	v47 =	vld [tilespmem:$0x6C00]  }
0x1bf: {  	v54 =	vld [tilespmem:$0x1F9A0]  }
0x1c0: {  	v51 =	vld [tilespmem:$0x1F990]  }
0x1c1: {  	v55 =	vld [tilespmem:$0x1F9B0]  }
0x1c2: {  	[tilespmem:$0x1FAA0] =	vst v56;
	v56 =	vld [tilespmem:$0x6580]  }
0x1c3: {  	v57 =	vld [tilespmem:$0x1F9C0]  }
0x1c4: {  	v59 =	vld [tilespmem:$0x1F9E0]  }
0x1c5: {  	v58 =	vld [tilespmem:$0x1F9D0]  }
0x1c6: {  	v60 =	vld [tilespmem:$0x1F9F0]  }
0x1c7: {  	[tilespmem:$0x1FA90] =	vst v56;
	v56 =	vld [tilespmem:$0x6590]  }
0x1c8: {  	v61 =	vld [tilespmem:$0x1FA00]  }
0x1c9: {  	v63 =	vld [tilespmem:$0x1FA20]  }
0x1ca: {  	v62 =	vld [tilespmem:$0x1FA10]  }
0x1cb: {  	v2 =	vadd.f32 v50, v2;
	v50 =	vld [tilespmem:$0x1FA30]  }
0x1cc: {  	[tilespmem:$0x1FAB0] =	vst v56;
	v56 =	vld [tilespmem:$0x65A0]  }
0x1cd: {  	v1 =	vadd.f32 v51, v1;
	v51 =	vld [tilespmem:$0x1FA40]  }
0x1ce: {  	v0 =	vadd.f32 v55, v0;
	v55 =	vld [tilespmem:$0x1FA60]  }
0x1cf: {  	v6 =	vadd.f32 v54, v6;
	v54 =	vld [tilespmem:$0x1FA50]  }
0x1d0: {  	v2 =	vadd.f32 v57, v2;
	v57 =	vld [tilespmem:$0x1FA70]  }
0x1d1: {  	[tilespmem:$0x1FAC0] =	vst v56;
	v56 =	vld [tilespmem:$0x65B0]  }
0x1d2: {  	v1 =	vadd.f32 v58, v1;
	v58 =	vld [tilespmem:$0x1FA80]  }
0x1d3: {  	v0 =	vadd.f32 v60, v0;
	v60 =	vld [tilespmem:$0x1FAA0]  }
0x1d4: {  	v6 =	vadd.f32 v59, v6;
	v2 =	vadd.f32 v61, v2;
	v61 =	vld [tilespmem:$0x1FAB0]  }
0x1d5: {  	v1 =	vadd.f32 v62, v1;
	v0 =	vadd.f32 v50, v0;
	v62 =	vld [tilespmem:$0x1FAC0]  }
0x1d6: {  	v6 =	vadd.f32 v63, v6;
	v2 =	vadd.f32 v51, v2;
	v59 =	vld [tilespmem:$0x1FA90];
	[tilespmem:$0x1FAD0] =	vst v56  }
0x1d7: {  	v0 =	vadd.f32 v57, v0;
	v63 =	vld [tilespmem:$0x1FAD0]  }
0x1d8: {  	v6 =	vadd.f32 v55, v6;
	v2 =	vadd.f32 v58, v2;
	v56 =	vld [tilespmem:$0x6600]  }
0x1d9: {  	v50 =	vld [tilespmem:$0x6C10];
	v1 =	vadd.f32 v54, v1;
	v0 =	vadd.f32 v61, v0  }
0x1da: {  	v51 =	vld [tilespmem:$0x6C20];
	v6 =	vadd.f32 v60, v6;
	v2 =	vadd.f32 v62, v2  }
0x1db: {  	v55 =	vld [tilespmem:$0x6DA0];
	v1 =	vadd.f32 v59, v1;
	v0 =	vadd.f32 v3, v0  }
0x1dc: {  	v54 =	vld [tilespmem:$0x6C30];
	v2 =	vadd.f32 v4, v2;
	v6 =	vadd.f32 v63, v6  }
0x1dd: {  	v57 =	vld [tilespmem:$0x6E00];
	v0 =	vadd.f32 v17, v0;
	v1 =	vadd.f32 v56, v1  }
0x1de: {  	v58 =	vld [tilespmem:$0x6E10];
	v2 =	vadd.f32 v20, v2;
	v5 =	vadd.f32 v5, v6  }
0x1df: {  	v60 =	vld [tilespmem:$0x6E30];
	v0 =	vadd.f32 v33, v0;
	v1 =	vadd.f32 v16, v1  }
0x1e0: {  	v59 =	vld [tilespmem:$0x6E20];
	v2 =	vadd.f32 v36, v2;
	v5 =	vadd.f32 v21, v5  }
0x1e1: {  	v61 =	vld [tilespmem:$0x6E80];
	v0 =	vadd.f32 v49, v0;
	v1 =	vadd.f32 v32, v1  }
0x1e2: {  	v3 =	vld [tilespmem:$0x6C80];
	v2 =	vadd.f32 v52, v2;
	v5 =	vadd.f32 v37, v5  }
0x1e3: {  	v17 =	vld [tilespmem:$0x6D00];
	v0 =	vadd.f32 v8, v0;
	v1 =	vadd.f32 v48, v1  }
0x1e4: {  	v62 =	vld [tilespmem:$0x6E90];
	v2 =	vadd.f32 v9, v2;
	v5 =	vadd.f32 v53, v5  }
0x1e5: {  	v33 =	vld [tilespmem:$0x6F00];
	v0 =	vadd.f32 v12, v0;
	v1 =	vadd.f32 v7, v1  }
0x1e6: {  	v4 =	vld [tilespmem:$0x6C90];
	v2 =	vadd.f32 v13, v2;
	v5 =	vadd.f32 v10, v5  }
0x1e7: {  	v49 =	vld [tilespmem:$0x6D30];
	v0 =	vadd.f32 v18, v0;
	v1 =	vadd.f32 v11, v1  }
0x1e8: {  	v20 =	vld [tilespmem:$0x6D10];
	v2 =	vadd.f32 v19, v2;
	v5 =	vadd.f32 v14, v5  }
0x1e9: {  	v56 =	vld [tilespmem:$0x6DB0];
	v0 =	vadd.f32 v24, v0;
	v1 =	vadd.f32 v15, v1  }
0x1ea: {  	v63 =	vld [tilespmem:$0x6EA0];
	v2 =	vadd.f32 v25, v2;
	v5 =	vadd.f32 v22, v5  }
0x1eb: {  	v16 =	vld [tilespmem:$0x6CB0];
	v0 =	vadd.f32 v28, v0;
	v1 =	vadd.f32 v23, v1  }
0x1ec: {  	v36 =	vld [tilespmem:$0x6F30];
	v2 =	vadd.f32 v29, v2;
	v5 =	vadd.f32 v26, v5  }
0x1ed: {  	v6 =	vld [tilespmem:$0x6CA0];
	v0 =	vadd.f32 v34, v0;
	v1 =	vadd.f32 v27, v1  }
0x1ee: {  	v52 =	vld [tilespmem:$0x6D80];
	v2 =	vadd.f32 v35, v2;
	v5 =	vadd.f32 v30, v5  }
0x1ef: {  	v32 =	vld [tilespmem:$0x6EB0];
	v0 =	vadd.f32 v40, v0;
	v1 =	vadd.f32 v31, v1  }
0x1f0: {  	v48 =	vld [tilespmem:$0x6D20];
	v2 =	vadd.f32 v41, v2;
	v5 =	vadd.f32 v38, v5  }
0x1f1: {  	v37 =	vld [tilespmem:$0x6F80];
	v0 =	vadd.f32 v44, v0;
	v1 =	vadd.f32 v39, v1  }
0x1f2: {  	v53 =	vld [tilespmem:$0x6D90];
	v2 =	vadd.f32 v45, v2;
	v5 =	vadd.f32 v42, v5  }
0x1f3: {  	v34 =	vld [tilespmem:$0x6F10];
	v0 =	vadd.f32 v50, v0;
	v1 =	vadd.f32 v43, v1  }
0x1f4: {  	v40 =	vld [tilespmem:$0x6FB0];
	v2 =	vadd.f32 v51, v2;
	v5 =	vadd.f32 v46, v5  }
0x1f5: {  	v44 =	vld [tilespmem:$0x7030];
	v0 =	vadd.f32 v4, v0;
	v1 =	vadd.f32 v47, v1  }
0x1f6: {  	v35 =	vld [tilespmem:$0x6F20];
	v2 =	vadd.f32 v6, v2;
	v5 =	vadd.f32 v54, v5  }
0x1f7: {  	v50 =	vld [tilespmem:$0x7110];
	v0 =	vadd.f32 v20, v0;
	v1 =	vadd.f32 v3, v1  }
0x1f8: {  	v41 =	vld [tilespmem:$0x7000];
	v2 =	vadd.f32 v48, v2;
	v5 =	vadd.f32 v16, v5  }
0x1f9: {  	v39 =	vld [tilespmem:$0x6FA0];
	v0 =	vadd.f32 v53, v0;
	v1 =	vadd.f32 v17, v1  }
0x1fa: {  	v45 =	vld [tilespmem:$0x7080];
	v2 =	vadd.f32 v55, v2;
	v5 =	vadd.f32 v49, v5  }
0x1fb: {  	v38 =	vld [tilespmem:$0x6F90];
	v0 =	vadd.f32 v58, v0;
	v1 =	vadd.f32 v52, v1  }
0x1fc: {  	v43 =	vld [tilespmem:$0x7020];
	v2 =	vadd.f32 v59, v2;
	v5 =	vadd.f32 v56, v5  }
0x1fd: {  	v51 =	vld [tilespmem:$0x7120];
	v0 =	vadd.f32 v62, v0;
	v1 =	vadd.f32 v57, v1  }
0x1fe: {  	v42 =	vld [tilespmem:$0x7010];
	v2 =	vadd.f32 v63, v2;
	v5 =	vadd.f32 v60, v5  }
0x1ff: {  	v47 =	vld [tilespmem:$0x70A0];
	v0 =	vadd.f32 v34, v0;
	v1 =	vadd.f32 v61, v1  }
0x200: {  	v46 =	vld [tilespmem:$0x7090];
	v2 =	vadd.f32 v35, v2;
	v5 =	vadd.f32 v32, v5  }
0x201: {  	v48 =	vld [tilespmem:$0x70B0];
	v0 =	vadd.f32 v38, v0;
	v1 =	vadd.f32 v33, v1  }
0x202: {  	v54 =	vld [tilespmem:$0x7190];
	v2 =	vadd.f32 v39, v2;
	v5 =	vadd.f32 v36, v5  }
0x203: {  	v55 =	vld [tilespmem:$0x71A0];
	v0 =	vadd.f32 v42, v0;
	v1 =	vadd.f32 v37, v1  }
0x204: {  	v49 =	vld [tilespmem:$0x7100];
	v2 =	vadd.f32 v43, v2;
	v5 =	vadd.f32 v40, v5  }
0x205: {  	v52 =	vld [tilespmem:$0x7130];
	v0 =	vadd.f32 v46, v0;
	v1 =	vadd.f32 v41, v1  }
0x206: {  	v53 =	vld [tilespmem:$0x7180];
	v2 =	vadd.f32 v47, v2;
	v5 =	vadd.f32 v44, v5  }
0x207: {  	v56 =	vld [tilespmem:$0x71B0];
	v0 =	vadd.f32 v50, v0;
	v1 =	vadd.f32 v45, v1  }
0x208: {  	v2 =	vadd.f32 v51, v2;
	v5 =	vadd.f32 v48, v5  }
0x209: {  	v0 =	vadd.f32 v54, v0;
	v1 =	vadd.f32 v49, v1  }
0x20a: {  	v2 =	vadd.f32 v55, v2;
	v57 =	vadd.f32 v52, v5  }
0x20b: {  	[tilespmem:s18+$0xA850] =	vst v0;
	v1 =	vadd.f32 v53, v1  }
0x20c: {  	p0 =	seq.s32 s17, $0xFC00;
	[tilespmem:s18+$0xA860] =	vst v2;
	v58 =	vadd.f32 v56, v57  }
0x20d: {  	s19 =	sshra.s32 @!p0 s17, $0x2;
	[tilespmem:s18+$0xA840] =	vst v1  }
0x20e: {  	s20 =	simm.s32 @!p0 $0x64;
	s21 =	simm.s32 @!p0 $0x4000;
	s19 =	sadd.s32 @!p0 $0x100, s19;
	[tilespmem:s18+$0xA870] =	vst v58  }
0x20f: {  	[tilespmem:s21], [sflag:$0x1] =	stream.indirect.gather @!p0 [hbm4b:s3+s20], $0x80, s19, s20, $0xb8;
	[tilespmem:$0xE800] =	vst v63  }
0x210: {  	_ =	swait.ge [sflag:s13], $0x3200  }
0x211: {  	[sflag:s13] =	ssyncset.done $0x0  }
0x212: {  	[sflag:s13] =	ssyncadd.s32 $0xFFFFCE00  }
0x213: {  	v3 =	vld [tilespmem:$0x7400]  }
0x214: {  	v4 =	vld [tilespmem:$0x7410]  }
0x215: {  	v5 =	vld [tilespmem:$0x7420]  }
0x216: {  	v16 =	vld [tilespmem:$0x7430]  }
0x217: {  	v17 =	vld [tilespmem:$0x7480]  }
0x218: {  	v20 =	vld [tilespmem:$0x7490]  }
0x219: {  	v21 =	vld [tilespmem:$0x74A0]  }
0x21a: {  	v32 =	vld [tilespmem:$0x74B0]  }
0x21b: {  	v33 =	vld [tilespmem:$0x7500]  }
0x21c: {  	v36 =	vld [tilespmem:$0x7510]  }
0x21d: {  	v37 =	vld [tilespmem:$0x7520]  }
0x21e: {  	v48 =	vld [tilespmem:$0x7530]  }
0x21f: {  	v49 =	vld [tilespmem:$0x7580]  }
0x220: {  	v52 =	vld [tilespmem:$0x7590]  }
0x221: {  	v53 =	vld [tilespmem:$0x75A0]  }
0x222: {  	v62 =	vld [tilespmem:$0x75B0]  }
0x223: {  	v63 =	vld [tilespmem:$0x7600]  }
0x224: {  	v0 =	vld [tilespmem:$0x7610]  }
0x225: {  	v2 =	vld [tilespmem:$0x7620]  }
0x226: {  	v9 =	vld [tilespmem:$0x7630]  }
0x227: {  	v1 =	vld [tilespmem:$0x7680]  }
0x228: {  	v6 =	vld [tilespmem:$0x7690]  }
0x229: {  	v8 =	vld [tilespmem:$0x76A0]  }
0x22a: {  	v13 =	vld [tilespmem:$0x76B0]  }
0x22b: {  	v7 =	vld [tilespmem:$0x7700]  }
0x22c: {  	v10 =	vld [tilespmem:$0x7710]  }
0x22d: {  	v12 =	vld [tilespmem:$0x7720]  }
0x22e: {  	v19 =	vld [tilespmem:$0x7730]  }
0x22f: {  	v11 =	vld [tilespmem:$0x7780]  }
0x230: {  	v14 =	vld [tilespmem:$0x7790]  }
0x231: {  	v18 =	vld [tilespmem:$0x77A0]  }
0x232: {  	v25 =	vld [tilespmem:$0x77B0]  }
0x233: {  	v15 =	vld [tilespmem:$0x7800]  }
0x234: {  	v22 =	vld [tilespmem:$0x7810]  }
0x235: {  	v24 =	vld [tilespmem:$0x7820]  }
0x236: {  	v29 =	vld [tilespmem:$0x7830]  }
0x237: {  	v23 =	vld [tilespmem:$0x7880]  }
0x238: {  	v26 =	vld [tilespmem:$0x7890]  }
0x239: {  	v28 =	vld [tilespmem:$0x78A0]  }
0x23a: {  	v35 =	vld [tilespmem:$0x78B0]  }
0x23b: {  	v27 =	vld [tilespmem:$0x7900]  }
0x23c: {  	v30 =	vld [tilespmem:$0x7910]  }
0x23d: {  	v34 =	vld [tilespmem:$0x7920]  }
0x23e: {  	v41 =	vld [tilespmem:$0x7930]  }
0x23f: {  	v31 =	vld [tilespmem:$0x7980]  }
0x240: {  	v38 =	vld [tilespmem:$0x7990]  }
0x241: {  	v40 =	vld [tilespmem:$0x79A0]  }
0x242: {  	v56 =	vld [tilespmem:$0x7BB0]  }
0x243: {  	v45 =	vld [tilespmem:$0x79B0]  }
0x244: {  	v39 =	vld [tilespmem:$0x7A00]  }
0x245: {  	v42 =	vld [tilespmem:$0x7A10]  }
0x246: {  	v44 =	vld [tilespmem:$0x7A20]  }
0x247: {  	[tilespmem:$0x1FAF0] =	vst v56;
	v56 =	vld [tilespmem:$0x7C10]  }
0x248: {  	v51 =	vld [tilespmem:$0x7A30]  }
0x249: {  	v43 =	vld [tilespmem:$0x7A80]  }
0x24a: {  	v46 =	vld [tilespmem:$0x7A90]  }
0x24b: {  	v50 =	vld [tilespmem:$0x7AA0]  }
0x24c: {  	[tilespmem:$0x1FB00] =	vst v56;
	v56 =	vld [tilespmem:$0x7C20]  }
0x24d: {  	v60 =	vld [tilespmem:$0x7AB0]  }
0x24e: {  	v47 =	vld [tilespmem:$0x7B00]  }
0x24f: {  	v54 =	vld [tilespmem:$0x7B10]  }
0x250: {  	v59 =	vld [tilespmem:$0x7B30]  }
0x251: {  	[tilespmem:$0x1FB10] =	vst v56;
	v56 =	vld [tilespmem:$0x7C30]  }
0x252: {  	v61 =	vld [tilespmem:$0x7B20]  }
0x253: {  	v55 =	vld [tilespmem:$0x7B80]  }
0x254: {  	v58 =	vld [tilespmem:$0x7B90]  }
0x255: {  	v57 =	vld [tilespmem:$0x7BA0];
	[tilespmem:$0x1FAE0] =	vst v59  }
0x256: {  	v59 =	vld [tilespmem:$0x7C00];
	[tilespmem:$0x1FB30] =	vst v56  }
0x257: {  	v56 =	vld [tilespmem:$0x7C80];
	_ =	sdelay $0x4  }
0x258: {  	[tilespmem:$0x1FB20] =	vst v56;
	v56 =	vld [tilespmem:$0x7C90];
	_ =	sdelay $0x4  }
0x259: {  	[tilespmem:$0x1FB40] =	vst v56;
	v56 =	vld [tilespmem:$0x7CA0];
	_ =	sdelay $0x4  }
0x25a: {  	[tilespmem:$0x1FB50] =	vst v56;
	v56 =	vld [tilespmem:$0x7CB0];
	_ =	sdelay $0x4  }
0x25b: {  	[tilespmem:$0x1FB70] =	vst v56;
	v56 =	vld [tilespmem:$0x7D00];
	_ =	sdelay $0x4  }
0x25c: {  	[tilespmem:$0x1FB60] =	vst v56;
	v56 =	vld [tilespmem:$0x7D10];
	_ =	sdelay $0x4  }
0x25d: {  	[tilespmem:$0x1FB80] =	vst v56;
	v56 =	vld [tilespmem:$0x7D20];
	_ =	sdelay $0x4  }
0x25e: {  	[tilespmem:$0x1FB90] =	vst v56;
	v56 =	vld [tilespmem:$0x7D30];
	_ =	sdelay $0x4  }
0x25f: {  	[tilespmem:$0x1FBB0] =	vst v56;
	v56 =	vld [tilespmem:$0x7D80];
	_ =	sdelay $0x4  }
0x260: {  	[tilespmem:$0x1FBA0] =	vst v56;
	v56 =	vld [tilespmem:$0x7D90];
	_ =	sdelay $0x4  }
0x261: {  	[tilespmem:$0x1FBC0] =	vst v56;
	v56 =	vld [tilespmem:$0x7DA0];
	_ =	sdelay $0x4  }
0x262: {  	[tilespmem:$0x1FBD0] =	vst v56;
	v56 =	vld [tilespmem:$0x7DB0];
	_ =	sdelay $0x4  }
0x263: {  	[tilespmem:$0x1FBF0] =	vst v56;
	v56 =	vld [tilespmem:$0x7E00];
	_ =	sdelay $0x4  }
0x264: {  	[tilespmem:$0x1FBE0] =	vst v56;
	v56 =	vld [tilespmem:$0x7E10];
	_ =	sdelay $0x4  }
0x265: {  	[tilespmem:$0x1FC00] =	vst v56;
	v56 =	vld [tilespmem:$0x7E20];
	_ =	sdelay $0x1  }
0x266: {  	v17 =	vadd.f32 v17, v3;
	v3 =	vld [tilespmem:$0x8110]  }
0x267: {  	v20 =	vadd.f32 v20, v4;
	v4 =	vld [tilespmem:$0x8120]  }
0x268: {  	v21 =	vadd.f32 v21, v5;
	v5 =	vld [tilespmem:$0x8130]  }
0x269: {  	v17 =	vadd.f32 v33, v17;
	[tilespmem:$0x1FC10] =	vst v56;
	v56 =	vld [tilespmem:$0x7E30]  }
0x26a: {  	v32 =	vadd.f32 v32, v16;
	v20 =	vadd.f32 v36, v20;
	v16 =	vld [tilespmem:$0x8180]  }
0x26b: {  	v21 =	vadd.f32 v37, v21;
	v33 =	vadd.f32 v49, v17;
	v17 =	vld [tilespmem:$0x8190]  }
0x26c: {  	v36 =	vadd.f32 v52, v20;
	v20 =	vld [tilespmem:$0x81A0]  }
0x26d: {  	v32 =	vadd.f32 v48, v32;
	v37 =	vadd.f32 v53, v21;
	v21 =	vld [tilespmem:$0x81B0]  }
0x26e: {  	v33 =	vadd.f32 v63, v33;
	[tilespmem:$0x1FC30] =	vst v56;
	v56 =	vld [tilespmem:$0x7E80]  }
0x26f: {  	v48 =	vadd.f32 v62, v32;
	v32 =	vld [tilespmem:$0x8200]  }
0x270: {  	v1 =	vadd.f32 v1, v33;
	v33 =	vld [tilespmem:$0x8210]  }
0x271: {  	v0 =	vadd.f32 v0, v36;
	v36 =	vld [tilespmem:$0x8220]  }
0x272: {  	v2 =	vadd.f32 v2, v37;
	v37 =	vld [tilespmem:$0x8230]  }
0x273: {  	v9 =	vadd.f32 v9, v48;
	[tilespmem:$0x1FC20] =	vst v56;
	v56 =	vld [tilespmem:$0x7E90]  }
0x274: {  	v48 =	vld [tilespmem:$0x8280]  }
0x275: {  	v53 =	vadd.f32 v13, v9;
	v49 =	vld [tilespmem:$0x8290]  }
0x276: {  	v52 =	vld [tilespmem:$0x82A0]  }
0x277: {  	v0 =	vadd.f32 v6, v0;
	v6 =	vadd.f32 v19, v53;
	v53 =	vld [tilespmem:$0x82B0]  }
0x278: {  	[tilespmem:$0x1FC40] =	vst v56;
	v56 =	vld [tilespmem:$0x7EA0]  }
0x279: {  	v1 =	vadd.f32 v7, v1;
	v7 =	vld [tilespmem:$0x8300]  }
0x27a: {  	v2 =	vadd.f32 v8, v2;
	v8 =	vld [tilespmem:$0x8310]  }
0x27b: {  	v9 =	vld [tilespmem:$0x8320]  }
0x27c: {  	v0 =	vadd.f32 v10, v0;
	v10 =	vld [tilespmem:$0x8330]  }
0x27d: {  	[tilespmem:$0x1FC50] =	vst v56;
	v56 =	vld [tilespmem:$0x7EB0]  }
0x27e: {  	v1 =	vadd.f32 v11, v1;
	v11 =	vld [tilespmem:$0x8380]  }
0x27f: {  	v2 =	vadd.f32 v12, v2;
	v12 =	vld [tilespmem:$0x8390]  }
0x280: {  	v13 =	vld [tilespmem:$0x83A0]  }
0x281: {  	v0 =	vadd.f32 v14, v0;
	v14 =	vld [tilespmem:$0x83B0]  }
0x282: {  	[tilespmem:$0x1FC70] =	vst v56;
	v56 =	vld [tilespmem:$0x7F00]  }
0x283: {  	v1 =	vadd.f32 v15, v1;
	v15 =	vld [tilespmem:$0x8400]  }
0x284: {  	v2 =	vadd.f32 v18, v2;
	v18 =	vld [tilespmem:$0x8410]  }
0x285: {  	v19 =	vld [tilespmem:$0x8420]  }
0x286: {  	v0 =	vadd.f32 v22, v0;
	v22 =	vld [tilespmem:$0x8430]  }
0x287: {  	[tilespmem:$0x1FC60] =	vst v56;
	v56 =	vld [tilespmem:$0x7F10]  }
0x288: {  	v6 =	vadd.f32 v25, v6;
	v1 =	vadd.f32 v23, v1;
	v23 =	vld [tilespmem:$0x8480]  }
0x289: {  	v2 =	vadd.f32 v24, v2;
	v24 =	vld [tilespmem:$0x8490]  }
0x28a: {  	v6 =	vadd.f32 v29, v6;
	v25 =	vld [tilespmem:$0x84A0]  }
0x28b: {  	v0 =	vadd.f32 v26, v0;
	v2 =	vadd.f32 v28, v2;
	v26 =	vld [tilespmem:$0x84B0]  }
0x28c: {  	v6 =	vadd.f32 v35, v6;
	[tilespmem:$0x1FC80] =	vst v56;
	v56 =	vld [tilespmem:$0x7F20]  }
0x28d: {  	v28 =	vld [tilespmem:$0x8510];
	v1 =	vadd.f32 v27, v1;
	v2 =	vadd.f32 v34, v2  }
0x28e: {  	v62 =	vld [tilespmem:$0x1FB30];
	v0 =	vadd.f32 v30, v0;
	v6 =	vadd.f32 v41, v6  }
0x28f: {  	v29 =	vld [tilespmem:$0x8520];
	v1 =	vadd.f32 v31, v1;
	v2 =	vadd.f32 v40, v2  }
0x290: {  	v27 =	vld [tilespmem:$0x8500];
	v0 =	vadd.f32 v38, v0;
	v6 =	vadd.f32 v45, v6  }
0x291: {  	v1 =	vadd.f32 v39, v1;
	v2 =	vadd.f32 v44, v2;
	[tilespmem:$0x1FC90] =	vst v56;
	v56 =	vld [tilespmem:$0x7F30]  }
0x292: {  	v30 =	vld [tilespmem:$0x8530];
	v0 =	vadd.f32 v42, v0;
	v6 =	vadd.f32 v51, v6  }
0x293: {  	v31 =	vld [tilespmem:$0x8580];
	v1 =	vadd.f32 v43, v1;
	v2 =	vadd.f32 v50, v2  }
0x294: {  	v0 =	vadd.f32 v46, v0;
	v6 =	vadd.f32 v60, v6;
	v60 =	vld [tilespmem:$0x1FB10]  }
0x295: {  	v1 =	vadd.f32 v47, v1;
	v2 =	vadd.f32 v61, v2;
	v61 =	vld [tilespmem:$0x1FB20]  }
0x296: {  	[tilespmem:$0x1FCB0] =	vst v56;
	v56 =	vld [tilespmem:$0x7F80]  }
0x297: {  	v0 =	vadd.f32 v54, v0;
	v1 =	vadd.f32 v55, v1;
	v55 =	vld [tilespmem:$0x1FAE0]  }
0x298: {  	v63 =	vld [tilespmem:$0x1FB40]  }
0x299: {  	v0 =	vadd.f32 v58, v0;
	v58 =	vld [tilespmem:$0x1FAF0]  }
0x29a: {  	v34 =	vld [tilespmem:$0x1FB50]  }
0x29b: {  	v2 =	vadd.f32 v57, v2;
	[tilespmem:$0x1FCA0] =	vst v56;
	v56 =	vld [tilespmem:$0x7F90]  }
0x29c: {  	v1 =	vadd.f32 v59, v1;
	v59 =	vld [tilespmem:$0x1FB00];
	v6 =	vadd.f32 v55, v6  }
0x29d: {  	v2 =	vadd.f32 v60, v2;
	v38 =	vld [tilespmem:$0x1FB70]  }
0x29e: {  	v6 =	vadd.f32 v58, v6;
	v35 =	vld [tilespmem:$0x1FB60]  }
0x29f: {  	v2 =	vadd.f32 v34, v2;
	v34 =	vld [tilespmem:$0x8590]  }
0x2a0: {  	v6 =	vadd.f32 v62, v6;
	[tilespmem:$0x1FCC0] =	vst v56;
	v56 =	vld [tilespmem:$0x7FA0]  }
0x2a1: {  	v1 =	vadd.f32 v61, v1;
	v39 =	vld [tilespmem:$0x1FB80]  }
0x2a2: {  	v0 =	vadd.f32 v59, v0;
	v6 =	vadd.f32 v38, v6;
	v38 =	vld [tilespmem:$0x85B0]  }
0x2a3: {  	v1 =	vadd.f32 v35, v1;
	v35 =	vld [tilespmem:$0x85A0]  }
0x2a4: {  	v0 =	vadd.f32 v63, v0;
	v40 =	vld [tilespmem:$0x1FB90]  }
0x2a5: {  	[tilespmem:$0x1FCD0] =	vst v56;
	v56 =	vld [tilespmem:$0x7FB0]  }
0x2a6: {  	v0 =	vadd.f32 v39, v0;
	v39 =	vld [tilespmem:$0x8600]  }
0x2a7: {  	v42 =	vld [tilespmem:$0x1FBB0]  }
0x2a8: {  	v41 =	vld [tilespmem:$0x1FBA0]  }
0x2a9: {  	v2 =	vadd.f32 v40, v2;
	v40 =	vld [tilespmem:$0x8610]  }
0x2aa: {  	[tilespmem:$0x1FCF0] =	vst v56;
	v56 =	vld [tilespmem:$0x8000]  }
0x2ab: {  	v43 =	vld [tilespmem:$0x1FBC0]  }
0x2ac: {  	v6 =	vadd.f32 v42, v6;
	v42 =	vld [tilespmem:$0x8630]  }
0x2ad: {  	v1 =	vadd.f32 v41, v1;
	v41 =	vld [tilespmem:$0x8620]  }
0x2ae: {  	v44 =	vld [tilespmem:$0x1FBD0]  }
0x2af: {  	[tilespmem:$0x1FCE0] =	vst v56;
	v56 =	vld [tilespmem:$0x8010]  }
0x2b0: {  	v0 =	vadd.f32 v43, v0;
	v43 =	vld [tilespmem:$0x8680]  }
0x2b1: {  	v46 =	vld [tilespmem:$0x1FBF0]  }
0x2b2: {  	v45 =	vld [tilespmem:$0x1FBE0]  }
0x2b3: {  	v2 =	vadd.f32 v44, v2;
	v44 =	vld [tilespmem:$0x8690]  }
0x2b4: {  	[tilespmem:$0x1FD00] =	vst v56;
	v56 =	vld [tilespmem:$0x8020]  }
0x2b5: {  	v47 =	vld [tilespmem:$0x1FC00]  }
0x2b6: {  	v6 =	vadd.f32 v46, v6;
	v46 =	vld [tilespmem:$0x86B0]  }
0x2b7: {  	v1 =	vadd.f32 v45, v1;
	v45 =	vld [tilespmem:$0x86A0]  }
0x2b8: {  	v50 =	vld [tilespmem:$0x1FC10]  }
0x2b9: {  	[tilespmem:$0x1FD10] =	vst v56;
	v56 =	vld [tilespmem:$0x8030]  }
0x2ba: {  	v0 =	vadd.f32 v47, v0;
	v47 =	vld [tilespmem:$0x8700]  }
0x2bb: {  	v54 =	vld [tilespmem:$0x1FC30]  }
0x2bc: {  	v51 =	vld [tilespmem:$0x1FC20]  }
0x2bd: {  	v55 =	vld [tilespmem:$0x1FC40]  }
0x2be: {  	[tilespmem:$0x1FD30] =	vst v56;
	v56 =	vld [tilespmem:$0x8080]  }
0x2bf: {  	v57 =	vld [tilespmem:$0x1FC50]  }
0x2c0: {  	v59 =	vld [tilespmem:$0x1FC70]  }
0x2c1: {  	v58 =	vld [tilespmem:$0x1FC60]  }
0x2c2: {  	v60 =	vld [tilespmem:$0x1FC80]  }
0x2c3: {  	[tilespmem:$0x1FD20] =	vst v56;
	v56 =	vld [tilespmem:$0x8090]  }
0x2c4: {  	v61 =	vld [tilespmem:$0x1FC90]  }
0x2c5: {  	v63 =	vld [tilespmem:$0x1FCB0]  }
0x2c6: {  	v62 =	vld [tilespmem:$0x1FCA0]  }
0x2c7: {  	v2 =	vadd.f32 v50, v2;
	v50 =	vld [tilespmem:$0x1FCC0]  }
0x2c8: {  	[tilespmem:$0x1FD40] =	vst v56;
	v56 =	vld [tilespmem:$0x80A0]  }
0x2c9: {  	v1 =	vadd.f32 v51, v1;
	v51 =	vld [tilespmem:$0x1FCD0]  }
0x2ca: {  	v0 =	vadd.f32 v55, v0;
	v55 =	vld [tilespmem:$0x1FCF0]  }
0x2cb: {  	v6 =	vadd.f32 v54, v6;
	v54 =	vld [tilespmem:$0x1FCE0]  }
0x2cc: {  	v2 =	vadd.f32 v57, v2;
	v57 =	vld [tilespmem:$0x1FD00]  }
0x2cd: {  	[tilespmem:$0x1FD50] =	vst v56;
	v56 =	vld [tilespmem:$0x80B0]  }
0x2ce: {  	v1 =	vadd.f32 v58, v1;
	v58 =	vld [tilespmem:$0x1FD10]  }
0x2cf: {  	v0 =	vadd.f32 v60, v0;
	v60 =	vld [tilespmem:$0x1FD30]  }
0x2d0: {  	v6 =	vadd.f32 v59, v6;
	v2 =	vadd.f32 v61, v2;
	v61 =	vld [tilespmem:$0x1FD40]  }
0x2d1: {  	v1 =	vadd.f32 v62, v1;
	v0 =	vadd.f32 v50, v0;
	v62 =	vld [tilespmem:$0x1FD50]  }
0x2d2: {  	v6 =	vadd.f32 v63, v6;
	v2 =	vadd.f32 v51, v2;
	v59 =	vld [tilespmem:$0x1FD20];
	[tilespmem:$0x1FD60] =	vst v56  }
0x2d3: {  	v0 =	vadd.f32 v57, v0;
	v63 =	vld [tilespmem:$0x1FD60]  }
0x2d4: {  	v6 =	vadd.f32 v55, v6;
	v2 =	vadd.f32 v58, v2;
	v56 =	vld [tilespmem:$0x8100]  }
0x2d5: {  	v50 =	vld [tilespmem:$0x8710];
	v1 =	vadd.f32 v54, v1;
	v0 =	vadd.f32 v61, v0  }
0x2d6: {  	v51 =	vld [tilespmem:$0x8720];
	v6 =	vadd.f32 v60, v6;
	v2 =	vadd.f32 v62, v2  }
0x2d7: {  	v55 =	vld [tilespmem:$0x88A0];
	v1 =	vadd.f32 v59, v1;
	v0 =	vadd.f32 v3, v0  }
0x2d8: {  	v54 =	vld [tilespmem:$0x8730];
	v2 =	vadd.f32 v4, v2;
	v6 =	vadd.f32 v63, v6  }
0x2d9: {  	v57 =	vld [tilespmem:$0x8900];
	v0 =	vadd.f32 v17, v0;
	v1 =	vadd.f32 v56, v1  }
0x2da: {  	v58 =	vld [tilespmem:$0x8910];
	v2 =	vadd.f32 v20, v2;
	v5 =	vadd.f32 v5, v6  }
0x2db: {  	v60 =	vld [tilespmem:$0x8930];
	v0 =	vadd.f32 v33, v0;
	v1 =	vadd.f32 v16, v1  }
0x2dc: {  	v59 =	vld [tilespmem:$0x8920];
	v2 =	vadd.f32 v36, v2;
	v5 =	vadd.f32 v21, v5  }
0x2dd: {  	v61 =	vld [tilespmem:$0x8980];
	v0 =	vadd.f32 v49, v0;
	v1 =	vadd.f32 v32, v1  }
0x2de: {  	v3 =	vld [tilespmem:$0x8780];
	v2 =	vadd.f32 v52, v2;
	v5 =	vadd.f32 v37, v5  }
0x2df: {  	v17 =	vld [tilespmem:$0x8800];
	v0 =	vadd.f32 v8, v0;
	v1 =	vadd.f32 v48, v1  }
0x2e0: {  	v62 =	vld [tilespmem:$0x8990];
	v2 =	vadd.f32 v9, v2;
	v5 =	vadd.f32 v53, v5  }
0x2e1: {  	v33 =	vld [tilespmem:$0x8A00];
	v0 =	vadd.f32 v12, v0;
	v1 =	vadd.f32 v7, v1  }
0x2e2: {  	v4 =	vld [tilespmem:$0x8790];
	v2 =	vadd.f32 v13, v2;
	v5 =	vadd.f32 v10, v5  }
0x2e3: {  	v49 =	vld [tilespmem:$0x8830];
	v0 =	vadd.f32 v18, v0;
	v1 =	vadd.f32 v11, v1  }
0x2e4: {  	v20 =	vld [tilespmem:$0x8810];
	v2 =	vadd.f32 v19, v2;
	v5 =	vadd.f32 v14, v5  }
0x2e5: {  	v56 =	vld [tilespmem:$0x88B0];
	v0 =	vadd.f32 v24, v0;
	v1 =	vadd.f32 v15, v1  }
0x2e6: {  	v63 =	vld [tilespmem:$0x89A0];
	v2 =	vadd.f32 v25, v2;
	v5 =	vadd.f32 v22, v5  }
0x2e7: {  	v16 =	vld [tilespmem:$0x87B0];
	v0 =	vadd.f32 v28, v0;
	v1 =	vadd.f32 v23, v1  }
0x2e8: {  	v36 =	vld [tilespmem:$0x8A30];
	v2 =	vadd.f32 v29, v2;
	v5 =	vadd.f32 v26, v5  }
0x2e9: {  	v6 =	vld [tilespmem:$0x87A0];
	v0 =	vadd.f32 v34, v0;
	v1 =	vadd.f32 v27, v1  }
0x2ea: {  	v52 =	vld [tilespmem:$0x8880];
	v2 =	vadd.f32 v35, v2;
	v5 =	vadd.f32 v30, v5  }
0x2eb: {  	v32 =	vld [tilespmem:$0x89B0];
	v0 =	vadd.f32 v40, v0;
	v1 =	vadd.f32 v31, v1  }
0x2ec: {  	v48 =	vld [tilespmem:$0x8820];
	v2 =	vadd.f32 v41, v2;
	v5 =	vadd.f32 v38, v5  }
0x2ed: {  	v37 =	vld [tilespmem:$0x8A80];
	v0 =	vadd.f32 v44, v0;
	v1 =	vadd.f32 v39, v1  }
0x2ee: {  	v53 =	vld [tilespmem:$0x8890];
	v2 =	vadd.f32 v45, v2;
	v5 =	vadd.f32 v42, v5  }
0x2ef: {  	v34 =	vld [tilespmem:$0x8A10];
	v0 =	vadd.f32 v50, v0;
	v1 =	vadd.f32 v43, v1  }
0x2f0: {  	v40 =	vld [tilespmem:$0x8AB0];
	v2 =	vadd.f32 v51, v2;
	v5 =	vadd.f32 v46, v5  }
0x2f1: {  	v44 =	vld [tilespmem:$0x8B30];
	v0 =	vadd.f32 v4, v0;
	v1 =	vadd.f32 v47, v1  }
0x2f2: {  	v35 =	vld [tilespmem:$0x8A20];
	v2 =	vadd.f32 v6, v2;
	v5 =	vadd.f32 v54, v5  }
0x2f3: {  	v50 =	vld [tilespmem:$0x8C10];
	v0 =	vadd.f32 v20, v0;
	v1 =	vadd.f32 v3, v1  }
0x2f4: {  	v41 =	vld [tilespmem:$0x8B00];
	v2 =	vadd.f32 v48, v2;
	v5 =	vadd.f32 v16, v5  }
0x2f5: {  	v39 =	vld [tilespmem:$0x8AA0];
	v0 =	vadd.f32 v53, v0;
	v1 =	vadd.f32 v17, v1  }
0x2f6: {  	v45 =	vld [tilespmem:$0x8B80];
	v2 =	vadd.f32 v55, v2;
	v5 =	vadd.f32 v49, v5  }
0x2f7: {  	v38 =	vld [tilespmem:$0x8A90];
	v0 =	vadd.f32 v58, v0;
	v1 =	vadd.f32 v52, v1  }
0x2f8: {  	v43 =	vld [tilespmem:$0x8B20];
	v2 =	vadd.f32 v59, v2;
	v5 =	vadd.f32 v56, v5  }
0x2f9: {  	v51 =	vld [tilespmem:$0x8C20];
	v0 =	vadd.f32 v62, v0;
	v1 =	vadd.f32 v57, v1  }
0x2fa: {  	v42 =	vld [tilespmem:$0x8B10];
	v2 =	vadd.f32 v63, v2;
	v5 =	vadd.f32 v60, v5  }
0x2fb: {  	v47 =	vld [tilespmem:$0x8BA0];
	v0 =	vadd.f32 v34, v0;
	v1 =	vadd.f32 v61, v1  }
0x2fc: {  	v46 =	vld [tilespmem:$0x8B90];
	v2 =	vadd.f32 v35, v2;
	v5 =	vadd.f32 v32, v5  }
0x2fd: {  	v48 =	vld [tilespmem:$0x8BB0];
	v0 =	vadd.f32 v38, v0;
	v1 =	vadd.f32 v33, v1  }
0x2fe: {  	v54 =	vld [tilespmem:$0x8C90];
	v2 =	vadd.f32 v39, v2;
	v5 =	vadd.f32 v36, v5  }
0x2ff: {  	v55 =	vld [tilespmem:$0x8CA0];
	v0 =	vadd.f32 v42, v0;
	v1 =	vadd.f32 v37, v1  }
0x300: {  	v49 =	vld [tilespmem:$0x8C00];
	v2 =	vadd.f32 v43, v2;
	v5 =	vadd.f32 v40, v5  }
0x301: {  	v52 =	vld [tilespmem:$0x8C30];
	v0 =	vadd.f32 v46, v0;
	v1 =	vadd.f32 v41, v1  }
0x302: {  	v53 =	vld [tilespmem:$0x8C80];
	v2 =	vadd.f32 v47, v2;
	v5 =	vadd.f32 v44, v5  }
0x303: {  	v56 =	vld [tilespmem:$0x8CB0];
	v0 =	vadd.f32 v50, v0;
	v1 =	vadd.f32 v45, v1  }
0x304: {  	v2 =	vadd.f32 v51, v2;
	v5 =	vadd.f32 v48, v5  }
0x305: {  	v0 =	vadd.f32 v54, v0;
	v1 =	vadd.f32 v49, v1  }
0x306: {  	v2 =	vadd.f32 v55, v2;
	v57 =	vadd.f32 v52, v5  }
0x307: {  	[tilespmem:s18+$0xA890] =	vst v0;
	v1 =	vadd.f32 v53, v1  }
0x308: {  	[tilespmem:s18+$0xA8A0] =	vst v2;
	v58 =	vadd.f32 v56, v57  }
0x309: {  	[tilespmem:s18+$0xA880] =	vst v1  }
0x30a: {  	[tilespmem:s18+$0xA8B0] =	vst v58  }
0x30b: {  	v56 =	vld [tilespmem:$0x94B0];
	_ =	sdelay $0x4  }
0x30c: {  	[tilespmem:$0x1FD80] =	vst v56;
	v56 =	vld [tilespmem:$0x9510];
	_ =	sdelay $0x4  }
0x30d: {  	[tilespmem:$0x1FD90] =	vst v56;
	v56 =	vld [tilespmem:$0x9520];
	_ =	sdelay $0x1  }
0x30e: {  	v3 =	vld [tilespmem:$0x8D00]  }
0x30f: {  	v4 =	vld [tilespmem:$0x8D10]  }
0x310: {  	v5 =	vld [tilespmem:$0x8D20]  }
0x311: {  	[tilespmem:$0x1FDA0] =	vst v56;
	v56 =	vld [tilespmem:$0x9530]  }
0x312: {  	v16 =	vld [tilespmem:$0x8D30]  }
0x313: {  	v17 =	vld [tilespmem:$0x8D80]  }
0x314: {  	v20 =	vld [tilespmem:$0x8D90]  }
0x315: {  	v21 =	vld [tilespmem:$0x8DA0]  }
0x316: {  	[tilespmem:$0x1FDC0] =	vst v56;
	v56 =	vld [tilespmem:$0x9580]  }
0x317: {  	v32 =	vld [tilespmem:$0x8DB0]  }
0x318: {  	v33 =	vld [tilespmem:$0x8E00]  }
0x319: {  	v36 =	vld [tilespmem:$0x8E10]  }
0x31a: {  	v37 =	vld [tilespmem:$0x8E20]  }
0x31b: {  	[tilespmem:$0x1FDB0] =	vst v56;
	v56 =	vld [tilespmem:$0x9590]  }
0x31c: {  	v48 =	vld [tilespmem:$0x8E30]  }
0x31d: {  	v49 =	vld [tilespmem:$0x8E80]  }
0x31e: {  	v52 =	vld [tilespmem:$0x8E90]  }
0x31f: {  	v53 =	vld [tilespmem:$0x8EA0]  }
0x320: {  	[tilespmem:$0x1FDD0] =	vst v56;
	v56 =	vld [tilespmem:$0x95A0]  }
0x321: {  	v62 =	vld [tilespmem:$0x8EB0]  }
0x322: {  	v63 =	vld [tilespmem:$0x8F00]  }
0x323: {  	v0 =	vld [tilespmem:$0x8F10]  }
0x324: {  	v2 =	vld [tilespmem:$0x8F20]  }
0x325: {  	[tilespmem:$0x1FDE0] =	vst v56;
	v56 =	vld [tilespmem:$0x95B0]  }
0x326: {  	v9 =	vld [tilespmem:$0x8F30]  }
0x327: {  	v1 =	vld [tilespmem:$0x8F80]  }
0x328: {  	v6 =	vld [tilespmem:$0x8F90]  }
0x329: {  	v8 =	vld [tilespmem:$0x8FA0]  }
0x32a: {  	[tilespmem:$0x1FE00] =	vst v56;
	v56 =	vld [tilespmem:$0x9600]  }
0x32b: {  	v13 =	vld [tilespmem:$0x8FB0]  }
0x32c: {  	v7 =	vld [tilespmem:$0x9000]  }
0x32d: {  	v10 =	vld [tilespmem:$0x9010]  }
0x32e: {  	v12 =	vld [tilespmem:$0x9020]  }
0x32f: {  	[tilespmem:$0x1FDF0] =	vst v56;
	v56 =	vld [tilespmem:$0x9610]  }
0x330: {  	v19 =	vld [tilespmem:$0x9030]  }
0x331: {  	v11 =	vld [tilespmem:$0x9080]  }
0x332: {  	v14 =	vld [tilespmem:$0x9090]  }
0x333: {  	v18 =	vld [tilespmem:$0x90A0]  }
0x334: {  	[tilespmem:$0x1FE10] =	vst v56;
	v56 =	vld [tilespmem:$0x9620]  }
0x335: {  	v25 =	vld [tilespmem:$0x90B0]  }
0x336: {  	v15 =	vld [tilespmem:$0x9100]  }
0x337: {  	v22 =	vld [tilespmem:$0x9110]  }
0x338: {  	v24 =	vld [tilespmem:$0x9120]  }
0x339: {  	[tilespmem:$0x1FE20] =	vst v56;
	v56 =	vld [tilespmem:$0x9630]  }
0x33a: {  	v29 =	vld [tilespmem:$0x9130]  }
0x33b: {  	v23 =	vld [tilespmem:$0x9180]  }
0x33c: {  	v26 =	vld [tilespmem:$0x9190]  }
0x33d: {  	v28 =	vld [tilespmem:$0x91A0]  }
0x33e: {  	[tilespmem:$0x1FE40] =	vst v56;
	v56 =	vld [tilespmem:$0x9680]  }
0x33f: {  	v35 =	vld [tilespmem:$0x91B0]  }
0x340: {  	v27 =	vld [tilespmem:$0x9200]  }
0x341: {  	v30 =	vld [tilespmem:$0x9210]  }
0x342: {  	v34 =	vld [tilespmem:$0x9220]  }
0x343: {  	[tilespmem:$0x1FE30] =	vst v56;
	v56 =	vld [tilespmem:$0x9690]  }
0x344: {  	v41 =	vld [tilespmem:$0x9230]  }
0x345: {  	v31 =	vld [tilespmem:$0x9280]  }
0x346: {  	v38 =	vld [tilespmem:$0x9290]  }
0x347: {  	v40 =	vld [tilespmem:$0x92A0]  }
0x348: {  	[tilespmem:$0x1FE50] =	vst v56;
	v56 =	vld [tilespmem:$0x96A0]  }
0x349: {  	v45 =	vld [tilespmem:$0x92B0]  }
0x34a: {  	v39 =	vld [tilespmem:$0x9300]  }
0x34b: {  	v42 =	vld [tilespmem:$0x9310]  }
0x34c: {  	v44 =	vld [tilespmem:$0x9320]  }
0x34d: {  	[tilespmem:$0x1FE60] =	vst v56;
	v56 =	vld [tilespmem:$0x96B0]  }
0x34e: {  	v51 =	vld [tilespmem:$0x9330]  }
0x34f: {  	v43 =	vld [tilespmem:$0x9380]  }
0x350: {  	v46 =	vld [tilespmem:$0x9390]  }
0x351: {  	v50 =	vld [tilespmem:$0x93A0]  }
0x352: {  	[tilespmem:$0x1FE80] =	vst v56;
	v56 =	vld [tilespmem:$0x9700]  }
0x353: {  	v60 =	vld [tilespmem:$0x93B0]  }
0x354: {  	v47 =	vld [tilespmem:$0x9400]  }
0x355: {  	v54 =	vld [tilespmem:$0x9410]  }
0x356: {  	v61 =	vld [tilespmem:$0x9420]  }
0x357: {  	[tilespmem:$0x1FE70] =	vst v56;
	v56 =	vld [tilespmem:$0x9710]  }
0x358: {  	v59 =	vld [tilespmem:$0x9430]  }
0x359: {  	v55 =	vld [tilespmem:$0x9480]  }
0x35a: {  	v58 =	vld [tilespmem:$0x9490]  }
0x35b: {  	v57 =	vld [tilespmem:$0x94A0]  }
0x35c: {  	[tilespmem:$0x1FE90] =	vst v56;
	v56 =	vld [tilespmem:$0x9720]  }
0x35d: {  	[tilespmem:$0x1FD70] =	vst v59;
	v59 =	vld [tilespmem:$0x9500]  }
0x35e: {  	v17 =	vadd.f32 v17, v3;
	v3 =	vld [tilespmem:$0x9A10]  }
0x35f: {  	v20 =	vadd.f32 v20, v4;
	v4 =	vld [tilespmem:$0x9A20]  }
0x360: {  	v21 =	vadd.f32 v21, v5;
	v5 =	vld [tilespmem:$0x9A30]  }
0x361: {  	v17 =	vadd.f32 v33, v17;
	[tilespmem:$0x1FEA0] =	vst v56;
	v56 =	vld [tilespmem:$0x9730]  }
0x362: {  	v32 =	vadd.f32 v32, v16;
	v16 =	vld [tilespmem:$0x9A80];
	v20 =	vadd.f32 v36, v20  }
0x363: {  	v21 =	vadd.f32 v37, v21;
	v33 =	vadd.f32 v49, v17;
	v17 =	vld [tilespmem:$0x9A90]  }
0x364: {  	v36 =	vadd.f32 v52, v20;
	v20 =	vld [tilespmem:$0x9AA0]  }
0x365: {  	v32 =	vadd.f32 v48, v32;
	v37 =	vadd.f32 v53, v21;
	v21 =	vld [tilespmem:$0x9AB0]  }
0x366: {  	[tilespmem:$0x1FEC0] =	vst v56;
	v56 =	vld [tilespmem:$0x9780]  }
0x367: {  	v48 =	vadd.f32 v62, v32;
	v32 =	vld [tilespmem:$0x9B00]  }
0x368: {  	v49 =	vld [tilespmem:$0x9B90]  }
0x369: {  	v52 =	vld [tilespmem:$0x9BA0]  }
0x36a: {  	v0 =	vadd.f32 v0, v36;
	v36 =	vld [tilespmem:$0x9B20]  }
0x36b: {  	[tilespmem:$0x1FEB0] =	vst v56;
	v56 =	vld [tilespmem:$0x9790]  }
0x36c: {  	v33 =	vadd.f32 v63, v33;
	v2 =	vadd.f32 v2, v37;
	v37 =	vld [tilespmem:$0x9B30]  }
0x36d: {  	v9 =	vadd.f32 v9, v48;
	v48 =	vld [tilespmem:$0x9B80]  }
0x36e: {  	v1 =	vadd.f32 v1, v33;
	v33 =	vld [tilespmem:$0x9B10]  }
0x36f: {  	v2 =	vadd.f32 v8, v2;
	v8 =	vld [tilespmem:$0x9C10]  }
0x370: {  	[tilespmem:$0x1FED0] =	vst v56;
	v56 =	vld [tilespmem:$0x97A0]  }
0x371: {  	v53 =	vadd.f32 v13, v9;
	v9 =	vld [tilespmem:$0x9C20]  }
0x372: {  	v13 =	vld [tilespmem:$0x9CA0]  }
0x373: {  	v0 =	vadd.f32 v6, v0;
	v6 =	vadd.f32 v19, v53;
	v53 =	vld [tilespmem:$0x9BB0]  }
0x374: {  	v1 =	vadd.f32 v7, v1;
	v7 =	vld [tilespmem:$0x9C00]  }
0x375: {  	[tilespmem:$0x1FEE0] =	vst v56;
	v56 =	vld [tilespmem:$0x97B0]  }
0x376: {  	v0 =	vadd.f32 v10, v0;
	v10 =	vld [tilespmem:$0x9C30]  }
0x377: {  	v2 =	vadd.f32 v12, v2;
	v12 =	vld [tilespmem:$0x9C90]  }
0x378: {  	v19 =	vld [tilespmem:$0x9D20]  }
0x379: {  	v1 =	vadd.f32 v11, v1;
	v11 =	vld [tilespmem:$0x9C80]  }
0x37a: {  	[tilespmem:$0x1FF00] =	vst v56;
	v56 =	vld [tilespmem:$0x9800]  }
0x37b: {  	v0 =	vadd.f32 v14, v0;
	v14 =	vld [tilespmem:$0x9CB0]  }
0x37c: {  	v2 =	vadd.f32 v18, v2;
	v18 =	vld [tilespmem:$0x9D10]  }
0x37d: {  	v6 =	vadd.f32 v25, v6;
	v25 =	vld [tilespmem:$0x9DA0]  }
0x37e: {  	v1 =	vadd.f32 v15, v1;
	v15 =	vld [tilespmem:$0x9D00]  }
0x37f: {  	[tilespmem:$0x1FEF0] =	vst v56;
	v56 =	vld [tilespmem:$0x9810]  }
0x380: {  	v0 =	vadd.f32 v22, v0;
	v22 =	vld [tilespmem:$0x9D30]  }
0x381: {  	v2 =	vadd.f32 v24, v2;
	v24 =	vld [tilespmem:$0x9D90]  }
0x382: {  	v6 =	vadd.f32 v29, v6;
	v29 =	vld [tilespmem:$0x9E20]  }
0x383: {  	v1 =	vadd.f32 v23, v1;
	v2 =	vadd.f32 v28, v2;
	v23 =	vld [tilespmem:$0x9D80]  }
0x384: {  	v0 =	vadd.f32 v26, v0;
	v6 =	vadd.f32 v35, v6;
	[tilespmem:$0x1FF10] =	vst v56;
	v56 =	vld [tilespmem:$0x9820]  }
0x385: {  	v26 =	vld [tilespmem:$0x9DB0];
	v1 =	vadd.f32 v27, v1;
	v2 =	vadd.f32 v34, v2  }
0x386: {  	v28 =	vld [tilespmem:$0x9E10];
	v0 =	vadd.f32 v30, v0;
	v6 =	vadd.f32 v41, v6  }
0x387: {  	v62 =	vld [tilespmem:$0x1FDC0];
	v1 =	vadd.f32 v31, v1;
	v2 =	vadd.f32 v40, v2  }
0x388: {  	v27 =	vld [tilespmem:$0x9E00];
	v0 =	vadd.f32 v38, v0;
	v6 =	vadd.f32 v45, v6  }
0x389: {  	v1 =	vadd.f32 v39, v1;
	v2 =	vadd.f32 v44, v2;
	[tilespmem:$0x1FF20] =	vst v56;
	v56 =	vld [tilespmem:$0x9830]  }
0x38a: {  	v30 =	vld [tilespmem:$0x9E30];
	v0 =	vadd.f32 v42, v0;
	v6 =	vadd.f32 v51, v6  }
0x38b: {  	v31 =	vld [tilespmem:$0x9E80];
	v1 =	vadd.f32 v43, v1;
	v2 =	vadd.f32 v50, v2  }
0x38c: {  	v0 =	vadd.f32 v46, v0;
	v6 =	vadd.f32 v60, v6;
	v60 =	vld [tilespmem:$0x1FDA0]  }
0x38d: {  	v1 =	vadd.f32 v47, v1;
	v2 =	vadd.f32 v61, v2;
	v61 =	vld [tilespmem:$0x1FDB0]  }
0x38e: {  	[tilespmem:$0x1FF40] =	vst v56;
	v56 =	vld [tilespmem:$0x9880]  }
0x38f: {  	v0 =	vadd.f32 v54, v0;
	v1 =	vadd.f32 v55, v1;
	v55 =	vld [tilespmem:$0x1FD70]  }
0x390: {  	v63 =	vld [tilespmem:$0x1FDD0]  }
0x391: {  	v0 =	vadd.f32 v58, v0;
	v58 =	vld [tilespmem:$0x1FD80]  }
0x392: {  	v34 =	vld [tilespmem:$0x1FDE0]  }
0x393: {  	v2 =	vadd.f32 v57, v2;
	[tilespmem:$0x1FF30] =	vst v56;
	v56 =	vld [tilespmem:$0x9890]  }
0x394: {  	v1 =	vadd.f32 v59, v1;
	v59 =	vld [tilespmem:$0x1FD90];
	v6 =	vadd.f32 v55, v6  }
0x395: {  	v2 =	vadd.f32 v60, v2;
	v38 =	vld [tilespmem:$0x1FE00]  }
0x396: {  	v6 =	vadd.f32 v58, v6;
	v35 =	vld [tilespmem:$0x1FDF0]  }
0x397: {  	v2 =	vadd.f32 v34, v2;
	v34 =	vld [tilespmem:$0x9E90]  }
0x398: {  	v6 =	vadd.f32 v62, v6;
	[tilespmem:$0x1FF50] =	vst v56;
	v56 =	vld [tilespmem:$0x98A0]  }
0x399: {  	v1 =	vadd.f32 v61, v1;
	v39 =	vld [tilespmem:$0x1FE10]  }
0x39a: {  	v0 =	vadd.f32 v59, v0;
	v6 =	vadd.f32 v38, v6;
	v38 =	vld [tilespmem:$0x9EB0]  }
0x39b: {  	v1 =	vadd.f32 v35, v1;
	v35 =	vld [tilespmem:$0x9EA0]  }
0x39c: {  	v0 =	vadd.f32 v63, v0;
	v40 =	vld [tilespmem:$0x1FE20]  }
0x39d: {  	[tilespmem:$0x1FF60] =	vst v56;
	v56 =	vld [tilespmem:$0x98B0]  }
0x39e: {  	v0 =	vadd.f32 v39, v0;
	v39 =	vld [tilespmem:$0x9F00]  }
0x39f: {  	v42 =	vld [tilespmem:$0x1FE40]  }
0x3a0: {  	v41 =	vld [tilespmem:$0x1FE30]  }
0x3a1: {  	v2 =	vadd.f32 v40, v2;
	v40 =	vld [tilespmem:$0x9F10]  }
0x3a2: {  	[tilespmem:$0x1FF80] =	vst v56;
	v56 =	vld [tilespmem:$0x9900]  }
0x3a3: {  	v43 =	vld [tilespmem:$0x1FE50]  }
0x3a4: {  	v6 =	vadd.f32 v42, v6;
	v42 =	vld [tilespmem:$0x9F30]  }
0x3a5: {  	v1 =	vadd.f32 v41, v1;
	v41 =	vld [tilespmem:$0x9F20]  }
0x3a6: {  	v44 =	vld [tilespmem:$0x1FE60]  }
0x3a7: {  	[tilespmem:$0x1FF70] =	vst v56;
	v56 =	vld [tilespmem:$0x9910]  }
0x3a8: {  	v0 =	vadd.f32 v43, v0;
	v43 =	vld [tilespmem:$0x9F80]  }
0x3a9: {  	v46 =	vld [tilespmem:$0x1FE80]  }
0x3aa: {  	v45 =	vld [tilespmem:$0x1FE70]  }
0x3ab: {  	v2 =	vadd.f32 v44, v2;
	v44 =	vld [tilespmem:$0x9F90]  }
0x3ac: {  	[tilespmem:$0x1FF90] =	vst v56;
	v56 =	vld [tilespmem:$0x9920]  }
0x3ad: {  	v47 =	vld [tilespmem:$0x1FE90]  }
0x3ae: {  	v6 =	vadd.f32 v46, v6;
	v46 =	vld [tilespmem:$0x9FB0]  }
0x3af: {  	v1 =	vadd.f32 v45, v1;
	v45 =	vld [tilespmem:$0x9FA0]  }
0x3b0: {  	v50 =	vld [tilespmem:$0x1FEA0]  }
0x3b1: {  	[tilespmem:$0x1FFA0] =	vst v56;
	v56 =	vld [tilespmem:$0x9930]  }
0x3b2: {  	v0 =	vadd.f32 v47, v0;
	v47 =	vld [tilespmem:$0xA000]  }
0x3b3: {  	v54 =	vld [tilespmem:$0x1FEC0]  }
0x3b4: {  	v51 =	vld [tilespmem:$0x1FEB0]  }
0x3b5: {  	v55 =	vld [tilespmem:$0x1FED0]  }
0x3b6: {  	[tilespmem:$0x1FFC0] =	vst v56;
	v56 =	vld [tilespmem:$0x9980]  }
0x3b7: {  	v57 =	vld [tilespmem:$0x1FEE0]  }
0x3b8: {  	v59 =	vld [tilespmem:$0x1FF00]  }
0x3b9: {  	v58 =	vld [tilespmem:$0x1FEF0]  }
0x3ba: {  	v60 =	vld [tilespmem:$0x1FF10]  }
0x3bb: {  	[tilespmem:$0x1FFB0] =	vst v56;
	v56 =	vld [tilespmem:$0x9990]  }
0x3bc: {  	v61 =	vld [tilespmem:$0x1FF20]  }
0x3bd: {  	v63 =	vld [tilespmem:$0x1FF40]  }
0x3be: {  	v62 =	vld [tilespmem:$0x1FF30]  }
0x3bf: {  	v2 =	vadd.f32 v50, v2;
	v50 =	vld [tilespmem:$0x1FF50]  }
0x3c0: {  	[tilespmem:$0x1FFD0] =	vst v56;
	v56 =	vld [tilespmem:$0x99A0]  }
0x3c1: {  	v1 =	vadd.f32 v51, v1;
	v51 =	vld [tilespmem:$0x1FF60]  }
0x3c2: {  	v0 =	vadd.f32 v55, v0;
	v55 =	vld [tilespmem:$0x1FF80]  }
0x3c3: {  	v6 =	vadd.f32 v54, v6;
	v54 =	vld [tilespmem:$0x1FF70]  }
0x3c4: {  	v2 =	vadd.f32 v57, v2;
	v57 =	vld [tilespmem:$0x1FF90]  }
0x3c5: {  	[tilespmem:$0x1FFE0] =	vst v56;
	v56 =	vld [tilespmem:$0x99B0]  }
0x3c6: {  	v1 =	vadd.f32 v58, v1;
	v58 =	vld [tilespmem:$0x1FFA0]  }
0x3c7: {  	v0 =	vadd.f32 v60, v0;
	v60 =	vld [tilespmem:$0x1FFC0]  }
0x3c8: {  	v6 =	vadd.f32 v59, v6;
	v2 =	vadd.f32 v61, v2;
	v61 =	vld [tilespmem:$0x1FFD0]  }
0x3c9: {  	v1 =	vadd.f32 v62, v1;
	v0 =	vadd.f32 v50, v0;
	v62 =	vld [tilespmem:$0x1FFE0]  }
0x3ca: {  	v6 =	vadd.f32 v63, v6;
	v2 =	vadd.f32 v51, v2;
	v59 =	vld [tilespmem:$0x1FFB0];
	[tilespmem:$0x1FFF0] =	vst v56  }
0x3cb: {  	v0 =	vadd.f32 v57, v0;
	v63 =	vld [tilespmem:$0x1FFF0]  }
0x3cc: {  	v6 =	vadd.f32 v55, v6;
	v2 =	vadd.f32 v58, v2;
	v56 =	vld [tilespmem:$0x9A00]  }
0x3cd: {  	v50 =	vld [tilespmem:$0xA010];
	v1 =	vadd.f32 v54, v1;
	v0 =	vadd.f32 v61, v0  }
0x3ce: {  	v51 =	vld [tilespmem:$0xA020];
	v6 =	vadd.f32 v60, v6;
	v2 =	vadd.f32 v62, v2  }
0x3cf: {  	v55 =	vld [tilespmem:$0xA130];
	v1 =	vadd.f32 v59, v1;
	v0 =	vadd.f32 v3, v0  }
0x3d0: {  	v54 =	vld [tilespmem:$0xA030];
	v2 =	vadd.f32 v4, v2;
	v6 =	vadd.f32 v63, v6  }
0x3d1: {  	v57 =	vld [tilespmem:$0xA190];
	v0 =	vadd.f32 v17, v0;
	v1 =	vadd.f32 v56, v1  }
0x3d2: {  	v58 =	vld [tilespmem:$0xA1A0];
	v2 =	vadd.f32 v20, v2;
	v5 =	vadd.f32 v5, v6  }
0x3d3: {  	v60 =	vld [tilespmem:$0xA200];
	v0 =	vadd.f32 v33, v0;
	v1 =	vadd.f32 v16, v1  }
0x3d4: {  	v59 =	vld [tilespmem:$0xA1B0];
	v2 =	vadd.f32 v36, v2;
	v5 =	vadd.f32 v21, v5  }
0x3d5: {  	v61 =	vld [tilespmem:$0xA210];
	v0 =	vadd.f32 v49, v0;
	v1 =	vadd.f32 v32, v1  }
0x3d6: {  	v3 =	vld [tilespmem:$0xA080];
	v2 =	vadd.f32 v52, v2;
	v5 =	vadd.f32 v37, v5  }
0x3d7: {  	v17 =	vld [tilespmem:$0xA100];
	v0 =	vadd.f32 v8, v0;
	v1 =	vadd.f32 v48, v1  }
0x3d8: {  	v62 =	vld [tilespmem:$0xA220];
	v2 =	vadd.f32 v9, v2;
	v5 =	vadd.f32 v53, v5  }
0x3d9: {  	v33 =	vld [tilespmem:$0xA290];
	v0 =	vadd.f32 v12, v0;
	v1 =	vadd.f32 v7, v1  }
0x3da: {  	v4 =	vld [tilespmem:$0xA090];
	v2 =	vadd.f32 v13, v2;
	v5 =	vadd.f32 v10, v5  }
0x3db: {  	v49 =	vld [tilespmem:$0xA120];
	v0 =	vadd.f32 v18, v0;
	v1 =	vadd.f32 v11, v1  }
0x3dc: {  	v56 =	vld [tilespmem:$0xA180];
	v2 =	vadd.f32 v19, v2;
	v5 =	vadd.f32 v14, v5  }
0x3dd: {  	v63 =	vld [tilespmem:$0xA230];
	v0 =	vadd.f32 v24, v0;
	v1 =	vadd.f32 v15, v1  }
0x3de: {  	v16 =	vld [tilespmem:$0xA0B0];
	v2 =	vadd.f32 v25, v2;
	v5 =	vadd.f32 v22, v5  }
0x3df: {  	v36 =	vld [tilespmem:$0xA2A0];
	v0 =	vadd.f32 v28, v0;
	v1 =	vadd.f32 v23, v1  }
0x3e0: {  	v6 =	vld [tilespmem:$0xA0A0];
	v2 =	vadd.f32 v29, v2;
	v5 =	vadd.f32 v26, v5  }
0x3e1: {  	v32 =	vld [tilespmem:$0xA280];
	v0 =	vadd.f32 v34, v0;
	v1 =	vadd.f32 v27, v1  }
0x3e2: {  	v52 =	vld [tilespmem:$0xA4A0];
	v2 =	vadd.f32 v35, v2;
	v5 =	vadd.f32 v30, v5  }
0x3e3: {  	v48 =	vld [tilespmem:$0xA110];
	v0 =	vadd.f32 v40, v0;
	v1 =	vadd.f32 v31, v1  }
0x3e4: {  	v37 =	vld [tilespmem:$0xA2B0];
	v2 =	vadd.f32 v41, v2;
	v5 =	vadd.f32 v38, v5  }
0x3e5: {  	v53 =	vld [tilespmem:$0xA4B0];
	v0 =	vadd.f32 v44, v0;
	v1 =	vadd.f32 v39, v1  }
0x3e6: {  	v40 =	vld [tilespmem:$0xA320];
	v2 =	vadd.f32 v45, v2;
	v5 =	vadd.f32 v42, v5  }
0x3e7: {  	v44 =	vld [tilespmem:$0xA3A0];
	v0 =	vadd.f32 v50, v0;
	v1 =	vadd.f32 v43, v1  }
0x3e8: {  	v50 =	vld [tilespmem:$0xA480];
	v2 =	vadd.f32 v51, v2;
	v5 =	vadd.f32 v46, v5  }
0x3e9: {  	v41 =	vld [tilespmem:$0xA330];
	v0 =	vadd.f32 v4, v0;
	v1 =	vadd.f32 v47, v1  }
0x3ea: {  	v39 =	vld [tilespmem:$0xA310];
	v2 =	vadd.f32 v6, v2;
	v5 =	vadd.f32 v54, v5  }
0x3eb: {  	v45 =	vld [tilespmem:$0xA3B0];
	v0 =	vadd.f32 v48, v0;
	v1 =	vadd.f32 v3, v1  }
0x3ec: {  	v38 =	vld [tilespmem:$0xA300];
	v2 =	vadd.f32 v49, v2;
	v5 =	vadd.f32 v16, v5  }
0x3ed: {  	v48 =	vld [tilespmem:$0xA420];
	v0 =	vadd.f32 v57, v0;
	v1 =	vadd.f32 v17, v1  }
0x3ee: {  	v43 =	vld [tilespmem:$0xA390];
	v2 =	vadd.f32 v58, v2;
	v5 =	vadd.f32 v55, v5  }
0x3ef: {  	v51 =	vld [tilespmem:$0xA490];
	v0 =	vadd.f32 v61, v0;
	v1 =	vadd.f32 v56, v1  }
0x3f0: {  	v42 =	vld [tilespmem:$0xA380];
	v2 =	vadd.f32 v62, v2;
	v5 =	vadd.f32 v59, v5  }
0x3f1: {  	v57 =	vld [tilespmem:$0xA530];
	v0 =	vadd.f32 v33, v0;
	v1 =	vadd.f32 v60, v1  }
0x3f2: {  	v47 =	vld [tilespmem:$0xA410];
	v2 =	vadd.f32 v36, v2;
	v5 =	vadd.f32 v63, v5  }
0x3f3: {  	v46 =	vld [tilespmem:$0xA400];
	v0 =	vadd.f32 v39, v0;
	v1 =	vadd.f32 v32, v1  }
0x3f4: {  	v49 =	vld [tilespmem:$0xA430];
	v2 =	vadd.f32 v40, v2;
	v5 =	vadd.f32 v37, v5  }
0x3f5: {  	v54 =	vld [tilespmem:$0xA500];
	v0 =	vadd.f32 v43, v0;
	v1 =	vadd.f32 v38, v1  }
0x3f6: {  	v55 =	vld [tilespmem:$0xA510];
	v2 =	vadd.f32 v44, v2;
	v5 =	vadd.f32 v41, v5  }
0x3f7: {  	v56 =	vld [tilespmem:$0xA520];
	v0 =	vadd.f32 v47, v0;
	v1 =	vadd.f32 v42, v1  }
0x3f8: {  	v59 =	vld [tilespmem:$0xA590];
	v2 =	vadd.f32 v48, v2;
	v5 =	vadd.f32 v45, v5  }
0x3f9: {  	v60 =	vld [tilespmem:$0xA5A0];
	v0 =	vadd.f32 v51, v0;
	v1 =	vadd.f32 v46, v1  }
0x3fa: {  	v58 =	vld [tilespmem:$0xA580];
	v2 =	vadd.f32 v52, v2;
	v5 =	vadd.f32 v49, v5  }
0x3fb: {  	v61 =	vld [tilespmem:$0xA5B0];
	v0 =	vadd.f32 v55, v0;
	v1 =	vadd.f32 v50, v1  }
0x3fc: {  	v2 =	vadd.f32 v56, v2;
	v5 =	vadd.f32 v53, v5  }
0x3fd: {  	v0 =	vadd.f32 v59, v0;
	v1 =	vadd.f32 v54, v1  }
.Ltmp2:
0x3fe: {  	v2 =	vadd.f32 v60, v2;
	v62 =	vadd.f32 v57, v5;
	(pc) =	sbr.rel @p0 .LBB2_4-.Ltmp2, $4  }
0x3ff: {  	[tilespmem:s18+$0xA8D0] =	vst v0;
	v1 =	vadd.f32 v58, v1  }
0x400: {  	[tilespmem:s18+$0xA8E0] =	vst v2;
	v63 =	vadd.f32 v61, v62  }
0x401: {  	[tilespmem:s18+$0xA8C0] =	vst v1  }
0x402: {  	[tilespmem:s18+$0xA8F0] =	vst v63  }
.Ltmp3:
0x403: {  	(pc) =	sbr.rel .LBB2_2-.Ltmp3, $3  }
0x404: {  	_ =	sdelay $0x1  }
0x405: {  	s18 =	sadd.s32 $0x180, s18;
	s17 =	sadd.s32 $0x400, s17  }
0x406: {  	[tilespmem:s11], [sflag:$0x2] =	stream.indirect.gather [hbm4b:s3+s8], $0x80, s18, s8, $0xb8;
	[tilespmem:$0xE800] =	vst v63  }
.LBB2_5:
0x407: {  	_ =	sfence.sel $0x180000  }
0x408: {  	[bflag:$0x0] =	sbarrier.arrive $0xFFFF  }
0x409: {  	p0 =	sne.s32 s2, $0x0;
	_ =	strace $0x90000047  }
0x40a: {  	s0 =	sadd.s32 @!p0 $0x100000, s0;
	[bflag:$0x2] =	sbarrier.arrive $0xFFFF  }
0x40b: {  	[sflag:s0] =	ssyncadd.tile.s32 @!p0 $0x1;
	_ =	shalt  }
.Lfunc_end2:
_tile_overlayer_lowered:
.L_overlay_start_2:
0x40c: {  	(tag) =	ssettag $0x2  }
0x40d: {  	s0 =	rddreg [dreg:$0x0];
	s2 =	stileid.u32  }
0x40e: {  	s1 =	rddreg [dreg:$0x1];
	p0 =	sne.s32 s2, $0x0  }
0x40f: {  	s3 =	rddreg [dreg:$0x2];
	[bflag:$0x3] =	sbarrier.arrive $0xFFFF;
	s2 =	simm.s32 @!p0 $0x1C03  }
0x410: {  	[timem:s3], [sflag:s2] =	dma.local @!p0 [hbm:s0], s1  }
0x411: {  	s0 =	simm.s32 @!p0 $0x3  }
0x412: {  	_ =	swait.ge @!p0 [sflag:s0], s1  }
0x413: {  	s1 =	ssub.s32 @!p0 $0x0, s1;
	[sflag:s0] =	ssyncset.done @!p0 $0x0  }
0x414: {  	[sflag:s0] =	ssyncadd.s32 @!p0 s1  }
0x415: {  	[bflag:$0x3] =	sbarrier.arrive $0xFFFF  }
0x416: {  	_ =	shalt  }

</sc_bundles>
